<compile_context>
chip_gen: v7x
topology: tpu7x:2x2x1
jax: 0.10.2.dev20260603
libtpu: 0.0.44.dev20260713+nightly
codegen_flags: <defaults>
</compile_context>

<pallas_src>
import functools

import jax
import jax.numpy as jnp
from jax import lax
from jax.experimental import pallas as pl
from jax.experimental.pallas import tpu as pltpu
from jax.experimental.pallas import tpu_sc as plsc

R_MAX = 5.0
QQ = 14.399645 * 0.5
PZBL = 0.23
A0 = 0.4685
C1, C2, C3, C4 = 0.02817, 0.28022, 0.50986, 0.18175
D1, D2, D3, D4 = -0.20162, -0.4029, -0.94229, -3.1998

NC = 2
NS = 16
NW = NC * NS
L = 16

CHUNK = 1024
IPD = 512
NDESC = CHUNK // IPD
PIPE_AHEAD = 2
UNROLL = 4


def _rsqrt(r2):
    bits = plsc.bitcast(r2, jnp.int32)
    y = plsc.bitcast(jnp.int32(0x5F3759DF) - (bits >> 1), jnp.float32)
    for _ in range(2):
        y = y * (1.5 - 0.5 * r2 * y * y)
    return y


def _edge_energy(sx, sy, sz, szp, szq, dx, dy, dz, dzp, dzq):
    ex = sx - dx
    ey = sy - dy
    ez = sz - dz
    r2 = ex * ex + ey * ey + ez * ez
    rinv = _rsqrt(r2)
    r = r2 * rinv
    x = (szp + dzp) * (r * (1.0 / A0))
    psi = (C1 * jnp.exp(D1 * x) + C2 * jnp.exp(D2 * x)
           + C3 * jnp.exp(D3 * x) + C4 * jnp.exp(D4 * x))
    eng = (szq * dzq) * rinv * psi
    rn = r * (1.0 / R_MAX)
    rn2 = rn * rn
    rn4 = rn2 * rn2
    rn6 = rn4 * rn2
    rn7 = rn6 * rn
    rn8 = rn7 * rn
    cut = 1.0 - 28.0 * rn6 + 48.0 * rn7 - 21.0 * rn8
    return jnp.where(rn < 1.0, cut * eng, 0.0)


def _make_sc_kernel(n_pad, n_edges_pad, chunks_per_worker):
    sl = n_pad // NS
    trows = n_pad // NS
    vecs = CHUNK // L

    mesh = plsc.VectorSubcoreMesh(
        core_axis_name="c", subcore_axis_name="s", num_cores=NC,
        num_subcores=NS)

    buf_i32 = pltpu.VMEM((CHUNK,), jnp.int32)
    buf_rows = pltpu.VMEM((CHUNK, 8), jnp.float32)
    buf_f32 = pltpu.VMEM((CHUNK,), jnp.float32)
    buf_half = pltpu.VMEM((IPD,), jnp.int32)

    @functools.partial(
        pl.kernel,
        out_type=jax.ShapeDtypeStruct((NC * n_pad,), jnp.float32),
        mesh=mesh,
        scratch_types=[
            buf_i32, buf_i32,
            buf_i32, buf_i32,
            buf_rows, buf_rows,
            buf_rows, buf_rows,
            buf_f32, buf_f32,
            buf_half, buf_half,
            buf_half, buf_half,
            pltpu.VMEM((n_pad // NS,), jnp.float32),
            pltpu.VMEM_SHARED((n_pad, 8), jnp.float32),
            pltpu.VMEM_SHARED((n_pad,), jnp.float32),
            pltpu.SemaphoreType.DMA,
            pltpu.SemaphoreType.DMA,
            pltpu.SemaphoreType.DMA,
            pltpu.SemaphoreType.DMA,
            pltpu.SemaphoreType.DMA,
            pltpu.SemaphoreType.DMA,
            pltpu.SemaphoreType.DMA,
        ],
        compiler_params=pltpu.CompilerParams(
            needs_layout_passes=False, use_tc_tiling_on_sc=False),
    )
    def zbl(table_hbm, edges_hbm, out_hbm,
            esrc0, esrc1, edst0, edst1, srows0, srows1, drows0, drows1,
            ener0, ener1, ssrc0a, ssrc0b, ssrc1a, ssrc1b, zslice,
            table_sh, acc_sh, si0, si1, sr0, sr1, sc0, sc1, st):
        cid = lax.axis_index("c")
        sid = lax.axis_index("s")
        wid = cid * NS + sid
        lane = lax.iota(jnp.int32, 16)
        zero_f = (lane * 0).astype(jnp.float32)
        esrc = (esrc0, esrc1)
        edst = (edst0, edst1)
        srows = (srows0, srows1)
        drows = (drows0, drows1)
        ener = (ener0, ener1)
        ssrc = ((ssrc0a, ssrc0b), (ssrc1a, ssrc1b))
        sis = (si0, si1)
        srs = (sr0, sr1)
        scs = (sc0, sc1)

        def idx_copies(k, b):
            base = (wid + k * NW) * CHUNK
            return (
                pltpu.make_async_copy(edges_hbm.at[pl.ds(base, CHUNK)],
                                      esrc[b], sis[b]),
                pltpu.make_async_copy(
                    edges_hbm.at[pl.ds(n_edges_pad + base, CHUNK)],
                    edst[b], sis[b]),
            )

        def row_copies(b):
            cps = []
            for j in range(NDESC):
                cps.append(pltpu.make_async_copy(
                    table_sh.at[esrc[b].at[pl.ds(j * IPD, IPD)]],
                    srows[b].at[pl.ds(j * IPD, IPD)], srs[b]))
                cps.append(pltpu.make_async_copy(
                    table_sh.at[edst[b].at[pl.ds(j * IPD, IPD)]],
                    drows[b].at[pl.ds(j * IPD, IPD)], srs[b]))
            return cps

        def scat_copies(b):
            return [
                pltpu.make_async_copy(ener[b].at[pl.ds(h * IPD, IPD)],
                                      acc_sh.at[ssrc[b][h]], scs[b])
                for h in range(NDESC)
            ]

        for cp in idx_copies(0, 0):
            cp.start()
        for cp in idx_copies(1, 1):
            cp.start()
        tcp = pltpu.make_async_copy(
            table_hbm.at[pl.ds(sid * trows, trows)],
            table_sh.at[pl.ds(sid * trows, trows)], st)
        tcp.start()

        def zero_body(i, _):
            zslice[pl.ds(i * L, L)] = zero_f
            return 0

        lax.fori_loop(0, sl // L, zero_body, 0)
        pltpu.sync_copy(zslice, acc_sh.at[pl.ds(sid * sl, sl)])
        tcp.wait()
        plsc.subcore_barrier()

        for cp in idx_copies(0, 0):
            cp.wait()
        for cp in row_copies(0):
            cp.start()

        def compute_chunk(b):
            def vec_body(v, _):
                for u in range(UNROLL):
                    g = v * UNROLL + u
                    rid = lane + g * L
                    col = lane * 0
                    sxv = plsc.load_gather(srows[b], [rid, col])
                    syv = plsc.load_gather(srows[b], [rid, col + 1])
                    szv = plsc.load_gather(srows[b], [rid, col + 2])
                    szp = plsc.load_gather(srows[b], [rid, col + 3])
                    szq = plsc.load_gather(srows[b], [rid, col + 4])
                    dxv = plsc.load_gather(drows[b], [rid, col])
                    dyv = plsc.load_gather(drows[b], [rid, col + 1])
                    dzv = plsc.load_gather(drows[b], [rid, col + 2])
                    dzp = plsc.load_gather(drows[b], [rid, col + 3])
                    dzq = plsc.load_gather(drows[b], [rid, col + 4])
                    e = _edge_energy(sxv, syv, szv, szp, szq,
                                     dxv, dyv, dzv, dzp, dzq)
                    ener[b][pl.ds(g * L, L)] = e
                return 0

            lax.fori_loop(0, vecs // UNROLL, vec_body, 0)

        def stage(k, b, first):
            for cp in row_copies(b):
                cp.wait()
            for cp in idx_copies(k + 1, 1 - b):
                cp.wait()
            for cp in row_copies(1 - b):
                cp.start()
            if not first:
                for cp in scat_copies(b):
                    cp.wait()
            compute_chunk(b)
            def snap_body(i, _):
                for h in range(NDESC):
                    ssrc[b][h][pl.ds(i * L, L)] = \
                        esrc[b][pl.ds(h * IPD + i * L, L)]
                return 0

            lax.fori_loop(0, IPD // L, snap_body, 0)
            for h in range(NDESC):
                pltpu.async_copy(ener[b].at[pl.ds(h * IPD, IPD)],
                                 acc_sh.at[ssrc[b][h]], scs[b], add=True)
            for cp in idx_copies(k + 2, b):
                cp.start()

        stage(0, 0, True)
        stage(1, 1, True)

        def pair_body(p, _):
            stage(2 * p, 0, False)
            stage(2 * p + 1, 1, False)
            return 0

        lax.fori_loop(1, chunks_per_worker // 2, pair_body, 0)

        for cp in row_copies(0):
            cp.wait()
        for cp in idx_copies(chunks_per_worker + 1, 1):
            cp.wait()
        for cp in scat_copies(0):
            cp.wait()
        for cp in scat_copies(1):
            cp.wait()
        plsc.subcore_barrier()

        pltpu.sync_copy(acc_sh.at[pl.ds(sid * sl, sl)], zslice)
        pltpu.sync_copy(zslice, out_hbm.at[pl.ds(cid * n_pad + sid * sl, sl)])

    return zbl


def kernel(pos, Z, atom_types, edge_index):
    n = pos.shape[0]
    n_edges = edge_index.shape[1]
    align = NS * L
    n_pad = ((n + align - 1) // align) * align

    n_chunks = -(-n_edges // CHUNK)
    cpw = -(-n_chunks // NW)
    cpw += cpw % 2
    n_edges_pad = (cpw + PIPE_AHEAD) * NW * CHUNK

    zp = jnp.power(Z, PZBL)[atom_types]
    zq = (Z * (QQ ** 0.5))[atom_types]
    table = jnp.concatenate(
        [pos.astype(jnp.float32), zp[:, None], zq[:, None],
         jnp.zeros((n, 3), jnp.float32)], axis=1)
    table = jnp.concatenate(
        [table, jnp.zeros((n_pad - n, 8), jnp.float32)], axis=0)
    edges = edge_index.astype(jnp.int32)
    pad = jnp.full((2, n_edges_pad - n_edges), n, jnp.int32)
    edges = jnp.concatenate([edges, pad], axis=1).reshape(-1)

    partial = _make_sc_kernel(n_pad, n_edges_pad, cpw)(table, edges)
    return (partial[:n] + partial[n_pad:n_pad + n])[:, None]

# --- scband reference (transcript-rebuilt; emitter-appended) ---
"""Pipeline reference for scband-zbl-84189948936817 (READ-ONLY COPY).

The authoritative reference and input builder live on the scoring server;
editing this copy changes nothing except your own understanding.
"""

import jax, jax.numpy as jnp
import numpy as np

N = 100000
E = 6400000
NUM_TYPES = 4
R_MAX = 5.0
P = 6.0
# units='metal': qqr2exesquare = 14.399645 * 1.0**2 * 0.5
QQ = 14.399645 * 0.5


def setup_inputs(seed: int = 0) -> dict:
    key = jax.random.key(seed)
    k1, k2, k3, k4 = jax.random.split(key, 4)
    # atom positions in a box-ish distribution; distinct random floats so r > 0
    pos = jax.random.normal(k1, (N, 3), dtype=jnp.float32) * 10.0
    atom_types = jax.random.randint(k2, (N,), 0, NUM_TYPES)
    src = jax.random.randint(k3, (E,), 0, N)
    off = jax.random.randint(k4, (E,), 1, N)
    dst = (src + off) % N  # guarantee src != dst so edge lengths are nonzero
    edge_index = jnp.stack([src, dst], axis=0)
    # learned/buffer params: atomic numbers for types H, C, N, O (per type_to_chemical_symbol)
    Z = jnp.array([1.0, 6.0, 7.0, 8.0], dtype=jnp.float32)
    return {"pos": pos, "Z": Z, "atom_types": atom_types, "edge_index": edge_index}


def _zbl_per_atom(pos, Z, atom_types, edge_index):
    pzbl = 0.23
    a0 = 0.4685
    c1 = 0.02817
    c2 = 0.28022
    c3 = 0.50986
    c4 = 0.18175
    d1 = -0.20162
    d2 = -0.4029
    d3 = -0.94229
    d4 = -3.1998
    src = edge_index[0]
    dst = edge_index[1]
    # with_edge_vectors(with_lengths=True): r_ij = || pos[j] - pos[i] ||
    vec = pos[dst] - pos[src]
    r = jnp.sqrt(jnp.sum(vec * vec, axis=-1))
    # edge_types = index_select(atom_types, edge_index.reshape(-1)); Z gathered per endpoint
    edge_types = jnp.take(atom_types, edge_index.reshape(-1), axis=0)
    Ze = jnp.take(Z, edge_types, axis=0).reshape(2, -1)
    Zi = Ze[0]
    Zj = Ze[1]
    x = (jnp.power(Zi, pzbl) + jnp.power(Zj, pzbl)) * r / a0
    psi = (c1 * jnp.exp(d1 * x) + c2 * jnp.exp(d2 * x)
           + c3 * jnp.exp(d3 * x) + c4 * jnp.exp(d4 * x))
    eng = QQ * (Zi * Zj / r) * psi
    rn = r / R_MAX
    cutoff = 1.0 - (P + 1.0) * (P + 2.0) / 2.0 * jnp.power(rn, P)
    cutoff = cutoff + P * (P + 2.0) * jnp.power(rn, P + 1.0)
    cutoff = cutoff - P * (P + 1.0) / 2.0 * jnp.power(rn, P + 2.0)
    cutoff = cutoff * (rn < 1.0)
    zbl_edge_eng = (cutoff * eng)[:, None]
    # scatter-add edge energies onto edge_center = edge_index[0]
    atomic_eng = jax.ops.segment_sum(zbl_edge_eng, src, num_segments=N)
    return atomic_eng


def reference(pos, Z, atom_types, edge_index):
    return _zbl_per_atom(pos, Z, atom_types, edge_index)

if __name__ == "__main__":
    import jax
    _d = setup_inputs()
    print(jax.jit(kernel)(*tuple(_d.values())))

</pallas_src>

<mosaic_0001>
#map = affine_map<(d0, d1) -> (0, 0)>
#map1 = affine_map<(d0, d1) -> (0)>
module attributes {stable_mosaic.version = 14 : i64} {
  func.func @zbl(%arg0: i32, %arg1: i32, %arg2: memref<100096x8xf32, #tpu.memory_space<hbm>>, %arg3: memref<12976128xi32, #tpu.memory_space<hbm>>, %arg4: memref<200192xf32, #tpu.memory_space<hbm>>, %arg5: memref<1024xi32, #tpu.memory_space<vmem>>, %arg6: memref<1024xi32, #tpu.memory_space<vmem>>, %arg7: memref<1024xi32, #tpu.memory_space<vmem>>, %arg8: memref<1024xi32, #tpu.memory_space<vmem>>, %arg9: memref<1024x8xf32, #tpu.memory_space<vmem>>, %arg10: memref<1024x8xf32, #tpu.memory_space<vmem>>, %arg11: memref<1024x8xf32, #tpu.memory_space<vmem>>, %arg12: memref<1024x8xf32, #tpu.memory_space<vmem>>, %arg13: memref<1024xf32, #tpu.memory_space<vmem>>, %arg14: memref<1024xf32, #tpu.memory_space<vmem>>, %arg15: memref<512xi32, #tpu.memory_space<vmem>>, %arg16: memref<512xi32, #tpu.memory_space<vmem>>, %arg17: memref<512xi32, #tpu.memory_space<vmem>>, %arg18: memref<512xi32, #tpu.memory_space<vmem>>, %arg19: memref<6256xf32, #tpu.memory_space<vmem>>, %arg20: memref<100096x8xf32, #tpu.memory_space<vmem_shared>>, %arg21: memref<100096xf32, #tpu.memory_space<vmem_shared>>, %arg22: memref<!tpu.dma_semaphore, #tpu.memory_space<semaphore_mem>>, %arg23: memref<!tpu.dma_semaphore, #tpu.memory_space<semaphore_mem>>, %arg24: memref<!tpu.dma_semaphore, #tpu.memory_space<semaphore_mem>>, %arg25: memref<!tpu.dma_semaphore, #tpu.memory_space<semaphore_mem>>, %arg26: memref<!tpu.dma_semaphore, #tpu.memory_space<semaphore_mem>>, %arg27: memref<!tpu.dma_semaphore, #tpu.memory_space<semaphore_mem>>, %arg28: memref<!tpu.dma_semaphore, #tpu.memory_space<semaphore_mem>>) attributes {dimension_semantics = [#tpu.dimension_semantics<core_parallel>, #tpu.dimension_semantics<subcore_parallel>], iteration_bounds = array<i64: 2, 16>, scalar_prefetch = 0 : i64, scratch_operands = 24 : i64, tpu.core_type = #tpu.core_type<sc_vector_subcore>, window_params = [{transform_indices = #map}, {transform_indices = #map1}, {transform_indices = #map1}]} {
    %mul3A = arith.constant 16 : i32
    %mul3A_0 = arith.muli %arg0, %mul3A : i32
    %add3A = arith.addi %mul3A_0, %arg1 : i32
    %iota3A = tpu.iota {dimensions = array<i32: 0>} : vector<16xi32>
    %mul3A_1 = arith.constant 0 : i32
    %mul3A_2 = vector.broadcast %mul3A_1 : i32 to vector<16xi32>
    %mul3A_3 = arith.muli %iota3A, %mul3A_2 : vector<16xi32>
    %convert_element_type3A = arith.sitofp %mul3A_3 : vector<16xi32> to vector<16xf32>
    %add3A_4 = arith.constant 0 : i32
    %add3A_5 = arith.addi %add3A, %add3A_4 : i32
    %mul3A_6 = arith.constant 1024 : i32
    %mul3A_7 = arith.muli %add3A_5, %mul3A_6 : i32
    %add3A_8 = arith.constant 6488064 : i32
    %add3A_9 = arith.addi %add3A_8, %mul3A_7 : i32
    %dma_start3A = tpu.memref_slice %arg3[%mul3A_7] : memref<12976128xi32, #tpu.memory_space<hbm>> -> memref<1024xi32, #tpu.memory_space<hbm>>
    %dma_start3A_10 = tpu.memref_slice %arg3[%mul3A_7] : memref<12976128xi32, #tpu.memory_space<hbm>> -> memref<1024xi32, #tpu.memory_space<hbm>>
    tpu.enqueue_dma source(%dma_start3A_10 : memref<1024xi32, #tpu.memory_space<hbm>>) target(%arg5 : memref<1024xi32, #tpu.memory_space<vmem>>) target_semaphore(%arg22 : memref<!tpu.dma_semaphore, #tpu.memory_space<semaphore_mem>>)
    %dma_start3A_11 = tpu.memref_slice %arg3[%add3A_9] : memref<12976128xi32, #tpu.memory_space<hbm>> -> memref<1024xi32, #tpu.memory_space<hbm>>
    %dma_start3A_12 = tpu.memref_slice %arg3[%add3A_9] : memref<12976128xi32, #tpu.memory_space<hbm>> -> memref<1024xi32, #tpu.memory_space<hbm>>
    tpu.enqueue_dma source(%dma_start3A_12 : memref<1024xi32, #tpu.memory_space<hbm>>) target(%arg7 : memref<1024xi32, #tpu.memory_space<vmem>>) target_semaphore(%arg22 : memref<!tpu.dma_semaphore, #tpu.memory_space<semaphore_mem>>)
    %add3A_13 = arith.constant 32 : i32
    %add3A_14 = arith.addi %add3A, %add3A_13 : i32
    %mul3A_15 = arith.constant 1024 : i32
    %mul3A_16 = arith.muli %add3A_14, %mul3A_15 : i32
    %add3A_17 = arith.constant 6488064 : i32
    %add3A_18 = arith.addi %add3A_17, %mul3A_16 : i32
    %dma_start3A_19 = tpu.memref_slice %arg3[%mul3A_16] : memref<12976128xi32, #tpu.memory_space<hbm>> -> memref<1024xi32, #tpu.memory_space<hbm>>
    %dma_start3A_20 = tpu.memref_slice %arg3[%mul3A_16] : memref<12976128xi32, #tpu.memory_space<hbm>> -> memref<1024xi32, #tpu.memory_space<hbm>>
    tpu.enqueue_dma source(%dma_start3A_20 : memref<1024xi32, #tpu.memory_space<hbm>>) target(%arg6 : memref<1024xi32, #tpu.memory_space<vmem>>) target_semaphore(%arg23 : memref<!tpu.dma_semaphore, #tpu.memory_space<semaphore_mem>>)
    %dma_start3A_21 = tpu.memref_slice %arg3[%add3A_18] : memref<12976128xi32, #tpu.memory_space<hbm>> -> memref<1024xi32, #tpu.memory_space<hbm>>
    %dma_start3A_22 = tpu.memref_slice %arg3[%add3A_18] : memref<12976128xi32, #tpu.memory_space<hbm>> -> memref<1024xi32, #tpu.memory_space<hbm>>
    tpu.enqueue_dma source(%dma_start3A_22 : memref<1024xi32, #tpu.memory_space<hbm>>) target(%arg8 : memref<1024xi32, #tpu.memory_space<vmem>>) target_semaphore(%arg23 : memref<!tpu.dma_semaphore, #tpu.memory_space<semaphore_mem>>)
    %mul3A_23 = arith.constant 6256 : i32
    %mul3A_24 = arith.muli %arg1, %mul3A_23 : i32
    %mul3A_25 = arith.constant 6256 : i32
    %mul3A_26 = arith.muli %arg1, %mul3A_25 : i32
    %dma_start3A_27 = arith.constant 0 : i32
    %dma_start3A_28 = tpu.memref_slice %arg20[%mul3A_26, %dma_start3A_27] : memref<100096x8xf32, #tpu.memory_space<vmem_shared>> -> memref<6256x8xf32, #tpu.memory_space<vmem_shared>>
    %dma_start3A_29 = arith.constant 0 : i32
    %dma_start3A_30 = tpu.memref_slice %arg2[%mul3A_24, %dma_start3A_29] : memref<100096x8xf32, #tpu.memory_space<hbm>> -> memref<6256x8xf32, #tpu.memory_space<hbm>>
    tpu.enqueue_dma source(%dma_start3A_30 : memref<6256x8xf32, #tpu.memory_space<hbm>>) target(%dma_start3A_28 : memref<6256x8xf32, #tpu.memory_space<vmem_shared>>) target_semaphore(%arg28 : memref<!tpu.dma_semaphore, #tpu.memory_space<semaphore_mem>>)
    %scan3A = arith.constant 0 : i32
    %scan3A_31 = arith.constant 0 : i32
    %scan3A_32 = arith.constant 391 : i32
    %scan3A_33 = arith.addi %scan3A_31, %scan3A_32 : i32
    %scan3A_34 = arith.constant 1 : i32
    %scan3A_35 = scf.for %scan3A_369 = %scan3A_31 to %scan3A_33 step %scan3A_34 iter_args(%scan3A_370 = %scan3A) -> (i32)  : i32 {
      %mul3A_371 = arith.constant 16 : i32
      %mul3A_372 = arith.muli %scan3A_369, %mul3A_371 : i32
      %swap3A = arith.index_cast %mul3A_372 : i32 to index
      %swap3A_373 = tpu.vector_load %arg19[%swap3A] {strides = array<i32>} : memref<6256xf32, #tpu.memory_space<vmem>>, vector<16xf32>,
      tpu.vector_store %arg19[%swap3A], %convert_element_type3A {strides = array<i32>} : memref<6256xf32, #tpu.memory_space<vmem>>, vector<16xf32>,
      %scan3A_374 = arith.constant 0 : i32
      scf.yield %scan3A_374 : i32
    }
    %scan3A_36 = arith.constant 391 : i32
    %mul3A_37 = arith.constant 6256 : i32
    %mul3A_38 = arith.muli %arg1, %mul3A_37 : i32
    "tpu.region"() ({
      %run_scoped3A = tpu.sem_alloc : memref<!tpu.dma_semaphore, #tpu.memory_space<semaphore_mem>>
      %dma_start3A_369 = tpu.memref_slice %arg21[%mul3A_38] : memref<100096xf32, #tpu.memory_space<vmem_shared>> -> memref<6256xf32, #tpu.memory_space<vmem_shared>>
      %dma_start3A_370 = tpu.memref_slice %arg21[%mul3A_38] : memref<100096xf32, #tpu.memory_space<vmem_shared>> -> memref<6256xf32, #tpu.memory_space<vmem_shared>>
      tpu.enqueue_dma source(%arg19 : memref<6256xf32, #tpu.memory_space<vmem>>) target(%dma_start3A_370 : memref<6256xf32, #tpu.memory_space<vmem_shared>>) target_semaphore(%run_scoped3A : memref<!tpu.dma_semaphore, #tpu.memory_space<semaphore_mem>>)
      %dma_wait3A_371 = tpu.memref_slice %arg21[%mul3A_38] : memref<100096xf32, #tpu.memory_space<vmem_shared>> -> memref<6256xf32, #tpu.memory_space<vmem_shared>>
      %dma_wait3A_372 = tpu.memref_slice %arg21[%mul3A_38] : memref<100096xf32, #tpu.memory_space<vmem_shared>> -> memref<6256xf32, #tpu.memory_space<vmem_shared>>
      tpu.wait_dma2 semaphore(%run_scoped3A : memref<!tpu.dma_semaphore, #tpu.memory_space<semaphore_mem>>) src(%arg19 : memref<6256xf32, #tpu.memory_space<vmem>>) dst(%dma_wait3A_372 : memref<6256xf32, #tpu.memory_space<vmem_shared>>)
      tpu.yield
    }) : () -> ()
    %dma_wait3A = arith.constant 0 : i32
    %dma_wait3A_39 = tpu.memref_slice %arg20[%mul3A_26, %dma_wait3A] : memref<100096x8xf32, #tpu.memory_space<vmem_shared>> -> memref<6256x8xf32, #tpu.memory_space<vmem_shared>>
    %dma_wait3A_40 = arith.constant 0 : i32
    %dma_wait3A_41 = tpu.memref_slice %arg2[%mul3A_24, %dma_wait3A_40] : memref<100096x8xf32, #tpu.memory_space<hbm>> -> memref<6256x8xf32, #tpu.memory_space<hbm>>
    tpu.wait_dma2 semaphore(%arg28 : memref<!tpu.dma_semaphore, #tpu.memory_space<semaphore_mem>>) src(%dma_wait3A_41 : memref<6256x8xf32, #tpu.memory_space<hbm>>) dst(%dma_wait3A_39 : memref<6256x8xf32, #tpu.memory_space<vmem_shared>>)
    %barrier3A = arith.constant 0 : index
    tpu.barrier barrier_id(%barrier3A)
    %add3A_42 = arith.constant 0 : i32
    %add3A_43 = arith.addi %add3A, %add3A_42 : i32
    %mul3A_44 = arith.constant 1024 : i32
    %mul3A_45 = arith.muli %add3A_43, %mul3A_44 : i32
    %add3A_46 = arith.constant 6488064 : i32
    %add3A_47 = arith.addi %add3A_46, %mul3A_45 : i32
    %dma_wait3A_48 = tpu.memref_slice %arg3[%mul3A_45] : memref<12976128xi32, #tpu.memory_space<hbm>> -> memref<1024xi32, #tpu.memory_space<hbm>>
    %dma_wait3A_49 = tpu.memref_slice %arg3[%mul3A_45] : memref<12976128xi32, #tpu.memory_space<hbm>> -> memref<1024xi32, #tpu.memory_space<hbm>>
    tpu.wait_dma2 semaphore(%arg22 : memref<!tpu.dma_semaphore, #tpu.memory_space<semaphore_mem>>) src(%dma_wait3A_49 : memref<1024xi32, #tpu.memory_space<hbm>>) dst(%arg5 : memref<1024xi32, #tpu.memory_space<vmem>>)
    %dma_wait3A_50 = tpu.memref_slice %arg3[%add3A_47] : memref<12976128xi32, #tpu.memory_space<hbm>> -> memref<1024xi32, #tpu.memory_space<hbm>>
    %dma_wait3A_51 = tpu.memref_slice %arg3[%add3A_47] : memref<12976128xi32, #tpu.memory_space<hbm>> -> memref<1024xi32, #tpu.memory_space<hbm>>
    tpu.wait_dma2 semaphore(%arg22 : memref<!tpu.dma_semaphore, #tpu.memory_space<semaphore_mem>>) src(%dma_wait3A_51 : memref<1024xi32, #tpu.memory_space<hbm>>) dst(%arg7 : memref<1024xi32, #tpu.memory_space<vmem>>)
    %dma_start3A_52 = arith.constant 0 : i32
    %dma_start3A_53 = arith.constant 0 : i32
    %dma_start3A_54 = tpu.memref_slice %arg9[%dma_start3A_52, %dma_start3A_53] : memref<1024x8xf32, #tpu.memory_space<vmem>> -> memref<512x8xf32, #tpu.memory_space<vmem>>
    %dma_start3A_55 = arith.constant 0 : i32
    %dma_start3A_56 = tpu.memref_slice %arg5[%dma_start3A_55] : memref<1024xi32, #tpu.memory_space<vmem>> -> memref<512xi32, #tpu.memory_space<vmem>>
    %dma_start3A_57 = arith.constant 0 : i32
    %dma_start3A_58 = arith.constant 0 : i32
    %dma_start3A_59 = tpu.memref_slice %arg20[%dma_start3A_57, %dma_start3A_58] : memref<100096x8xf32, #tpu.memory_space<vmem_shared>> -> memref<100096x8xf32, #tpu.memory_space<vmem_shared>>
    tpu.enqueue_indirect_dma source(%dma_start3A_59 : memref<100096x8xf32, #tpu.memory_space<vmem_shared>>) target(%dma_start3A_54 : memref<512x8xf32, #tpu.memory_space<vmem>>) offsets(%dma_start3A_56 : memref<512xi32, #tpu.memory_space<vmem>>) semaphore(%arg24 : memref<!tpu.dma_semaphore, #tpu.memory_space<semaphore_mem>>)
    %dma_start3A_60 = arith.constant 0 : i32
    %dma_start3A_61 = arith.constant 0 : i32
    %dma_start3A_62 = tpu.memref_slice %arg11[%dma_start3A_60, %dma_start3A_61] : memref<1024x8xf32, #tpu.memory_space<vmem>> -> memref<512x8xf32, #tpu.memory_space<vmem>>
    %dma_start3A_63 = arith.constant 0 : i32
    %dma_start3A_64 = tpu.memref_slice %arg7[%dma_start3A_63] : memref<1024xi32, #tpu.memory_space<vmem>> -> memref<512xi32, #tpu.memory_space<vmem>>
    %dma_start3A_65 = arith.constant 0 : i32
    %dma_start3A_66 = arith.constant 0 : i32
    %dma_start3A_67 = tpu.memref_slice %arg20[%dma_start3A_65, %dma_start3A_66] : memref<100096x8xf32, #tpu.memory_space<vmem_shared>> -> memref<100096x8xf32, #tpu.memory_space<vmem_shared>>
    tpu.enqueue_indirect_dma source(%dma_start3A_67 : memref<100096x8xf32, #tpu.memory_space<vmem_shared>>) target(%dma_start3A_62 : memref<512x8xf32, #tpu.memory_space<vmem>>) offsets(%dma_start3A_64 : memref<512xi32, #tpu.memory_space<vmem>>) semaphore(%arg24 : memref<!tpu.dma_semaphore, #tpu.memory_space<semaphore_mem>>)
    %dma_start3A_68 = arith.constant 512 : i32
    %dma_start3A_69 = arith.constant 0 : i32
    %dma_start3A_70 = tpu.memref_slice %arg9[%dma_start3A_68, %dma_start3A_69] : memref<1024x8xf32, #tpu.memory_space<vmem>> -> memref<512x8xf32, #tpu.memory_space<vmem>>
    %dma_start3A_71 = arith.constant 512 : i32
    %dma_start3A_72 = tpu.memref_slice %arg5[%dma_start3A_71] : memref<1024xi32, #tpu.memory_space<vmem>> -> memref<512xi32, #tpu.memory_space<vmem>>
    %dma_start3A_73 = arith.constant 0 : i32
    %dma_start3A_74 = arith.constant 0 : i32
    %dma_start3A_75 = tpu.memref_slice %arg20[%dma_start3A_73, %dma_start3A_74] : memref<100096x8xf32, #tpu.memory_space<vmem_shared>> -> memref<100096x8xf32, #tpu.memory_space<vmem_shared>>
    tpu.enqueue_indirect_dma source(%dma_start3A_75 : memref<100096x8xf32, #tpu.memory_space<vmem_shared>>) target(%dma_start3A_70 : memref<512x8xf32, #tpu.memory_space<vmem>>) offsets(%dma_start3A_72 : memref<512xi32, #tpu.memory_space<vmem>>) semaphore(%arg24 : memref<!tpu.dma_semaphore, #tpu.memory_space<semaphore_mem>>)
    %dma_start3A_76 = arith.constant 512 : i32
    %dma_start3A_77 = arith.constant 0 : i32
    %dma_start3A_78 = tpu.memref_slice %arg11[%dma_start3A_76, %dma_start3A_77] : memref<1024x8xf32, #tpu.memory_space<vmem>> -> memref<512x8xf32, #tpu.memory_space<vmem>>
    %dma_start3A_79 = arith.constant 512 : i32
    %dma_start3A_80 = tpu.memref_slice %arg7[%dma_start3A_79] : memref<1024xi32, #tpu.memory_space<vmem>> -> memref<512xi32, #tpu.memory_space<vmem>>
    %dma_start3A_81 = arith.constant 0 : i32
    %dma_start3A_82 = arith.constant 0 : i32
    %dma_start3A_83 = tpu.memref_slice %arg20[%dma_start3A_81, %dma_start3A_82] : memref<100096x8xf32, #tpu.memory_space<vmem_shared>> -> memref<100096x8xf32, #tpu.memory_space<vmem_shared>>
    tpu.enqueue_indirect_dma source(%dma_start3A_83 : memref<100096x8xf32, #tpu.memory_space<vmem_shared>>) target(%dma_start3A_78 : memref<512x8xf32, #tpu.memory_space<vmem>>) offsets(%dma_start3A_80 : memref<512xi32, #tpu.memory_space<vmem>>) semaphore(%arg24 : memref<!tpu.dma_semaphore, #tpu.memory_space<semaphore_mem>>)
    %dma_wait3A_84 = arith.constant 0 : i32
    %dma_wait3A_85 = arith.constant 0 : i32
    %dma_wait3A_86 = tpu.memref_slice %arg9[%dma_wait3A_84, %dma_wait3A_85] : memref<1024x8xf32, #tpu.memory_space<vmem>> -> memref<512x8xf32, #tpu.memory_space<vmem>>
    %dma_wait3A_87 = arith.constant 0 : i32
    %dma_wait3A_88 = tpu.memref_slice %arg5[%dma_wait3A_87] : memref<1024xi32, #tpu.memory_space<vmem>> -> memref<512xi32, #tpu.memory_space<vmem>>
    %dma_wait3A_89 = arith.constant 0 : i32
    %dma_wait3A_90 = arith.constant 0 : i32
    %dma_wait3A_91 = tpu.memref_slice %arg20[%dma_wait3A_89, %dma_wait3A_90] : memref<100096x8xf32, #tpu.memory_space<vmem_shared>> -> memref<100096x8xf32, #tpu.memory_space<vmem_shared>>
    tpu.wait_indirect_dma semaphore(%arg24 : memref<!tpu.dma_semaphore, #tpu.memory_space<semaphore_mem>>) src(%dma_wait3A_91 : memref<100096x8xf32, #tpu.memory_space<vmem_shared>>) dst(%dma_wait3A_86 : memref<512x8xf32, #tpu.memory_space<vmem>>)
    %dma_wait3A_92 = arith.constant 0 : i32
    %dma_wait3A_93 = arith.constant 0 : i32
    %dma_wait3A_94 = tpu.memref_slice %arg11[%dma_wait3A_92, %dma_wait3A_93] : memref<1024x8xf32, #tpu.memory_space<vmem>> -> memref<512x8xf32, #tpu.memory_space<vmem>>
    %dma_wait3A_95 = arith.constant 0 : i32
    %dma_wait3A_96 = tpu.memref_slice %arg7[%dma_wait3A_95] : memref<1024xi32, #tpu.memory_space<vmem>> -> memref<512xi32, #tpu.memory_space<vmem>>
    %dma_wait3A_97 = arith.constant 0 : i32
    %dma_wait3A_98 = arith.constant 0 : i32
    %dma_wait3A_99 = tpu.memref_slice %arg20[%dma_wait3A_97, %dma_wait3A_98] : memref<100096x8xf32, #tpu.memory_space<vmem_shared>> -> memref<100096x8xf32, #tpu.memory_space<vmem_shared>>
    tpu.wait_indirect_dma semaphore(%arg24 : memref<!tpu.dma_semaphore, #tpu.memory_space<semaphore_mem>>) src(%dma_wait3A_99 : memref<100096x8xf32, #tpu.memory_space<vmem_shared>>) dst(%dma_wait3A_94 : memref<512x8xf32, #tpu.memory_space<vmem>>)
    %dma_wait3A_100 = arith.constant 512 : i32
    %dma_wait3A_101 = arith.constant 0 : i32
    %dma_wait3A_102 = tpu.memref_slice %arg9[%dma_wait3A_100, %dma_wait3A_101] : memref<1024x8xf32, #tpu.memory_space<vmem>> -> memref<512x8xf32, #tpu.memory_space<vmem>>
    %dma_wait3A_103 = arith.constant 512 : i32
    %dma_wait3A_104 = tpu.memref_slice %arg5[%dma_wait3A_103] : memref<1024xi32, #tpu.memory_space<vmem>> -> memref<512xi32, #tpu.memory_space<vmem>>
    %dma_wait3A_105 = arith.constant 0 : i32
    %dma_wait3A_106 = arith.constant 0 : i32
    %dma_wait3A_107 = tpu.memref_slice %arg20[%dma_wait3A_105, %dma_wait3A_106] : memref<100096x8xf32, #tpu.memory_space<vmem_shared>> -> memref<100096x8xf32, #tpu.memory_space<vmem_shared>>
    tpu.wait_indirect_dma semaphore(%arg24 : memref<!tpu.dma_semaphore, #tpu.memory_space<semaphore_mem>>) src(%dma_wait3A_107 : memref<100096x8xf32, #tpu.memory_space<vmem_shared>>) dst(%dma_wait3A_102 : memref<512x8xf32, #tpu.memory_space<vmem>>)
    %dma_wait3A_108 = arith.constant 512 : i32
    %dma_wait3A_109 = arith.constant 0 : i32
    %dma_wait3A_110 = tpu.memref_slice %arg11[%dma_wait3A_108, %dma_wait3A_109] : memref<1024x8xf32, #tpu.memory_space<vmem>> -> memref<512x8xf32, #tpu.memory_space<vmem>>
    %dma_wait3A_111 = arith.constant 512 : i32
    %dma_wait3A_112 = tpu.memref_slice %arg7[%dma_wait3A_111] : memref<1024xi32, #tpu.memory_space<vmem>> -> memref<512xi32, #tpu.memory_space<vmem>>
    %dma_wait3A_113 = arith.constant 0 : i32
    %dma_wait3A_114 = arith.constant 0 : i32
    %dma_wait3A_115 = tpu.memref_slice %arg20[%dma_wait3A_113, %dma_wait3A_114] : memref<100096x8xf32, #tpu.memory_space<vmem_shared>> -> memref<100096x8xf32, #tpu.memory_space<vmem_shared>>
    tpu.wait_indirect_dma semaphore(%arg24 : memref<!tpu.dma_semaphore, #tpu.memory_space<semaphore_mem>>) src(%dma_wait3A_115 : memref<100096x8xf32, #tpu.memory_space<vmem_shared>>) dst(%dma_wait3A_110 : memref<512x8xf32, #tpu.memory_space<vmem>>)
    %add3A_116 = arith.constant 32 : i32
    %add3A_117 = arith.addi %add3A, %add3A_116 : i32
    %mul3A_118 = arith.constant 1024 : i32
    %mul3A_119 = arith.muli %add3A_117, %mul3A_118 : i32
    %add3A_120 = arith.constant 6488064 : i32
    %add3A_121 = arith.addi %add3A_120, %mul3A_119 : i32
    %dma_wait3A_122 = tpu.memref_slice %arg3[%mul3A_119] : memref<12976128xi32, #tpu.memory_space<hbm>> -> memref<1024xi32, #tpu.memory_space<hbm>>
    %dma_wait3A_123 = tpu.memref_slice %arg3[%mul3A_119] : memref<12976128xi32, #tpu.memory_space<hbm>> -> memref<1024xi32, #tpu.memory_space<hbm>>
    tpu.wait_dma2 semaphore(%arg23 : memref<!tpu.dma_semaphore, #tpu.memory_space<semaphore_mem>>) src(%dma_wait3A_123 : memref<1024xi32, #tpu.memory_space<hbm>>) dst(%arg6 : memref<1024xi32, #tpu.memory_space<vmem>>)
    %dma_wait3A_124 = tpu.memref_slice %arg3[%add3A_121] : memref<12976128xi32, #tpu.memory_space<hbm>> -> memref<1024xi32, #tpu.memory_space<hbm>>
    %dma_wait3A_125 = tpu.memref_slice %arg3[%add3A_121] : memref<12976128xi32, #tpu.memory_space<hbm>> -> memref<1024xi32, #tpu.memory_space<hbm>>
    tpu.wait_dma2 semaphore(%arg23 : memref<!tpu.dma_semaphore, #tpu.memory_space<semaphore_mem>>) src(%dma_wait3A_125 : memref<1024xi32, #tpu.memory_space<hbm>>) dst(%arg8 : memref<1024xi32, #tpu.memory_space<vmem>>)
    %dma_start3A_126 = arith.constant 0 : i32
    %dma_start3A_127 = arith.constant 0 : i32
    %dma_start3A_128 = tpu.memref_slice %arg10[%dma_start3A_126, %dma_start3A_127] : memref<1024x8xf32, #tpu.memory_space<vmem>> -> memref<512x8xf32, #tpu.memory_space<vmem>>
    %dma_start3A_129 = arith.constant 0 : i32
    %dma_start3A_130 = tpu.memref_slice %arg6[%dma_start3A_129] : memref<1024xi32, #tpu.memory_space<vmem>> -> memref<512xi32, #tpu.memory_space<vmem>>
    %dma_start3A_131 = arith.constant 0 : i32
    %dma_start3A_132 = arith.constant 0 : i32
    %dma_start3A_133 = tpu.memref_slice %arg20[%dma_start3A_131, %dma_start3A_132] : memref<100096x8xf32, #tpu.memory_space<vmem_shared>> -> memref<100096x8xf32, #tpu.memory_space<vmem_shared>>
    tpu.enqueue_indirect_dma source(%dma_start3A_133 : memref<100096x8xf32, #tpu.memory_space<vmem_shared>>) target(%dma_start3A_128 : memref<512x8xf32, #tpu.memory_space<vmem>>) offsets(%dma_start3A_130 : memref<512xi32, #tpu.memory_space<vmem>>) semaphore(%arg25 : memref<!tpu.dma_semaphore, #tpu.memory_space<semaphore_mem>>)
    %dma_start3A_134 = arith.constant 0 : i32
    %dma_start3A_135 = arith.constant 0 : i32
    %dma_start3A_136 = tpu.memref_slice %arg12[%dma_start3A_134, %dma_start3A_135] : memref<1024x8xf32, #tpu.memory_space<vmem>> -> memref<512x8xf32, #tpu.memory_space<vmem>>
    %dma_start3A_137 = arith.constant 0 : i32
    %dma_start3A_138 = tpu.memref_slice %arg8[%dma_start3A_137] : memref<1024xi32, #tpu.memory_space<vmem>> -> memref<512xi32, #tpu.memory_space<vmem>>
    %dma_start3A_139 = arith.constant 0 : i32
    %dma_start3A_140 = arith.constant 0 : i32
    %dma_start3A_141 = tpu.memref_slice %arg20[%dma_start3A_139, %dma_start3A_140] : memref<100096x8xf32, #tpu.memory_space<vmem_shared>> -> memref<100096x8xf32, #tpu.memory_space<vmem_shared>>
    tpu.enqueue_indirect_dma source(%dma_start3A_141 : memref<100096x8xf32, #tpu.memory_space<vmem_shared>>) target(%dma_start3A_136 : memref<512x8xf32, #tpu.memory_space<vmem>>) offsets(%dma_start3A_138 : memref<512xi32, #tpu.memory_space<vmem>>) semaphore(%arg25 : memref<!tpu.dma_semaphore, #tpu.memory_space<semaphore_mem>>)
    %dma_start3A_142 = arith.constant 512 : i32
    %dma_start3A_143 = arith.constant 0 : i32
    %dma_start3A_144 = tpu.memref_slice %arg10[%dma_start3A_142, %dma_start3A_143] : memref<1024x8xf32, #tpu.memory_space<vmem>> -> memref<512x8xf32, #tpu.memory_space<vmem>>
    %dma_start3A_145 = arith.constant 512 : i32
    %dma_start3A_146 = tpu.memref_slice %arg6[%dma_start3A_145] : memref<1024xi32, #tpu.memory_space<vmem>> -> memref<512xi32, #tpu.memory_space<vmem>>
    %dma_start3A_147 = arith.constant 0 : i32
    %dma_start3A_148 = arith.constant 0 : i32
    %dma_start3A_149 = tpu.memref_slice %arg20[%dma_start3A_147, %dma_start3A_148] : memref<100096x8xf32, #tpu.memory_space<vmem_shared>> -> memref<100096x8xf32, #tpu.memory_space<vmem_shared>>
    tpu.enqueue_indirect_dma source(%dma_start3A_149 : memref<100096x8xf32, #tpu.memory_space<vmem_shared>>) target(%dma_start3A_144 : memref<512x8xf32, #tpu.memory_space<vmem>>) offsets(%dma_start3A_146 : memref<512xi32, #tpu.memory_space<vmem>>) semaphore(%arg25 : memref<!tpu.dma_semaphore, #tpu.memory_space<semaphore_mem>>)
    %dma_start3A_150 = arith.constant 512 : i32
    %dma_start3A_151 = arith.constant 0 : i32
    %dma_start3A_152 = tpu.memref_slice %arg12[%dma_start3A_150, %dma_start3A_151] : memref<1024x8xf32, #tpu.memory_space<vmem>> -> memref<512x8xf32, #tpu.memory_space<vmem>>
    %dma_start3A_153 = arith.constant 512 : i32
    %dma_start3A_154 = tpu.memref_slice %arg8[%dma_start3A_153] : memref<1024xi32, #tpu.memory_space<vmem>> -> memref<512xi32, #tpu.memory_space<vmem>>
    %dma_start3A_155 = arith.constant 0 : i32
    %dma_start3A_156 = arith.constant 0 : i32
    %dma_start3A_157 = tpu.memref_slice %arg20[%dma_start3A_155, %dma_start3A_156] : memref<100096x8xf32, #tpu.memory_space<vmem_shared>> -> memref<100096x8xf32, #tpu.memory_space<vmem_shared>>
    tpu.enqueue_indirect_dma source(%dma_start3A_157 : memref<100096x8xf32, #tpu.memory_space<vmem_shared>>) target(%dma_start3A_152 : memref<512x8xf32, #tpu.memory_space<vmem>>) offsets(%dma_start3A_154 : memref<512xi32, #tpu.memory_space<vmem>>) semaphore(%arg25 : memref<!tpu.dma_semaphore, #tpu.memory_space<semaphore_mem>>)
    %scan3A_158 = arith.constant 0 : i32
    %scan3A_159 = arith.constant 0 : i32
    %scan3A_160 = arith.constant 16 : i32
    %scan3A_161 = arith.addi %scan3A_159, %scan3A_160 : i32
    %scan3A_162 = arith.constant 1 : i32
    %scan3A_163 = scf.for %scan3A_369 = %scan3A_159 to %scan3A_161 step %scan3A_162 iter_args(%scan3A_370 = %scan3A_158) -> (i32)  : i32 {
      %mul3A_371 = arith.constant 4 : i32
      %mul3A_372 = arith.muli %scan3A_369, %mul3A_371 : i32
      %add3A_373 = arith.constant 0 : i32
      %add3A_374 = arith.addi %mul3A_372, %add3A_373 : i32
      %mul3A_375 = arith.constant 16 : i32
      %mul3A_376 = arith.muli %add3A_374, %mul3A_375 : i32
      %add3A_377 = vector.broadcast %mul3A_376 : i32 to vector<16xi32>
      %add3A_378 = arith.addi %iota3A, %add3A_377 : vector<16xi32>
      %mul3A_379 = arith.constant 0 : i32
      %mul3A_380 = vector.broadcast %mul3A_379 : i32 to vector<16xi32>
      %mul3A_381 = arith.muli %iota3A, %mul3A_380 : vector<16xi32>
      %gather3A = tpu.vector_load_idx %arg9[%add3A_378, %mul3A_381] : memref<1024x8xf32, #tpu.memory_space<vmem>>[vector<16xi32>, vector<16xi32>], vector<16xf32>,
      %add3A_382 = arith.constant 1 : i32
      %add3A_383 = vector.broadcast %add3A_382 : i32 to vector<16xi32>
      %add3A_384 = arith.addi %mul3A_381, %add3A_383 : vector<16xi32>
      %gather3A_385 = tpu.vector_load_idx %arg9[%add3A_378, %add3A_384] : memref<1024x8xf32, #tpu.memory_space<vmem>>[vector<16xi32>, vector<16xi32>], vector<16xf32>,
      %add3A_386 = arith.constant 2 : i32
      %add3A_387 = vector.broadcast %add3A_386 : i32 to vector<16xi32>
      %add3A_388 = arith.addi %mul3A_381, %add3A_387 : vector<16xi32>
      %gather3A_389 = tpu.vector_load_idx %arg9[%add3A_378, %add3A_388] : memref<1024x8xf32, #tpu.memory_space<vmem>>[vector<16xi32>, vector<16xi32>], vector<16xf32>,
      %add3A_390 = arith.constant 3 : i32
      %add3A_391 = vector.broadcast %add3A_390 : i32 to vector<16xi32>
      %add3A_392 = arith.addi %mul3A_381, %add3A_391 : vector<16xi32>
      %gather3A_393 = tpu.vector_load_idx %arg9[%add3A_378, %add3A_392] : memref<1024x8xf32, #tpu.memory_space<vmem>>[vector<16xi32>, vector<16xi32>], vector<16xf32>,
      %add3A_394 = arith.constant 4 : i32
      %add3A_395 = vector.broadcast %add3A_394 : i32 to vector<16xi32>
      %add3A_396 = arith.addi %mul3A_381, %add3A_395 : vector<16xi32>
      %gather3A_397 = tpu.vector_load_idx %arg9[%add3A_378, %add3A_396] : memref<1024x8xf32, #tpu.memory_space<vmem>>[vector<16xi32>, vector<16xi32>], vector<16xf32>,
      %gather3A_398 = tpu.vector_load_idx %arg11[%add3A_378, %mul3A_381] : memref<1024x8xf32, #tpu.memory_space<vmem>>[vector<16xi32>, vector<16xi32>], vector<16xf32>,
      %add3A_399 = arith.constant 1 : i32
      %add3A_400 = vector.broadcast %add3A_399 : i32 to vector<16xi32>
      %add3A_401 = arith.addi %mul3A_381, %add3A_400 : vector<16xi32>
      %gather3A_402 = tpu.vector_load_idx %arg11[%add3A_378, %add3A_401] : memref<1024x8xf32, #tpu.memory_space<vmem>>[vector<16xi32>, vector<16xi32>], vector<16xf32>,
      %add3A_403 = arith.constant 2 : i32
      %add3A_404 = vector.broadcast %add3A_403 : i32 to vector<16xi32>
      %add3A_405 = arith.addi %mul3A_381, %add3A_404 : vector<16xi32>
      %gather3A_406 = tpu.vector_load_idx %arg11[%add3A_378, %add3A_405] : memref<1024x8xf32, #tpu.memory_space<vmem>>[vector<16xi32>, vector<16xi32>], vector<16xf32>,
      %add3A_407 = arith.constant 3 : i32
      %add3A_408 = vector.broadcast %add3A_407 : i32 to vector<16xi32>
      %add3A_409 = arith.addi %mul3A_381, %add3A_408 : vector<16xi32>
      %gather3A_410 = tpu.vector_load_idx %arg11[%add3A_378, %add3A_409] : memref<1024x8xf32, #tpu.memory_space<vmem>>[vector<16xi32>, vector<16xi32>], vector<16xf32>,
      %add3A_411 = arith.constant 4 : i32
      %add3A_412 = vector.broadcast %add3A_411 : i32 to vector<16xi32>
      %add3A_413 = arith.addi %mul3A_381, %add3A_412 : vector<16xi32>
      %gather3A_414 = tpu.vector_load_idx %arg11[%add3A_378, %add3A_413] : memref<1024x8xf32, #tpu.memory_space<vmem>>[vector<16xi32>, vector<16xi32>], vector<16xf32>,
      %sub3A = arith.subf %gather3A, %gather3A_398 : vector<16xf32>
      %sub3A_415 = arith.subf %gather3A_385, %gather3A_402 : vector<16xf32>
      %sub3A_416 = arith.subf %gather3A_389, %gather3A_406 : vector<16xf32>
      %mul3A_417 = arith.mulf %sub3A, %sub3A : vector<16xf32>
      %mul3A_418 = arith.mulf %sub3A_415, %sub3A_415 : vector<16xf32>
      %add3A_419 = arith.addf %mul3A_417, %mul3A_418 : vector<16xf32>
      %mul3A_420 = arith.mulf %sub3A_416, %sub3A_416 : vector<16xf32>
      %add3A_421 = arith.addf %add3A_419, %mul3A_420 : vector<16xf32>
      %bitcast3A = vector.bitcast %add3A_421 : vector<16xf32> to vector<16xi32>
      %shift_right_arithmetic3A = arith.constant 1 : i32
      %shift_right_arithmetic3A_422 = vector.broadcast %shift_right_arithmetic3A : i32 to vector<16xi32>
      %shift_right_arithmetic3A_423 = arith.shrsi %bitcast3A, %shift_right_arithmetic3A_422 : vector<16xi32>
      %sub3A_424 = arith.constant 1597463007 : i32
      %sub3A_425 = vector.broadcast %sub3A_424 : i32 to vector<16xi32>
      %sub3A_426 = arith.subi %sub3A_425, %shift_right_arithmetic3A_423 : vector<16xi32>
      %bitcast3A_427 = vector.bitcast %sub3A_426 : vector<16xi32> to vector<16xf32>
      %mul3A_428 = arith.constant 5.000000e-01 : f32
      %mul3A_429 = vector.broadcast %mul3A_428 : f32 to vector<16xf32>
      %mul3A_430 = arith.mulf %mul3A_429, %add3A_421 : vector<16xf32>
      %mul3A_431 = arith.mulf %mul3A_430, %bitcast3A_427 : vector<16xf32>
      %mul3A_432 = arith.mulf %mul3A_431, %bitcast3A_427 : vector<16xf32>
      %sub3A_433 = arith.constant 1.500000e+00 : f32
      %sub3A_434 = vector.broadcast %sub3A_433 : f32 to vector<16xf32>
      %sub3A_435 = arith.subf %sub3A_434, %mul3A_432 : vector<16xf32>
      %mul3A_436 = arith.mulf %bitcast3A_427, %sub3A_435 : vector<16xf32>
      %mul3A_437 = arith.constant 5.000000e-01 : f32
      %mul3A_438 = vector.broadcast %mul3A_437 : f32 to vector<16xf32>
      %mul3A_439 = arith.mulf %mul3A_438, %add3A_421 : vector<16xf32>
      %mul3A_440 = arith.mulf %mul3A_439, %mul3A_436 : vector<16xf32>
      %mul3A_441 = arith.mulf %mul3A_440, %mul3A_436 : vector<16xf32>
      %sub3A_442 = arith.constant 1.500000e+00 : f32
      %sub3A_443 = vector.broadcast %sub3A_442 : f32 to vector<16xf32>
      %sub3A_444 = arith.subf %sub3A_443, %mul3A_441 : vector<16xf32>
      %mul3A_445 = arith.mulf %mul3A_436, %sub3A_444 : vector<16xf32>
      %mul3A_446 = arith.mulf %add3A_421, %mul3A_445 : vector<16xf32>
      %add3A_447 = arith.addf %gather3A_393, %gather3A_410 : vector<16xf32>
      %mul3A_448 = arith.constant 2.13447165 : f32
      %mul3A_449 = vector.broadcast %mul3A_448 : f32 to vector<16xf32>
      %mul3A_450 = arith.mulf %mul3A_446, %mul3A_449 : vector<16xf32>
      %mul3A_451 = arith.mulf %add3A_447, %mul3A_450 : vector<16xf32>
      %mul3A_452 = arith.constant -2.016200e-01 : f32
      %mul3A_453 = vector.broadcast %mul3A_452 : f32 to vector<16xf32>
      %mul3A_454 = arith.mulf %mul3A_453, %mul3A_451 : vector<16xf32>
      %exp3A = math.exp %mul3A_454 : vector<16xf32>
      %mul3A_455 = arith.constant 2.817000e-02 : f32
      %mul3A_456 = vector.broadcast %mul3A_455 : f32 to vector<16xf32>
      %mul3A_457 = arith.mulf %mul3A_456, %exp3A : vector<16xf32>
      %mul3A_458 = arith.constant -4.029000e-01 : f32
      %mul3A_459 = vector.broadcast %mul3A_458 : f32 to vector<16xf32>
      %mul3A_460 = arith.mulf %mul3A_459, %mul3A_451 : vector<16xf32>
      %exp3A_461 = math.exp %mul3A_460 : vector<16xf32>
      %mul3A_462 = arith.constant 2.802200e-01 : f32
      %mul3A_463 = vector.broadcast %mul3A_462 : f32 to vector<16xf32>
      %mul3A_464 = arith.mulf %mul3A_463, %exp3A_461 : vector<16xf32>
      %add3A_465 = arith.addf %mul3A_457, %mul3A_464 : vector<16xf32>
      %mul3A_466 = arith.constant -9.422900e-01 : f32
      %mul3A_467 = vector.broadcast %mul3A_466 : f32 to vector<16xf32>
      %mul3A_468 = arith.mulf %mul3A_467, %mul3A_451 : vector<16xf32>
      %exp3A_469 = math.exp %mul3A_468 : vector<16xf32>
      %mul3A_470 = arith.constant 5.098600e-01 : f32
      %mul3A_471 = vector.broadcast %mul3A_470 : f32 to vector<16xf32>
      %mul3A_472 = arith.mulf %mul3A_471, %exp3A_469 : vector<16xf32>
      %add3A_473 = arith.addf %add3A_465, %mul3A_472 : vector<16xf32>
      %mul3A_474 = arith.constant -3.199800e+00 : f32
      %mul3A_475 = vector.broadcast %mul3A_474 : f32 to vector<16xf32>
      %mul3A_476 = arith.mulf %mul3A_475, %mul3A_451 : vector<16xf32>
      %exp3A_477 = math.exp %mul3A_476 : vector<16xf32>
      %mul3A_478 = arith.constant 1.817500e-01 : f32
      %mul3A_479 = vector.broadcast %mul3A_478 : f32 to vector<16xf32>
      %mul3A_480 = arith.mulf %mul3A_479, %exp3A_477 : vector<16xf32>
      %add3A_481 = arith.addf %add3A_473, %mul3A_480 : vector<16xf32>
      %mul3A_482 = arith.mulf %gather3A_397, %gather3A_414 : vector<16xf32>
      %mul3A_483 = arith.mulf %mul3A_482, %mul3A_445 : vector<16xf32>
      %mul3A_484 = arith.mulf %mul3A_483, %add3A_481 : vector<16xf32>
      %mul3A_485 = arith.constant 2.000000e-01 : f32
      %mul3A_486 = vector.broadcast %mul3A_485 : f32 to vector<16xf32>
      %mul3A_487 = arith.mulf %mul3A_446, %mul3A_486 : vector<16xf32>
      %mul3A_488 = arith.mulf %mul3A_487, %mul3A_487 : vector<16xf32>
      %mul3A_489 = arith.mulf %mul3A_488, %mul3A_488 : vector<16xf32>
      %mul3A_490 = arith.mulf %mul3A_489, %mul3A_488 : vector<16xf32>
      %mul3A_491 = arith.mulf %mul3A_490, %mul3A_487 : vector<16xf32>
      %mul3A_492 = arith.mulf %mul3A_491, %mul3A_487 : vector<16xf32>
      %mul3A_493 = arith.constant 2.800000e+01 : f32
      %mul3A_494 = vector.broadcast %mul3A_493 : f32 to vector<16xf32>
      %mul3A_495 = arith.mulf %mul3A_494, %mul3A_490 : vector<16xf32>
      %sub3A_496 = arith.constant 1.000000e+00 : f32
      %sub3A_497 = vector.broadcast %sub3A_496 : f32 to vector<16xf32>
      %sub3A_498 = arith.subf %sub3A_497, %mul3A_495 : vector<16xf32>
      %mul3A_499 = arith.constant 4.800000e+01 : f32
      %mul3A_500 = vector.broadcast %mul3A_499 : f32 to vector<16xf32>
      %mul3A_501 = arith.mulf %mul3A_500, %mul3A_491 : vector<16xf32>
      %add3A_502 = arith.addf %sub3A_498, %mul3A_501 : vector<16xf32>
      %mul3A_503 = arith.constant 2.100000e+01 : f32
      %mul3A_504 = vector.broadcast %mul3A_503 : f32 to vector<16xf32>
      %mul3A_505 = arith.mulf %mul3A_504, %mul3A_492 : vector<16xf32>
      %sub3A_506 = arith.subf %add3A_502, %mul3A_505 : vector<16xf32>
      %lt3A = arith.constant 1.000000e+00 : f32
      %lt3A_507 = vector.broadcast %lt3A : f32 to vector<16xf32>
      %lt3A_508 = arith.cmpf olt, %mul3A_487, %lt3A_507 : vector<16xf32>
      %mul3A_509 = arith.mulf %sub3A_506, %mul3A_484 : vector<16xf32>
      %jit3A = arith.constant 0.000000e+00 : f32
      %broadcast_in_dim3A = vector.broadcast %jit3A : f32 to vector<16xf32>
      %select_n3A = arith.select %lt3A_508, %mul3A_509, %broadcast_in_dim3A : vector<16xi1>, vector<16xf32>
      %mul3A_510 = arith.constant 16 : i32
      %mul3A_511 = arith.muli %add3A_374, %mul3A_510 : i32
      %swap3A = arith.index_cast %mul3A_511 : i32 to index
      %swap3A_512 = tpu.vector_load %arg13[%swap3A] {strides = array<i32>} : memref<1024xf32, #tpu.memory_space<vmem>>, vector<16xf32>,
      tpu.vector_store %arg13[%swap3A], %select_n3A {strides = array<i32>} : memref<1024xf32, #tpu.memory_space<vmem>>, vector<16xf32>,
      %mul3A_513 = arith.constant 4 : i32
      %mul3A_514 = arith.muli %scan3A_369, %mul3A_513 : i32
      %add3A_515 = arith.constant 1 : i32
      %add3A_516 = arith.addi %mul3A_514, %add3A_515 : i32
      %mul3A_517 = arith.constant 16 : i32
      %mul3A_518 = arith.muli %add3A_516, %mul3A_517 : i32
      %add3A_519 = vector.broadcast %mul3A_518 : i32 to vector<16xi32>
      %add3A_520 = arith.addi %iota3A, %add3A_519 : vector<16xi32>
      %mul3A_521 = arith.constant 0 : i32
      %mul3A_522 = vector.broadcast %mul3A_521 : i32 to vector<16xi32>
      %mul3A_523 = arith.muli %iota3A, %mul3A_522 : vector<16xi32>
      %gather3A_524 = tpu.vector_load_idx %arg9[%add3A_520, %mul3A_523] : memref<1024x8xf32, #tpu.memory_space<vmem>>[vector<16xi32>, vector<16xi32>], vector<16xf32>,
      %add3A_525 = arith.constant 1 : i32
      %add3A_526 = vector.broadcast %add3A_525 : i32 to vector<16xi32>
      %add3A_527 = arith.addi %mul3A_523, %add3A_526 : vector<16xi32>
      %gather3A_528 = tpu.vector_load_idx %arg9[%add3A_520, %add3A_527] : memref<1024x8xf32, #tpu.memory_space<vmem>>[vector<16xi32>, vector<16xi32>], vector<16xf32>,
      %add3A_529 = arith.constant 2 : i32
      %add3A_530 = vector.broadcast %add3A_529 : i32 to vector<16xi32>
      %add3A_531 = arith.addi %mul3A_523, %add3A_530 : vector<16xi32>
      %gather3A_532 = tpu.vector_load_idx %arg9[%add3A_520, %add3A_531] : memref<1024x8xf32, #tpu.memory_space<vmem>>[vector<16xi32>, vector<16xi32>], vector<16xf32>,
      %add3A_533 = arith.constant 3 : i32
      %add3A_534 = vector.broadcast %add3A_533 : i32 to vector<16xi32>
      %add3A_535 = arith.addi %mul3A_523, %add3A_534 : vector<16xi32>
      %gather3A_536 = tpu.vector_load_idx %arg9[%add3A_520, %add3A_535] : memref<1024x8xf32, #tpu.memory_space<vmem>>[vector<16xi32>, vector<16xi32>], vector<16xf32>,
      %add3A_537 = arith.constant 4 : i32
      %add3A_538 = vector.broadcast %add3A_537 : i32 to vector<16xi32>
      %add3A_539 = arith.addi %mul3A_523, %add3A_538 : vector<16xi32>
      %gather3A_540 = tpu.vector_load_idx %arg9[%add3A_520, %add3A_539] : memref<1024x8xf32, #tpu.memory_space<vmem>>[vector<16xi32>, vector<16xi32>], vector<16xf32>,
      %gather3A_541 = tpu.vector_load_idx %arg11[%add3A_520, %mul3A_523] : memref<1024x8xf32, #tpu.memory_space<vmem>>[vector<16xi32>, vector<16xi32>], vector<16xf32>,
      %add3A_542 = arith.constant 1 : i32
      %add3A_543 = vector.broadcast %add3A_542 : i32 to vector<16xi32>
      %add3A_544 = arith.addi %mul3A_523, %add3A_543 : vector<16xi32>
      %gather3A_545 = tpu.vector_load_idx %arg11[%add3A_520, %add3A_544] : memref<1024x8xf32, #tpu.memory_space<vmem>>[vector<16xi32>, vector<16xi32>], vector<16xf32>,
      %add3A_546 = arith.constant 2 : i32
      %add3A_547 = vector.broadcast %add3A_546 : i32 to vector<16xi32>
      %add3A_548 = arith.addi %mul3A_523, %add3A_547 : vector<16xi32>
      %gather3A_549 = tpu.vector_load_idx %arg11[%add3A_520, %add3A_548] : memref<1024x8xf32, #tpu.memory_space<vmem>>[vector<16xi32>, vector<16xi32>], vector<16xf32>,
      %add3A_550 = arith.constant 3 : i32
      %add3A_551 = vector.broadcast %add3A_550 : i32 to vector<16xi32>
      %add3A_552 = arith.addi %mul3A_523, %add3A_551 : vector<16xi32>
      %gather3A_553 = tpu.vector_load_idx %arg11[%add3A_520, %add3A_552] : memref<1024x8xf32, #tpu.memory_space<vmem>>[vector<16xi32>, vector<16xi32>], vector<16xf32>,
      %add3A_554 = arith.constant 4 : i32
      %add3A_555 = vector.broadcast %add3A_554 : i32 to vector<16xi32>
      %add3A_556 = arith.addi %mul3A_523, %add3A_555 : vector<16xi32>
      %gather3A_557 = tpu.vector_load_idx %arg11[%add3A_520, %add3A_556] : memref<1024x8xf32, #tpu.memory_space<vmem>>[vector<16xi32>, vector<16xi32>], vector<16xf32>,
      %sub3A_558 = arith.subf %gather3A_524, %gather3A_541 : vector<16xf32>
      %sub3A_559 = arith.subf %gather3A_528, %gather3A_545 : vector<16xf32>
      %sub3A_560 = arith.subf %gather3A_532, %gather3A_549 : vector<16xf32>
      %mul3A_561 = arith.mulf %sub3A_558, %sub3A_558 : vector<16xf32>
      %mul3A_562 = arith.mulf %sub3A_559, %sub3A_559 : vector<16xf32>
      %add3A_563 = arith.addf %mul3A_561, %mul3A_562 : vector<16xf32>
      %mul3A_564 = arith.mulf %sub3A_560, %sub3A_560 : vector<16xf32>
      %add3A_565 = arith.addf %add3A_563, %mul3A_564 : vector<16xf32>
      %bitcast3A_566 = vector.bitcast %add3A_565 : vector<16xf32> to vector<16xi32>
      %shift_right_arithmetic3A_567 = arith.constant 1 : i32
      %shift_right_arithmetic3A_568 = vector.broadcast %shift_right_arithmetic3A_567 : i32 to vector<16xi32>
      %shift_right_arithmetic3A_569 = arith.shrsi %bitcast3A_566, %shift_right_arithmetic3A_568 : vector<16xi32>
      %sub3A_570 = arith.constant 1597463007 : i32
      %sub3A_571 = vector.broadcast %sub3A_570 : i32 to vector<16xi32>
      %sub3A_572 = arith.subi %sub3A_571, %shift_right_arithmetic3A_569 : vector<16xi32>
      %bitcast3A_573 = vector.bitcast %sub3A_572 : vector<16xi32> to vector<16xf32>
      %mul3A_574 = arith.constant 5.000000e-01 : f32
      %mul3A_575 = vector.broadcast %mul3A_574 : f32 to vector<16xf32>
      %mul3A_576 = arith.mulf %mul3A_575, %add3A_565 : vector<16xf32>
      %mul3A_577 = arith.mulf %mul3A_576, %bitcast3A_573 : vector<16xf32>
      %mul3A_578 = arith.mulf %mul3A_577, %bitcast3A_573 : vector<16xf32>
      %sub3A_579 = arith.constant 1.500000e+00 : f32
      %sub3A_580 = vector.broadcast %sub3A_579 : f32 to vector<16xf32>
      %sub3A_581 = arith.subf %sub3A_580, %mul3A_578 : vector<16xf32>
      %mul3A_582 = arith.mulf %bitcast3A_573, %sub3A_581 : vector<16xf32>
      %mul3A_583 = arith.constant 5.000000e-01 : f32
      %mul3A_584 = vector.broadcast %mul3A_583 : f32 to vector<16xf32>
      %mul3A_585 = arith.mulf %mul3A_584, %add3A_565 : vector<16xf32>
      %mul3A_586 = arith.mulf %mul3A_585, %mul3A_582 : vector<16xf32>
      %mul3A_587 = arith.mulf %mul3A_586, %mul3A_582 : vector<16xf32>
      %sub3A_588 = arith.constant 1.500000e+00 : f32
      %sub3A_589 = vector.broadcast %sub3A_588 : f32 to vector<16xf32>
      %sub3A_590 = arith.subf %sub3A_589, %mul3A_587 : vector<16xf32>
      %mul3A_591 = arith.mulf %mul3A_582, %sub3A_590 : vector<16xf32>
      %mul3A_592 = arith.mulf %add3A_565, %mul3A_591 : vector<16xf32>
      %add3A_593 = arith.addf %gather3A_536, %gather3A_553 : vector<16xf32>
      %mul3A_594 = arith.constant 2.13447165 : f32
      %mul3A_595 = vector.broadcast %mul3A_594 : f32 to vector<16xf32>
      %mul3A_596 = arith.mulf %mul3A_592, %mul3A_595 : vector<16xf32>
      %mul3A_597 = arith.mulf %add3A_593, %mul3A_596 : vector<16xf32>
      %mul3A_598 = arith.constant -2.016200e-01 : f32
      %mul3A_599 = vector.broadcast %mul3A_598 : f32 to vector<16xf32>
      %mul3A_600 = arith.mulf %mul3A_599, %mul3A_597 : vector<16xf32>
      %exp3A_601 = math.exp %mul3A_600 : vector<16xf32>
      %mul3A_602 = arith.constant 2.817000e-02 : f32
      %mul3A_603 = vector.broadcast %mul3A_602 : f32 to vector<16xf32>
      %mul3A_604 = arith.mulf %mul3A_603, %exp3A_601 : vector<16xf32>
      %mul3A_605 = arith.constant -4.029000e-01 : f32
      %mul3A_606 = vector.broadcast %mul3A_605 : f32 to vector<16xf32>
      %mul3A_607 = arith.mulf %mul3A_606, %mul3A_597 : vector<16xf32>
      %exp3A_608 = math.exp %mul3A_607 : vector<16xf32>
      %mul3A_609 = arith.constant 2.802200e-01 : f32
      %mul3A_610 = vector.broadcast %mul3A_609 : f32 to vector<16xf32>
      %mul3A_611 = arith.mulf %mul3A_610, %exp3A_608 : vector<16xf32>
      %add3A_612 = arith.addf %mul3A_604, %mul3A_611 : vector<16xf32>
      %mul3A_613 = arith.constant -9.422900e-01 : f32
      %mul3A_614 = vector.broadcast %mul3A_613 : f32 to vector<16xf32>
      %mul3A_615 = arith.mulf %mul3A_614, %mul3A_597 : vector<16xf32>
      %exp3A_616 = math.exp %mul3A_615 : vector<16xf32>
      %mul3A_617 = arith.constant 5.098600e-01 : f32
      %mul3A_618 = vector.broadcast %mul3A_617 : f32 to vector<16xf32>
      %mul3A_619 = arith.mulf %mul3A_618, %exp3A_616 : vector<16xf32>
      %add3A_620 = arith.addf %add3A_612, %mul3A_619 : vector<16xf32>
      %mul3A_621 = arith.constant -3.199800e+00 : f32
      %mul3A_622 = vector.broadcast %mul3A_621 : f32 to vector<16xf32>
      %mul3A_623 = arith.mulf %mul3A_622, %mul3A_597 : vector<16xf32>
      %exp3A_624 = math.exp %mul3A_623 : vector<16xf32>
      %mul3A_625 = arith.constant 1.817500e-01 : f32
      %mul3A_626 = vector.broadcast %mul3A_625 : f32 to vector<16xf32>
      %mul3A_627 = arith.mulf %mul3A_626, %exp3A_624 : vector<16xf32>
      %add3A_628 = arith.addf %add3A_620, %mul3A_627 : vector<16xf32>
      %mul3A_629 = arith.mulf %gather3A_540, %gather3A_557 : vector<16xf32>
      %mul3A_630 = arith.mulf %mul3A_629, %mul3A_591 : vector<16xf32>
      %mul3A_631 = arith.mulf %mul3A_630, %add3A_628 : vector<16xf32>
      %mul3A_632 = arith.constant 2.000000e-01 : f32
      %mul3A_633 = vector.broadcast %mul3A_632 : f32 to vector<16xf32>
      %mul3A_634 = arith.mulf %mul3A_592, %mul3A_633 : vector<16xf32>
      %mul3A_635 = arith.mulf %mul3A_634, %mul3A_634 : vector<16xf32>
      %mul3A_636 = arith.mulf %mul3A_635, %mul3A_635 : vector<16xf32>
      %mul3A_637 = arith.mulf %mul3A_636, %mul3A_635 : vector<16xf32>
      %mul3A_638 = arith.mulf %mul3A_637, %mul3A_634 : vector<16xf32>
      %mul3A_639 = arith.mulf %mul3A_638, %mul3A_634 : vector<16xf32>
      %mul3A_640 = arith.constant 2.800000e+01 : f32
      %mul3A_641 = vector.broadcast %mul3A_640 : f32 to vector<16xf32>
      %mul3A_642 = arith.mulf %mul3A_641, %mul3A_637 : vector<16xf32>
      %sub3A_643 = arith.constant 1.000000e+00 : f32
      %sub3A_644 = vector.broadcast %sub3A_643 : f32 to vector<16xf32>
      %sub3A_645 = arith.subf %sub3A_644, %mul3A_642 : vector<16xf32>
      %mul3A_646 = arith.constant 4.800000e+01 : f32
      %mul3A_647 = vector.broadcast %mul3A_646 : f32 to vector<16xf32>
      %mul3A_648 = arith.mulf %mul3A_647, %mul3A_638 : vector<16xf32>
      %add3A_649 = arith.addf %sub3A_645, %mul3A_648 : vector<16xf32>
      %mul3A_650 = arith.constant 2.100000e+01 : f32
      %mul3A_651 = vector.broadcast %mul3A_650 : f32 to vector<16xf32>
      %mul3A_652 = arith.mulf %mul3A_651, %mul3A_639 : vector<16xf32>
      %sub3A_653 = arith.subf %add3A_649, %mul3A_652 : vector<16xf32>
      %lt3A_654 = arith.constant 1.000000e+00 : f32
      %lt3A_655 = vector.broadcast %lt3A_654 : f32 to vector<16xf32>
      %lt3A_656 = arith.cmpf olt, %mul3A_634, %lt3A_655 : vector<16xf32>
      %mul3A_657 = arith.mulf %sub3A_653, %mul3A_631 : vector<16xf32>
      %jit3A_658 = arith.constant 0.000000e+00 : f32
      %broadcast_in_dim3A_659 = vector.broadcast %jit3A_658 : f32 to vector<16xf32>
      %select_n3A_660 = arith.select %lt3A_656, %mul3A_657, %broadcast_in_dim3A_659 : vector<16xi1>, vector<16xf32>
      %mul3A_661 = arith.constant 16 : i32
      %mul3A_662 = arith.muli %add3A_516, %mul3A_661 : i32
      %swap3A_663 = arith.index_cast %mul3A_662 : i32 to index
      %swap3A_664 = tpu.vector_load %arg13[%swap3A_663] {strides = array<i32>} : memref<1024xf32, #tpu.memory_space<vmem>>, vector<16xf32>,
      tpu.vector_store %arg13[%swap3A_663], %select_n3A_660 {strides = array<i32>} : memref<1024xf32, #tpu.memory_space<vmem>>, vector<16xf32>,
      %mul3A_665 = arith.constant 4 : i32
      %mul3A_666 = arith.muli %scan3A_369, %mul3A_665 : i32
      %add3A_667 = arith.constant 2 : i32
      %add3A_668 = arith.addi %mul3A_666, %add3A_667 : i32
      %mul3A_669 = arith.constant 16 : i32
      %mul3A_670 = arith.muli %add3A_668, %mul3A_669 : i32
      %add3A_671 = vector.broadcast %mul3A_670 : i32 to vector<16xi32>
      %add3A_672 = arith.addi %iota3A, %add3A_671 : vector<16xi32>
      %mul3A_673 = arith.constant 0 : i32
      %mul3A_674 = vector.broadcast %mul3A_673 : i32 to vector<16xi32>
      %mul3A_675 = arith.muli %iota3A, %mul3A_674 : vector<16xi32>
      %gather3A_676 = tpu.vector_load_idx %arg9[%add3A_672, %mul3A_675] : memref<1024x8xf32, #tpu.memory_space<vmem>>[vector<16xi32>, vector<16xi32>], vector<16xf32>,
      %add3A_677 = arith.constant 1 : i32
      %add3A_678 = vector.broadcast %add3A_677 : i32 to vector<16xi32>
      %add3A_679 = arith.addi %mul3A_675, %add3A_678 : vector<16xi32>
      %gather3A_680 = tpu.vector_load_idx %arg9[%add3A_672, %add3A_679] : memref<1024x8xf32, #tpu.memory_space<vmem>>[vector<16xi32>, vector<16xi32>], vector<16xf32>,
      %add3A_681 = arith.constant 2 : i32
      %add3A_682 = vector.broadcast %add3A_681 : i32 to vector<16xi32>
      %add3A_683 = arith.addi %mul3A_675, %add3A_682 : vector<16xi32>
      %gather3A_684 = tpu.vector_load_idx %arg9[%add3A_672, %add3A_683] : memref<1024x8xf32, #tpu.memory_space<vmem>>[vector<16xi32>, vector<16xi32>], vector<16xf32>,
      %add3A_685 = arith.constant 3 : i32
      %add3A_686 = vector.broadcast %add3A_685 : i32 to vector<16xi32>
      %add3A_687 = arith.addi %mul3A_675, %add3A_686 : vector<16xi32>
      %gather3A_688 = tpu.vector_load_idx %arg9[%add3A_672, %add3A_687] : memref<1024x8xf32, #tpu.memory_space<vmem>>[vector<16xi32>, vector<16xi32>], vector<16xf32>,
      %add3A_689 = arith.constant 4 : i32
      %add3A_690 = vector.broadcast %add3A_689 : i32 to vector<16xi32>
      %add3A_691 = arith.addi %mul3A_675, %add3A_690 : vector<16xi32>
      %gather3A_692 = tpu.vector_load_idx %arg9[%add3A_672, %add3A_691] : memref<1024x8xf32, #tpu.memory_space<vmem>>[vector<16xi32>, vector<16xi32>], vector<16xf32>,
      %gather3A_693 = tpu.vector_load_idx %arg11[%add3A_672, %mul3A_675] : memref<1024x8xf32, #tpu.memory_space<vmem>>[vector<16xi32>, vector<16xi32>], vector<16xf32>,
      %add3A_694 = arith.constant 1 : i32
      %add3A_695 = vector.broadcast %add3A_694 : i32 to vector<16xi32>
      %add3A_696 = arith.addi %mul3A_675, %add3A_695 : vector<16xi32>
      %gather3A_697 = tpu.vector_load_idx %arg11[%add3A_672, %add3A_696] : memref<1024x8xf32, #tpu.memory_space<vmem>>[vector<16xi32>, vector<16xi32>], vector<16xf32>,
      %add3A_698 = arith.constant 2 : i32
      %add3A_699 = vector.broadcast %add3A_698 : i32 to vector<16xi32>
      %add3A_700 = arith.addi %mul3A_675, %add3A_699 : vector<16xi32>
      %gather3A_701 = tpu.vector_load_idx %arg11[%add3A_672, %add3A_700] : memref<1024x8xf32, #tpu.memory_space<vmem>>[vector<16xi32>, vector<16xi32>], vector<16xf32>,
      %add3A_702 = arith.constant 3 : i32
      %add3A_703 = vector.broadcast %add3A_702 : i32 to vector<16xi32>
      %add3A_704 = arith.addi %mul3A_675, %add3A_703 : vector<16xi32>
      %gather3A_705 = tpu.vector_load_idx %arg11[%add3A_672, %add3A_704] : memref<1024x8xf32, #tpu.memory_space<vmem>>[vector<16xi32>, vector<16xi32>], vector<16xf32>,
      %add3A_706 = arith.constant 4 : i32
      %add3A_707 = vector.broadcast %add3A_706 : i32 to vector<16xi32>
      %add3A_708 = arith.addi %mul3A_675, %add3A_707 : vector<16xi32>
      %gather3A_709 = tpu.vector_load_idx %arg11[%add3A_672, %add3A_708] : memref<1024x8xf32, #tpu.memory_space<vmem>>[vector<16xi32>, vector<16xi32>], vector<16xf32>,
      %sub3A_710 = arith.subf %gather3A_676, %gather3A_693 : vector<16xf32>
      %sub3A_711 = arith.subf %gather3A_680, %gather3A_697 : vector<16xf32>
      %sub3A_712 = arith.subf %gather3A_684, %gather3A_701 : vector<16xf32>
      %mul3A_713 = arith.mulf %sub3A_710, %sub3A_710 : vector<16xf32>
      %mul3A_714 = arith.mulf %sub3A_711, %sub3A_711 : vector<16xf32>
      %add3A_715 = arith.addf %mul3A_713, %mul3A_714 : vector<16xf32>
      %mul3A_716 = arith.mulf %sub3A_712, %sub3A_712 : vector<16xf32>
      %add3A_717 = arith.addf %add3A_715, %mul3A_716 : vector<16xf32>
      %bitcast3A_718 = vector.bitcast %add3A_717 : vector<16xf32> to vector<16xi32>
      %shift_right_arithmetic3A_719 = arith.constant 1 : i32
      %shift_right_arithmetic3A_720 = vector.broadcast %shift_right_arithmetic3A_719 : i32 to vector<16xi32>
      %shift_right_arithmetic3A_721 = arith.shrsi %bitcast3A_718, %shift_right_arithmetic3A_720 : vector<16xi32>
      %sub3A_722 = arith.constant 1597463007 : i32
      %sub3A_723 = vector.broadcast %sub3A_722 : i32 to vector<16xi32>
      %sub3A_724 = arith.subi %sub3A_723, %shift_right_arithmetic3A_721 : vector<16xi32>
      %bitcast3A_725 = vector.bitcast %sub3A_724 : vector<16xi32> to vector<16xf32>
      %mul3A_726 = arith.constant 5.000000e-01 : f32
      %mul3A_727 = vector.broadcast %mul3A_726 : f32 to vector<16xf32>
      %mul3A_728 = arith.mulf %mul3A_727, %add3A_717 : vector<16xf32>
      %mul3A_729 = arith.mulf %mul3A_728, %bitcast3A_725 : vector<16xf32>
      %mul3A_730 = arith.mulf %mul3A_729, %bitcast3A_725 : vector<16xf32>
      %sub3A_731 = arith.constant 1.500000e+00 : f32
      %sub3A_732 = vector.broadcast %sub3A_731 : f32 to vector<16xf32>
      %sub3A_733 = arith.subf %sub3A_732, %mul3A_730 : vector<16xf32>
      %mul3A_734 = arith.mulf %bitcast3A_725, %sub3A_733 : vector<16xf32>
      %mul3A_735 = arith.constant 5.000000e-01 : f32
      %mul3A_736 = vector.broadcast %mul3A_735 : f32 to vector<16xf32>
      %mul3A_737 = arith.mulf %mul3A_736, %add3A_717 : vector<16xf32>
      %mul3A_738 = arith.mulf %mul3A_737, %mul3A_734 : vector<16xf32>
      %mul3A_739 = arith.mulf %mul3A_738, %mul3A_734 : vector<16xf32>
      %sub3A_740 = arith.constant 1.500000e+00 : f32
      %sub3A_741 = vector.broadcast %sub3A_740 : f32 to vector<16xf32>
      %sub3A_742 = arith.subf %sub3A_741, %mul3A_739 : vector<16xf32>
      %mul3A_743 = arith.mulf %mul3A_734, %sub3A_742 : vector<16xf32>
      %mul3A_744 = arith.mulf %add3A_717, %mul3A_743 : vector<16xf32>
      %add3A_745 = arith.addf %gather3A_688, %gather3A_705 : vector<16xf32>
      %mul3A_746 = arith.constant 2.13447165 : f32
      %mul3A_747 = vector.broadcast %mul3A_746 : f32 to vector<16xf32>
      %mul3A_748 = arith.mulf %mul3A_744, %mul3A_747 : vector<16xf32>
      %mul3A_749 = arith.mulf %add3A_745, %mul3A_748 : vector<16xf32>
      %mul3A_750 = arith.constant -2.016200e-01 : f32
      %mul3A_751 = vector.broadcast %mul3A_750 : f32 to vector<16xf32>
      %mul3A_752 = arith.mulf %mul3A_751, %mul3A_749 : vector<16xf32>
      %exp3A_753 = math.exp %mul3A_752 : vector<16xf32>
      %mul3A_754 = arith.constant 2.817000e-02 : f32
      %mul3A_755 = vector.broadcast %mul3A_754 : f32 to vector<16xf32>
      %mul3A_756 = arith.mulf %mul3A_755, %exp3A_753 : vector<16xf32>
      %mul3A_757 = arith.constant -4.029000e-01 : f32
      %mul3A_758 = vector.broadcast %mul3A_757 : f32 to vector<16xf32>
      %mul3A_759 = arith.mulf %mul3A_758, %mul3A_749 : vector<16xf32>
      %exp3A_760 = math.exp %mul3A_759 : vector<16xf32>
      %mul3A_761 = arith.constant 2.802200e-01 : f32
      %mul3A_762 = vector.broadcast %mul3A_761 : f32 to vector<16xf32>
      %mul3A_763 = arith.mulf %mul3A_762, %exp3A_760 : vector<16xf32>
      %add3A_764 = arith.addf %mul3A_756, %mul3A_763 : vector<16xf32>
      %mul3A_765 = arith.constant -9.422900e-01 : f32
      %mul3A_766 = vector.broadcast %mul3A_765 : f32 to vector<16xf32>
      %mul3A_767 = arith.mulf %mul3A_766, %mul3A_749 : vector<16xf32>
      %exp3A_768 = math.exp %mul3A_767 : vector<16xf32>
      %mul3A_769 = arith.constant 5.098600e-01 : f32
      %mul3A_770 = vector.broadcast %mul3A_769 : f32 to vector<16xf32>
      %mul3A_771 = arith.mulf %mul3A_770, %exp3A_768 : vector<16xf32>
      %add3A_772 = arith.addf %add3A_764, %mul3A_771 : vector<16xf32>
      %mul3A_773 = arith.constant -3.199800e+00 : f32
      %mul3A_774 = vector.broadcast %mul3A_773 : f32 to vector<16xf32>
      %mul3A_775 = arith.mulf %mul3A_774, %mul3A_749 : vector<16xf32>
      %exp3A_776 = math.exp %mul3A_775 : vector<16xf32>
      %mul3A_777 = arith.constant 1.817500e-01 : f32
      %mul3A_778 = vector.broadcast %mul3A_777 : f32 to vector<16xf32>
      %mul3A_779 = arith.mulf %mul3A_778, %exp3A_776 : vector<16xf32>
      %add3A_780 = arith.addf %add3A_772, %mul3A_779 : vector<16xf32>
      %mul3A_781 = arith.mulf %gather3A_692, %gather3A_709 : vector<16xf32>
      %mul3A_782 = arith.mulf %mul3A_781, %mul3A_743 : vector<16xf32>
      %mul3A_783 = arith.mulf %mul3A_782, %add3A_780 : vector<16xf32>
      %mul3A_784 = arith.constant 2.000000e-01 : f32
      %mul3A_785 = vector.broadcast %mul3A_784 : f32 to vector<16xf32>
      %mul3A_786 = arith.mulf %mul3A_744, %mul3A_785 : vector<16xf32>
      %mul3A_787 = arith.mulf %mul3A_786, %mul3A_786 : vector<16xf32>
      %mul3A_788 = arith.mulf %mul3A_787, %mul3A_787 : vector<16xf32>
      %mul3A_789 = arith.mulf %mul3A_788, %mul3A_787 : vector<16xf32>
      %mul3A_790 = arith.mulf %mul3A_789, %mul3A_786 : vector<16xf32>
      %mul3A_791 = arith.mulf %mul3A_790, %mul3A_786 : vector<16xf32>
      %mul3A_792 = arith.constant 2.800000e+01 : f32
      %mul3A_793 = vector.broadcast %mul3A_792 : f32 to vector<16xf32>
      %mul3A_794 = arith.mulf %mul3A_793, %mul3A_789 : vector<16xf32>
      %sub3A_795 = arith.constant 1.000000e+00 : f32
      %sub3A_796 = vector.broadcast %sub3A_795 : f32 to vector<16xf32>
      %sub3A_797 = arith.subf %sub3A_796, %mul3A_794 : vector<16xf32>
      %mul3A_798 = arith.constant 4.800000e+01 : f32
      %mul3A_799 = vector.broadcast %mul3A_798 : f32 to vector<16xf32>
      %mul3A_800 = arith.mulf %mul3A_799, %mul3A_790 : vector<16xf32>
      %add3A_801 = arith.addf %sub3A_797, %mul3A_800 : vector<16xf32>
      %mul3A_802 = arith.constant 2.100000e+01 : f32
      %mul3A_803 = vector.broadcast %mul3A_802 : f32 to vector<16xf32>
      %mul3A_804 = arith.mulf %mul3A_803, %mul3A_791 : vector<16xf32>
      %sub3A_805 = arith.subf %add3A_801, %mul3A_804 : vector<16xf32>
      %lt3A_806 = arith.constant 1.000000e+00 : f32
      %lt3A_807 = vector.broadcast %lt3A_806 : f32 to vector<16xf32>
      %lt3A_808 = arith.cmpf olt, %mul3A_786, %lt3A_807 : vector<16xf32>
      %mul3A_809 = arith.mulf %sub3A_805, %mul3A_783 : vector<16xf32>
      %jit3A_810 = arith.constant 0.000000e+00 : f32
      %broadcast_in_dim3A_811 = vector.broadcast %jit3A_810 : f32 to vector<16xf32>
      %select_n3A_812 = arith.select %lt3A_808, %mul3A_809, %broadcast_in_dim3A_811 : vector<16xi1>, vector<16xf32>
      %mul3A_813 = arith.constant 16 : i32
      %mul3A_814 = arith.muli %add3A_668, %mul3A_813 : i32
      %swap3A_815 = arith.index_cast %mul3A_814 : i32 to index
      %swap3A_816 = tpu.vector_load %arg13[%swap3A_815] {strides = array<i32>} : memref<1024xf32, #tpu.memory_space<vmem>>, vector<16xf32>,
      tpu.vector_store %arg13[%swap3A_815], %select_n3A_812 {strides = array<i32>} : memref<1024xf32, #tpu.memory_space<vmem>>, vector<16xf32>,
      %mul3A_817 = arith.constant 4 : i32
      %mul3A_818 = arith.muli %scan3A_369, %mul3A_817 : i32
      %add3A_819 = arith.constant 3 : i32
      %add3A_820 = arith.addi %mul3A_818, %add3A_819 : i32
      %mul3A_821 = arith.constant 16 : i32
      %mul3A_822 = arith.muli %add3A_820, %mul3A_821 : i32
      %add3A_823 = vector.broadcast %mul3A_822 : i32 to vector<16xi32>
      %add3A_824 = arith.addi %iota3A, %add3A_823 : vector<16xi32>
      %mul3A_825 = arith.constant 0 : i32
      %mul3A_826 = vector.broadcast %mul3A_825 : i32 to vector<16xi32>
      %mul3A_827 = arith.muli %iota3A, %mul3A_826 : vector<16xi32>
      %gather3A_828 = tpu.vector_load_idx %arg9[%add3A_824, %mul3A_827] : memref<1024x8xf32, #tpu.memory_space<vmem>>[vector<16xi32>, vector<16xi32>], vector<16xf32>,
      %add3A_829 = arith.constant 1 : i32
      %add3A_830 = vector.broadcast %add3A_829 : i32 to vector<16xi32>
      %add3A_831 = arith.addi %mul3A_827, %add3A_830 : vector<16xi32>
      %gather3A_832 = tpu.vector_load_idx %arg9[%add3A_824, %add3A_831] : memref<1024x8xf32, #tpu.memory_space<vmem>>[vector<16xi32>, vector<16xi32>], vector<16xf32>,
      %add3A_833 = arith.constant 2 : i32
      %add3A_834 = vector.broadcast %add3A_833 : i32 to vector<16xi32>
      %add3A_835 = arith.addi %mul3A_827, %add3A_834 : vector<16xi32>
      %gather3A_836 = tpu.vector_load_idx %arg9[%add3A_824, %add3A_835] : memref<1024x8xf32, #tpu.memory_space<vmem>>[vector<16xi32>, vector<16xi32>], vector<16xf32>,
      %add3A_837 = arith.constant 3 : i32
      %add3A_838 = vector.broadcast %add3A_837 : i32 to vector<16xi32>
      %add3A_839 = arith.addi %mul3A_827, %add3A_838 : vector<16xi32>
      %gather3A_840 = tpu.vector_load_idx %arg9[%add3A_824, %add3A_839] : memref<1024x8xf32, #tpu.memory_space<vmem>>[vector<16xi32>, vector<16xi32>], vector<16xf32>,
      %add3A_841 = arith.constant 4 : i32
      %add3A_842 = vector.broadcast %add3A_841 : i32 to vector<16xi32>
      %add3A_843 = arith.addi %mul3A_827, %add3A_842 : vector<16xi32>
      %gather3A_844 = tpu.vector_load_idx %arg9[%add3A_824, %add3A_843] : memref<1024x8xf32, #tpu.memory_space<vmem>>[vector<16xi32>, vector<16xi32>], vector<16xf32>,
      %gather3A_845 = tpu.vector_load_idx %arg11[%add3A_824, %mul3A_827] : memref<1024x8xf32, #tpu.memory_space<vmem>>[vector<16xi32>, vector<16xi32>], vector<16xf32>,
      %add3A_846 = arith.constant 1 : i32
      %add3A_847 = vector.broadcast %add3A_846 : i32 to vector<16xi32>
      %add3A_848 = arith.addi %mul3A_827, %add3A_847 : vector<16xi32>
      %gather3A_849 = tpu.vector_load_idx %arg11[%add3A_824, %add3A_848] : memref<1024x8xf32, #tpu.memory_space<vmem>>[vector<16xi32>, vector<16xi32>], vector<16xf32>,
      %add3A_850 = arith.constant 2 : i32
      %add3A_851 = vector.broadcast %add3A_850 : i32 to vector<16xi32>
      %add3A_852 = arith.addi %mul3A_827, %add3A_851 : vector<16xi32>
      %gather3A_853 = tpu.vector_load_idx %arg11[%add3A_824, %add3A_852] : memref<1024x8xf32, #tpu.memory_space<vmem>>[vector<16xi32>, vector<16xi32>], vector<16xf32>,
      %add3A_854 = arith.constant 3 : i32
      %add3A_855 = vector.broadcast %add3A_854 : i32 to vector<16xi32>
      %add3A_856 = arith.addi %mul3A_827, %add3A_855 : vector<16xi32>
      %gather3A_857 = tpu.vector_load_idx %arg11[%add3A_824, %add3A_856] : memref<1024x8xf32, #tpu.memory_space<vmem>>[vector<16xi32>, vector<16xi32>], vector<16xf32>,
      %add3A_858 = arith.constant 4 : i32
      %add3A_859 = vector.broadcast %add3A_858 : i32 to vector<16xi32>
      %add3A_860 = arith.addi %mul3A_827, %add3A_859 : vector<16xi32>
      %gather3A_861 = tpu.vector_load_idx %arg11[%add3A_824, %add3A_860] : memref<1024x8xf32, #tpu.memory_space<vmem>>[vector<16xi32>, vector<16xi32>], vector<16xf32>,
      %sub3A_862 = arith.subf %gather3A_828, %gather3A_845 : vector<16xf32>
      %sub3A_863 = arith.subf %gather3A_832, %gather3A_849 : vector<16xf32>
      %sub3A_864 = arith.subf %gather3A_836, %gather3A_853 : vector<16xf32>
      %mul3A_865 = arith.mulf %sub3A_862, %sub3A_862 : vector<16xf32>
      %mul3A_866 = arith.mulf %sub3A_863, %sub3A_863 : vector<16xf32>
      %add3A_867 = arith.addf %mul3A_865, %mul3A_866 : vector<16xf32>
      %mul3A_868 = arith.mulf %sub3A_864, %sub3A_864 : vector<16xf32>
      %add3A_869 = arith.addf %add3A_867, %mul3A_868 : vector<16xf32>
      %bitcast3A_870 = vector.bitcast %add3A_869 : vector<16xf32> to vector<16xi32>
      %shift_right_arithmetic3A_871 = arith.constant 1 : i32
      %shift_right_arithmetic3A_872 = vector.broadcast %shift_right_arithmetic3A_871 : i32 to vector<16xi32>
      %shift_right_arithmetic3A_873 = arith.shrsi %bitcast3A_870, %shift_right_arithmetic3A_872 : vector<16xi32>
      %sub3A_874 = arith.constant 1597463007 : i32
      %sub3A_875 = vector.broadcast %sub3A_874 : i32 to vector<16xi32>
      %sub3A_876 = arith.subi %sub3A_875, %shift_right_arithmetic3A_873 : vector<16xi32>
      %bitcast3A_877 = vector.bitcast %sub3A_876 : vector<16xi32> to vector<16xf32>
      %mul3A_878 = arith.constant 5.000000e-01 : f32
      %mul3A_879 = vector.broadcast %mul3A_878 : f32 to vector<16xf32>
      %mul3A_880 = arith.mulf %mul3A_879, %add3A_869 : vector<16xf32>
      %mul3A_881 = arith.mulf %mul3A_880, %bitcast3A_877 : vector<16xf32>
      %mul3A_882 = arith.mulf %mul3A_881, %bitcast3A_877 : vector<16xf32>
      %sub3A_883 = arith.constant 1.500000e+00 : f32
      %sub3A_884 = vector.broadcast %sub3A_883 : f32 to vector<16xf32>
      %sub3A_885 = arith.subf %sub3A_884, %mul3A_882 : vector<16xf32>
      %mul3A_886 = arith.mulf %bitcast3A_877, %sub3A_885 : vector<16xf32>
      %mul3A_887 = arith.constant 5.000000e-01 : f32
      %mul3A_888 = vector.broadcast %mul3A_887 : f32 to vector<16xf32>
      %mul3A_889 = arith.mulf %mul3A_888, %add3A_869 : vector<16xf32>
      %mul3A_890 = arith.mulf %mul3A_889, %mul3A_886 : vector<16xf32>
      %mul3A_891 = arith.mulf %mul3A_890, %mul3A_886 : vector<16xf32>
      %sub3A_892 = arith.constant 1.500000e+00 : f32
      %sub3A_893 = vector.broadcast %sub3A_892 : f32 to vector<16xf32>
      %sub3A_894 = arith.subf %sub3A_893, %mul3A_891 : vector<16xf32>
      %mul3A_895 = arith.mulf %mul3A_886, %sub3A_894 : vector<16xf32>
      %mul3A_896 = arith.mulf %add3A_869, %mul3A_895 : vector<16xf32>
      %add3A_897 = arith.addf %gather3A_840, %gather3A_857 : vector<16xf32>
      %mul3A_898 = arith.constant 2.13447165 : f32
      %mul3A_899 = vector.broadcast %mul3A_898 : f32 to vector<16xf32>
      %mul3A_900 = arith.mulf %mul3A_896, %mul3A_899 : vector<16xf32>
      %mul3A_901 = arith.mulf %add3A_897, %mul3A_900 : vector<16xf32>
      %mul3A_902 = arith.constant -2.016200e-01 : f32
      %mul3A_903 = vector.broadcast %mul3A_902 : f32 to vector<16xf32>
      %mul3A_904 = arith.mulf %mul3A_903, %mul3A_901 : vector<16xf32>
      %exp3A_905 = math.exp %mul3A_904 : vector<16xf32>
      %mul3A_906 = arith.constant 2.817000e-02 : f32
      %mul3A_907 = vector.broadcast %mul3A_906 : f32 to vector<16xf32>
      %mul3A_908 = arith.mulf %mul3A_907, %exp3A_905 : vector<16xf32>
      %mul3A_909 = arith.constant -4.029000e-01 : f32
      %mul3A_910 = vector.broadcast %mul3A_909 : f32 to vector<16xf32>
      %mul3A_911 = arith.mulf %mul3A_910, %mul3A_901 : vector<16xf32>
      %exp3A_912 = math.exp %mul3A_911 : vector<16xf32>
      %mul3A_913 = arith.constant 2.802200e-01 : f32
      %mul3A_914 = vector.broadcast %mul3A_913 : f32 to vector<16xf32>
      %mul3A_915 = arith.mulf %mul3A_914, %exp3A_912 : vector<16xf32>
      %add3A_916 = arith.addf %mul3A_908, %mul3A_915 : vector<16xf32>
      %mul3A_917 = arith.constant -9.422900e-01 : f32
      %mul3A_918 = vector.broadcast %mul3A_917 : f32 to vector<16xf32>
      %mul3A_919 = arith.mulf %mul3A_918, %mul3A_901 : vector<16xf32>
      %exp3A_920 = math.exp %mul3A_919 : vector<16xf32>
      %mul3A_921 = arith.constant 5.098600e-01 : f32
      %mul3A_922 = vector.broadcast %mul3A_921 : f32 to vector<16xf32>
      %mul3A_923 = arith.mulf %mul3A_922, %exp3A_920 : vector<16xf32>
      %add3A_924 = arith.addf %add3A_916, %mul3A_923 : vector<16xf32>
      %mul3A_925 = arith.constant -3.199800e+00 : f32
      %mul3A_926 = vector.broadcast %mul3A_925 : f32 to vector<16xf32>
      %mul3A_927 = arith.mulf %mul3A_926, %mul3A_901 : vector<16xf32>
      %exp3A_928 = math.exp %mul3A_927 : vector<16xf32>
      %mul3A_929 = arith.constant 1.817500e-01 : f32
      %mul3A_930 = vector.broadcast %mul3A_929 : f32 to vector<16xf32>
      %mul3A_931 = arith.mulf %mul3A_930, %exp3A_928 : vector<16xf32>
      %add3A_932 = arith.addf %add3A_924, %mul3A_931 : vector<16xf32>
      %mul3A_933 = arith.mulf %gather3A_844, %gather3A_861 : vector<16xf32>
      %mul3A_934 = arith.mulf %mul3A_933, %mul3A_895 : vector<16xf32>
      %mul3A_935 = arith.mulf %mul3A_934, %add3A_932 : vector<16xf32>
      %mul3A_936 = arith.constant 2.000000e-01 : f32
      %mul3A_937 = vector.broadcast %mul3A_936 : f32 to vector<16xf32>
      %mul3A_938 = arith.mulf %mul3A_896, %mul3A_937 : vector<16xf32>
      %mul3A_939 = arith.mulf %mul3A_938, %mul3A_938 : vector<16xf32>
      %mul3A_940 = arith.mulf %mul3A_939, %mul3A_939 : vector<16xf32>
      %mul3A_941 = arith.mulf %mul3A_940, %mul3A_939 : vector<16xf32>
      %mul3A_942 = arith.mulf %mul3A_941, %mul3A_938 : vector<16xf32>
      %mul3A_943 = arith.mulf %mul3A_942, %mul3A_938 : vector<16xf32>
      %mul3A_944 = arith.constant 2.800000e+01 : f32
      %mul3A_945 = vector.broadcast %mul3A_944 : f32 to vector<16xf32>
      %mul3A_946 = arith.mulf %mul3A_945, %mul3A_941 : vector<16xf32>
      %sub3A_947 = arith.constant 1.000000e+00 : f32
      %sub3A_948 = vector.broadcast %sub3A_947 : f32 to vector<16xf32>
      %sub3A_949 = arith.subf %sub3A_948, %mul3A_946 : vector<16xf32>
      %mul3A_950 = arith.constant 4.800000e+01 : f32
      %mul3A_951 = vector.broadcast %mul3A_950 : f32 to vector<16xf32>
      %mul3A_952 = arith.mulf %mul3A_951, %mul3A_942 : vector<16xf32>
      %add3A_953 = arith.addf %sub3A_949, %mul3A_952 : vector<16xf32>
      %mul3A_954 = arith.constant 2.100000e+01 : f32
      %mul3A_955 = vector.broadcast %mul3A_954 : f32 to vector<16xf32>
      %mul3A_956 = arith.mulf %mul3A_955, %mul3A_943 : vector<16xf32>
      %sub3A_957 = arith.subf %add3A_953, %mul3A_956 : vector<16xf32>
      %lt3A_958 = arith.constant 1.000000e+00 : f32
      %lt3A_959 = vector.broadcast %lt3A_958 : f32 to vector<16xf32>
      %lt3A_960 = arith.cmpf olt, %mul3A_938, %lt3A_959 : vector<16xf32>
      %mul3A_961 = arith.mulf %sub3A_957, %mul3A_935 : vector<16xf32>
      %jit3A_962 = arith.constant 0.000000e+00 : f32
      %broadcast_in_dim3A_963 = vector.broadcast %jit3A_962 : f32 to vector<16xf32>
      %select_n3A_964 = arith.select %lt3A_960, %mul3A_961, %broadcast_in_dim3A_963 : vector<16xi1>, vector<16xf32>
      %mul3A_965 = arith.constant 16 : i32
      %mul3A_966 = arith.muli %add3A_820, %mul3A_965 : i32
      %swap3A_967 = arith.index_cast %mul3A_966 : i32 to index
      %swap3A_968 = tpu.vector_load %arg13[%swap3A_967] {strides = array<i32>} : memref<1024xf32, #tpu.memory_space<vmem>>, vector<16xf32>,
      tpu.vector_store %arg13[%swap3A_967], %select_n3A_964 {strides = array<i32>} : memref<1024xf32, #tpu.memory_space<vmem>>, vector<16xf32>,
      %scan3A_969 = arith.constant 0 : i32
      scf.yield %scan3A_969 : i32
    }
    %scan3A_164 = arith.constant 16 : i32
    %scan3A_165 = arith.constant 0 : i32
    %scan3A_166 = arith.constant 0 : i32
    %scan3A_167 = arith.constant 32 : i32
    %scan3A_168 = arith.addi %scan3A_166, %scan3A_167 : i32
    %scan3A_169 = arith.constant 1 : i32
    %scan3A_170 = scf.for %scan3A_369 = %scan3A_166 to %scan3A_168 step %scan3A_169 iter_args(%scan3A_370 = %scan3A_165) -> (i32)  : i32 {
      %mul3A_371 = arith.constant 16 : i32
      %mul3A_372 = arith.muli %scan3A_369, %mul3A_371 : i32
      %add3A_373 = arith.constant 0 : i32
      %add3A_374 = arith.addi %add3A_373, %mul3A_372 : i32
      %get3A = arith.index_cast %add3A_374 : i32 to index
      %get3A_375 = tpu.vector_load %arg5[%get3A] {strides = array<i32>} : memref<1024xi32, #tpu.memory_space<vmem>>, vector<16xi32>,
      %mul3A_376 = arith.constant 16 : i32
      %mul3A_377 = arith.muli %scan3A_369, %mul3A_376 : i32
      %swap3A = arith.index_cast %mul3A_377 : i32 to index
      %swap3A_378 = tpu.vector_load %arg15[%swap3A] {strides = array<i32>} : memref<512xi32, #tpu.memory_space<vmem>>, vector<16xi32>,
      tpu.vector_store %arg15[%swap3A], %get3A_375 {strides = array<i32>} : memref<512xi32, #tpu.memory_space<vmem>>, vector<16xi32>,
      %mul3A_379 = arith.constant 16 : i32
      %mul3A_380 = arith.muli %scan3A_369, %mul3A_379 : i32
      %add3A_381 = arith.constant 512 : i32
      %add3A_382 = arith.addi %add3A_381, %mul3A_380 : i32
      %get3A_383 = arith.index_cast %add3A_382 : i32 to index
      %get3A_384 = tpu.vector_load %arg5[%get3A_383] {strides = array<i32>} : memref<1024xi32, #tpu.memory_space<vmem>>, vector<16xi32>,
      %mul3A_385 = arith.constant 16 : i32
      %mul3A_386 = arith.muli %scan3A_369, %mul3A_385 : i32
      %swap3A_387 = arith.index_cast %mul3A_386 : i32 to index
      %swap3A_388 = tpu.vector_load %arg16[%swap3A_387] {strides = array<i32>} : memref<512xi32, #tpu.memory_space<vmem>>, vector<16xi32>,
      tpu.vector_store %arg16[%swap3A_387], %get3A_384 {strides = array<i32>} : memref<512xi32, #tpu.memory_space<vmem>>, vector<16xi32>,
      %scan3A_389 = arith.constant 0 : i32
      scf.yield %scan3A_389 : i32
    }
    %scan3A_171 = arith.constant 32 : i32
    %dma_start3A_172 = arith.constant 0 : i32
    %dma_start3A_173 = tpu.memref_slice %arg13[%dma_start3A_172] : memref<1024xf32, #tpu.memory_space<vmem>> -> memref<512xf32, #tpu.memory_space<vmem>>
    %dma_start3A_174 = arith.constant 0 : i32
    %dma_start3A_175 = tpu.memref_slice %arg21[%dma_start3A_174] : memref<100096xf32, #tpu.memory_space<vmem_shared>> -> memref<100096xf32, #tpu.memory_space<vmem_shared>>
    tpu.enqueue_indirect_dma source(%dma_start3A_173 : memref<512xf32, #tpu.memory_space<vmem>>) target(%dma_start3A_175 : memref<100096xf32, #tpu.memory_space<vmem_shared>>) offsets(%arg15 : memref<512xi32, #tpu.memory_space<vmem>>) semaphore(%arg26 : memref<!tpu.dma_semaphore, #tpu.memory_space<semaphore_mem>>) {add = true}
    %dma_start3A_176 = arith.constant 512 : i32
    %dma_start3A_177 = tpu.memref_slice %arg13[%dma_start3A_176] : memref<1024xf32, #tpu.memory_space<vmem>> -> memref<512xf32, #tpu.memory_space<vmem>>
    %dma_start3A_178 = arith.constant 0 : i32
    %dma_start3A_179 = tpu.memref_slice %arg21[%dma_start3A_178] : memref<100096xf32, #tpu.memory_space<vmem_shared>> -> memref<100096xf32, #tpu.memory_space<vmem_shared>>
    tpu.enqueue_indirect_dma source(%dma_start3A_177 : memref<512xf32, #tpu.memory_space<vmem>>) target(%dma_start3A_179 : memref<100096xf32, #tpu.memory_space<vmem_shared>>) offsets(%arg16 : memref<512xi32, #tpu.memory_space<vmem>>) semaphore(%arg26 : memref<!tpu.dma_semaphore, #tpu.memory_space<semaphore_mem>>) {add = true}
    %add3A_180 = arith.constant 64 : i32
    %add3A_181 = arith.addi %add3A, %add3A_180 : i32
    %mul3A_182 = arith.constant 1024 : i32
    %mul3A_183 = arith.muli %add3A_181, %mul3A_182 : i32
    %add3A_184 = arith.constant 6488064 : i32
    %add3A_185 = arith.addi %add3A_184, %mul3A_183 : i32
    %dma_start3A_186 = tpu.memref_slice %arg3[%mul3A_183] : memref<12976128xi32, #tpu.memory_space<hbm>> -> memref<1024xi32, #tpu.memory_space<hbm>>
    %dma_start3A_187 = tpu.memref_slice %arg3[%mul3A_183] : memref<12976128xi32, #tpu.memory_space<hbm>> -> memref<1024xi32, #tpu.memory_space<hbm>>
    tpu.enqueue_dma source(%dma_start3A_187 : memref<1024xi32, #tpu.memory_space<hbm>>) target(%arg5 : memref<1024xi32, #tpu.memory_space<vmem>>) target_semaphore(%arg22 : memref<!tpu.dma_semaphore, #tpu.memory_space<semaphore_mem>>)
    %dma_start3A_188 = tpu.memref_slice %arg3[%add3A_185] : memref<12976128xi32, #tpu.memory_space<hbm>> -> memref<1024xi32, #tpu.memory_space<hbm>>
    %dma_start3A_189 = tpu.memref_slice %arg3[%add3A_185] : memref<12976128xi32, #tpu.memory_space<hbm>> -> memref<1024xi32, #tpu.memory_space<hbm>>
    tpu.enqueue_dma source(%dma_start3A_189 : memref<1024xi32, #tpu.memory_space<hbm>>) target(%arg7 : memref<1024xi32, #tpu.memory_space<vmem>>) target_semaphore(%arg22 : memref<!tpu.dma_semaphore, #tpu.memory_space<semaphore_mem>>)
    %dma_wait3A_190 = arith.constant 0 : i32
    %dma_wait3A_191 = arith.constant 0 : i32
    %dma_wait3A_192 = tpu.memref_slice %arg10[%dma_wait3A_190, %dma_wait3A_191] : memref<1024x8xf32, #tpu.memory_space<vmem>> -> memref<512x8xf32, #tpu.memory_space<vmem>>
    %dma_wait3A_193 = arith.constant 0 : i32
    %dma_wait3A_194 = tpu.memref_slice %arg6[%dma_wait3A_193] : memref<1024xi32, #tpu.memory_space<vmem>> -> memref<512xi32, #tpu.memory_space<vmem>>
    %dma_wait3A_195 = arith.constant 0 : i32
    %dma_wait3A_196 = arith.constant 0 : i32
    %dma_wait3A_197 = tpu.memref_slice %arg20[%dma_wait3A_195, %dma_wait3A_196] : memref<100096x8xf32, #tpu.memory_space<vmem_shared>> -> memref<100096x8xf32, #tpu.memory_space<vmem_shared>>
    tpu.wait_indirect_dma semaphore(%arg25 : memref<!tpu.dma_semaphore, #tpu.memory_space<semaphore_mem>>) src(%dma_wait3A_197 : memref<100096x8xf32, #tpu.memory_space<vmem_shared>>) dst(%dma_wait3A_192 : memref<512x8xf32, #tpu.memory_space<vmem>>)
    %dma_wait3A_198 = arith.constant 0 : i32
    %dma_wait3A_199 = arith.constant 0 : i32
    %dma_wait3A_200 = tpu.memref_slice %arg12[%dma_wait3A_198, %dma_wait3A_199] : memref<1024x8xf32, #tpu.memory_space<vmem>> -> memref<512x8xf32, #tpu.memory_space<vmem>>
    %dma_wait3A_201 = arith.constant 0 : i32
    %dma_wait3A_202 = tpu.memref_slice %arg8[%dma_wait3A_201] : memref<1024xi32, #tpu.memory_space<vmem>> -> memref<512xi32, #tpu.memory_space<vmem>>
    %dma_wait3A_203 = arith.constant 0 : i32
    %dma_wait3A_204 = arith.constant 0 : i32
    %dma_wait3A_205 = tpu.memref_slice %arg20[%dma_wait3A_203, %dma_wait3A_204] : memref<100096x8xf32, #tpu.memory_space<vmem_shared>> -> memref<100096x8xf32, #tpu.memory_space<vmem_shared>>
    tpu.wait_indirect_dma semaphore(%arg25 : memref<!tpu.dma_semaphore, #tpu.memory_space<semaphore_mem>>) src(%dma_wait3A_205 : memref<100096x8xf32, #tpu.memory_space<vmem_shared>>) dst(%dma_wait3A_200 : memref<512x8xf32, #tpu.memory_space<vmem>>)
    %dma_wait3A_206 = arith.constant 512 : i32
    %dma_wait3A_207 = arith.constant 0 : i32
    %dma_wait3A_208 = tpu.memref_slice %arg10[%dma_wait3A_206, %dma_wait3A_207] : memref<1024x8xf32, #tpu.memory_space<vmem>> -> memref<512x8xf32, #tpu.memory_space<vmem>>
    %dma_wait3A_209 = arith.constant 512 : i32
    %dma_wait3A_210 = tpu.memref_slice %arg6[%dma_wait3A_209] : memref<1024xi32, #tpu.memory_space<vmem>> -> memref<512xi32, #tpu.memory_space<vmem>>
    %dma_wait3A_211 = arith.constant 0 : i32
    %dma_wait3A_212 = arith.constant 0 : i32
    %dma_wait3A_213 = tpu.memref_slice %arg20[%dma_wait3A_211, %dma_wait3A_212] : memref<100096x8xf32, #tpu.memory_space<vmem_shared>> -> memref<100096x8xf32, #tpu.memory_space<vmem_shared>>
    tpu.wait_indirect_dma semaphore(%arg25 : memref<!tpu.dma_semaphore, #tpu.memory_space<semaphore_mem>>) src(%dma_wait3A_213 : memref<100096x8xf32, #tpu.memory_space<vmem_shared>>) dst(%dma_wait3A_208 : memref<512x8xf32, #tpu.memory_space<vmem>>)
    %dma_wait3A_214 = arith.constant 512 : i32
    %dma_wait3A_215 = arith.constant 0 : i32
    %dma_wait3A_216 = tpu.memref_slice %arg12[%dma_wait3A_214, %dma_wait3A_215] : memref<1024x8xf32, #tpu.memory_space<vmem>> -> memref<512x8xf32, #tpu.memory_space<vmem>>
    %dma_wait3A_217 = arith.constant 512 : i32
    %dma_wait3A_218 = tpu.memref_slice %arg8[%dma_wait3A_217] : memref<1024xi32, #tpu.memory_space<vmem>> -> memref<512xi32, #tpu.memory_space<vmem>>
    %dma_wait3A_219 = arith.constant 0 : i32
    %dma_wait3A_220 = arith.constant 0 : i32
    %dma_wait3A_221 = tpu.memref_slice %arg20[%dma_wait3A_219, %dma_wait3A_220] : memref<100096x8xf32, #tpu.memory_space<vmem_shared>> -> memref<100096x8xf32, #tpu.memory_space<vmem_shared>>
    tpu.wait_indirect_dma semaphore(%arg25 : memref<!tpu.dma_semaphore, #tpu.memory_space<semaphore_mem>>) src(%dma_wait3A_221 : memref<100096x8xf32, #tpu.memory_space<vmem_shared>>) dst(%dma_wait3A_216 : memref<512x8xf32, #tpu.memory_space<vmem>>)
    %add3A_222 = arith.constant 64 : i32
    %add3A_223 = arith.addi %add3A, %add3A_222 : i32
    %mul3A_224 = arith.constant 1024 : i32
    %mul3A_225 = arith.muli %add3A_223, %mul3A_224 : i32
    %add3A_226 = arith.constant 6488064 : i32
    %add3A_227 = arith.addi %add3A_226, %mul3A_225 : i32
    %dma_wait3A_228 = tpu.memref_slice %arg3[%mul3A_225] : memref<12976128xi32, #tpu.memory_space<hbm>> -> memref<1024xi32, #tpu.memory_space<hbm>>
    %dma_wait3A_229 = tpu.memref_slice %arg3[%mul3A_225] : memref<12976128xi32, #tpu.memory_space<hbm>> -> memref<1024xi32, #tpu.memory_space<hbm>>
    tpu.wait_dma2 semaphore(%arg22 : memref<!tpu.dma_semaphore, #tpu.memory_space<semaphore_mem>>) src(%dma_wait3A_229 : memref<1024xi32, #tpu.memory_space<hbm>>) dst(%arg5 : memref<1024xi32, #tpu.memory_space<vmem>>)
    %dma_wait3A_230 = tpu.memref_slice %arg3[%add3A_227] : memref<12976128xi32, #tpu.memory_space<hbm>> -> memref<1024xi32, #tpu.memory_space<hbm>>
    %dma_wait3A_231 = tpu.memref_slice %arg3[%add3A_227] : memref<12976128xi32, #tpu.memory_space<hbm>> -> memref<1024xi32, #tpu.memory_space<hbm>>
    tpu.wait_dma2 semaphore(%arg22 : memref<!tpu.dma_semaphore, #tpu.memory_space<semaphore_mem>>) src(%dma_wait3A_231 : memref<1024xi32, #tpu.memory_space<hbm>>) dst(%arg7 : memref<1024xi32, #tpu.memory_space<vmem>>)
    %dma_start3A_232 = arith.constant 0 : i32
    %dma_start3A_233 = arith.constant 0 : i32
    %dma_start3A_234 = tpu.memref_slice %arg9[%dma_start3A_232, %dma_start3A_233] : memref<1024x8xf32, #tpu.memory_space<vmem>> -> memref<512x8xf32, #tpu.memory_space<vmem>>
    %dma_start3A_235 = arith.constant 0 : i32
    %dma_start3A_236 = tpu.memref_slice %arg5[%dma_start3A_235] : memref<1024xi32, #tpu.memory_space<vmem>> -> memref<512xi32, #tpu.memory_space<vmem>>
    %dma_start3A_237 = arith.constant 0 : i32
    %dma_start3A_238 = arith.constant 0 : i32
    %dma_start3A_239 = tpu.memref_slice %arg20[%dma_start3A_237, %dma_start3A_238] : memref<100096x8xf32, #tpu.memory_space<vmem_shared>> -> memref<100096x8xf32, #tpu.memory_space<vmem_shared>>
    tpu.enqueue_indirect_dma source(%dma_start3A_239 : memref<100096x8xf32, #tpu.memory_space<vmem_shared>>) target(%dma_start3A_234 : memref<512x8xf32, #tpu.memory_space<vmem>>) offsets(%dma_start3A_236 : memref<512xi32, #tpu.memory_space<vmem>>) semaphore(%arg24 : memref<!tpu.dma_semaphore, #tpu.memory_space<semaphore_mem>>)
    %dma_start3A_240 = arith.constant 0 : i32
    %dma_start3A_241 = arith.constant 0 : i32
    %dma_start3A_242 = tpu.memref_slice %arg11[%dma_start3A_240, %dma_start3A_241] : memref<1024x8xf32, #tpu.memory_space<vmem>> -> memref<512x8xf32, #tpu.memory_space<vmem>>
    %dma_start3A_243 = arith.constant 0 : i32
    %dma_start3A_244 = tpu.memref_slice %arg7[%dma_start3A_243] : memref<1024xi32, #tpu.memory_space<vmem>> -> memref<512xi32, #tpu.memory_space<vmem>>
    %dma_start3A_245 = arith.constant 0 : i32
    %dma_start3A_246 = arith.constant 0 : i32
    %dma_start3A_247 = tpu.memref_slice %arg20[%dma_start3A_245, %dma_start3A_246] : memref<100096x8xf32, #tpu.memory_space<vmem_shared>> -> memref<100096x8xf32, #tpu.memory_space<vmem_shared>>
    tpu.enqueue_indirect_dma source(%dma_start3A_247 : memref<100096x8xf32, #tpu.memory_space<vmem_shared>>) target(%dma_start3A_242 : memref<512x8xf32, #tpu.memory_space<vmem>>) offsets(%dma_start3A_244 : memref<512xi32, #tpu.memory_space<vmem>>) semaphore(%arg24 : memref<!tpu.dma_semaphore, #tpu.memory_space<semaphore_mem>>)
    %dma_start3A_248 = arith.constant 512 : i32
    %dma_start3A_249 = arith.constant 0 : i32
    %dma_start3A_250 = tpu.memref_slice %arg9[%dma_start3A_248, %dma_start3A_249] : memref<1024x8xf32, #tpu.memory_space<vmem>> -> memref<512x8xf32, #tpu.memory_space<vmem>>
    %dma_start3A_251 = arith.constant 512 : i32
    %dma_start3A_252 = tpu.memref_slice %arg5[%dma_start3A_251] : memref<1024xi32, #tpu.memory_space<vmem>> -> memref<512xi32, #tpu.memory_space<vmem>>
    %dma_start3A_253 = arith.constant 0 : i32
    %dma_start3A_254 = arith.constant 0 : i32
    %dma_start3A_255 = tpu.memref_slice %arg20[%dma_start3A_253, %dma_start3A_254] : memref<100096x8xf32, #tpu.memory_space<vmem_shared>> -> memref<100096x8xf32, #tpu.memory_space<vmem_shared>>
    tpu.enqueue_indirect_dma source(%dma_start3A_255 : memref<100096x8xf32, #tpu.memory_space<vmem_shared>>) target(%dma_start3A_250 : memref<512x8xf32, #tpu.memory_space<vmem>>) offsets(%dma_start3A_252 : memref<512xi32, #tpu.memory_space<vmem>>) semaphore(%arg24 : memref<!tpu.dma_semaphore, #tpu.memory_space<semaphore_mem>>)
    %dma_start3A_256 = arith.constant 512 : i32
    %dma_start3A_257 = arith.constant 0 : i32
    %dma_start3A_258 = tpu.memref_slice %arg11[%dma_start3A_256, %dma_start3A_257] : memref<1024x8xf32, #tpu.memory_space<vmem>> -> memref<512x8xf32, #tpu.memory_space<vmem>>
    %dma_start3A_259 = arith.constant 512 : i32
    %dma_start3A_260 = tpu.memref_slice %arg7[%dma_start3A_259] : memref<1024xi32, #tpu.memory_space<vmem>> -> memref<512xi32, #tpu.memory_space<vmem>>
    %dma_start3A_261 = arith.constant 0 : i32
    %dma_start3A_262 = arith.constant 0 : i32
    %dma_start3A_263 = tpu.memref_slice %arg20[%dma_start3A_261, %dma_start3A_262] : memref<100096x8xf32, #tpu.memory_space<vmem_shared>> -> memref<100096x8xf32, #tpu.memory_space<vmem_shared>>
    tpu.enqueue_indirect_dma source(%dma_start3A_263 : memref<100096x8xf32, #tpu.memory_space<vmem_shared>>) target(%dma_start3A_258 : memref<512x8xf32, #tpu.memory_space<vmem>>) offsets(%dma_start3A_260 : memref<512xi32, #tpu.memory_space<vmem>>) semaphore(%arg24 : memref<!tpu.dma_semaphore, #tpu.memory_space<semaphore_mem>>)
    %scan3A_264 = arith.constant 0 : i32
    %scan3A_265 = arith.constant 0 : i32
    %scan3A_266 = arith.constant 16 : i32
    %scan3A_267 = arith.addi %scan3A_265, %scan3A_266 : i32
    %scan3A_268 = arith.constant 1 : i32
    %scan3A_269 = scf.for %scan3A_369 = %scan3A_265 to %scan3A_267 step %scan3A_268 iter_args(%scan3A_370 = %scan3A_264) -> (i32)  : i32 {
      %mul3A_371 = arith.constant 4 : i32
      %mul3A_372 = arith.muli %scan3A_369, %mul3A_371 : i32
      %add3A_373 = arith.constant 0 : i32
      %add3A_374 = arith.addi %mul3A_372, %add3A_373 : i32
      %mul3A_375 = arith.constant 16 : i32
      %mul3A_376 = arith.muli %add3A_374, %mul3A_375 : i32
      %add3A_377 = vector.broadcast %mul3A_376 : i32 to vector<16xi32>
      %add3A_378 = arith.addi %iota3A, %add3A_377 : vector<16xi32>
      %mul3A_379 = arith.constant 0 : i32
      %mul3A_380 = vector.broadcast %mul3A_379 : i32 to vector<16xi32>
      %mul3A_381 = arith.muli %iota3A, %mul3A_380 : vector<16xi32>
      %gather3A = tpu.vector_load_idx %arg10[%add3A_378, %mul3A_381] : memref<1024x8xf32, #tpu.memory_space<vmem>>[vector<16xi32>, vector<16xi32>], vector<16xf32>,
      %add3A_382 = arith.constant 1 : i32
      %add3A_383 = vector.broadcast %add3A_382 : i32 to vector<16xi32>
      %add3A_384 = arith.addi %mul3A_381, %add3A_383 : vector<16xi32>
      %gather3A_385 = tpu.vector_load_idx %arg10[%add3A_378, %add3A_384] : memref<1024x8xf32, #tpu.memory_space<vmem>>[vector<16xi32>, vector<16xi32>], vector<16xf32>,
      %add3A_386 = arith.constant 2 : i32
      %add3A_387 = vector.broadcast %add3A_386 : i32 to vector<16xi32>
      %add3A_388 = arith.addi %mul3A_381, %add3A_387 : vector<16xi32>
      %gather3A_389 = tpu.vector_load_idx %arg10[%add3A_378, %add3A_388] : memref<1024x8xf32, #tpu.memory_space<vmem>>[vector<16xi32>, vector<16xi32>], vector<16xf32>,
      %add3A_390 = arith.constant 3 : i32
      %add3A_391 = vector.broadcast %add3A_390 : i32 to vector<16xi32>
      %add3A_392 = arith.addi %mul3A_381, %add3A_391 : vector<16xi32>
      %gather3A_393 = tpu.vector_load_idx %arg10[%add3A_378, %add3A_392] : memref<1024x8xf32, #tpu.memory_space<vmem>>[vector<16xi32>, vector<16xi32>], vector<16xf32>,
      %add3A_394 = arith.constant 4 : i32
      %add3A_395 = vector.broadcast %add3A_394 : i32 to vector<16xi32>
      %add3A_396 = arith.addi %mul3A_381, %add3A_395 : vector<16xi32>
      %gather3A_397 = tpu.vector_load_idx %arg10[%add3A_378, %add3A_396] : memref<1024x8xf32, #tpu.memory_space<vmem>>[vector<16xi32>, vector<16xi32>], vector<16xf32>,
      %gather3A_398 = tpu.vector_load_idx %arg12[%add3A_378, %mul3A_381] : memref<1024x8xf32, #tpu.memory_space<vmem>>[vector<16xi32>, vector<16xi32>], vector<16xf32>,
      %add3A_399 = arith.constant 1 : i32
      %add3A_400 = vector.broadcast %add3A_399 : i32 to vector<16xi32>
      %add3A_401 = arith.addi %mul3A_381, %add3A_400 : vector<16xi32>
      %gather3A_402 = tpu.vector_load_idx %arg12[%add3A_378, %add3A_401] : memref<1024x8xf32, #tpu.memory_space<vmem>>[vector<16xi32>, vector<16xi32>], vector<16xf32>,
      %add3A_403 = arith.constant 2 : i32
      %add3A_404 = vector.broadcast %add3A_403 : i32 to vector<16xi32>
      %add3A_405 = arith.addi %mul3A_381, %add3A_404 : vector<16xi32>
      %gather3A_406 = tpu.vector_load_idx %arg12[%add3A_378, %add3A_405] : memref<1024x8xf32, #tpu.memory_space<vmem>>[vector<16xi32>, vector<16xi32>], vector<16xf32>,
      %add3A_407 = arith.constant 3 : i32
      %add3A_408 = vector.broadcast %add3A_407 : i32 to vector<16xi32>
      %add3A_409 = arith.addi %mul3A_381, %add3A_408 : vector<16xi32>
      %gather3A_410 = tpu.vector_load_idx %arg12[%add3A_378, %add3A_409] : memref<1024x8xf32, #tpu.memory_space<vmem>>[vector<16xi32>, vector<16xi32>], vector<16xf32>,
      %add3A_411 = arith.constant 4 : i32
      %add3A_412 = vector.broadcast %add3A_411 : i32 to vector<16xi32>
      %add3A_413 = arith.addi %mul3A_381, %add3A_412 : vector<16xi32>
      %gather3A_414 = tpu.vector_load_idx %arg12[%add3A_378, %add3A_413] : memref<1024x8xf32, #tpu.memory_space<vmem>>[vector<16xi32>, vector<16xi32>], vector<16xf32>,
      %sub3A = arith.subf %gather3A, %gather3A_398 : vector<16xf32>
      %sub3A_415 = arith.subf %gather3A_385, %gather3A_402 : vector<16xf32>
      %sub3A_416 = arith.subf %gather3A_389, %gather3A_406 : vector<16xf32>
      %mul3A_417 = arith.mulf %sub3A, %sub3A : vector<16xf32>
      %mul3A_418 = arith.mulf %sub3A_415, %sub3A_415 : vector<16xf32>
      %add3A_419 = arith.addf %mul3A_417, %mul3A_418 : vector<16xf32>
      %mul3A_420 = arith.mulf %sub3A_416, %sub3A_416 : vector<16xf32>
      %add3A_421 = arith.addf %add3A_419, %mul3A_420 : vector<16xf32>
      %bitcast3A = vector.bitcast %add3A_421 : vector<16xf32> to vector<16xi32>
      %shift_right_arithmetic3A = arith.constant 1 : i32
      %shift_right_arithmetic3A_422 = vector.broadcast %shift_right_arithmetic3A : i32 to vector<16xi32>
      %shift_right_arithmetic3A_423 = arith.shrsi %bitcast3A, %shift_right_arithmetic3A_422 : vector<16xi32>
      %sub3A_424 = arith.constant 1597463007 : i32
      %sub3A_425 = vector.broadcast %sub3A_424 : i32 to vector<16xi32>
      %sub3A_426 = arith.subi %sub3A_425, %shift_right_arithmetic3A_423 : vector<16xi32>
      %bitcast3A_427 = vector.bitcast %sub3A_426 : vector<16xi32> to vector<16xf32>
      %mul3A_428 = arith.constant 5.000000e-01 : f32
      %mul3A_429 = vector.broadcast %mul3A_428 : f32 to vector<16xf32>
      %mul3A_430 = arith.mulf %mul3A_429, %add3A_421 : vector<16xf32>
      %mul3A_431 = arith.mulf %mul3A_430, %bitcast3A_427 : vector<16xf32>
      %mul3A_432 = arith.mulf %mul3A_431, %bitcast3A_427 : vector<16xf32>
      %sub3A_433 = arith.constant 1.500000e+00 : f32
      %sub3A_434 = vector.broadcast %sub3A_433 : f32 to vector<16xf32>
      %sub3A_435 = arith.subf %sub3A_434, %mul3A_432 : vector<16xf32>
      %mul3A_436 = arith.mulf %bitcast3A_427, %sub3A_435 : vector<16xf32>
      %mul3A_437 = arith.constant 5.000000e-01 : f32
      %mul3A_438 = vector.broadcast %mul3A_437 : f32 to vector<16xf32>
      %mul3A_439 = arith.mulf %mul3A_438, %add3A_421 : vector<16xf32>
      %mul3A_440 = arith.mulf %mul3A_439, %mul3A_436 : vector<16xf32>
      %mul3A_441 = arith.mulf %mul3A_440, %mul3A_436 : vector<16xf32>
      %sub3A_442 = arith.constant 1.500000e+00 : f32
      %sub3A_443 = vector.broadcast %sub3A_442 : f32 to vector<16xf32>
      %sub3A_444 = arith.subf %sub3A_443, %mul3A_441 : vector<16xf32>
      %mul3A_445 = arith.mulf %mul3A_436, %sub3A_444 : vector<16xf32>
      %mul3A_446 = arith.mulf %add3A_421, %mul3A_445 : vector<16xf32>
      %add3A_447 = arith.addf %gather3A_393, %gather3A_410 : vector<16xf32>
      %mul3A_448 = arith.constant 2.13447165 : f32
      %mul3A_449 = vector.broadcast %mul3A_448 : f32 to vector<16xf32>
      %mul3A_450 = arith.mulf %mul3A_446, %mul3A_449 : vector<16xf32>
      %mul3A_451 = arith.mulf %add3A_447, %mul3A_450 : vector<16xf32>
      %mul3A_452 = arith.constant -2.016200e-01 : f32
      %mul3A_453 = vector.broadcast %mul3A_452 : f32 to vector<16xf32>
      %mul3A_454 = arith.mulf %mul3A_453, %mul3A_451 : vector<16xf32>
      %exp3A = math.exp %mul3A_454 : vector<16xf32>
      %mul3A_455 = arith.constant 2.817000e-02 : f32
      %mul3A_456 = vector.broadcast %mul3A_455 : f32 to vector<16xf32>
      %mul3A_457 = arith.mulf %mul3A_456, %exp3A : vector<16xf32>
      %mul3A_458 = arith.constant -4.029000e-01 : f32
      %mul3A_459 = vector.broadcast %mul3A_458 : f32 to vector<16xf32>
      %mul3A_460 = arith.mulf %mul3A_459, %mul3A_451 : vector<16xf32>
      %exp3A_461 = math.exp %mul3A_460 : vector<16xf32>
      %mul3A_462 = arith.constant 2.802200e-01 : f32
      %mul3A_463 = vector.broadcast %mul3A_462 : f32 to vector<16xf32>
      %mul3A_464 = arith.mulf %mul3A_463, %exp3A_461 : vector<16xf32>
      %add3A_465 = arith.addf %mul3A_457, %mul3A_464 : vector<16xf32>
      %mul3A_466 = arith.constant -9.422900e-01 : f32
      %mul3A_467 = vector.broadcast %mul3A_466 : f32 to vector<16xf32>
      %mul3A_468 = arith.mulf %mul3A_467, %mul3A_451 : vector<16xf32>
      %exp3A_469 = math.exp %mul3A_468 : vector<16xf32>
      %mul3A_470 = arith.constant 5.098600e-01 : f32
      %mul3A_471 = vector.broadcast %mul3A_470 : f32 to vector<16xf32>
      %mul3A_472 = arith.mulf %mul3A_471, %exp3A_469 : vector<16xf32>
      %add3A_473 = arith.addf %add3A_465, %mul3A_472 : vector<16xf32>
      %mul3A_474 = arith.constant -3.199800e+00 : f32
      %mul3A_475 = vector.broadcast %mul3A_474 : f32 to vector<16xf32>
      %mul3A_476 = arith.mulf %mul3A_475, %mul3A_451 : vector<16xf32>
      %exp3A_477 = math.exp %mul3A_476 : vector<16xf32>
      %mul3A_478 = arith.constant 1.817500e-01 : f32
      %mul3A_479 = vector.broadcast %mul3A_478 : f32 to vector<16xf32>
      %mul3A_480 = arith.mulf %mul3A_479, %exp3A_477 : vector<16xf32>
      %add3A_481 = arith.addf %add3A_473, %mul3A_480 : vector<16xf32>
      %mul3A_482 = arith.mulf %gather3A_397, %gather3A_414 : vector<16xf32>
      %mul3A_483 = arith.mulf %mul3A_482, %mul3A_445 : vector<16xf32>
      %mul3A_484 = arith.mulf %mul3A_483, %add3A_481 : vector<16xf32>
      %mul3A_485 = arith.constant 2.000000e-01 : f32
      %mul3A_486 = vector.broadcast %mul3A_485 : f32 to vector<16xf32>
      %mul3A_487 = arith.mulf %mul3A_446, %mul3A_486 : vector<16xf32>
      %mul3A_488 = arith.mulf %mul3A_487, %mul3A_487 : vector<16xf32>
      %mul3A_489 = arith.mulf %mul3A_488, %mul3A_488 : vector<16xf32>
      %mul3A_490 = arith.mulf %mul3A_489, %mul3A_488 : vector<16xf32>
      %mul3A_491 = arith.mulf %mul3A_490, %mul3A_487 : vector<16xf32>
      %mul3A_492 = arith.mulf %mul3A_491, %mul3A_487 : vector<16xf32>
      %mul3A_493 = arith.constant 2.800000e+01 : f32
      %mul3A_494 = vector.broadcast %mul3A_493 : f32 to vector<16xf32>
      %mul3A_495 = arith.mulf %mul3A_494, %mul3A_490 : vector<16xf32>
      %sub3A_496 = arith.constant 1.000000e+00 : f32
      %sub3A_497 = vector.broadcast %sub3A_496 : f32 to vector<16xf32>
      %sub3A_498 = arith.subf %sub3A_497, %mul3A_495 : vector<16xf32>
      %mul3A_499 = arith.constant 4.800000e+01 : f32
      %mul3A_500 = vector.broadcast %mul3A_499 : f32 to vector<16xf32>
      %mul3A_501 = arith.mulf %mul3A_500, %mul3A_491 : vector<16xf32>
      %add3A_502 = arith.addf %sub3A_498, %mul3A_501 : vector<16xf32>
      %mul3A_503 = arith.constant 2.100000e+01 : f32
      %mul3A_504 = vector.broadcast %mul3A_503 : f32 to vector<16xf32>
      %mul3A_505 = arith.mulf %mul3A_504, %mul3A_492 : vector<16xf32>
      %sub3A_506 = arith.subf %add3A_502, %mul3A_505 : vector<16xf32>
      %lt3A = arith.constant 1.000000e+00 : f32
      %lt3A_507 = vector.broadcast %lt3A : f32 to vector<16xf32>
      %lt3A_508 = arith.cmpf olt, %mul3A_487, %lt3A_507 : vector<16xf32>
      %mul3A_509 = arith.mulf %sub3A_506, %mul3A_484 : vector<16xf32>
      %jit3A = arith.constant 0.000000e+00 : f32
      %broadcast_in_dim3A = vector.broadcast %jit3A : f32 to vector<16xf32>
      %select_n3A = arith.select %lt3A_508, %mul3A_509, %broadcast_in_dim3A : vector<16xi1>, vector<16xf32>
      %mul3A_510 = arith.constant 16 : i32
      %mul3A_511 = arith.muli %add3A_374, %mul3A_510 : i32
      %swap3A = arith.index_cast %mul3A_511 : i32 to index
      %swap3A_512 = tpu.vector_load %arg14[%swap3A] {strides = array<i32>} : memref<1024xf32, #tpu.memory_space<vmem>>, vector<16xf32>,
      tpu.vector_store %arg14[%swap3A], %select_n3A {strides = array<i32>} : memref<1024xf32, #tpu.memory_space<vmem>>, vector<16xf32>,
      %mul3A_513 = arith.constant 4 : i32
      %mul3A_514 = arith.muli %scan3A_369, %mul3A_513 : i32
      %add3A_515 = arith.constant 1 : i32
      %add3A_516 = arith.addi %mul3A_514, %add3A_515 : i32
      %mul3A_517 = arith.constant 16 : i32
      %mul3A_518 = arith.muli %add3A_516, %mul3A_517 : i32
      %add3A_519 = vector.broadcast %mul3A_518 : i32 to vector<16xi32>
      %add3A_520 = arith.addi %iota3A, %add3A_519 : vector<16xi32>
      %mul3A_521 = arith.constant 0 : i32
      %mul3A_522 = vector.broadcast %mul3A_521 : i32 to vector<16xi32>
      %mul3A_523 = arith.muli %iota3A, %mul3A_522 : vector<16xi32>
      %gather3A_524 = tpu.vector_load_idx %arg10[%add3A_520, %mul3A_523] : memref<1024x8xf32, #tpu.memory_space<vmem>>[vector<16xi32>, vector<16xi32>], vector<16xf32>,
      %add3A_525 = arith.constant 1 : i32
      %add3A_526 = vector.broadcast %add3A_525 : i32 to vector<16xi32>
      %add3A_527 = arith.addi %mul3A_523, %add3A_526 : vector<16xi32>
      %gather3A_528 = tpu.vector_load_idx %arg10[%add3A_520, %add3A_527] : memref<1024x8xf32, #tpu.memory_space<vmem>>[vector<16xi32>, vector<16xi32>], vector<16xf32>,
      %add3A_529 = arith.constant 2 : i32
      %add3A_530 = vector.broadcast %add3A_529 : i32 to vector<16xi32>
      %add3A_531 = arith.addi %mul3A_523, %add3A_530 : vector<16xi32>
      %gather3A_532 = tpu.vector_load_idx %arg10[%add3A_520, %add3A_531] : memref<1024x8xf32, #tpu.memory_space<vmem>>[vector<16xi32>, vector<16xi32>], vector<16xf32>,
      %add3A_533 = arith.constant 3 : i32
      %add3A_534 = vector.broadcast %add3A_533 : i32 to vector<16xi32>
      %add3A_535 = arith.addi %mul3A_523, %add3A_534 : vector<16xi32>
      %gather3A_536 = tpu.vector_load_idx %arg10[%add3A_520, %add3A_535] : memref<1024x8xf32, #tpu.memory_space<vmem>>[vector<16xi32>, vector<16xi32>], vector<16xf32>,
      %add3A_537 = arith.constant 4 : i32
      %add3A_538 = vector.broadcast %add3A_537 : i32 to vector<16xi32>
      %add3A_539 = arith.addi %mul3A_523, %add3A_538 : vector<16xi32>
      %gather3A_540 = tpu.vector_load_idx %arg10[%add3A_520, %add3A_539] : memref<1024x8xf32, #tpu.memory_space<vmem>>[vector<16xi32>, vector<16xi32>], vector<16xf32>,
      %gather3A_541 = tpu.vector_load_idx %arg12[%add3A_520, %mul3A_523] : memref<1024x8xf32, #tpu.memory_space<vmem>>[vector<16xi32>, vector<16xi32>], vector<16xf32>,
      %add3A_542 = arith.constant 1 : i32
      %add3A_543 = vector.broadcast %add3A_542 : i32 to vector<16xi32>
      %add3A_544 = arith.addi %mul3A_523, %add3A_543 : vector<16xi32>
      %gather3A_545 = tpu.vector_load_idx %arg12[%add3A_520, %add3A_544] : memref<1024x8xf32, #tpu.memory_space<vmem>>[vector<16xi32>, vector<16xi32>], vector<16xf32>,
      %add3A_546 = arith.constant 2 : i32
      %add3A_547 = vector.broadcast %add3A_546 : i32 to vector<16xi32>
      %add3A_548 = arith.addi %mul3A_523, %add3A_547 : vector<16xi32>
      %gather3A_549 = tpu.vector_load_idx %arg12[%add3A_520, %add3A_548] : memref<1024x8xf32, #tpu.memory_space<vmem>>[vector<16xi32>, vector<16xi32>], vector<16xf32>,
      %add3A_550 = arith.constant 3 : i32
      %add3A_551 = vector.broadcast %add3A_550 : i32 to vector<16xi32>
      %add3A_552 = arith.addi %mul3A_523, %add3A_551 : vector<16xi32>
      %gather3A_553 = tpu.vector_load_idx %arg12[%add3A_520, %add3A_552] : memref<1024x8xf32, #tpu.memory_space<vmem>>[vector<16xi32>, vector<16xi32>], vector<16xf32>,
      %add3A_554 = arith.constant 4 : i32
      %add3A_555 = vector.broadcast %add3A_554 : i32 to vector<16xi32>
      %add3A_556 = arith.addi %mul3A_523, %add3A_555 : vector<16xi32>
      %gather3A_557 = tpu.vector_load_idx %arg12[%add3A_520, %add3A_556] : memref<1024x8xf32, #tpu.memory_space<vmem>>[vector<16xi32>, vector<16xi32>], vector<16xf32>,
      %sub3A_558 = arith.subf %gather3A_524, %gather3A_541 : vector<16xf32>
      %sub3A_559 = arith.subf %gather3A_528, %gather3A_545 : vector<16xf32>
      %sub3A_560 = arith.subf %gather3A_532, %gather3A_549 : vector<16xf32>
      %mul3A_561 = arith.mulf %sub3A_558, %sub3A_558 : vector<16xf32>
      %mul3A_562 = arith.mulf %sub3A_559, %sub3A_559 : vector<16xf32>
      %add3A_563 = arith.addf %mul3A_561, %mul3A_562 : vector<16xf32>
      %mul3A_564 = arith.mulf %sub3A_560, %sub3A_560 : vector<16xf32>
      %add3A_565 = arith.addf %add3A_563, %mul3A_564 : vector<16xf32>
      %bitcast3A_566 = vector.bitcast %add3A_565 : vector<16xf32> to vector<16xi32>
      %shift_right_arithmetic3A_567 = arith.constant 1 : i32
      %shift_right_arithmetic3A_568 = vector.broadcast %shift_right_arithmetic3A_567 : i32 to vector<16xi32>
      %shift_right_arithmetic3A_569 = arith.shrsi %bitcast3A_566, %shift_right_arithmetic3A_568 : vector<16xi32>
      %sub3A_570 = arith.constant 1597463007 : i32
      %sub3A_571 = vector.broadcast %sub3A_570 : i32 to vector<16xi32>
      %sub3A_572 = arith.subi %sub3A_571, %shift_right_arithmetic3A_569 : vector<16xi32>
      %bitcast3A_573 = vector.bitcast %sub3A_572 : vector<16xi32> to vector<16xf32>
      %mul3A_574 = arith.constant 5.000000e-01 : f32
      %mul3A_575 = vector.broadcast %mul3A_574 : f32 to vector<16xf32>
      %mul3A_576 = arith.mulf %mul3A_575, %add3A_565 : vector<16xf32>
      %mul3A_577 = arith.mulf %mul3A_576, %bitcast3A_573 : vector<16xf32>
      %mul3A_578 = arith.mulf %mul3A_577, %bitcast3A_573 : vector<16xf32>
      %sub3A_579 = arith.constant 1.500000e+00 : f32
      %sub3A_580 = vector.broadcast %sub3A_579 : f32 to vector<16xf32>
      %sub3A_581 = arith.subf %sub3A_580, %mul3A_578 : vector<16xf32>
      %mul3A_582 = arith.mulf %bitcast3A_573, %sub3A_581 : vector<16xf32>
      %mul3A_583 = arith.constant 5.000000e-01 : f32
      %mul3A_584 = vector.broadcast %mul3A_583 : f32 to vector<16xf32>
      %mul3A_585 = arith.mulf %mul3A_584, %add3A_565 : vector<16xf32>
      %mul3A_586 = arith.mulf %mul3A_585, %mul3A_582 : vector<16xf32>
      %mul3A_587 = arith.mulf %mul3A_586, %mul3A_582 : vector<16xf32>
      %sub3A_588 = arith.constant 1.500000e+00 : f32
      %sub3A_589 = vector.broadcast %sub3A_588 : f32 to vector<16xf32>
      %sub3A_590 = arith.subf %sub3A_589, %mul3A_587 : vector<16xf32>
      %mul3A_591 = arith.mulf %mul3A_582, %sub3A_590 : vector<16xf32>
      %mul3A_592 = arith.mulf %add3A_565, %mul3A_591 : vector<16xf32>
      %add3A_593 = arith.addf %gather3A_536, %gather3A_553 : vector<16xf32>
      %mul3A_594 = arith.constant 2.13447165 : f32
      %mul3A_595 = vector.broadcast %mul3A_594 : f32 to vector<16xf32>
      %mul3A_596 = arith.mulf %mul3A_592, %mul3A_595 : vector<16xf32>
      %mul3A_597 = arith.mulf %add3A_593, %mul3A_596 : vector<16xf32>
      %mul3A_598 = arith.constant -2.016200e-01 : f32
      %mul3A_599 = vector.broadcast %mul3A_598 : f32 to vector<16xf32>
      %mul3A_600 = arith.mulf %mul3A_599, %mul3A_597 : vector<16xf32>
      %exp3A_601 = math.exp %mul3A_600 : vector<16xf32>
      %mul3A_602 = arith.constant 2.817000e-02 : f32
      %mul3A_603 = vector.broadcast %mul3A_602 : f32 to vector<16xf32>
      %mul3A_604 = arith.mulf %mul3A_603, %exp3A_601 : vector<16xf32>
      %mul3A_605 = arith.constant -4.029000e-01 : f32
      %mul3A_606 = vector.broadcast %mul3A_605 : f32 to vector<16xf32>
      %mul3A_607 = arith.mulf %mul3A_606, %mul3A_597 : vector<16xf32>
      %exp3A_608 = math.exp %mul3A_607 : vector<16xf32>
      %mul3A_609 = arith.constant 2.802200e-01 : f32
      %mul3A_610 = vector.broadcast %mul3A_609 : f32 to vector<16xf32>
      %mul3A_611 = arith.mulf %mul3A_610, %exp3A_608 : vector<16xf32>
      %add3A_612 = arith.addf %mul3A_604, %mul3A_611 : vector<16xf32>
      %mul3A_613 = arith.constant -9.422900e-01 : f32
      %mul3A_614 = vector.broadcast %mul3A_613 : f32 to vector<16xf32>
      %mul3A_615 = arith.mulf %mul3A_614, %mul3A_597 : vector<16xf32>
      %exp3A_616 = math.exp %mul3A_615 : vector<16xf32>
      %mul3A_617 = arith.constant 5.098600e-01 : f32
      %mul3A_618 = vector.broadcast %mul3A_617 : f32 to vector<16xf32>
      %mul3A_619 = arith.mulf %mul3A_618, %exp3A_616 : vector<16xf32>
      %add3A_620 = arith.addf %add3A_612, %mul3A_619 : vector<16xf32>
      %mul3A_621 = arith.constant -3.199800e+00 : f32
      %mul3A_622 = vector.broadcast %mul3A_621 : f32 to vector<16xf32>
      %mul3A_623 = arith.mulf %mul3A_622, %mul3A_597 : vector<16xf32>
      %exp3A_624 = math.exp %mul3A_623 : vector<16xf32>
      %mul3A_625 = arith.constant 1.817500e-01 : f32
      %mul3A_626 = vector.broadcast %mul3A_625 : f32 to vector<16xf32>
      %mul3A_627 = arith.mulf %mul3A_626, %exp3A_624 : vector<16xf32>
      %add3A_628 = arith.addf %add3A_620, %mul3A_627 : vector<16xf32>
      %mul3A_629 = arith.mulf %gather3A_540, %gather3A_557 : vector<16xf32>
      %mul3A_630 = arith.mulf %mul3A_629, %mul3A_591 : vector<16xf32>
      %mul3A_631 = arith.mulf %mul3A_630, %add3A_628 : vector<16xf32>
      %mul3A_632 = arith.constant 2.000000e-01 : f32
      %mul3A_633 = vector.broadcast %mul3A_632 : f32 to vector<16xf32>
      %mul3A_634 = arith.mulf %mul3A_592, %mul3A_633 : vector<16xf32>
      %mul3A_635 = arith.mulf %mul3A_634, %mul3A_634 : vector<16xf32>
      %mul3A_636 = arith.mulf %mul3A_635, %mul3A_635 : vector<16xf32>
      %mul3A_637 = arith.mulf %mul3A_636, %mul3A_635 : vector<16xf32>
      %mul3A_638 = arith.mulf %mul3A_637, %mul3A_634 : vector<16xf32>
      %mul3A_639 = arith.mulf %mul3A_638, %mul3A_634 : vector<16xf32>
      %mul3A_640 = arith.constant 2.800000e+01 : f32
      %mul3A_641 = vector.broadcast %mul3A_640 : f32 to vector<16xf32>
      %mul3A_642 = arith.mulf %mul3A_641, %mul3A_637 : vector<16xf32>
      %sub3A_643 = arith.constant 1.000000e+00 : f32
      %sub3A_644 = vector.broadcast %sub3A_643 : f32 to vector<16xf32>
      %sub3A_645 = arith.subf %sub3A_644, %mul3A_642 : vector<16xf32>
      %mul3A_646 = arith.constant 4.800000e+01 : f32
      %mul3A_647 = vector.broadcast %mul3A_646 : f32 to vector<16xf32>
      %mul3A_648 = arith.mulf %mul3A_647, %mul3A_638 : vector<16xf32>
      %add3A_649 = arith.addf %sub3A_645, %mul3A_648 : vector<16xf32>
      %mul3A_650 = arith.constant 2.100000e+01 : f32
      %mul3A_651 = vector.broadcast %mul3A_650 : f32 to vector<16xf32>
      %mul3A_652 = arith.mulf %mul3A_651, %mul3A_639 : vector<16xf32>
      %sub3A_653 = arith.subf %add3A_649, %mul3A_652 : vector<16xf32>
      %lt3A_654 = arith.constant 1.000000e+00 : f32
      %lt3A_655 = vector.broadcast %lt3A_654 : f32 to vector<16xf32>
      %lt3A_656 = arith.cmpf olt, %mul3A_634, %lt3A_655 : vector<16xf32>
      %mul3A_657 = arith.mulf %sub3A_653, %mul3A_631 : vector<16xf32>
      %jit3A_658 = arith.constant 0.000000e+00 : f32
      %broadcast_in_dim3A_659 = vector.broadcast %jit3A_658 : f32 to vector<16xf32>
      %select_n3A_660 = arith.select %lt3A_656, %mul3A_657, %broadcast_in_dim3A_659 : vector<16xi1>, vector<16xf32>
      %mul3A_661 = arith.constant 16 : i32
      %mul3A_662 = arith.muli %add3A_516, %mul3A_661 : i32
      %swap3A_663 = arith.index_cast %mul3A_662 : i32 to index
      %swap3A_664 = tpu.vector_load %arg14[%swap3A_663] {strides = array<i32>} : memref<1024xf32, #tpu.memory_space<vmem>>, vector<16xf32>,
      tpu.vector_store %arg14[%swap3A_663], %select_n3A_660 {strides = array<i32>} : memref<1024xf32, #tpu.memory_space<vmem>>, vector<16xf32>,
      %mul3A_665 = arith.constant 4 : i32
      %mul3A_666 = arith.muli %scan3A_369, %mul3A_665 : i32
      %add3A_667 = arith.constant 2 : i32
      %add3A_668 = arith.addi %mul3A_666, %add3A_667 : i32
      %mul3A_669 = arith.constant 16 : i32
      %mul3A_670 = arith.muli %add3A_668, %mul3A_669 : i32
      %add3A_671 = vector.broadcast %mul3A_670 : i32 to vector<16xi32>
      %add3A_672 = arith.addi %iota3A, %add3A_671 : vector<16xi32>
      %mul3A_673 = arith.constant 0 : i32
      %mul3A_674 = vector.broadcast %mul3A_673 : i32 to vector<16xi32>
      %mul3A_675 = arith.muli %iota3A, %mul3A_674 : vector<16xi32>
      %gather3A_676 = tpu.vector_load_idx %arg10[%add3A_672, %mul3A_675] : memref<1024x8xf32, #tpu.memory_space<vmem>>[vector<16xi32>, vector<16xi32>], vector<16xf32>,
      %add3A_677 = arith.constant 1 : i32
      %add3A_678 = vector.broadcast %add3A_677 : i32 to vector<16xi32>
      %add3A_679 = arith.addi %mul3A_675, %add3A_678 : vector<16xi32>
      %gather3A_680 = tpu.vector_load_idx %arg10[%add3A_672, %add3A_679] : memref<1024x8xf32, #tpu.memory_space<vmem>>[vector<16xi32>, vector<16xi32>], vector<16xf32>,
      %add3A_681 = arith.constant 2 : i32
      %add3A_682 = vector.broadcast %add3A_681 : i32 to vector<16xi32>
      %add3A_683 = arith.addi %mul3A_675, %add3A_682 : vector<16xi32>
      %gather3A_684 = tpu.vector_load_idx %arg10[%add3A_672, %add3A_683] : memref<1024x8xf32, #tpu.memory_space<vmem>>[vector<16xi32>, vector<16xi32>], vector<16xf32>,
      %add3A_685 = arith.constant 3 : i32
      %add3A_686 = vector.broadcast %add3A_685 : i32 to vector<16xi32>
      %add3A_687 = arith.addi %mul3A_675, %add3A_686 : vector<16xi32>
      %gather3A_688 = tpu.vector_load_idx %arg10[%add3A_672, %add3A_687] : memref<1024x8xf32, #tpu.memory_space<vmem>>[vector<16xi32>, vector<16xi32>], vector<16xf32>,
      %add3A_689 = arith.constant 4 : i32
      %add3A_690 = vector.broadcast %add3A_689 : i32 to vector<16xi32>
      %add3A_691 = arith.addi %mul3A_675, %add3A_690 : vector<16xi32>
      %gather3A_692 = tpu.vector_load_idx %arg10[%add3A_672, %add3A_691] : memref<1024x8xf32, #tpu.memory_space<vmem>>[vector<16xi32>, vector<16xi32>], vector<16xf32>,
      %gather3A_693 = tpu.vector_load_idx %arg12[%add3A_672, %mul3A_675] : memref<1024x8xf32, #tpu.memory_space<vmem>>[vector<16xi32>, vector<16xi32>], vector<16xf32>,
      %add3A_694 = arith.constant 1 : i32
      %add3A_695 = vector.broadcast %add3A_694 : i32 to vector<16xi32>
      %add3A_696 = arith.addi %mul3A_675, %add3A_695 : vector<16xi32>
      %gather3A_697 = tpu.vector_load_idx %arg12[%add3A_672, %add3A_696] : memref<1024x8xf32, #tpu.memory_space<vmem>>[vector<16xi32>, vector<16xi32>], vector<16xf32>,
      %add3A_698 = arith.constant 2 : i32
      %add3A_699 = vector.broadcast %add3A_698 : i32 to vector<16xi32>
      %add3A_700 = arith.addi %mul3A_675, %add3A_699 : vector<16xi32>
      %gather3A_701 = tpu.vector_load_idx %arg12[%add3A_672, %add3A_700] : memref<1024x8xf32, #tpu.memory_space<vmem>>[vector<16xi32>, vector<16xi32>], vector<16xf32>,
      %add3A_702 = arith.constant 3 : i32
      %add3A_703 = vector.broadcast %add3A_702 : i32 to vector<16xi32>
      %add3A_704 = arith.addi %mul3A_675, %add3A_703 : vector<16xi32>
      %gather3A_705 = tpu.vector_load_idx %arg12[%add3A_672, %add3A_704] : memref<1024x8xf32, #tpu.memory_space<vmem>>[vector<16xi32>, vector<16xi32>], vector<16xf32>,
      %add3A_706 = arith.constant 4 : i32
      %add3A_707 = vector.broadcast %add3A_706 : i32 to vector<16xi32>
      %add3A_708 = arith.addi %mul3A_675, %add3A_707 : vector<16xi32>
      %gather3A_709 = tpu.vector_load_idx %arg12[%add3A_672, %add3A_708] : memref<1024x8xf32, #tpu.memory_space<vmem>>[vector<16xi32>, vector<16xi32>], vector<16xf32>,
      %sub3A_710 = arith.subf %gather3A_676, %gather3A_693 : vector<16xf32>
      %sub3A_711 = arith.subf %gather3A_680, %gather3A_697 : vector<16xf32>
      %sub3A_712 = arith.subf %gather3A_684, %gather3A_701 : vector<16xf32>
      %mul3A_713 = arith.mulf %sub3A_710, %sub3A_710 : vector<16xf32>
      %mul3A_714 = arith.mulf %sub3A_711, %sub3A_711 : vector<16xf32>
      %add3A_715 = arith.addf %mul3A_713, %mul3A_714 : vector<16xf32>
      %mul3A_716 = arith.mulf %sub3A_712, %sub3A_712 : vector<16xf32>
      %add3A_717 = arith.addf %add3A_715, %mul3A_716 : vector<16xf32>
      %bitcast3A_718 = vector.bitcast %add3A_717 : vector<16xf32> to vector<16xi32>
      %shift_right_arithmetic3A_719 = arith.constant 1 : i32
      %shift_right_arithmetic3A_720 = vector.broadcast %shift_right_arithmetic3A_719 : i32 to vector<16xi32>
      %shift_right_arithmetic3A_721 = arith.shrsi %bitcast3A_718, %shift_right_arithmetic3A_720 : vector<16xi32>
      %sub3A_722 = arith.constant 1597463007 : i32
      %sub3A_723 = vector.broadcast %sub3A_722 : i32 to vector<16xi32>
      %sub3A_724 = arith.subi %sub3A_723, %shift_right_arithmetic3A_721 : vector<16xi32>
      %bitcast3A_725 = vector.bitcast %sub3A_724 : vector<16xi32> to vector<16xf32>
      %mul3A_726 = arith.constant 5.000000e-01 : f32
      %mul3A_727 = vector.broadcast %mul3A_726 : f32 to vector<16xf32>
      %mul3A_728 = arith.mulf %mul3A_727, %add3A_717 : vector<16xf32>
      %mul3A_729 = arith.mulf %mul3A_728, %bitcast3A_725 : vector<16xf32>
      %mul3A_730 = arith.mulf %mul3A_729, %bitcast3A_725 : vector<16xf32>
      %sub3A_731 = arith.constant 1.500000e+00 : f32
      %sub3A_732 = vector.broadcast %sub3A_731 : f32 to vector<16xf32>
      %sub3A_733 = arith.subf %sub3A_732, %mul3A_730 : vector<16xf32>
      %mul3A_734 = arith.mulf %bitcast3A_725, %sub3A_733 : vector<16xf32>
      %mul3A_735 = arith.constant 5.000000e-01 : f32
      %mul3A_736 = vector.broadcast %mul3A_735 : f32 to vector<16xf32>
      %mul3A_737 = arith.mulf %mul3A_736, %add3A_717 : vector<16xf32>
      %mul3A_738 = arith.mulf %mul3A_737, %mul3A_734 : vector<16xf32>
      %mul3A_739 = arith.mulf %mul3A_738, %mul3A_734 : vector<16xf32>
      %sub3A_740 = arith.constant 1.500000e+00 : f32
      %sub3A_741 = vector.broadcast %sub3A_740 : f32 to vector<16xf32>
      %sub3A_742 = arith.subf %sub3A_741, %mul3A_739 : vector<16xf32>
      %mul3A_743 = arith.mulf %mul3A_734, %sub3A_742 : vector<16xf32>
      %mul3A_744 = arith.mulf %add3A_717, %mul3A_743 : vector<16xf32>
      %add3A_745 = arith.addf %gather3A_688, %gather3A_705 : vector<16xf32>
      %mul3A_746 = arith.constant 2.13447165 : f32
      %mul3A_747 = vector.broadcast %mul3A_746 : f32 to vector<16xf32>
      %mul3A_748 = arith.mulf %mul3A_744, %mul3A_747 : vector<16xf32>
      %mul3A_749 = arith.mulf %add3A_745, %mul3A_748 : vector<16xf32>
      %mul3A_750 = arith.constant -2.016200e-01 : f32
      %mul3A_751 = vector.broadcast %mul3A_750 : f32 to vector<16xf32>
      %mul3A_752 = arith.mulf %mul3A_751, %mul3A_749 : vector<16xf32>
      %exp3A_753 = math.exp %mul3A_752 : vector<16xf32>
      %mul3A_754 = arith.constant 2.817000e-02 : f32
      %mul3A_755 = vector.broadcast %mul3A_754 : f32 to vector<16xf32>
      %mul3A_756 = arith.mulf %mul3A_755, %exp3A_753 : vector<16xf32>
      %mul3A_757 = arith.constant -4.029000e-01 : f32
      %mul3A_758 = vector.broadcast %mul3A_757 : f32 to vector<16xf32>
      %mul3A_759 = arith.mulf %mul3A_758, %mul3A_749 : vector<16xf32>
      %exp3A_760 = math.exp %mul3A_759 : vector<16xf32>
      %mul3A_761 = arith.constant 2.802200e-01 : f32
      %mul3A_762 = vector.broadcast %mul3A_761 : f32 to vector<16xf32>
      %mul3A_763 = arith.mulf %mul3A_762, %exp3A_760 : vector<16xf32>
      %add3A_764 = arith.addf %mul3A_756, %mul3A_763 : vector<16xf32>
      %mul3A_765 = arith.constant -9.422900e-01 : f32
      %mul3A_766 = vector.broadcast %mul3A_765 : f32 to vector<16xf32>
      %mul3A_767 = arith.mulf %mul3A_766, %mul3A_749 : vector<16xf32>
      %exp3A_768 = math.exp %mul3A_767 : vector<16xf32>
      %mul3A_769 = arith.constant 5.098600e-01 : f32
      %mul3A_770 = vector.broadcast %mul3A_769 : f32 to vector<16xf32>
      %mul3A_771 = arith.mulf %mul3A_770, %exp3A_768 : vector<16xf32>
      %add3A_772 = arith.addf %add3A_764, %mul3A_771 : vector<16xf32>
      %mul3A_773 = arith.constant -3.199800e+00 : f32
      %mul3A_774 = vector.broadcast %mul3A_773 : f32 to vector<16xf32>
      %mul3A_775 = arith.mulf %mul3A_774, %mul3A_749 : vector<16xf32>
      %exp3A_776 = math.exp %mul3A_775 : vector<16xf32>
      %mul3A_777 = arith.constant 1.817500e-01 : f32
      %mul3A_778 = vector.broadcast %mul3A_777 : f32 to vector<16xf32>
      %mul3A_779 = arith.mulf %mul3A_778, %exp3A_776 : vector<16xf32>
      %add3A_780 = arith.addf %add3A_772, %mul3A_779 : vector<16xf32>
      %mul3A_781 = arith.mulf %gather3A_692, %gather3A_709 : vector<16xf32>
      %mul3A_782 = arith.mulf %mul3A_781, %mul3A_743 : vector<16xf32>
      %mul3A_783 = arith.mulf %mul3A_782, %add3A_780 : vector<16xf32>
      %mul3A_784 = arith.constant 2.000000e-01 : f32
      %mul3A_785 = vector.broadcast %mul3A_784 : f32 to vector<16xf32>
      %mul3A_786 = arith.mulf %mul3A_744, %mul3A_785 : vector<16xf32>
      %mul3A_787 = arith.mulf %mul3A_786, %mul3A_786 : vector<16xf32>
      %mul3A_788 = arith.mulf %mul3A_787, %mul3A_787 : vector<16xf32>
      %mul3A_789 = arith.mulf %mul3A_788, %mul3A_787 : vector<16xf32>
      %mul3A_790 = arith.mulf %mul3A_789, %mul3A_786 : vector<16xf32>
      %mul3A_791 = arith.mulf %mul3A_790, %mul3A_786 : vector<16xf32>
      %mul3A_792 = arith.constant 2.800000e+01 : f32
      %mul3A_793 = vector.broadcast %mul3A_792 : f32 to vector<16xf32>
      %mul3A_794 = arith.mulf %mul3A_793, %mul3A_789 : vector<16xf32>
      %sub3A_795 = arith.constant 1.000000e+00 : f32
      %sub3A_796 = vector.broadcast %sub3A_795 : f32 to vector<16xf32>
      %sub3A_797 = arith.subf %sub3A_796, %mul3A_794 : vector<16xf32>
      %mul3A_798 = arith.constant 4.800000e+01 : f32
      %mul3A_799 = vector.broadcast %mul3A_798 : f32 to vector<16xf32>
      %mul3A_800 = arith.mulf %mul3A_799, %mul3A_790 : vector<16xf32>
      %add3A_801 = arith.addf %sub3A_797, %mul3A_800 : vector<16xf32>
      %mul3A_802 = arith.constant 2.100000e+01 : f32
      %mul3A_803 = vector.broadcast %mul3A_802 : f32 to vector<16xf32>
      %mul3A_804 = arith.mulf %mul3A_803, %mul3A_791 : vector<16xf32>
      %sub3A_805 = arith.subf %add3A_801, %mul3A_804 : vector<16xf32>
      %lt3A_806 = arith.constant 1.000000e+00 : f32
      %lt3A_807 = vector.broadcast %lt3A_806 : f32 to vector<16xf32>
      %lt3A_808 = arith.cmpf olt, %mul3A_786, %lt3A_807 : vector<16xf32>
      %mul3A_809 = arith.mulf %sub3A_805, %mul3A_783 : vector<16xf32>
      %jit3A_810 = arith.constant 0.000000e+00 : f32
      %broadcast_in_dim3A_811 = vector.broadcast %jit3A_810 : f32 to vector<16xf32>
      %select_n3A_812 = arith.select %lt3A_808, %mul3A_809, %broadcast_in_dim3A_811 : vector<16xi1>, vector<16xf32>
      %mul3A_813 = arith.constant 16 : i32
      %mul3A_814 = arith.muli %add3A_668, %mul3A_813 : i32
      %swap3A_815 = arith.index_cast %mul3A_814 : i32 to index
      %swap3A_816 = tpu.vector_load %arg14[%swap3A_815] {strides = array<i32>} : memref<1024xf32, #tpu.memory_space<vmem>>, vector<16xf32>,
      tpu.vector_store %arg14[%swap3A_815], %select_n3A_812 {strides = array<i32>} : memref<1024xf32, #tpu.memory_space<vmem>>, vector<16xf32>,
      %mul3A_817 = arith.constant 4 : i32
      %mul3A_818 = arith.muli %scan3A_369, %mul3A_817 : i32
      %add3A_819 = arith.constant 3 : i32
      %add3A_820 = arith.addi %mul3A_818, %add3A_819 : i32
      %mul3A_821 = arith.constant 16 : i32
      %mul3A_822 = arith.muli %add3A_820, %mul3A_821 : i32
      %add3A_823 = vector.broadcast %mul3A_822 : i32 to vector<16xi32>
      %add3A_824 = arith.addi %iota3A, %add3A_823 : vector<16xi32>
      %mul3A_825 = arith.constant 0 : i32
      %mul3A_826 = vector.broadcast %mul3A_825 : i32 to vector<16xi32>
      %mul3A_827 = arith.muli %iota3A, %mul3A_826 : vector<16xi32>
      %gather3A_828 = tpu.vector_load_idx %arg10[%add3A_824, %mul3A_827] : memref<1024x8xf32, #tpu.memory_space<vmem>>[vector<16xi32>, vector<16xi32>], vector<16xf32>,
      %add3A_829 = arith.constant 1 : i32
      %add3A_830 = vector.broadcast %add3A_829 : i32 to vector<16xi32>
      %add3A_831 = arith.addi %mul3A_827, %add3A_830 : vector<16xi32>
      %gather3A_832 = tpu.vector_load_idx %arg10[%add3A_824, %add3A_831] : memref<1024x8xf32, #tpu.memory_space<vmem>>[vector<16xi32>, vector<16xi32>], vector<16xf32>,
      %add3A_833 = arith.constant 2 : i32
      %add3A_834 = vector.broadcast %add3A_833 : i32 to vector<16xi32>
      %add3A_835 = arith.addi %mul3A_827, %add3A_834 : vector<16xi32>
      %gather3A_836 = tpu.vector_load_idx %arg10[%add3A_824, %add3A_835] : memref<1024x8xf32, #tpu.memory_space<vmem>>[vector<16xi32>, vector<16xi32>], vector<16xf32>,
      %add3A_837 = arith.constant 3 : i32
      %add3A_838 = vector.broadcast %add3A_837 : i32 to vector<16xi32>
      %add3A_839 = arith.addi %mul3A_827, %add3A_838 : vector<16xi32>
      %gather3A_840 = tpu.vector_load_idx %arg10[%add3A_824, %add3A_839] : memref<1024x8xf32, #tpu.memory_space<vmem>>[vector<16xi32>, vector<16xi32>], vector<16xf32>,
      %add3A_841 = arith.constant 4 : i32
      %add3A_842 = vector.broadcast %add3A_841 : i32 to vector<16xi32>
      %add3A_843 = arith.addi %mul3A_827, %add3A_842 : vector<16xi32>
      %gather3A_844 = tpu.vector_load_idx %arg10[%add3A_824, %add3A_843] : memref<1024x8xf32, #tpu.memory_space<vmem>>[vector<16xi32>, vector<16xi32>], vector<16xf32>,
      %gather3A_845 = tpu.vector_load_idx %arg12[%add3A_824, %mul3A_827] : memref<1024x8xf32, #tpu.memory_space<vmem>>[vector<16xi32>, vector<16xi32>], vector<16xf32>,
      %add3A_846 = arith.constant 1 : i32
      %add3A_847 = vector.broadcast %add3A_846 : i32 to vector<16xi32>
      %add3A_848 = arith.addi %mul3A_827, %add3A_847 : vector<16xi32>
      %gather3A_849 = tpu.vector_load_idx %arg12[%add3A_824, %add3A_848] : memref<1024x8xf32, #tpu.memory_space<vmem>>[vector<16xi32>, vector<16xi32>], vector<16xf32>,
      %add3A_850 = arith.constant 2 : i32
      %add3A_851 = vector.broadcast %add3A_850 : i32 to vector<16xi32>
      %add3A_852 = arith.addi %mul3A_827, %add3A_851 : vector<16xi32>
      %gather3A_853 = tpu.vector_load_idx %arg12[%add3A_824, %add3A_852] : memref<1024x8xf32, #tpu.memory_space<vmem>>[vector<16xi32>, vector<16xi32>], vector<16xf32>,
      %add3A_854 = arith.constant 3 : i32
      %add3A_855 = vector.broadcast %add3A_854 : i32 to vector<16xi32>
      %add3A_856 = arith.addi %mul3A_827, %add3A_855 : vector<16xi32>
      %gather3A_857 = tpu.vector_load_idx %arg12[%add3A_824, %add3A_856] : memref<1024x8xf32, #tpu.memory_space<vmem>>[vector<16xi32>, vector<16xi32>], vector<16xf32>,
      %add3A_858 = arith.constant 4 : i32
      %add3A_859 = vector.broadcast %add3A_858 : i32 to vector<16xi32>
      %add3A_860 = arith.addi %mul3A_827, %add3A_859 : vector<16xi32>
      %gather3A_861 = tpu.vector_load_idx %arg12[%add3A_824, %add3A_860] : memref<1024x8xf32, #tpu.memory_space<vmem>>[vector<16xi32>, vector<16xi32>], vector<16xf32>,
      %sub3A_862 = arith.subf %gather3A_828, %gather3A_845 : vector<16xf32>
      %sub3A_863 = arith.subf %gather3A_832, %gather3A_849 : vector<16xf32>
      %sub3A_864 = arith.subf %gather3A_836, %gather3A_853 : vector<16xf32>
      %mul3A_865 = arith.mulf %sub3A_862, %sub3A_862 : vector<16xf32>
      %mul3A_866 = arith.mulf %sub3A_863, %sub3A_863 : vector<16xf32>
      %add3A_867 = arith.addf %mul3A_865, %mul3A_866 : vector<16xf32>
      %mul3A_868 = arith.mulf %sub3A_864, %sub3A_864 : vector<16xf32>
      %add3A_869 = arith.addf %add3A_867, %mul3A_868 : vector<16xf32>
      %bitcast3A_870 = vector.bitcast %add3A_869 : vector<16xf32> to vector<16xi32>
      %shift_right_arithmetic3A_871 = arith.constant 1 : i32
      %shift_right_arithmetic3A_872 = vector.broadcast %shift_right_arithmetic3A_871 : i32 to vector<16xi32>
      %shift_right_arithmetic3A_873 = arith.shrsi %bitcast3A_870, %shift_right_arithmetic3A_872 : vector<16xi32>
      %sub3A_874 = arith.constant 1597463007 : i32
      %sub3A_875 = vector.broadcast %sub3A_874 : i32 to vector<16xi32>
      %sub3A_876 = arith.subi %sub3A_875, %shift_right_arithmetic3A_873 : vector<16xi32>
      %bitcast3A_877 = vector.bitcast %sub3A_876 : vector<16xi32> to vector<16xf32>
      %mul3A_878 = arith.constant 5.000000e-01 : f32
      %mul3A_879 = vector.broadcast %mul3A_878 : f32 to vector<16xf32>
      %mul3A_880 = arith.mulf %mul3A_879, %add3A_869 : vector<16xf32>
      %mul3A_881 = arith.mulf %mul3A_880, %bitcast3A_877 : vector<16xf32>
      %mul3A_882 = arith.mulf %mul3A_881, %bitcast3A_877 : vector<16xf32>
      %sub3A_883 = arith.constant 1.500000e+00 : f32
      %sub3A_884 = vector.broadcast %sub3A_883 : f32 to vector<16xf32>
      %sub3A_885 = arith.subf %sub3A_884, %mul3A_882 : vector<16xf32>
      %mul3A_886 = arith.mulf %bitcast3A_877, %sub3A_885 : vector<16xf32>
      %mul3A_887 = arith.constant 5.000000e-01 : f32
      %mul3A_888 = vector.broadcast %mul3A_887 : f32 to vector<16xf32>
      %mul3A_889 = arith.mulf %mul3A_888, %add3A_869 : vector<16xf32>
      %mul3A_890 = arith.mulf %mul3A_889, %mul3A_886 : vector<16xf32>
      %mul3A_891 = arith.mulf %mul3A_890, %mul3A_886 : vector<16xf32>
      %sub3A_892 = arith.constant 1.500000e+00 : f32
      %sub3A_893 = vector.broadcast %sub3A_892 : f32 to vector<16xf32>
      %sub3A_894 = arith.subf %sub3A_893, %mul3A_891 : vector<16xf32>
      %mul3A_895 = arith.mulf %mul3A_886, %sub3A_894 : vector<16xf32>
      %mul3A_896 = arith.mulf %add3A_869, %mul3A_895 : vector<16xf32>
      %add3A_897 = arith.addf %gather3A_840, %gather3A_857 : vector<16xf32>
      %mul3A_898 = arith.constant 2.13447165 : f32
      %mul3A_899 = vector.broadcast %mul3A_898 : f32 to vector<16xf32>
      %mul3A_900 = arith.mulf %mul3A_896, %mul3A_899 : vector<16xf32>
      %mul3A_901 = arith.mulf %add3A_897, %mul3A_900 : vector<16xf32>
      %mul3A_902 = arith.constant -2.016200e-01 : f32
      %mul3A_903 = vector.broadcast %mul3A_902 : f32 to vector<16xf32>
      %mul3A_904 = arith.mulf %mul3A_903, %mul3A_901 : vector<16xf32>
      %exp3A_905 = math.exp %mul3A_904 : vector<16xf32>
      %mul3A_906 = arith.constant 2.817000e-02 : f32
      %mul3A_907 = vector.broadcast %mul3A_906 : f32 to vector<16xf32>
      %mul3A_908 = arith.mulf %mul3A_907, %exp3A_905 : vector<16xf32>
      %mul3A_909 = arith.constant -4.029000e-01 : f32
      %mul3A_910 = vector.broadcast %mul3A_909 : f32 to vector<16xf32>
      %mul3A_911 = arith.mulf %mul3A_910, %mul3A_901 : vector<16xf32>
      %exp3A_912 = math.exp %mul3A_911 : vector<16xf32>
      %mul3A_913 = arith.constant 2.802200e-01 : f32
      %mul3A_914 = vector.broadcast %mul3A_913 : f32 to vector<16xf32>
      %mul3A_915 = arith.mulf %mul3A_914, %exp3A_912 : vector<16xf32>
      %add3A_916 = arith.addf %mul3A_908, %mul3A_915 : vector<16xf32>
      %mul3A_917 = arith.constant -9.422900e-01 : f32
      %mul3A_918 = vector.broadcast %mul3A_917 : f32 to vector<16xf32>
      %mul3A_919 = arith.mulf %mul3A_918, %mul3A_901 : vector<16xf32>
      %exp3A_920 = math.exp %mul3A_919 : vector<16xf32>
      %mul3A_921 = arith.constant 5.098600e-01 : f32
      %mul3A_922 = vector.broadcast %mul3A_921 : f32 to vector<16xf32>
      %mul3A_923 = arith.mulf %mul3A_922, %exp3A_920 : vector<16xf32>
      %add3A_924 = arith.addf %add3A_916, %mul3A_923 : vector<16xf32>
      %mul3A_925 = arith.constant -3.199800e+00 : f32
      %mul3A_926 = vector.broadcast %mul3A_925 : f32 to vector<16xf32>
      %mul3A_927 = arith.mulf %mul3A_926, %mul3A_901 : vector<16xf32>
      %exp3A_928 = math.exp %mul3A_927 : vector<16xf32>
      %mul3A_929 = arith.constant 1.817500e-01 : f32
      %mul3A_930 = vector.broadcast %mul3A_929 : f32 to vector<16xf32>
      %mul3A_931 = arith.mulf %mul3A_930, %exp3A_928 : vector<16xf32>
      %add3A_932 = arith.addf %add3A_924, %mul3A_931 : vector<16xf32>
      %mul3A_933 = arith.mulf %gather3A_844, %gather3A_861 : vector<16xf32>
      %mul3A_934 = arith.mulf %mul3A_933, %mul3A_895 : vector<16xf32>
      %mul3A_935 = arith.mulf %mul3A_934, %add3A_932 : vector<16xf32>
      %mul3A_936 = arith.constant 2.000000e-01 : f32
      %mul3A_937 = vector.broadcast %mul3A_936 : f32 to vector<16xf32>
      %mul3A_938 = arith.mulf %mul3A_896, %mul3A_937 : vector<16xf32>
      %mul3A_939 = arith.mulf %mul3A_938, %mul3A_938 : vector<16xf32>
      %mul3A_940 = arith.mulf %mul3A_939, %mul3A_939 : vector<16xf32>
      %mul3A_941 = arith.mulf %mul3A_940, %mul3A_939 : vector<16xf32>
      %mul3A_942 = arith.mulf %mul3A_941, %mul3A_938 : vector<16xf32>
      %mul3A_943 = arith.mulf %mul3A_942, %mul3A_938 : vector<16xf32>
      %mul3A_944 = arith.constant 2.800000e+01 : f32
      %mul3A_945 = vector.broadcast %mul3A_944 : f32 to vector<16xf32>
      %mul3A_946 = arith.mulf %mul3A_945, %mul3A_941 : vector<16xf32>
      %sub3A_947 = arith.constant 1.000000e+00 : f32
      %sub3A_948 = vector.broadcast %sub3A_947 : f32 to vector<16xf32>
      %sub3A_949 = arith.subf %sub3A_948, %mul3A_946 : vector<16xf32>
      %mul3A_950 = arith.constant 4.800000e+01 : f32
      %mul3A_951 = vector.broadcast %mul3A_950 : f32 to vector<16xf32>
      %mul3A_952 = arith.mulf %mul3A_951, %mul3A_942 : vector<16xf32>
      %add3A_953 = arith.addf %sub3A_949, %mul3A_952 : vector<16xf32>
      %mul3A_954 = arith.constant 2.100000e+01 : f32
      %mul3A_955 = vector.broadcast %mul3A_954 : f32 to vector<16xf32>
      %mul3A_956 = arith.mulf %mul3A_955, %mul3A_943 : vector<16xf32>
      %sub3A_957 = arith.subf %add3A_953, %mul3A_956 : vector<16xf32>
      %lt3A_958 = arith.constant 1.000000e+00 : f32
      %lt3A_959 = vector.broadcast %lt3A_958 : f32 to vector<16xf32>
      %lt3A_960 = arith.cmpf olt, %mul3A_938, %lt3A_959 : vector<16xf32>
      %mul3A_961 = arith.mulf %sub3A_957, %mul3A_935 : vector<16xf32>
      %jit3A_962 = arith.constant 0.000000e+00 : f32
      %broadcast_in_dim3A_963 = vector.broadcast %jit3A_962 : f32 to vector<16xf32>
      %select_n3A_964 = arith.select %lt3A_960, %mul3A_961, %broadcast_in_dim3A_963 : vector<16xi1>, vector<16xf32>
      %mul3A_965 = arith.constant 16 : i32
      %mul3A_966 = arith.muli %add3A_820, %mul3A_965 : i32
      %swap3A_967 = arith.index_cast %mul3A_966 : i32 to index
      %swap3A_968 = tpu.vector_load %arg14[%swap3A_967] {strides = array<i32>} : memref<1024xf32, #tpu.memory_space<vmem>>, vector<16xf32>,
      tpu.vector_store %arg14[%swap3A_967], %select_n3A_964 {strides = array<i32>} : memref<1024xf32, #tpu.memory_space<vmem>>, vector<16xf32>,
      %scan3A_969 = arith.constant 0 : i32
      scf.yield %scan3A_969 : i32
    }
    %scan3A_270 = arith.constant 16 : i32
    %scan3A_271 = arith.constant 0 : i32
    %scan3A_272 = arith.constant 0 : i32
    %scan3A_273 = arith.constant 32 : i32
    %scan3A_274 = arith.addi %scan3A_272, %scan3A_273 : i32
    %scan3A_275 = arith.constant 1 : i32
    %scan3A_276 = scf.for %scan3A_369 = %scan3A_272 to %scan3A_274 step %scan3A_275 iter_args(%scan3A_370 = %scan3A_271) -> (i32)  : i32 {
      %mul3A_371 = arith.constant 16 : i32
      %mul3A_372 = arith.muli %scan3A_369, %mul3A_371 : i32
      %add3A_373 = arith.constant 0 : i32
      %add3A_374 = arith.addi %add3A_373, %mul3A_372 : i32
      %get3A = arith.index_cast %add3A_374 : i32 to index
      %get3A_375 = tpu.vector_load %arg6[%get3A] {strides = array<i32>} : memref<1024xi32, #tpu.memory_space<vmem>>, vector<16xi32>,
      %mul3A_376 = arith.constant 16 : i32
      %mul3A_377 = arith.muli %scan3A_369, %mul3A_376 : i32
      %swap3A = arith.index_cast %mul3A_377 : i32 to index
      %swap3A_378 = tpu.vector_load %arg17[%swap3A] {strides = array<i32>} : memref<512xi32, #tpu.memory_space<vmem>>, vector<16xi32>,
      tpu.vector_store %arg17[%swap3A], %get3A_375 {strides = array<i32>} : memref<512xi32, #tpu.memory_space<vmem>>, vector<16xi32>,
      %mul3A_379 = arith.constant 16 : i32
      %mul3A_380 = arith.muli %scan3A_369, %mul3A_379 : i32
      %add3A_381 = arith.constant 512 : i32
      %add3A_382 = arith.addi %add3A_381, %mul3A_380 : i32
      %get3A_383 = arith.index_cast %add3A_382 : i32 to index
      %get3A_384 = tpu.vector_load %arg6[%get3A_383] {strides = array<i32>} : memref<1024xi32, #tpu.memory_space<vmem>>, vector<16xi32>,
      %mul3A_385 = arith.constant 16 : i32
      %mul3A_386 = arith.muli %scan3A_369, %mul3A_385 : i32
      %swap3A_387 = arith.index_cast %mul3A_386 : i32 to index
      %swap3A_388 = tpu.vector_load %arg18[%swap3A_387] {strides = array<i32>} : memref<512xi32, #tpu.memory_space<vmem>>, vector<16xi32>,
      tpu.vector_store %arg18[%swap3A_387], %get3A_384 {strides = array<i32>} : memref<512xi32, #tpu.memory_space<vmem>>, vector<16xi32>,
      %scan3A_389 = arith.constant 0 : i32
      scf.yield %scan3A_389 : i32
    }
    %scan3A_277 = arith.constant 32 : i32
    %dma_start3A_278 = arith.constant 0 : i32
    %dma_start3A_279 = tpu.memref_slice %arg14[%dma_start3A_278] : memref<1024xf32, #tpu.memory_space<vmem>> -> memref<512xf32, #tpu.memory_space<vmem>>
    %dma_start3A_280 = arith.constant 0 : i32
    %dma_start3A_281 = tpu.memref_slice %arg21[%dma_start3A_280] : memref<100096xf32, #tpu.memory_space<vmem_shared>> -> memref<100096xf32, #tpu.memory_space<vmem_shared>>
    tpu.enqueue_indirect_dma source(%dma_start3A_279 : memref<512xf32, #tpu.memory_space<vmem>>) target(%dma_start3A_281 : memref<100096xf32, #tpu.memory_space<vmem_shared>>) offsets(%arg17 : memref<512xi32, #tpu.memory_space<vmem>>) semaphore(%arg27 : memref<!tpu.dma_semaphore, #tpu.memory_space<semaphore_mem>>) {add = true}
    %dma_start3A_282 = arith.constant 512 : i32
    %dma_start3A_283 = tpu.memref_slice %arg14[%dma_start3A_282] : memref<1024xf32, #tpu.memory_space<vmem>> -> memref<512xf32, #tpu.memory_space<vmem>>
    %dma_start3A_284 = arith.constant 0 : i32
    %dma_start3A_285 = tpu.memref_slice %arg21[%dma_start3A_284] : memref<100096xf32, #tpu.memory_space<vmem_shared>> -> memref<100096xf32, #tpu.memory_space<vmem_shared>>
    tpu.enqueue_indirect_dma source(%dma_start3A_283 : memref<512xf32, #tpu.memory_space<vmem>>) target(%dma_start3A_285 : memref<100096xf32, #tpu.memory_space<vmem_shared>>) offsets(%arg18 : memref<512xi32, #tpu.memory_space<vmem>>) semaphore(%arg27 : memref<!tpu.dma_semaphore, #tpu.memory_space<semaphore_mem>>) {add = true}
    %add3A_286 = arith.constant 96 : i32
    %add3A_287 = arith.addi %add3A, %add3A_286 : i32
    %mul3A_288 = arith.constant 1024 : i32
    %mul3A_289 = arith.muli %add3A_287, %mul3A_288 : i32
    %add3A_290 = arith.constant 6488064 : i32
    %add3A_291 = arith.addi %add3A_290, %mul3A_289 : i32
    %dma_start3A_292 = tpu.memref_slice %arg3[%mul3A_289] : memref<12976128xi32, #tpu.memory_space<hbm>> -> memref<1024xi32, #tpu.memory_space<hbm>>
    %dma_start3A_293 = tpu.memref_slice %arg3[%mul3A_289] : memref<12976128xi32, #tpu.memory_space<hbm>> -> memref<1024xi32, #tpu.memory_space<hbm>>
    tpu.enqueue_dma source(%dma_start3A_293 : memref<1024xi32, #tpu.memory_space<hbm>>) target(%arg6 : memref<1024xi32, #tpu.memory_space<vmem>>) target_semaphore(%arg23 : memref<!tpu.dma_semaphore, #tpu.memory_space<semaphore_mem>>)
    %dma_start3A_294 = tpu.memref_slice %arg3[%add3A_291] : memref<12976128xi32, #tpu.memory_space<hbm>> -> memref<1024xi32, #tpu.memory_space<hbm>>
    %dma_start3A_295 = tpu.memref_slice %arg3[%add3A_291] : memref<12976128xi32, #tpu.memory_space<hbm>> -> memref<1024xi32, #tpu.memory_space<hbm>>
    tpu.enqueue_dma source(%dma_start3A_295 : memref<1024xi32, #tpu.memory_space<hbm>>) target(%arg8 : memref<1024xi32, #tpu.memory_space<vmem>>) target_semaphore(%arg23 : memref<!tpu.dma_semaphore, #tpu.memory_space<semaphore_mem>>)
    %scan3A_296 = arith.constant 0 : i32
    %scan3A_297 = arith.constant 1 : i32
    %scan3A_298 = arith.constant 97 : i32
    %scan3A_299 = arith.addi %scan3A_297, %scan3A_298 : i32
    %scan3A_300 = arith.constant 1 : i32
    %scan3A_301 = scf.for %scan3A_369 = %scan3A_297 to %scan3A_299 step %scan3A_300 iter_args(%scan3A_370 = %scan3A_296) -> (i32)  : i32 {
      %mul3A_371 = arith.constant 2 : i32
      %mul3A_372 = arith.muli %mul3A_371, %scan3A_369 : i32
      %dma_wait3A_373 = arith.constant 0 : i32
      %dma_wait3A_374 = arith.constant 0 : i32
      %dma_wait3A_375 = tpu.memref_slice %arg9[%dma_wait3A_373, %dma_wait3A_374] : memref<1024x8xf32, #tpu.memory_space<vmem>> -> memref<512x8xf32, #tpu.memory_space<vmem>>
      %dma_wait3A_376 = arith.constant 0 : i32
      %dma_wait3A_377 = tpu.memref_slice %arg5[%dma_wait3A_376] : memref<1024xi32, #tpu.memory_space<vmem>> -> memref<512xi32, #tpu.memory_space<vmem>>
      %dma_wait3A_378 = arith.constant 0 : i32
      %dma_wait3A_379 = arith.constant 0 : i32
      %dma_wait3A_380 = tpu.memref_slice %arg20[%dma_wait3A_378, %dma_wait3A_379] : memref<100096x8xf32, #tpu.memory_space<vmem_shared>> -> memref<100096x8xf32, #tpu.memory_space<vmem_shared>>
      tpu.wait_indirect_dma semaphore(%arg24 : memref<!tpu.dma_semaphore, #tpu.memory_space<semaphore_mem>>) src(%dma_wait3A_380 : memref<100096x8xf32, #tpu.memory_space<vmem_shared>>) dst(%dma_wait3A_375 : memref<512x8xf32, #tpu.memory_space<vmem>>)
      %dma_wait3A_381 = arith.constant 0 : i32
      %dma_wait3A_382 = arith.constant 0 : i32
      %dma_wait3A_383 = tpu.memref_slice %arg11[%dma_wait3A_381, %dma_wait3A_382] : memref<1024x8xf32, #tpu.memory_space<vmem>> -> memref<512x8xf32, #tpu.memory_space<vmem>>
      %dma_wait3A_384 = arith.constant 0 : i32
      %dma_wait3A_385 = tpu.memref_slice %arg7[%dma_wait3A_384] : memref<1024xi32, #tpu.memory_space<vmem>> -> memref<512xi32, #tpu.memory_space<vmem>>
      %dma_wait3A_386 = arith.constant 0 : i32
      %dma_wait3A_387 = arith.constant 0 : i32
      %dma_wait3A_388 = tpu.memref_slice %arg20[%dma_wait3A_386, %dma_wait3A_387] : memref<100096x8xf32, #tpu.memory_space<vmem_shared>> -> memref<100096x8xf32, #tpu.memory_space<vmem_shared>>
      tpu.wait_indirect_dma semaphore(%arg24 : memref<!tpu.dma_semaphore, #tpu.memory_space<semaphore_mem>>) src(%dma_wait3A_388 : memref<100096x8xf32, #tpu.memory_space<vmem_shared>>) dst(%dma_wait3A_383 : memref<512x8xf32, #tpu.memory_space<vmem>>)
      %dma_wait3A_389 = arith.constant 512 : i32
      %dma_wait3A_390 = arith.constant 0 : i32
      %dma_wait3A_391 = tpu.memref_slice %arg9[%dma_wait3A_389, %dma_wait3A_390] : memref<1024x8xf32, #tpu.memory_space<vmem>> -> memref<512x8xf32, #tpu.memory_space<vmem>>
      %dma_wait3A_392 = arith.constant 512 : i32
      %dma_wait3A_393 = tpu.memref_slice %arg5[%dma_wait3A_392] : memref<1024xi32, #tpu.memory_space<vmem>> -> memref<512xi32, #tpu.memory_space<vmem>>
      %dma_wait3A_394 = arith.constant 0 : i32
      %dma_wait3A_395 = arith.constant 0 : i32
      %dma_wait3A_396 = tpu.memref_slice %arg20[%dma_wait3A_394, %dma_wait3A_395] : memref<100096x8xf32, #tpu.memory_space<vmem_shared>> -> memref<100096x8xf32, #tpu.memory_space<vmem_shared>>
      tpu.wait_indirect_dma semaphore(%arg24 : memref<!tpu.dma_semaphore, #tpu.memory_space<semaphore_mem>>) src(%dma_wait3A_396 : memref<100096x8xf32, #tpu.memory_space<vmem_shared>>) dst(%dma_wait3A_391 : memref<512x8xf32, #tpu.memory_space<vmem>>)
      %dma_wait3A_397 = arith.constant 512 : i32
      %dma_wait3A_398 = arith.constant 0 : i32
      %dma_wait3A_399 = tpu.memref_slice %arg11[%dma_wait3A_397, %dma_wait3A_398] : memref<1024x8xf32, #tpu.memory_space<vmem>> -> memref<512x8xf32, #tpu.memory_space<vmem>>
      %dma_wait3A_400 = arith.constant 512 : i32
      %dma_wait3A_401 = tpu.memref_slice %arg7[%dma_wait3A_400] : memref<1024xi32, #tpu.memory_space<vmem>> -> memref<512xi32, #tpu.memory_space<vmem>>
      %dma_wait3A_402 = arith.constant 0 : i32
      %dma_wait3A_403 = arith.constant 0 : i32
      %dma_wait3A_404 = tpu.memref_slice %arg20[%dma_wait3A_402, %dma_wait3A_403] : memref<100096x8xf32, #tpu.memory_space<vmem_shared>> -> memref<100096x8xf32, #tpu.memory_space<vmem_shared>>
      tpu.wait_indirect_dma semaphore(%arg24 : memref<!tpu.dma_semaphore, #tpu.memory_space<semaphore_mem>>) src(%dma_wait3A_404 : memref<100096x8xf32, #tpu.memory_space<vmem_shared>>) dst(%dma_wait3A_399 : memref<512x8xf32, #tpu.memory_space<vmem>>)
      %add3A_405 = arith.constant 1 : i32
      %add3A_406 = arith.addi %mul3A_372, %add3A_405 : i32
      %mul3A_407 = arith.constant 32 : i32
      %mul3A_408 = arith.muli %add3A_406, %mul3A_407 : i32
      %add3A_409 = arith.addi %add3A, %mul3A_408 : i32
      %mul3A_410 = arith.constant 1024 : i32
      %mul3A_411 = arith.muli %add3A_409, %mul3A_410 : i32
      %add3A_412 = arith.constant 6488064 : i32
      %add3A_413 = arith.addi %add3A_412, %mul3A_411 : i32
      %dma_wait3A_414 = tpu.memref_slice %arg3[%mul3A_411] : memref<12976128xi32, #tpu.memory_space<hbm>> -> memref<1024xi32, #tpu.memory_space<hbm>>
      %dma_wait3A_415 = tpu.memref_slice %arg3[%mul3A_411] : memref<12976128xi32, #tpu.memory_space<hbm>> -> memref<1024xi32, #tpu.memory_space<hbm>>
      tpu.wait_dma2 semaphore(%arg23 : memref<!tpu.dma_semaphore, #tpu.memory_space<semaphore_mem>>) src(%dma_wait3A_415 : memref<1024xi32, #tpu.memory_space<hbm>>) dst(%arg6 : memref<1024xi32, #tpu.memory_space<vmem>>)
      %dma_wait3A_416 = tpu.memref_slice %arg3[%add3A_413] : memref<12976128xi32, #tpu.memory_space<hbm>> -> memref<1024xi32, #tpu.memory_space<hbm>>
      %dma_wait3A_417 = tpu.memref_slice %arg3[%add3A_413] : memref<12976128xi32, #tpu.memory_space<hbm>> -> memref<1024xi32, #tpu.memory_space<hbm>>
      tpu.wait_dma2 semaphore(%arg23 : memref<!tpu.dma_semaphore, #tpu.memory_space<semaphore_mem>>) src(%dma_wait3A_417 : memref<1024xi32, #tpu.memory_space<hbm>>) dst(%arg8 : memref<1024xi32, #tpu.memory_space<vmem>>)
      %dma_start3A_418 = arith.constant 0 : i32
      %dma_start3A_419 = arith.constant 0 : i32
      %dma_start3A_420 = tpu.memref_slice %arg10[%dma_start3A_418, %dma_start3A_419] : memref<1024x8xf32, #tpu.memory_space<vmem>> -> memref<512x8xf32, #tpu.memory_space<vmem>>
      %dma_start3A_421 = arith.constant 0 : i32
      %dma_start3A_422 = tpu.memref_slice %arg6[%dma_start3A_421] : memref<1024xi32, #tpu.memory_space<vmem>> -> memref<512xi32, #tpu.memory_space<vmem>>
      %dma_start3A_423 = arith.constant 0 : i32
      %dma_start3A_424 = arith.constant 0 : i32
      %dma_start3A_425 = tpu.memref_slice %arg20[%dma_start3A_423, %dma_start3A_424] : memref<100096x8xf32, #tpu.memory_space<vmem_shared>> -> memref<100096x8xf32, #tpu.memory_space<vmem_shared>>
      tpu.enqueue_indirect_dma source(%dma_start3A_425 : memref<100096x8xf32, #tpu.memory_space<vmem_shared>>) target(%dma_start3A_420 : memref<512x8xf32, #tpu.memory_space<vmem>>) offsets(%dma_start3A_422 : memref<512xi32, #tpu.memory_space<vmem>>) semaphore(%arg25 : memref<!tpu.dma_semaphore, #tpu.memory_space<semaphore_mem>>)
      %dma_start3A_426 = arith.constant 0 : i32
      %dma_start3A_427 = arith.constant 0 : i32
      %dma_start3A_428 = tpu.memref_slice %arg12[%dma_start3A_426, %dma_start3A_427] : memref<1024x8xf32, #tpu.memory_space<vmem>> -> memref<512x8xf32, #tpu.memory_space<vmem>>
      %dma_start3A_429 = arith.constant 0 : i32
      %dma_start3A_430 = tpu.memref_slice %arg8[%dma_start3A_429] : memref<1024xi32, #tpu.memory_space<vmem>> -> memref<512xi32, #tpu.memory_space<vmem>>
      %dma_start3A_431 = arith.constant 0 : i32
      %dma_start3A_432 = arith.constant 0 : i32
      %dma_start3A_433 = tpu.memref_slice %arg20[%dma_start3A_431, %dma_start3A_432] : memref<100096x8xf32, #tpu.memory_space<vmem_shared>> -> memref<100096x8xf32, #tpu.memory_space<vmem_shared>>
      tpu.enqueue_indirect_dma source(%dma_start3A_433 : memref<100096x8xf32, #tpu.memory_space<vmem_shared>>) target(%dma_start3A_428 : memref<512x8xf32, #tpu.memory_space<vmem>>) offsets(%dma_start3A_430 : memref<512xi32, #tpu.memory_space<vmem>>) semaphore(%arg25 : memref<!tpu.dma_semaphore, #tpu.memory_space<semaphore_mem>>)
      %dma_start3A_434 = arith.constant 512 : i32
      %dma_start3A_435 = arith.constant 0 : i32
      %dma_start3A_436 = tpu.memref_slice %arg10[%dma_start3A_434, %dma_start3A_435] : memref<1024x8xf32, #tpu.memory_space<vmem>> -> memref<512x8xf32, #tpu.memory_space<vmem>>
      %dma_start3A_437 = arith.constant 512 : i32
      %dma_start3A_438 = tpu.memref_slice %arg6[%dma_start3A_437] : memref<1024xi32, #tpu.memory_space<vmem>> -> memref<512xi32, #tpu.memory_space<vmem>>
      %dma_start3A_439 = arith.constant 0 : i32
      %dma_start3A_440 = arith.constant 0 : i32
      %dma_start3A_441 = tpu.memref_slice %arg20[%dma_start3A_439, %dma_start3A_440] : memref<100096x8xf32, #tpu.memory_space<vmem_shared>> -> memref<100096x8xf32, #tpu.memory_space<vmem_shared>>
      tpu.enqueue_indirect_dma source(%dma_start3A_441 : memref<100096x8xf32, #tpu.memory_space<vmem_shared>>) target(%dma_start3A_436 : memref<512x8xf32, #tpu.memory_space<vmem>>) offsets(%dma_start3A_438 : memref<512xi32, #tpu.memory_space<vmem>>) semaphore(%arg25 : memref<!tpu.dma_semaphore, #tpu.memory_space<semaphore_mem>>)
      %dma_start3A_442 = arith.constant 512 : i32
      %dma_start3A_443 = arith.constant 0 : i32
      %dma_start3A_444 = tpu.memref_slice %arg12[%dma_start3A_442, %dma_start3A_443] : memref<1024x8xf32, #tpu.memory_space<vmem>> -> memref<512x8xf32, #tpu.memory_space<vmem>>
      %dma_start3A_445 = arith.constant 512 : i32
      %dma_start3A_446 = tpu.memref_slice %arg8[%dma_start3A_445] : memref<1024xi32, #tpu.memory_space<vmem>> -> memref<512xi32, #tpu.memory_space<vmem>>
      %dma_start3A_447 = arith.constant 0 : i32
      %dma_start3A_448 = arith.constant 0 : i32
      %dma_start3A_449 = tpu.memref_slice %arg20[%dma_start3A_447, %dma_start3A_448] : memref<100096x8xf32, #tpu.memory_space<vmem_shared>> -> memref<100096x8xf32, #tpu.memory_space<vmem_shared>>
      tpu.enqueue_indirect_dma source(%dma_start3A_449 : memref<100096x8xf32, #tpu.memory_space<vmem_shared>>) target(%dma_start3A_444 : memref<512x8xf32, #tpu.memory_space<vmem>>) offsets(%dma_start3A_446 : memref<512xi32, #tpu.memory_space<vmem>>) semaphore(%arg25 : memref<!tpu.dma_semaphore, #tpu.memory_space<semaphore_mem>>)
      %dma_wait3A_450 = arith.constant 0 : i32
      %dma_wait3A_451 = tpu.memref_slice %arg13[%dma_wait3A_450] : memref<1024xf32, #tpu.memory_space<vmem>> -> memref<512xf32, #tpu.memory_space<vmem>>
      %dma_wait3A_452 = arith.constant 0 : i32
      %dma_wait3A_453 = tpu.memref_slice %arg21[%dma_wait3A_452] : memref<100096xf32, #tpu.memory_space<vmem_shared>> -> memref<100096xf32, #tpu.memory_space<vmem_shared>>
      tpu.wait_indirect_dma semaphore(%arg26 : memref<!tpu.dma_semaphore, #tpu.memory_space<semaphore_mem>>) src(%dma_wait3A_451 : memref<512xf32, #tpu.memory_space<vmem>>) dst(%dma_wait3A_453 : memref<100096xf32, #tpu.memory_space<vmem_shared>>)
      %dma_wait3A_454 = arith.constant 512 : i32
      %dma_wait3A_455 = tpu.memref_slice %arg13[%dma_wait3A_454] : memref<1024xf32, #tpu.memory_space<vmem>> -> memref<512xf32, #tpu.memory_space<vmem>>
      %dma_wait3A_456 = arith.constant 0 : i32
      %dma_wait3A_457 = tpu.memref_slice %arg21[%dma_wait3A_456] : memref<100096xf32, #tpu.memory_space<vmem_shared>> -> memref<100096xf32, #tpu.memory_space<vmem_shared>>
      tpu.wait_indirect_dma semaphore(%arg26 : memref<!tpu.dma_semaphore, #tpu.memory_space<semaphore_mem>>) src(%dma_wait3A_455 : memref<512xf32, #tpu.memory_space<vmem>>) dst(%dma_wait3A_457 : memref<100096xf32, #tpu.memory_space<vmem_shared>>)
      %scan3A_458 = arith.constant 0 : i32
      %scan3A_459 = arith.constant 0 : i32
      %scan3A_460 = arith.constant 16 : i32
      %scan3A_461 = arith.addi %scan3A_459, %scan3A_460 : i32
      %scan3A_462 = arith.constant 1 : i32
      %scan3A_463 = scf.for %scan3A_618 = %scan3A_459 to %scan3A_461 step %scan3A_462 iter_args(%scan3A_619 = %scan3A_458) -> (i32)  : i32 {
        %mul3A_620 = arith.constant 4 : i32
        %mul3A_621 = arith.muli %scan3A_618, %mul3A_620 : i32
        %add3A_622 = arith.constant 0 : i32
        %add3A_623 = arith.addi %mul3A_621, %add3A_622 : i32
        %mul3A_624 = arith.constant 16 : i32
        %mul3A_625 = arith.muli %add3A_623, %mul3A_624 : i32
        %add3A_626 = vector.broadcast %mul3A_625 : i32 to vector<16xi32>
        %add3A_627 = arith.addi %iota3A, %add3A_626 : vector<16xi32>
        %mul3A_628 = arith.constant 0 : i32
        %mul3A_629 = vector.broadcast %mul3A_628 : i32 to vector<16xi32>
        %mul3A_630 = arith.muli %iota3A, %mul3A_629 : vector<16xi32>
        %gather3A = tpu.vector_load_idx %arg9[%add3A_627, %mul3A_630] : memref<1024x8xf32, #tpu.memory_space<vmem>>[vector<16xi32>, vector<16xi32>], vector<16xf32>,
        %add3A_631 = arith.constant 1 : i32
        %add3A_632 = vector.broadcast %add3A_631 : i32 to vector<16xi32>
        %add3A_633 = arith.addi %mul3A_630, %add3A_632 : vector<16xi32>
        %gather3A_634 = tpu.vector_load_idx %arg9[%add3A_627, %add3A_633] : memref<1024x8xf32, #tpu.memory_space<vmem>>[vector<16xi32>, vector<16xi32>], vector<16xf32>,
        %add3A_635 = arith.constant 2 : i32
        %add3A_636 = vector.broadcast %add3A_635 : i32 to vector<16xi32>
        %add3A_637 = arith.addi %mul3A_630, %add3A_636 : vector<16xi32>
        %gather3A_638 = tpu.vector_load_idx %arg9[%add3A_627, %add3A_637] : memref<1024x8xf32, #tpu.memory_space<vmem>>[vector<16xi32>, vector<16xi32>], vector<16xf32>,
        %add3A_639 = arith.constant 3 : i32
        %add3A_640 = vector.broadcast %add3A_639 : i32 to vector<16xi32>
        %add3A_641 = arith.addi %mul3A_630, %add3A_640 : vector<16xi32>
        %gather3A_642 = tpu.vector_load_idx %arg9[%add3A_627, %add3A_641] : memref<1024x8xf32, #tpu.memory_space<vmem>>[vector<16xi32>, vector<16xi32>], vector<16xf32>,
        %add3A_643 = arith.constant 4 : i32
        %add3A_644 = vector.broadcast %add3A_643 : i32 to vector<16xi32>
        %add3A_645 = arith.addi %mul3A_630, %add3A_644 : vector<16xi32>
        %gather3A_646 = tpu.vector_load_idx %arg9[%add3A_627, %add3A_645] : memref<1024x8xf32, #tpu.memory_space<vmem>>[vector<16xi32>, vector<16xi32>], vector<16xf32>,
        %gather3A_647 = tpu.vector_load_idx %arg11[%add3A_627, %mul3A_630] : memref<1024x8xf32, #tpu.memory_space<vmem>>[vector<16xi32>, vector<16xi32>], vector<16xf32>,
        %add3A_648 = arith.constant 1 : i32
        %add3A_649 = vector.broadcast %add3A_648 : i32 to vector<16xi32>
        %add3A_650 = arith.addi %mul3A_630, %add3A_649 : vector<16xi32>
        %gather3A_651 = tpu.vector_load_idx %arg11[%add3A_627, %add3A_650] : memref<1024x8xf32, #tpu.memory_space<vmem>>[vector<16xi32>, vector<16xi32>], vector<16xf32>,
        %add3A_652 = arith.constant 2 : i32
        %add3A_653 = vector.broadcast %add3A_652 : i32 to vector<16xi32>
        %add3A_654 = arith.addi %mul3A_630, %add3A_653 : vector<16xi32>
        %gather3A_655 = tpu.vector_load_idx %arg11[%add3A_627, %add3A_654] : memref<1024x8xf32, #tpu.memory_space<vmem>>[vector<16xi32>, vector<16xi32>], vector<16xf32>,
        %add3A_656 = arith.constant 3 : i32
        %add3A_657 = vector.broadcast %add3A_656 : i32 to vector<16xi32>
        %add3A_658 = arith.addi %mul3A_630, %add3A_657 : vector<16xi32>
        %gather3A_659 = tpu.vector_load_idx %arg11[%add3A_627, %add3A_658] : memref<1024x8xf32, #tpu.memory_space<vmem>>[vector<16xi32>, vector<16xi32>], vector<16xf32>,
        %add3A_660 = arith.constant 4 : i32
        %add3A_661 = vector.broadcast %add3A_660 : i32 to vector<16xi32>
        %add3A_662 = arith.addi %mul3A_630, %add3A_661 : vector<16xi32>
        %gather3A_663 = tpu.vector_load_idx %arg11[%add3A_627, %add3A_662] : memref<1024x8xf32, #tpu.memory_space<vmem>>[vector<16xi32>, vector<16xi32>], vector<16xf32>,
        %sub3A = arith.subf %gather3A, %gather3A_647 : vector<16xf32>
        %sub3A_664 = arith.subf %gather3A_634, %gather3A_651 : vector<16xf32>
        %sub3A_665 = arith.subf %gather3A_638, %gather3A_655 : vector<16xf32>
        %mul3A_666 = arith.mulf %sub3A, %sub3A : vector<16xf32>
        %mul3A_667 = arith.mulf %sub3A_664, %sub3A_664 : vector<16xf32>
        %add3A_668 = arith.addf %mul3A_666, %mul3A_667 : vector<16xf32>
        %mul3A_669 = arith.mulf %sub3A_665, %sub3A_665 : vector<16xf32>
        %add3A_670 = arith.addf %add3A_668, %mul3A_669 : vector<16xf32>
        %bitcast3A = vector.bitcast %add3A_670 : vector<16xf32> to vector<16xi32>
        %shift_right_arithmetic3A = arith.constant 1 : i32
        %shift_right_arithmetic3A_671 = vector.broadcast %shift_right_arithmetic3A : i32 to vector<16xi32>
        %shift_right_arithmetic3A_672 = arith.shrsi %bitcast3A, %shift_right_arithmetic3A_671 : vector<16xi32>
        %sub3A_673 = arith.constant 1597463007 : i32
        %sub3A_674 = vector.broadcast %sub3A_673 : i32 to vector<16xi32>
        %sub3A_675 = arith.subi %sub3A_674, %shift_right_arithmetic3A_672 : vector<16xi32>
        %bitcast3A_676 = vector.bitcast %sub3A_675 : vector<16xi32> to vector<16xf32>
        %mul3A_677 = arith.constant 5.000000e-01 : f32
        %mul3A_678 = vector.broadcast %mul3A_677 : f32 to vector<16xf32>
        %mul3A_679 = arith.mulf %mul3A_678, %add3A_670 : vector<16xf32>
        %mul3A_680 = arith.mulf %mul3A_679, %bitcast3A_676 : vector<16xf32>
        %mul3A_681 = arith.mulf %mul3A_680, %bitcast3A_676 : vector<16xf32>
        %sub3A_682 = arith.constant 1.500000e+00 : f32
        %sub3A_683 = vector.broadcast %sub3A_682 : f32 to vector<16xf32>
        %sub3A_684 = arith.subf %sub3A_683, %mul3A_681 : vector<16xf32>
        %mul3A_685 = arith.mulf %bitcast3A_676, %sub3A_684 : vector<16xf32>
        %mul3A_686 = arith.constant 5.000000e-01 : f32
        %mul3A_687 = vector.broadcast %mul3A_686 : f32 to vector<16xf32>
        %mul3A_688 = arith.mulf %mul3A_687, %add3A_670 : vector<16xf32>
        %mul3A_689 = arith.mulf %mul3A_688, %mul3A_685 : vector<16xf32>
        %mul3A_690 = arith.mulf %mul3A_689, %mul3A_685 : vector<16xf32>
        %sub3A_691 = arith.constant 1.500000e+00 : f32
        %sub3A_692 = vector.broadcast %sub3A_691 : f32 to vector<16xf32>
        %sub3A_693 = arith.subf %sub3A_692, %mul3A_690 : vector<16xf32>
        %mul3A_694 = arith.mulf %mul3A_685, %sub3A_693 : vector<16xf32>
        %mul3A_695 = arith.mulf %add3A_670, %mul3A_694 : vector<16xf32>
        %add3A_696 = arith.addf %gather3A_642, %gather3A_659 : vector<16xf32>
        %mul3A_697 = arith.constant 2.13447165 : f32
        %mul3A_698 = vector.broadcast %mul3A_697 : f32 to vector<16xf32>
        %mul3A_699 = arith.mulf %mul3A_695, %mul3A_698 : vector<16xf32>
        %mul3A_700 = arith.mulf %add3A_696, %mul3A_699 : vector<16xf32>
        %mul3A_701 = arith.constant -2.016200e-01 : f32
        %mul3A_702 = vector.broadcast %mul3A_701 : f32 to vector<16xf32>
        %mul3A_703 = arith.mulf %mul3A_702, %mul3A_700 : vector<16xf32>
        %exp3A = math.exp %mul3A_703 : vector<16xf32>
        %mul3A_704 = arith.constant 2.817000e-02 : f32
        %mul3A_705 = vector.broadcast %mul3A_704 : f32 to vector<16xf32>
        %mul3A_706 = arith.mulf %mul3A_705, %exp3A : vector<16xf32>
        %mul3A_707 = arith.constant -4.029000e-01 : f32
        %mul3A_708 = vector.broadcast %mul3A_707 : f32 to vector<16xf32>
        %mul3A_709 = arith.mulf %mul3A_708, %mul3A_700 : vector<16xf32>
        %exp3A_710 = math.exp %mul3A_709 : vector<16xf32>
        %mul3A_711 = arith.constant 2.802200e-01 : f32
        %mul3A_712 = vector.broadcast %mul3A_711 : f32 to vector<16xf32>
        %mul3A_713 = arith.mulf %mul3A_712, %exp3A_710 : vector<16xf32>
        %add3A_714 = arith.addf %mul3A_706, %mul3A_713 : vector<16xf32>
        %mul3A_715 = arith.constant -9.422900e-01 : f32
        %mul3A_716 = vector.broadcast %mul3A_715 : f32 to vector<16xf32>
        %mul3A_717 = arith.mulf %mul3A_716, %mul3A_700 : vector<16xf32>
        %exp3A_718 = math.exp %mul3A_717 : vector<16xf32>
        %mul3A_719 = arith.constant 5.098600e-01 : f32
        %mul3A_720 = vector.broadcast %mul3A_719 : f32 to vector<16xf32>
        %mul3A_721 = arith.mulf %mul3A_720, %exp3A_718 : vector<16xf32>
        %add3A_722 = arith.addf %add3A_714, %mul3A_721 : vector<16xf32>
        %mul3A_723 = arith.constant -3.199800e+00 : f32
        %mul3A_724 = vector.broadcast %mul3A_723 : f32 to vector<16xf32>
        %mul3A_725 = arith.mulf %mul3A_724, %mul3A_700 : vector<16xf32>
        %exp3A_726 = math.exp %mul3A_725 : vector<16xf32>
        %mul3A_727 = arith.constant 1.817500e-01 : f32
        %mul3A_728 = vector.broadcast %mul3A_727 : f32 to vector<16xf32>
        %mul3A_729 = arith.mulf %mul3A_728, %exp3A_726 : vector<16xf32>
        %add3A_730 = arith.addf %add3A_722, %mul3A_729 : vector<16xf32>
        %mul3A_731 = arith.mulf %gather3A_646, %gather3A_663 : vector<16xf32>
        %mul3A_732 = arith.mulf %mul3A_731, %mul3A_694 : vector<16xf32>
        %mul3A_733 = arith.mulf %mul3A_732, %add3A_730 : vector<16xf32>
        %mul3A_734 = arith.constant 2.000000e-01 : f32
        %mul3A_735 = vector.broadcast %mul3A_734 : f32 to vector<16xf32>
        %mul3A_736 = arith.mulf %mul3A_695, %mul3A_735 : vector<16xf32>
        %mul3A_737 = arith.mulf %mul3A_736, %mul3A_736 : vector<16xf32>
        %mul3A_738 = arith.mulf %mul3A_737, %mul3A_737 : vector<16xf32>
        %mul3A_739 = arith.mulf %mul3A_738, %mul3A_737 : vector<16xf32>
        %mul3A_740 = arith.mulf %mul3A_739, %mul3A_736 : vector<16xf32>
        %mul3A_741 = arith.mulf %mul3A_740, %mul3A_736 : vector<16xf32>
        %mul3A_742 = arith.constant 2.800000e+01 : f32
        %mul3A_743 = vector.broadcast %mul3A_742 : f32 to vector<16xf32>
        %mul3A_744 = arith.mulf %mul3A_743, %mul3A_739 : vector<16xf32>
        %sub3A_745 = arith.constant 1.000000e+00 : f32
        %sub3A_746 = vector.broadcast %sub3A_745 : f32 to vector<16xf32>
        %sub3A_747 = arith.subf %sub3A_746, %mul3A_744 : vector<16xf32>
        %mul3A_748 = arith.constant 4.800000e+01 : f32
        %mul3A_749 = vector.broadcast %mul3A_748 : f32 to vector<16xf32>
        %mul3A_750 = arith.mulf %mul3A_749, %mul3A_740 : vector<16xf32>
        %add3A_751 = arith.addf %sub3A_747, %mul3A_750 : vector<16xf32>
        %mul3A_752 = arith.constant 2.100000e+01 : f32
        %mul3A_753 = vector.broadcast %mul3A_752 : f32 to vector<16xf32>
        %mul3A_754 = arith.mulf %mul3A_753, %mul3A_741 : vector<16xf32>
        %sub3A_755 = arith.subf %add3A_751, %mul3A_754 : vector<16xf32>
        %lt3A = arith.constant 1.000000e+00 : f32
        %lt3A_756 = vector.broadcast %lt3A : f32 to vector<16xf32>
        %lt3A_757 = arith.cmpf olt, %mul3A_736, %lt3A_756 : vector<16xf32>
        %mul3A_758 = arith.mulf %sub3A_755, %mul3A_733 : vector<16xf32>
        %jit3A = arith.constant 0.000000e+00 : f32
        %broadcast_in_dim3A = vector.broadcast %jit3A : f32 to vector<16xf32>
        %select_n3A = arith.select %lt3A_757, %mul3A_758, %broadcast_in_dim3A : vector<16xi1>, vector<16xf32>
        %mul3A_759 = arith.constant 16 : i32
        %mul3A_760 = arith.muli %add3A_623, %mul3A_759 : i32
        %swap3A = arith.index_cast %mul3A_760 : i32 to index
        %swap3A_761 = tpu.vector_load %arg13[%swap3A] {strides = array<i32>} : memref<1024xf32, #tpu.memory_space<vmem>>, vector<16xf32>,
        tpu.vector_store %arg13[%swap3A], %select_n3A {strides = array<i32>} : memref<1024xf32, #tpu.memory_space<vmem>>, vector<16xf32>,
        %mul3A_762 = arith.constant 4 : i32
        %mul3A_763 = arith.muli %scan3A_618, %mul3A_762 : i32
        %add3A_764 = arith.constant 1 : i32
        %add3A_765 = arith.addi %mul3A_763, %add3A_764 : i32
        %mul3A_766 = arith.constant 16 : i32
        %mul3A_767 = arith.muli %add3A_765, %mul3A_766 : i32
        %add3A_768 = vector.broadcast %mul3A_767 : i32 to vector<16xi32>
        %add3A_769 = arith.addi %iota3A, %add3A_768 : vector<16xi32>
        %mul3A_770 = arith.constant 0 : i32
        %mul3A_771 = vector.broadcast %mul3A_770 : i32 to vector<16xi32>
        %mul3A_772 = arith.muli %iota3A, %mul3A_771 : vector<16xi32>
        %gather3A_773 = tpu.vector_load_idx %arg9[%add3A_769, %mul3A_772] : memref<1024x8xf32, #tpu.memory_space<vmem>>[vector<16xi32>, vector<16xi32>], vector<16xf32>,
        %add3A_774 = arith.constant 1 : i32
        %add3A_775 = vector.broadcast %add3A_774 : i32 to vector<16xi32>
        %add3A_776 = arith.addi %mul3A_772, %add3A_775 : vector<16xi32>
        %gather3A_777 = tpu.vector_load_idx %arg9[%add3A_769, %add3A_776] : memref<1024x8xf32, #tpu.memory_space<vmem>>[vector<16xi32>, vector<16xi32>], vector<16xf32>,
        %add3A_778 = arith.constant 2 : i32
        %add3A_779 = vector.broadcast %add3A_778 : i32 to vector<16xi32>
        %add3A_780 = arith.addi %mul3A_772, %add3A_779 : vector<16xi32>
        %gather3A_781 = tpu.vector_load_idx %arg9[%add3A_769, %add3A_780] : memref<1024x8xf32, #tpu.memory_space<vmem>>[vector<16xi32>, vector<16xi32>], vector<16xf32>,
        %add3A_782 = arith.constant 3 : i32
        %add3A_783 = vector.broadcast %add3A_782 : i32 to vector<16xi32>
        %add3A_784 = arith.addi %mul3A_772, %add3A_783 : vector<16xi32>
        %gather3A_785 = tpu.vector_load_idx %arg9[%add3A_769, %add3A_784] : memref<1024x8xf32, #tpu.memory_space<vmem>>[vector<16xi32>, vector<16xi32>], vector<16xf32>,
        %add3A_786 = arith.constant 4 : i32
        %add3A_787 = vector.broadcast %add3A_786 : i32 to vector<16xi32>
        %add3A_788 = arith.addi %mul3A_772, %add3A_787 : vector<16xi32>
        %gather3A_789 = tpu.vector_load_idx %arg9[%add3A_769, %add3A_788] : memref<1024x8xf32, #tpu.memory_space<vmem>>[vector<16xi32>, vector<16xi32>], vector<16xf32>,
        %gather3A_790 = tpu.vector_load_idx %arg11[%add3A_769, %mul3A_772] : memref<1024x8xf32, #tpu.memory_space<vmem>>[vector<16xi32>, vector<16xi32>], vector<16xf32>,
        %add3A_791 = arith.constant 1 : i32
        %add3A_792 = vector.broadcast %add3A_791 : i32 to vector<16xi32>
        %add3A_793 = arith.addi %mul3A_772, %add3A_792 : vector<16xi32>
        %gather3A_794 = tpu.vector_load_idx %arg11[%add3A_769, %add3A_793] : memref<1024x8xf32, #tpu.memory_space<vmem>>[vector<16xi32>, vector<16xi32>], vector<16xf32>,
        %add3A_795 = arith.constant 2 : i32
        %add3A_796 = vector.broadcast %add3A_795 : i32 to vector<16xi32>
        %add3A_797 = arith.addi %mul3A_772, %add3A_796 : vector<16xi32>
        %gather3A_798 = tpu.vector_load_idx %arg11[%add3A_769, %add3A_797] : memref<1024x8xf32, #tpu.memory_space<vmem>>[vector<16xi32>, vector<16xi32>], vector<16xf32>,
        %add3A_799 = arith.constant 3 : i32
        %add3A_800 = vector.broadcast %add3A_799 : i32 to vector<16xi32>
        %add3A_801 = arith.addi %mul3A_772, %add3A_800 : vector<16xi32>
        %gather3A_802 = tpu.vector_load_idx %arg11[%add3A_769, %add3A_801] : memref<1024x8xf32, #tpu.memory_space<vmem>>[vector<16xi32>, vector<16xi32>], vector<16xf32>,
        %add3A_803 = arith.constant 4 : i32
        %add3A_804 = vector.broadcast %add3A_803 : i32 to vector<16xi32>
        %add3A_805 = arith.addi %mul3A_772, %add3A_804 : vector<16xi32>
        %gather3A_806 = tpu.vector_load_idx %arg11[%add3A_769, %add3A_805] : memref<1024x8xf32, #tpu.memory_space<vmem>>[vector<16xi32>, vector<16xi32>], vector<16xf32>,
        %sub3A_807 = arith.subf %gather3A_773, %gather3A_790 : vector<16xf32>
        %sub3A_808 = arith.subf %gather3A_777, %gather3A_794 : vector<16xf32>
        %sub3A_809 = arith.subf %gather3A_781, %gather3A_798 : vector<16xf32>
        %mul3A_810 = arith.mulf %sub3A_807, %sub3A_807 : vector<16xf32>
        %mul3A_811 = arith.mulf %sub3A_808, %sub3A_808 : vector<16xf32>
        %add3A_812 = arith.addf %mul3A_810, %mul3A_811 : vector<16xf32>
        %mul3A_813 = arith.mulf %sub3A_809, %sub3A_809 : vector<16xf32>
        %add3A_814 = arith.addf %add3A_812, %mul3A_813 : vector<16xf32>
        %bitcast3A_815 = vector.bitcast %add3A_814 : vector<16xf32> to vector<16xi32>
        %shift_right_arithmetic3A_816 = arith.constant 1 : i32
        %shift_right_arithmetic3A_817 = vector.broadcast %shift_right_arithmetic3A_816 : i32 to vector<16xi32>
        %shift_right_arithmetic3A_818 = arith.shrsi %bitcast3A_815, %shift_right_arithmetic3A_817 : vector<16xi32>
        %sub3A_819 = arith.constant 1597463007 : i32
        %sub3A_820 = vector.broadcast %sub3A_819 : i32 to vector<16xi32>
        %sub3A_821 = arith.subi %sub3A_820, %shift_right_arithmetic3A_818 : vector<16xi32>
        %bitcast3A_822 = vector.bitcast %sub3A_821 : vector<16xi32> to vector<16xf32>
        %mul3A_823 = arith.constant 5.000000e-01 : f32
        %mul3A_824 = vector.broadcast %mul3A_823 : f32 to vector<16xf32>
        %mul3A_825 = arith.mulf %mul3A_824, %add3A_814 : vector<16xf32>
        %mul3A_826 = arith.mulf %mul3A_825, %bitcast3A_822 : vector<16xf32>
        %mul3A_827 = arith.mulf %mul3A_826, %bitcast3A_822 : vector<16xf32>
        %sub3A_828 = arith.constant 1.500000e+00 : f32
        %sub3A_829 = vector.broadcast %sub3A_828 : f32 to vector<16xf32>
        %sub3A_830 = arith.subf %sub3A_829, %mul3A_827 : vector<16xf32>
        %mul3A_831 = arith.mulf %bitcast3A_822, %sub3A_830 : vector<16xf32>
        %mul3A_832 = arith.constant 5.000000e-01 : f32
        %mul3A_833 = vector.broadcast %mul3A_832 : f32 to vector<16xf32>
        %mul3A_834 = arith.mulf %mul3A_833, %add3A_814 : vector<16xf32>
        %mul3A_835 = arith.mulf %mul3A_834, %mul3A_831 : vector<16xf32>
        %mul3A_836 = arith.mulf %mul3A_835, %mul3A_831 : vector<16xf32>
        %sub3A_837 = arith.constant 1.500000e+00 : f32
        %sub3A_838 = vector.broadcast %sub3A_837 : f32 to vector<16xf32>
        %sub3A_839 = arith.subf %sub3A_838, %mul3A_836 : vector<16xf32>
        %mul3A_840 = arith.mulf %mul3A_831, %sub3A_839 : vector<16xf32>
        %mul3A_841 = arith.mulf %add3A_814, %mul3A_840 : vector<16xf32>
        %add3A_842 = arith.addf %gather3A_785, %gather3A_802 : vector<16xf32>
        %mul3A_843 = arith.constant 2.13447165 : f32
        %mul3A_844 = vector.broadcast %mul3A_843 : f32 to vector<16xf32>
        %mul3A_845 = arith.mulf %mul3A_841, %mul3A_844 : vector<16xf32>
        %mul3A_846 = arith.mulf %add3A_842, %mul3A_845 : vector<16xf32>
        %mul3A_847 = arith.constant -2.016200e-01 : f32
        %mul3A_848 = vector.broadcast %mul3A_847 : f32 to vector<16xf32>
        %mul3A_849 = arith.mulf %mul3A_848, %mul3A_846 : vector<16xf32>
        %exp3A_850 = math.exp %mul3A_849 : vector<16xf32>
        %mul3A_851 = arith.constant 2.817000e-02 : f32
        %mul3A_852 = vector.broadcast %mul3A_851 : f32 to vector<16xf32>
        %mul3A_853 = arith.mulf %mul3A_852, %exp3A_850 : vector<16xf32>
        %mul3A_854 = arith.constant -4.029000e-01 : f32
        %mul3A_855 = vector.broadcast %mul3A_854 : f32 to vector<16xf32>
        %mul3A_856 = arith.mulf %mul3A_855, %mul3A_846 : vector<16xf32>
        %exp3A_857 = math.exp %mul3A_856 : vector<16xf32>
        %mul3A_858 = arith.constant 2.802200e-01 : f32
        %mul3A_859 = vector.broadcast %mul3A_858 : f32 to vector<16xf32>
        %mul3A_860 = arith.mulf %mul3A_859, %exp3A_857 : vector<16xf32>
        %add3A_861 = arith.addf %mul3A_853, %mul3A_860 : vector<16xf32>
        %mul3A_862 = arith.constant -9.422900e-01 : f32
        %mul3A_863 = vector.broadcast %mul3A_862 : f32 to vector<16xf32>
        %mul3A_864 = arith.mulf %mul3A_863, %mul3A_846 : vector<16xf32>
        %exp3A_865 = math.exp %mul3A_864 : vector<16xf32>
        %mul3A_866 = arith.constant 5.098600e-01 : f32
        %mul3A_867 = vector.broadcast %mul3A_866 : f32 to vector<16xf32>
        %mul3A_868 = arith.mulf %mul3A_867, %exp3A_865 : vector<16xf32>
        %add3A_869 = arith.addf %add3A_861, %mul3A_868 : vector<16xf32>
        %mul3A_870 = arith.constant -3.199800e+00 : f32
        %mul3A_871 = vector.broadcast %mul3A_870 : f32 to vector<16xf32>
        %mul3A_872 = arith.mulf %mul3A_871, %mul3A_846 : vector<16xf32>
        %exp3A_873 = math.exp %mul3A_872 : vector<16xf32>
        %mul3A_874 = arith.constant 1.817500e-01 : f32
        %mul3A_875 = vector.broadcast %mul3A_874 : f32 to vector<16xf32>
        %mul3A_876 = arith.mulf %mul3A_875, %exp3A_873 : vector<16xf32>
        %add3A_877 = arith.addf %add3A_869, %mul3A_876 : vector<16xf32>
        %mul3A_878 = arith.mulf %gather3A_789, %gather3A_806 : vector<16xf32>
        %mul3A_879 = arith.mulf %mul3A_878, %mul3A_840 : vector<16xf32>
        %mul3A_880 = arith.mulf %mul3A_879, %add3A_877 : vector<16xf32>
        %mul3A_881 = arith.constant 2.000000e-01 : f32
        %mul3A_882 = vector.broadcast %mul3A_881 : f32 to vector<16xf32>
        %mul3A_883 = arith.mulf %mul3A_841, %mul3A_882 : vector<16xf32>
        %mul3A_884 = arith.mulf %mul3A_883, %mul3A_883 : vector<16xf32>
        %mul3A_885 = arith.mulf %mul3A_884, %mul3A_884 : vector<16xf32>
        %mul3A_886 = arith.mulf %mul3A_885, %mul3A_884 : vector<16xf32>
        %mul3A_887 = arith.mulf %mul3A_886, %mul3A_883 : vector<16xf32>
        %mul3A_888 = arith.mulf %mul3A_887, %mul3A_883 : vector<16xf32>
        %mul3A_889 = arith.constant 2.800000e+01 : f32
        %mul3A_890 = vector.broadcast %mul3A_889 : f32 to vector<16xf32>
        %mul3A_891 = arith.mulf %mul3A_890, %mul3A_886 : vector<16xf32>
        %sub3A_892 = arith.constant 1.000000e+00 : f32
        %sub3A_893 = vector.broadcast %sub3A_892 : f32 to vector<16xf32>
        %sub3A_894 = arith.subf %sub3A_893, %mul3A_891 : vector<16xf32>
        %mul3A_895 = arith.constant 4.800000e+01 : f32
        %mul3A_896 = vector.broadcast %mul3A_895 : f32 to vector<16xf32>
        %mul3A_897 = arith.mulf %mul3A_896, %mul3A_887 : vector<16xf32>
        %add3A_898 = arith.addf %sub3A_894, %mul3A_897 : vector<16xf32>
        %mul3A_899 = arith.constant 2.100000e+01 : f32
        %mul3A_900 = vector.broadcast %mul3A_899 : f32 to vector<16xf32>
        %mul3A_901 = arith.mulf %mul3A_900, %mul3A_888 : vector<16xf32>
        %sub3A_902 = arith.subf %add3A_898, %mul3A_901 : vector<16xf32>
        %lt3A_903 = arith.constant 1.000000e+00 : f32
        %lt3A_904 = vector.broadcast %lt3A_903 : f32 to vector<16xf32>
        %lt3A_905 = arith.cmpf olt, %mul3A_883, %lt3A_904 : vector<16xf32>
        %mul3A_906 = arith.mulf %sub3A_902, %mul3A_880 : vector<16xf32>
        %jit3A_907 = arith.constant 0.000000e+00 : f32
        %broadcast_in_dim3A_908 = vector.broadcast %jit3A_907 : f32 to vector<16xf32>
        %select_n3A_909 = arith.select %lt3A_905, %mul3A_906, %broadcast_in_dim3A_908 : vector<16xi1>, vector<16xf32>
        %mul3A_910 = arith.constant 16 : i32
        %mul3A_911 = arith.muli %add3A_765, %mul3A_910 : i32
        %swap3A_912 = arith.index_cast %mul3A_911 : i32 to index
        %swap3A_913 = tpu.vector_load %arg13[%swap3A_912] {strides = array<i32>} : memref<1024xf32, #tpu.memory_space<vmem>>, vector<16xf32>,
        tpu.vector_store %arg13[%swap3A_912], %select_n3A_909 {strides = array<i32>} : memref<1024xf32, #tpu.memory_space<vmem>>, vector<16xf32>,
        %mul3A_914 = arith.constant 4 : i32
        %mul3A_915 = arith.muli %scan3A_618, %mul3A_914 : i32
        %add3A_916 = arith.constant 2 : i32
        %add3A_917 = arith.addi %mul3A_915, %add3A_916 : i32
        %mul3A_918 = arith.constant 16 : i32
        %mul3A_919 = arith.muli %add3A_917, %mul3A_918 : i32
        %add3A_920 = vector.broadcast %mul3A_919 : i32 to vector<16xi32>
        %add3A_921 = arith.addi %iota3A, %add3A_920 : vector<16xi32>
        %mul3A_922 = arith.constant 0 : i32
        %mul3A_923 = vector.broadcast %mul3A_922 : i32 to vector<16xi32>
        %mul3A_924 = arith.muli %iota3A, %mul3A_923 : vector<16xi32>
        %gather3A_925 = tpu.vector_load_idx %arg9[%add3A_921, %mul3A_924] : memref<1024x8xf32, #tpu.memory_space<vmem>>[vector<16xi32>, vector<16xi32>], vector<16xf32>,
        %add3A_926 = arith.constant 1 : i32
        %add3A_927 = vector.broadcast %add3A_926 : i32 to vector<16xi32>
        %add3A_928 = arith.addi %mul3A_924, %add3A_927 : vector<16xi32>
        %gather3A_929 = tpu.vector_load_idx %arg9[%add3A_921, %add3A_928] : memref<1024x8xf32, #tpu.memory_space<vmem>>[vector<16xi32>, vector<16xi32>], vector<16xf32>,
        %add3A_930 = arith.constant 2 : i32
        %add3A_931 = vector.broadcast %add3A_930 : i32 to vector<16xi32>
        %add3A_932 = arith.addi %mul3A_924, %add3A_931 : vector<16xi32>
        %gather3A_933 = tpu.vector_load_idx %arg9[%add3A_921, %add3A_932] : memref<1024x8xf32, #tpu.memory_space<vmem>>[vector<16xi32>, vector<16xi32>], vector<16xf32>,
        %add3A_934 = arith.constant 3 : i32
        %add3A_935 = vector.broadcast %add3A_934 : i32 to vector<16xi32>
        %add3A_936 = arith.addi %mul3A_924, %add3A_935 : vector<16xi32>
        %gather3A_937 = tpu.vector_load_idx %arg9[%add3A_921, %add3A_936] : memref<1024x8xf32, #tpu.memory_space<vmem>>[vector<16xi32>, vector<16xi32>], vector<16xf32>,
        %add3A_938 = arith.constant 4 : i32
        %add3A_939 = vector.broadcast %add3A_938 : i32 to vector<16xi32>
        %add3A_940 = arith.addi %mul3A_924, %add3A_939 : vector<16xi32>
        %gather3A_941 = tpu.vector_load_idx %arg9[%add3A_921, %add3A_940] : memref<1024x8xf32, #tpu.memory_space<vmem>>[vector<16xi32>, vector<16xi32>], vector<16xf32>,
        %gather3A_942 = tpu.vector_load_idx %arg11[%add3A_921, %mul3A_924] : memref<1024x8xf32, #tpu.memory_space<vmem>>[vector<16xi32>, vector<16xi32>], vector<16xf32>,
        %add3A_943 = arith.constant 1 : i32
        %add3A_944 = vector.broadcast %add3A_943 : i32 to vector<16xi32>
        %add3A_945 = arith.addi %mul3A_924, %add3A_944 : vector<16xi32>
        %gather3A_946 = tpu.vector_load_idx %arg11[%add3A_921, %add3A_945] : memref<1024x8xf32, #tpu.memory_space<vmem>>[vector<16xi32>, vector<16xi32>], vector<16xf32>,
        %add3A_947 = arith.constant 2 : i32
        %add3A_948 = vector.broadcast %add3A_947 : i32 to vector<16xi32>
        %add3A_949 = arith.addi %mul3A_924, %add3A_948 : vector<16xi32>
        %gather3A_950 = tpu.vector_load_idx %arg11[%add3A_921, %add3A_949] : memref<1024x8xf32, #tpu.memory_space<vmem>>[vector<16xi32>, vector<16xi32>], vector<16xf32>,
        %add3A_951 = arith.constant 3 : i32
        %add3A_952 = vector.broadcast %add3A_951 : i32 to vector<16xi32>
        %add3A_953 = arith.addi %mul3A_924, %add3A_952 : vector<16xi32>
        %gather3A_954 = tpu.vector_load_idx %arg11[%add3A_921, %add3A_953] : memref<1024x8xf32, #tpu.memory_space<vmem>>[vector<16xi32>, vector<16xi32>], vector<16xf32>,
        %add3A_955 = arith.constant 4 : i32
        %add3A_956 = vector.broadcast %add3A_955 : i32 to vector<16xi32>
        %add3A_957 = arith.addi %mul3A_924, %add3A_956 : vector<16xi32>
        %gather3A_958 = tpu.vector_load_idx %arg11[%add3A_921, %add3A_957] : memref<1024x8xf32, #tpu.memory_space<vmem>>[vector<16xi32>, vector<16xi32>], vector<16xf32>,
        %sub3A_959 = arith.subf %gather3A_925, %gather3A_942 : vector<16xf32>
        %sub3A_960 = arith.subf %gather3A_929, %gather3A_946 : vector<16xf32>
        %sub3A_961 = arith.subf %gather3A_933, %gather3A_950 : vector<16xf32>
        %mul3A_962 = arith.mulf %sub3A_959, %sub3A_959 : vector<16xf32>
        %mul3A_963 = arith.mulf %sub3A_960, %sub3A_960 : vector<16xf32>
        %add3A_964 = arith.addf %mul3A_962, %mul3A_963 : vector<16xf32>
        %mul3A_965 = arith.mulf %sub3A_961, %sub3A_961 : vector<16xf32>
        %add3A_966 = arith.addf %add3A_964, %mul3A_965 : vector<16xf32>
        %bitcast3A_967 = vector.bitcast %add3A_966 : vector<16xf32> to vector<16xi32>
        %shift_right_arithmetic3A_968 = arith.constant 1 : i32
        %shift_right_arithmetic3A_969 = vector.broadcast %shift_right_arithmetic3A_968 : i32 to vector<16xi32>
        %shift_right_arithmetic3A_970 = arith.shrsi %bitcast3A_967, %shift_right_arithmetic3A_969 : vector<16xi32>
        %sub3A_971 = arith.constant 1597463007 : i32
        %sub3A_972 = vector.broadcast %sub3A_971 : i32 to vector<16xi32>
        %sub3A_973 = arith.subi %sub3A_972, %shift_right_arithmetic3A_970 : vector<16xi32>
        %bitcast3A_974 = vector.bitcast %sub3A_973 : vector<16xi32> to vector<16xf32>
        %mul3A_975 = arith.constant 5.000000e-01 : f32
        %mul3A_976 = vector.broadcast %mul3A_975 : f32 to vector<16xf32>
        %mul3A_977 = arith.mulf %mul3A_976, %add3A_966 : vector<16xf32>
        %mul3A_978 = arith.mulf %mul3A_977, %bitcast3A_974 : vector<16xf32>
        %mul3A_979 = arith.mulf %mul3A_978, %bitcast3A_974 : vector<16xf32>
        %sub3A_980 = arith.constant 1.500000e+00 : f32
        %sub3A_981 = vector.broadcast %sub3A_980 : f32 to vector<16xf32>
        %sub3A_982 = arith.subf %sub3A_981, %mul3A_979 : vector<16xf32>
        %mul3A_983 = arith.mulf %bitcast3A_974, %sub3A_982 : vector<16xf32>
        %mul3A_984 = arith.constant 5.000000e-01 : f32
        %mul3A_985 = vector.broadcast %mul3A_984 : f32 to vector<16xf32>
        %mul3A_986 = arith.mulf %mul3A_985, %add3A_966 : vector<16xf32>
        %mul3A_987 = arith.mulf %mul3A_986, %mul3A_983 : vector<16xf32>
        %mul3A_988 = arith.mulf %mul3A_987, %mul3A_983 : vector<16xf32>
        %sub3A_989 = arith.constant 1.500000e+00 : f32
        %sub3A_990 = vector.broadcast %sub3A_989 : f32 to vector<16xf32>
        %sub3A_991 = arith.subf %sub3A_990, %mul3A_988 : vector<16xf32>
        %mul3A_992 = arith.mulf %mul3A_983, %sub3A_991 : vector<16xf32>
        %mul3A_993 = arith.mulf %add3A_966, %mul3A_992 : vector<16xf32>
        %add3A_994 = arith.addf %gather3A_937, %gather3A_954 : vector<16xf32>
        %mul3A_995 = arith.constant 2.13447165 : f32
        %mul3A_996 = vector.broadcast %mul3A_995 : f32 to vector<16xf32>
        %mul3A_997 = arith.mulf %mul3A_993, %mul3A_996 : vector<16xf32>
        %mul3A_998 = arith.mulf %add3A_994, %mul3A_997 : vector<16xf32>
        %mul3A_999 = arith.constant -2.016200e-01 : f32
        %mul3A_1000 = vector.broadcast %mul3A_999 : f32 to vector<16xf32>
        %mul3A_1001 = arith.mulf %mul3A_1000, %mul3A_998 : vector<16xf32>
        %exp3A_1002 = math.exp %mul3A_1001 : vector<16xf32>
        %mul3A_1003 = arith.constant 2.817000e-02 : f32
        %mul3A_1004 = vector.broadcast %mul3A_1003 : f32 to vector<16xf32>
        %mul3A_1005 = arith.mulf %mul3A_1004, %exp3A_1002 : vector<16xf32>
        %mul3A_1006 = arith.constant -4.029000e-01 : f32
        %mul3A_1007 = vector.broadcast %mul3A_1006 : f32 to vector<16xf32>
        %mul3A_1008 = arith.mulf %mul3A_1007, %mul3A_998 : vector<16xf32>
        %exp3A_1009 = math.exp %mul3A_1008 : vector<16xf32>
        %mul3A_1010 = arith.constant 2.802200e-01 : f32
        %mul3A_1011 = vector.broadcast %mul3A_1010 : f32 to vector<16xf32>
        %mul3A_1012 = arith.mulf %mul3A_1011, %exp3A_1009 : vector<16xf32>
        %add3A_1013 = arith.addf %mul3A_1005, %mul3A_1012 : vector<16xf32>
        %mul3A_1014 = arith.constant -9.422900e-01 : f32
        %mul3A_1015 = vector.broadcast %mul3A_1014 : f32 to vector<16xf32>
        %mul3A_1016 = arith.mulf %mul3A_1015, %mul3A_998 : vector<16xf32>
        %exp3A_1017 = math.exp %mul3A_1016 : vector<16xf32>
        %mul3A_1018 = arith.constant 5.098600e-01 : f32
        %mul3A_1019 = vector.broadcast %mul3A_1018 : f32 to vector<16xf32>
        %mul3A_1020 = arith.mulf %mul3A_1019, %exp3A_1017 : vector<16xf32>
        %add3A_1021 = arith.addf %add3A_1013, %mul3A_1020 : vector<16xf32>
        %mul3A_1022 = arith.constant -3.199800e+00 : f32
        %mul3A_1023 = vector.broadcast %mul3A_1022 : f32 to vector<16xf32>
        %mul3A_1024 = arith.mulf %mul3A_1023, %mul3A_998 : vector<16xf32>
        %exp3A_1025 = math.exp %mul3A_1024 : vector<16xf32>
        %mul3A_1026 = arith.constant 1.817500e-01 : f32
        %mul3A_1027 = vector.broadcast %mul3A_1026 : f32 to vector<16xf32>
        %mul3A_1028 = arith.mulf %mul3A_1027, %exp3A_1025 : vector<16xf32>
        %add3A_1029 = arith.addf %add3A_1021, %mul3A_1028 : vector<16xf32>
        %mul3A_1030 = arith.mulf %gather3A_941, %gather3A_958 : vector<16xf32>
        %mul3A_1031 = arith.mulf %mul3A_1030, %mul3A_992 : vector<16xf32>
        %mul3A_1032 = arith.mulf %mul3A_1031, %add3A_1029 : vector<16xf32>
        %mul3A_1033 = arith.constant 2.000000e-01 : f32
        %mul3A_1034 = vector.broadcast %mul3A_1033 : f32 to vector<16xf32>
        %mul3A_1035 = arith.mulf %mul3A_993, %mul3A_1034 : vector<16xf32>
        %mul3A_1036 = arith.mulf %mul3A_1035, %mul3A_1035 : vector<16xf32>
        %mul3A_1037 = arith.mulf %mul3A_1036, %mul3A_1036 : vector<16xf32>
        %mul3A_1038 = arith.mulf %mul3A_1037, %mul3A_1036 : vector<16xf32>
        %mul3A_1039 = arith.mulf %mul3A_1038, %mul3A_1035 : vector<16xf32>
        %mul3A_1040 = arith.mulf %mul3A_1039, %mul3A_1035 : vector<16xf32>
        %mul3A_1041 = arith.constant 2.800000e+01 : f32
        %mul3A_1042 = vector.broadcast %mul3A_1041 : f32 to vector<16xf32>
        %mul3A_1043 = arith.mulf %mul3A_1042, %mul3A_1038 : vector<16xf32>
        %sub3A_1044 = arith.constant 1.000000e+00 : f32
        %sub3A_1045 = vector.broadcast %sub3A_1044 : f32 to vector<16xf32>
        %sub3A_1046 = arith.subf %sub3A_1045, %mul3A_1043 : vector<16xf32>
        %mul3A_1047 = arith.constant 4.800000e+01 : f32
        %mul3A_1048 = vector.broadcast %mul3A_1047 : f32 to vector<16xf32>
        %mul3A_1049 = arith.mulf %mul3A_1048, %mul3A_1039 : vector<16xf32>
        %add3A_1050 = arith.addf %sub3A_1046, %mul3A_1049 : vector<16xf32>
        %mul3A_1051 = arith.constant 2.100000e+01 : f32
        %mul3A_1052 = vector.broadcast %mul3A_1051 : f32 to vector<16xf32>
        %mul3A_1053 = arith.mulf %mul3A_1052, %mul3A_1040 : vector<16xf32>
        %sub3A_1054 = arith.subf %add3A_1050, %mul3A_1053 : vector<16xf32>
        %lt3A_1055 = arith.constant 1.000000e+00 : f32
        %lt3A_1056 = vector.broadcast %lt3A_1055 : f32 to vector<16xf32>
        %lt3A_1057 = arith.cmpf olt, %mul3A_1035, %lt3A_1056 : vector<16xf32>
        %mul3A_1058 = arith.mulf %sub3A_1054, %mul3A_1032 : vector<16xf32>
        %jit3A_1059 = arith.constant 0.000000e+00 : f32
        %broadcast_in_dim3A_1060 = vector.broadcast %jit3A_1059 : f32 to vector<16xf32>
        %select_n3A_1061 = arith.select %lt3A_1057, %mul3A_1058, %broadcast_in_dim3A_1060 : vector<16xi1>, vector<16xf32>
        %mul3A_1062 = arith.constant 16 : i32
        %mul3A_1063 = arith.muli %add3A_917, %mul3A_1062 : i32
        %swap3A_1064 = arith.index_cast %mul3A_1063 : i32 to index
        %swap3A_1065 = tpu.vector_load %arg13[%swap3A_1064] {strides = array<i32>} : memref<1024xf32, #tpu.memory_space<vmem>>, vector<16xf32>,
        tpu.vector_store %arg13[%swap3A_1064], %select_n3A_1061 {strides = array<i32>} : memref<1024xf32, #tpu.memory_space<vmem>>, vector<16xf32>,
        %mul3A_1066 = arith.constant 4 : i32
        %mul3A_1067 = arith.muli %scan3A_618, %mul3A_1066 : i32
        %add3A_1068 = arith.constant 3 : i32
        %add3A_1069 = arith.addi %mul3A_1067, %add3A_1068 : i32
        %mul3A_1070 = arith.constant 16 : i32
        %mul3A_1071 = arith.muli %add3A_1069, %mul3A_1070 : i32
        %add3A_1072 = vector.broadcast %mul3A_1071 : i32 to vector<16xi32>
        %add3A_1073 = arith.addi %iota3A, %add3A_1072 : vector<16xi32>
        %mul3A_1074 = arith.constant 0 : i32
        %mul3A_1075 = vector.broadcast %mul3A_1074 : i32 to vector<16xi32>
        %mul3A_1076 = arith.muli %iota3A, %mul3A_1075 : vector<16xi32>
        %gather3A_1077 = tpu.vector_load_idx %arg9[%add3A_1073, %mul3A_1076] : memref<1024x8xf32, #tpu.memory_space<vmem>>[vector<16xi32>, vector<16xi32>], vector<16xf32>,
        %add3A_1078 = arith.constant 1 : i32
        %add3A_1079 = vector.broadcast %add3A_1078 : i32 to vector<16xi32>
        %add3A_1080 = arith.addi %mul3A_1076, %add3A_1079 : vector<16xi32>
        %gather3A_1081 = tpu.vector_load_idx %arg9[%add3A_1073, %add3A_1080] : memref<1024x8xf32, #tpu.memory_space<vmem>>[vector<16xi32>, vector<16xi32>], vector<16xf32>,
        %add3A_1082 = arith.constant 2 : i32
        %add3A_1083 = vector.broadcast %add3A_1082 : i32 to vector<16xi32>
        %add3A_1084 = arith.addi %mul3A_1076, %add3A_1083 : vector<16xi32>
        %gather3A_1085 = tpu.vector_load_idx %arg9[%add3A_1073, %add3A_1084] : memref<1024x8xf32, #tpu.memory_space<vmem>>[vector<16xi32>, vector<16xi32>], vector<16xf32>,
        %add3A_1086 = arith.constant 3 : i32
        %add3A_1087 = vector.broadcast %add3A_1086 : i32 to vector<16xi32>
        %add3A_1088 = arith.addi %mul3A_1076, %add3A_1087 : vector<16xi32>
        %gather3A_1089 = tpu.vector_load_idx %arg9[%add3A_1073, %add3A_1088] : memref<1024x8xf32, #tpu.memory_space<vmem>>[vector<16xi32>, vector<16xi32>], vector<16xf32>,
        %add3A_1090 = arith.constant 4 : i32
        %add3A_1091 = vector.broadcast %add3A_1090 : i32 to vector<16xi32>
        %add3A_1092 = arith.addi %mul3A_1076, %add3A_1091 : vector<16xi32>
        %gather3A_1093 = tpu.vector_load_idx %arg9[%add3A_1073, %add3A_1092] : memref<1024x8xf32, #tpu.memory_space<vmem>>[vector<16xi32>, vector<16xi32>], vector<16xf32>,
        %gather3A_1094 = tpu.vector_load_idx %arg11[%add3A_1073, %mul3A_1076] : memref<1024x8xf32, #tpu.memory_space<vmem>>[vector<16xi32>, vector<16xi32>], vector<16xf32>,
        %add3A_1095 = arith.constant 1 : i32
        %add3A_1096 = vector.broadcast %add3A_1095 : i32 to vector<16xi32>
        %add3A_1097 = arith.addi %mul3A_1076, %add3A_1096 : vector<16xi32>
        %gather3A_1098 = tpu.vector_load_idx %arg11[%add3A_1073, %add3A_1097] : memref<1024x8xf32, #tpu.memory_space<vmem>>[vector<16xi32>, vector<16xi32>], vector<16xf32>,
        %add3A_1099 = arith.constant 2 : i32
        %add3A_1100 = vector.broadcast %add3A_1099 : i32 to vector<16xi32>
        %add3A_1101 = arith.addi %mul3A_1076, %add3A_1100 : vector<16xi32>
        %gather3A_1102 = tpu.vector_load_idx %arg11[%add3A_1073, %add3A_1101] : memref<1024x8xf32, #tpu.memory_space<vmem>>[vector<16xi32>, vector<16xi32>], vector<16xf32>,
        %add3A_1103 = arith.constant 3 : i32
        %add3A_1104 = vector.broadcast %add3A_1103 : i32 to vector<16xi32>
        %add3A_1105 = arith.addi %mul3A_1076, %add3A_1104 : vector<16xi32>
        %gather3A_1106 = tpu.vector_load_idx %arg11[%add3A_1073, %add3A_1105] : memref<1024x8xf32, #tpu.memory_space<vmem>>[vector<16xi32>, vector<16xi32>], vector<16xf32>,
        %add3A_1107 = arith.constant 4 : i32
        %add3A_1108 = vector.broadcast %add3A_1107 : i32 to vector<16xi32>
        %add3A_1109 = arith.addi %mul3A_1076, %add3A_1108 : vector<16xi32>
        %gather3A_1110 = tpu.vector_load_idx %arg11[%add3A_1073, %add3A_1109] : memref<1024x8xf32, #tpu.memory_space<vmem>>[vector<16xi32>, vector<16xi32>], vector<16xf32>,
        %sub3A_1111 = arith.subf %gather3A_1077, %gather3A_1094 : vector<16xf32>
        %sub3A_1112 = arith.subf %gather3A_1081, %gather3A_1098 : vector<16xf32>
        %sub3A_1113 = arith.subf %gather3A_1085, %gather3A_1102 : vector<16xf32>
        %mul3A_1114 = arith.mulf %sub3A_1111, %sub3A_1111 : vector<16xf32>
        %mul3A_1115 = arith.mulf %sub3A_1112, %sub3A_1112 : vector<16xf32>
        %add3A_1116 = arith.addf %mul3A_1114, %mul3A_1115 : vector<16xf32>
        %mul3A_1117 = arith.mulf %sub3A_1113, %sub3A_1113 : vector<16xf32>
        %add3A_1118 = arith.addf %add3A_1116, %mul3A_1117 : vector<16xf32>
        %bitcast3A_1119 = vector.bitcast %add3A_1118 : vector<16xf32> to vector<16xi32>
        %shift_right_arithmetic3A_1120 = arith.constant 1 : i32
        %shift_right_arithmetic3A_1121 = vector.broadcast %shift_right_arithmetic3A_1120 : i32 to vector<16xi32>
        %shift_right_arithmetic3A_1122 = arith.shrsi %bitcast3A_1119, %shift_right_arithmetic3A_1121 : vector<16xi32>
        %sub3A_1123 = arith.constant 1597463007 : i32
        %sub3A_1124 = vector.broadcast %sub3A_1123 : i32 to vector<16xi32>
        %sub3A_1125 = arith.subi %sub3A_1124, %shift_right_arithmetic3A_1122 : vector<16xi32>
        %bitcast3A_1126 = vector.bitcast %sub3A_1125 : vector<16xi32> to vector<16xf32>
        %mul3A_1127 = arith.constant 5.000000e-01 : f32
        %mul3A_1128 = vector.broadcast %mul3A_1127 : f32 to vector<16xf32>
        %mul3A_1129 = arith.mulf %mul3A_1128, %add3A_1118 : vector<16xf32>
        %mul3A_1130 = arith.mulf %mul3A_1129, %bitcast3A_1126 : vector<16xf32>
        %mul3A_1131 = arith.mulf %mul3A_1130, %bitcast3A_1126 : vector<16xf32>
        %sub3A_1132 = arith.constant 1.500000e+00 : f32
        %sub3A_1133 = vector.broadcast %sub3A_1132 : f32 to vector<16xf32>
        %sub3A_1134 = arith.subf %sub3A_1133, %mul3A_1131 : vector<16xf32>
        %mul3A_1135 = arith.mulf %bitcast3A_1126, %sub3A_1134 : vector<16xf32>
        %mul3A_1136 = arith.constant 5.000000e-01 : f32
        %mul3A_1137 = vector.broadcast %mul3A_1136 : f32 to vector<16xf32>
        %mul3A_1138 = arith.mulf %mul3A_1137, %add3A_1118 : vector<16xf32>
        %mul3A_1139 = arith.mulf %mul3A_1138, %mul3A_1135 : vector<16xf32>
        %mul3A_1140 = arith.mulf %mul3A_1139, %mul3A_1135 : vector<16xf32>
        %sub3A_1141 = arith.constant 1.500000e+00 : f32
        %sub3A_1142 = vector.broadcast %sub3A_1141 : f32 to vector<16xf32>
        %sub3A_1143 = arith.subf %sub3A_1142, %mul3A_1140 : vector<16xf32>
        %mul3A_1144 = arith.mulf %mul3A_1135, %sub3A_1143 : vector<16xf32>
        %mul3A_1145 = arith.mulf %add3A_1118, %mul3A_1144 : vector<16xf32>
        %add3A_1146 = arith.addf %gather3A_1089, %gather3A_1106 : vector<16xf32>
        %mul3A_1147 = arith.constant 2.13447165 : f32
        %mul3A_1148 = vector.broadcast %mul3A_1147 : f32 to vector<16xf32>
        %mul3A_1149 = arith.mulf %mul3A_1145, %mul3A_1148 : vector<16xf32>
        %mul3A_1150 = arith.mulf %add3A_1146, %mul3A_1149 : vector<16xf32>
        %mul3A_1151 = arith.constant -2.016200e-01 : f32
        %mul3A_1152 = vector.broadcast %mul3A_1151 : f32 to vector<16xf32>
        %mul3A_1153 = arith.mulf %mul3A_1152, %mul3A_1150 : vector<16xf32>
        %exp3A_1154 = math.exp %mul3A_1153 : vector<16xf32>
        %mul3A_1155 = arith.constant 2.817000e-02 : f32
        %mul3A_1156 = vector.broadcast %mul3A_1155 : f32 to vector<16xf32>
        %mul3A_1157 = arith.mulf %mul3A_1156, %exp3A_1154 : vector<16xf32>
        %mul3A_1158 = arith.constant -4.029000e-01 : f32
        %mul3A_1159 = vector.broadcast %mul3A_1158 : f32 to vector<16xf32>
        %mul3A_1160 = arith.mulf %mul3A_1159, %mul3A_1150 : vector<16xf32>
        %exp3A_1161 = math.exp %mul3A_1160 : vector<16xf32>
        %mul3A_1162 = arith.constant 2.802200e-01 : f32
        %mul3A_1163 = vector.broadcast %mul3A_1162 : f32 to vector<16xf32>
        %mul3A_1164 = arith.mulf %mul3A_1163, %exp3A_1161 : vector<16xf32>
        %add3A_1165 = arith.addf %mul3A_1157, %mul3A_1164 : vector<16xf32>
        %mul3A_1166 = arith.constant -9.422900e-01 : f32
        %mul3A_1167 = vector.broadcast %mul3A_1166 : f32 to vector<16xf32>
        %mul3A_1168 = arith.mulf %mul3A_1167, %mul3A_1150 : vector<16xf32>
        %exp3A_1169 = math.exp %mul3A_1168 : vector<16xf32>
        %mul3A_1170 = arith.constant 5.098600e-01 : f32
        %mul3A_1171 = vector.broadcast %mul3A_1170 : f32 to vector<16xf32>
        %mul3A_1172 = arith.mulf %mul3A_1171, %exp3A_1169 : vector<16xf32>
        %add3A_1173 = arith.addf %add3A_1165, %mul3A_1172 : vector<16xf32>
        %mul3A_1174 = arith.constant -3.199800e+00 : f32
        %mul3A_1175 = vector.broadcast %mul3A_1174 : f32 to vector<16xf32>
        %mul3A_1176 = arith.mulf %mul3A_1175, %mul3A_1150 : vector<16xf32>
        %exp3A_1177 = math.exp %mul3A_1176 : vector<16xf32>
        %mul3A_1178 = arith.constant 1.817500e-01 : f32
        %mul3A_1179 = vector.broadcast %mul3A_1178 : f32 to vector<16xf32>
        %mul3A_1180 = arith.mulf %mul3A_1179, %exp3A_1177 : vector<16xf32>
        %add3A_1181 = arith.addf %add3A_1173, %mul3A_1180 : vector<16xf32>
        %mul3A_1182 = arith.mulf %gather3A_1093, %gather3A_1110 : vector<16xf32>
        %mul3A_1183 = arith.mulf %mul3A_1182, %mul3A_1144 : vector<16xf32>
        %mul3A_1184 = arith.mulf %mul3A_1183, %add3A_1181 : vector<16xf32>
        %mul3A_1185 = arith.constant 2.000000e-01 : f32
        %mul3A_1186 = vector.broadcast %mul3A_1185 : f32 to vector<16xf32>
        %mul3A_1187 = arith.mulf %mul3A_1145, %mul3A_1186 : vector<16xf32>
        %mul3A_1188 = arith.mulf %mul3A_1187, %mul3A_1187 : vector<16xf32>
        %mul3A_1189 = arith.mulf %mul3A_1188, %mul3A_1188 : vector<16xf32>
        %mul3A_1190 = arith.mulf %mul3A_1189, %mul3A_1188 : vector<16xf32>
        %mul3A_1191 = arith.mulf %mul3A_1190, %mul3A_1187 : vector<16xf32>
        %mul3A_1192 = arith.mulf %mul3A_1191, %mul3A_1187 : vector<16xf32>
        %mul3A_1193 = arith.constant 2.800000e+01 : f32
        %mul3A_1194 = vector.broadcast %mul3A_1193 : f32 to vector<16xf32>
        %mul3A_1195 = arith.mulf %mul3A_1194, %mul3A_1190 : vector<16xf32>
        %sub3A_1196 = arith.constant 1.000000e+00 : f32
        %sub3A_1197 = vector.broadcast %sub3A_1196 : f32 to vector<16xf32>
        %sub3A_1198 = arith.subf %sub3A_1197, %mul3A_1195 : vector<16xf32>
        %mul3A_1199 = arith.constant 4.800000e+01 : f32
        %mul3A_1200 = vector.broadcast %mul3A_1199 : f32 to vector<16xf32>
        %mul3A_1201 = arith.mulf %mul3A_1200, %mul3A_1191 : vector<16xf32>
        %add3A_1202 = arith.addf %sub3A_1198, %mul3A_1201 : vector<16xf32>
        %mul3A_1203 = arith.constant 2.100000e+01 : f32
        %mul3A_1204 = vector.broadcast %mul3A_1203 : f32 to vector<16xf32>
        %mul3A_1205 = arith.mulf %mul3A_1204, %mul3A_1192 : vector<16xf32>
        %sub3A_1206 = arith.subf %add3A_1202, %mul3A_1205 : vector<16xf32>
        %lt3A_1207 = arith.constant 1.000000e+00 : f32
        %lt3A_1208 = vector.broadcast %lt3A_1207 : f32 to vector<16xf32>
        %lt3A_1209 = arith.cmpf olt, %mul3A_1187, %lt3A_1208 : vector<16xf32>
        %mul3A_1210 = arith.mulf %sub3A_1206, %mul3A_1184 : vector<16xf32>
        %jit3A_1211 = arith.constant 0.000000e+00 : f32
        %broadcast_in_dim3A_1212 = vector.broadcast %jit3A_1211 : f32 to vector<16xf32>
        %select_n3A_1213 = arith.select %lt3A_1209, %mul3A_1210, %broadcast_in_dim3A_1212 : vector<16xi1>, vector<16xf32>
        %mul3A_1214 = arith.constant 16 : i32
        %mul3A_1215 = arith.muli %add3A_1069, %mul3A_1214 : i32
        %swap3A_1216 = arith.index_cast %mul3A_1215 : i32 to index
        %swap3A_1217 = tpu.vector_load %arg13[%swap3A_1216] {strides = array<i32>} : memref<1024xf32, #tpu.memory_space<vmem>>, vector<16xf32>,
        tpu.vector_store %arg13[%swap3A_1216], %select_n3A_1213 {strides = array<i32>} : memref<1024xf32, #tpu.memory_space<vmem>>, vector<16xf32>,
        %scan3A_1218 = arith.constant 0 : i32
        scf.yield %scan3A_1218 : i32
      }
      %scan3A_464 = arith.constant 16 : i32
      %scan3A_465 = arith.constant 0 : i32
      %scan3A_466 = arith.constant 0 : i32
      %scan3A_467 = arith.constant 32 : i32
      %scan3A_468 = arith.addi %scan3A_466, %scan3A_467 : i32
      %scan3A_469 = arith.constant 1 : i32
      %scan3A_470 = scf.for %scan3A_618 = %scan3A_466 to %scan3A_468 step %scan3A_469 iter_args(%scan3A_619 = %scan3A_465) -> (i32)  : i32 {
        %mul3A_620 = arith.constant 16 : i32
        %mul3A_621 = arith.muli %scan3A_618, %mul3A_620 : i32
        %add3A_622 = arith.constant 0 : i32
        %add3A_623 = arith.addi %add3A_622, %mul3A_621 : i32
        %get3A = arith.index_cast %add3A_623 : i32 to index
        %get3A_624 = tpu.vector_load %arg5[%get3A] {strides = array<i32>} : memref<1024xi32, #tpu.memory_space<vmem>>, vector<16xi32>,
        %mul3A_625 = arith.constant 16 : i32
        %mul3A_626 = arith.muli %scan3A_618, %mul3A_625 : i32
        %swap3A = arith.index_cast %mul3A_626 : i32 to index
        %swap3A_627 = tpu.vector_load %arg15[%swap3A] {strides = array<i32>} : memref<512xi32, #tpu.memory_space<vmem>>, vector<16xi32>,
        tpu.vector_store %arg15[%swap3A], %get3A_624 {strides = array<i32>} : memref<512xi32, #tpu.memory_space<vmem>>, vector<16xi32>,
        %mul3A_628 = arith.constant 16 : i32
        %mul3A_629 = arith.muli %scan3A_618, %mul3A_628 : i32
        %add3A_630 = arith.constant 512 : i32
        %add3A_631 = arith.addi %add3A_630, %mul3A_629 : i32
        %get3A_632 = arith.index_cast %add3A_631 : i32 to index
        %get3A_633 = tpu.vector_load %arg5[%get3A_632] {strides = array<i32>} : memref<1024xi32, #tpu.memory_space<vmem>>, vector<16xi32>,
        %mul3A_634 = arith.constant 16 : i32
        %mul3A_635 = arith.muli %scan3A_618, %mul3A_634 : i32
        %swap3A_636 = arith.index_cast %mul3A_635 : i32 to index
        %swap3A_637 = tpu.vector_load %arg16[%swap3A_636] {strides = array<i32>} : memref<512xi32, #tpu.memory_space<vmem>>, vector<16xi32>,
        tpu.vector_store %arg16[%swap3A_636], %get3A_633 {strides = array<i32>} : memref<512xi32, #tpu.memory_space<vmem>>, vector<16xi32>,
        %scan3A_638 = arith.constant 0 : i32
        scf.yield %scan3A_638 : i32
      }
      %scan3A_471 = arith.constant 32 : i32
      %dma_start3A_472 = arith.constant 0 : i32
      %dma_start3A_473 = tpu.memref_slice %arg13[%dma_start3A_472] : memref<1024xf32, #tpu.memory_space<vmem>> -> memref<512xf32, #tpu.memory_space<vmem>>
      %dma_start3A_474 = arith.constant 0 : i32
      %dma_start3A_475 = tpu.memref_slice %arg21[%dma_start3A_474] : memref<100096xf32, #tpu.memory_space<vmem_shared>> -> memref<100096xf32, #tpu.memory_space<vmem_shared>>
      tpu.enqueue_indirect_dma source(%dma_start3A_473 : memref<512xf32, #tpu.memory_space<vmem>>) target(%dma_start3A_475 : memref<100096xf32, #tpu.memory_space<vmem_shared>>) offsets(%arg15 : memref<512xi32, #tpu.memory_space<vmem>>) semaphore(%arg26 : memref<!tpu.dma_semaphore, #tpu.memory_space<semaphore_mem>>) {add = true}
      %dma_start3A_476 = arith.constant 512 : i32
      %dma_start3A_477 = tpu.memref_slice %arg13[%dma_start3A_476] : memref<1024xf32, #tpu.memory_space<vmem>> -> memref<512xf32, #tpu.memory_space<vmem>>
      %dma_start3A_478 = arith.constant 0 : i32
      %dma_start3A_479 = tpu.memref_slice %arg21[%dma_start3A_478] : memref<100096xf32, #tpu.memory_space<vmem_shared>> -> memref<100096xf32, #tpu.memory_space<vmem_shared>>
      tpu.enqueue_indirect_dma source(%dma_start3A_477 : memref<512xf32, #tpu.memory_space<vmem>>) target(%dma_start3A_479 : memref<100096xf32, #tpu.memory_space<vmem_shared>>) offsets(%arg16 : memref<512xi32, #tpu.memory_space<vmem>>) semaphore(%arg26 : memref<!tpu.dma_semaphore, #tpu.memory_space<semaphore_mem>>) {add = true}
      %add3A_480 = arith.constant 2 : i32
      %add3A_481 = arith.addi %mul3A_372, %add3A_480 : i32
      %mul3A_482 = arith.constant 32 : i32
      %mul3A_483 = arith.muli %add3A_481, %mul3A_482 : i32
      %add3A_484 = arith.addi %add3A, %mul3A_483 : i32
      %mul3A_485 = arith.constant 1024 : i32
      %mul3A_486 = arith.muli %add3A_484, %mul3A_485 : i32
      %add3A_487 = arith.constant 6488064 : i32
      %add3A_488 = arith.addi %add3A_487, %mul3A_486 : i32
      %dma_start3A_489 = tpu.memref_slice %arg3[%mul3A_486] : memref<12976128xi32, #tpu.memory_space<hbm>> -> memref<1024xi32, #tpu.memory_space<hbm>>
      %dma_start3A_490 = tpu.memref_slice %arg3[%mul3A_486] : memref<12976128xi32, #tpu.memory_space<hbm>> -> memref<1024xi32, #tpu.memory_space<hbm>>
      tpu.enqueue_dma source(%dma_start3A_490 : memref<1024xi32, #tpu.memory_space<hbm>>) target(%arg5 : memref<1024xi32, #tpu.memory_space<vmem>>) target_semaphore(%arg22 : memref<!tpu.dma_semaphore, #tpu.memory_space<semaphore_mem>>)
      %dma_start3A_491 = tpu.memref_slice %arg3[%add3A_488] : memref<12976128xi32, #tpu.memory_space<hbm>> -> memref<1024xi32, #tpu.memory_space<hbm>>
      %dma_start3A_492 = tpu.memref_slice %arg3[%add3A_488] : memref<12976128xi32, #tpu.memory_space<hbm>> -> memref<1024xi32, #tpu.memory_space<hbm>>
      tpu.enqueue_dma source(%dma_start3A_492 : memref<1024xi32, #tpu.memory_space<hbm>>) target(%arg7 : memref<1024xi32, #tpu.memory_space<vmem>>) target_semaphore(%arg22 : memref<!tpu.dma_semaphore, #tpu.memory_space<semaphore_mem>>)
      %mul3A_493 = arith.constant 2 : i32
      %mul3A_494 = arith.muli %mul3A_493, %scan3A_369 : i32
      %add3A_495 = arith.constant 1 : i32
      %add3A_496 = arith.addi %mul3A_494, %add3A_495 : i32
      %dma_wait3A_497 = arith.constant 0 : i32
      %dma_wait3A_498 = arith.constant 0 : i32
      %dma_wait3A_499 = tpu.memref_slice %arg10[%dma_wait3A_497, %dma_wait3A_498] : memref<1024x8xf32, #tpu.memory_space<vmem>> -> memref<512x8xf32, #tpu.memory_space<vmem>>
      %dma_wait3A_500 = arith.constant 0 : i32
      %dma_wait3A_501 = tpu.memref_slice %arg6[%dma_wait3A_500] : memref<1024xi32, #tpu.memory_space<vmem>> -> memref<512xi32, #tpu.memory_space<vmem>>
      %dma_wait3A_502 = arith.constant 0 : i32
      %dma_wait3A_503 = arith.constant 0 : i32
      %dma_wait3A_504 = tpu.memref_slice %arg20[%dma_wait3A_502, %dma_wait3A_503] : memref<100096x8xf32, #tpu.memory_space<vmem_shared>> -> memref<100096x8xf32, #tpu.memory_space<vmem_shared>>
      tpu.wait_indirect_dma semaphore(%arg25 : memref<!tpu.dma_semaphore, #tpu.memory_space<semaphore_mem>>) src(%dma_wait3A_504 : memref<100096x8xf32, #tpu.memory_space<vmem_shared>>) dst(%dma_wait3A_499 : memref<512x8xf32, #tpu.memory_space<vmem>>)
      %dma_wait3A_505 = arith.constant 0 : i32
      %dma_wait3A_506 = arith.constant 0 : i32
      %dma_wait3A_507 = tpu.memref_slice %arg12[%dma_wait3A_505, %dma_wait3A_506] : memref<1024x8xf32, #tpu.memory_space<vmem>> -> memref<512x8xf32, #tpu.memory_space<vmem>>
      %dma_wait3A_508 = arith.constant 0 : i32
      %dma_wait3A_509 = tpu.memref_slice %arg8[%dma_wait3A_508] : memref<1024xi32, #tpu.memory_space<vmem>> -> memref<512xi32, #tpu.memory_space<vmem>>
      %dma_wait3A_510 = arith.constant 0 : i32
      %dma_wait3A_511 = arith.constant 0 : i32
      %dma_wait3A_512 = tpu.memref_slice %arg20[%dma_wait3A_510, %dma_wait3A_511] : memref<100096x8xf32, #tpu.memory_space<vmem_shared>> -> memref<100096x8xf32, #tpu.memory_space<vmem_shared>>
      tpu.wait_indirect_dma semaphore(%arg25 : memref<!tpu.dma_semaphore, #tpu.memory_space<semaphore_mem>>) src(%dma_wait3A_512 : memref<100096x8xf32, #tpu.memory_space<vmem_shared>>) dst(%dma_wait3A_507 : memref<512x8xf32, #tpu.memory_space<vmem>>)
      %dma_wait3A_513 = arith.constant 512 : i32
      %dma_wait3A_514 = arith.constant 0 : i32
      %dma_wait3A_515 = tpu.memref_slice %arg10[%dma_wait3A_513, %dma_wait3A_514] : memref<1024x8xf32, #tpu.memory_space<vmem>> -> memref<512x8xf32, #tpu.memory_space<vmem>>
      %dma_wait3A_516 = arith.constant 512 : i32
      %dma_wait3A_517 = tpu.memref_slice %arg6[%dma_wait3A_516] : memref<1024xi32, #tpu.memory_space<vmem>> -> memref<512xi32, #tpu.memory_space<vmem>>
      %dma_wait3A_518 = arith.constant 0 : i32
      %dma_wait3A_519 = arith.constant 0 : i32
      %dma_wait3A_520 = tpu.memref_slice %arg20[%dma_wait3A_518, %dma_wait3A_519] : memref<100096x8xf32, #tpu.memory_space<vmem_shared>> -> memref<100096x8xf32, #tpu.memory_space<vmem_shared>>
      tpu.wait_indirect_dma semaphore(%arg25 : memref<!tpu.dma_semaphore, #tpu.memory_space<semaphore_mem>>) src(%dma_wait3A_520 : memref<100096x8xf32, #tpu.memory_space<vmem_shared>>) dst(%dma_wait3A_515 : memref<512x8xf32, #tpu.memory_space<vmem>>)
      %dma_wait3A_521 = arith.constant 512 : i32
      %dma_wait3A_522 = arith.constant 0 : i32
      %dma_wait3A_523 = tpu.memref_slice %arg12[%dma_wait3A_521, %dma_wait3A_522] : memref<1024x8xf32, #tpu.memory_space<vmem>> -> memref<512x8xf32, #tpu.memory_space<vmem>>
      %dma_wait3A_524 = arith.constant 512 : i32
      %dma_wait3A_525 = tpu.memref_slice %arg8[%dma_wait3A_524] : memref<1024xi32, #tpu.memory_space<vmem>> -> memref<512xi32, #tpu.memory_space<vmem>>
      %dma_wait3A_526 = arith.constant 0 : i32
      %dma_wait3A_527 = arith.constant 0 : i32
      %dma_wait3A_528 = tpu.memref_slice %arg20[%dma_wait3A_526, %dma_wait3A_527] : memref<100096x8xf32, #tpu.memory_space<vmem_shared>> -> memref<100096x8xf32, #tpu.memory_space<vmem_shared>>
      tpu.wait_indirect_dma semaphore(%arg25 : memref<!tpu.dma_semaphore, #tpu.memory_space<semaphore_mem>>) src(%dma_wait3A_528 : memref<100096x8xf32, #tpu.memory_space<vmem_shared>>) dst(%dma_wait3A_523 : memref<512x8xf32, #tpu.memory_space<vmem>>)
      %add3A_529 = arith.constant 1 : i32
      %add3A_530 = arith.addi %add3A_496, %add3A_529 : i32
      %mul3A_531 = arith.constant 32 : i32
      %mul3A_532 = arith.muli %add3A_530, %mul3A_531 : i32
      %add3A_533 = arith.addi %add3A, %mul3A_532 : i32
      %mul3A_534 = arith.constant 1024 : i32
      %mul3A_535 = arith.muli %add3A_533, %mul3A_534 : i32
      %add3A_536 = arith.constant 6488064 : i32
      %add3A_537 = arith.addi %add3A_536, %mul3A_535 : i32
      %dma_wait3A_538 = tpu.memref_slice %arg3[%mul3A_535] : memref<12976128xi32, #tpu.memory_space<hbm>> -> memref<1024xi32, #tpu.memory_space<hbm>>
      %dma_wait3A_539 = tpu.memref_slice %arg3[%mul3A_535] : memref<12976128xi32, #tpu.memory_space<hbm>> -> memref<1024xi32, #tpu.memory_space<hbm>>
      tpu.wait_dma2 semaphore(%arg22 : memref<!tpu.dma_semaphore, #tpu.memory_space<semaphore_mem>>) src(%dma_wait3A_539 : memref<1024xi32, #tpu.memory_space<hbm>>) dst(%arg5 : memref<1024xi32, #tpu.memory_space<vmem>>)
      %dma_wait3A_540 = tpu.memref_slice %arg3[%add3A_537] : memref<12976128xi32, #tpu.memory_space<hbm>> -> memref<1024xi32, #tpu.memory_space<hbm>>
      %dma_wait3A_541 = tpu.memref_slice %arg3[%add3A_537] : memref<12976128xi32, #tpu.memory_space<hbm>> -> memref<1024xi32, #tpu.memory_space<hbm>>
      tpu.wait_dma2 semaphore(%arg22 : memref<!tpu.dma_semaphore, #tpu.memory_space<semaphore_mem>>) src(%dma_wait3A_541 : memref<1024xi32, #tpu.memory_space<hbm>>) dst(%arg7 : memref<1024xi32, #tpu.memory_space<vmem>>)
      %dma_start3A_542 = arith.constant 0 : i32
      %dma_start3A_543 = arith.constant 0 : i32
      %dma_start3A_544 = tpu.memref_slice %arg9[%dma_start3A_542, %dma_start3A_543] : memref<1024x8xf32, #tpu.memory_space<vmem>> -> memref<512x8xf32, #tpu.memory_space<vmem>>
      %dma_start3A_545 = arith.constant 0 : i32
      %dma_start3A_546 = tpu.memref_slice %arg5[%dma_start3A_545] : memref<1024xi32, #tpu.memory_space<vmem>> -> memref<512xi32, #tpu.memory_space<vmem>>
      %dma_start3A_547 = arith.constant 0 : i32
      %dma_start3A_548 = arith.constant 0 : i32
      %dma_start3A_549 = tpu.memref_slice %arg20[%dma_start3A_547, %dma_start3A_548] : memref<100096x8xf32, #tpu.memory_space<vmem_shared>> -> memref<100096x8xf32, #tpu.memory_space<vmem_shared>>
      tpu.enqueue_indirect_dma source(%dma_start3A_549 : memref<100096x8xf32, #tpu.memory_space<vmem_shared>>) target(%dma_start3A_544 : memref<512x8xf32, #tpu.memory_space<vmem>>) offsets(%dma_start3A_546 : memref<512xi32, #tpu.memory_space<vmem>>) semaphore(%arg24 : memref<!tpu.dma_semaphore, #tpu.memory_space<semaphore_mem>>)
      %dma_start3A_550 = arith.constant 0 : i32
      %dma_start3A_551 = arith.constant 0 : i32
      %dma_start3A_552 = tpu.memref_slice %arg11[%dma_start3A_550, %dma_start3A_551] : memref<1024x8xf32, #tpu.memory_space<vmem>> -> memref<512x8xf32, #tpu.memory_space<vmem>>
      %dma_start3A_553 = arith.constant 0 : i32
      %dma_start3A_554 = tpu.memref_slice %arg7[%dma_start3A_553] : memref<1024xi32, #tpu.memory_space<vmem>> -> memref<512xi32, #tpu.memory_space<vmem>>
      %dma_start3A_555 = arith.constant 0 : i32
      %dma_start3A_556 = arith.constant 0 : i32
      %dma_start3A_557 = tpu.memref_slice %arg20[%dma_start3A_555, %dma_start3A_556] : memref<100096x8xf32, #tpu.memory_space<vmem_shared>> -> memref<100096x8xf32, #tpu.memory_space<vmem_shared>>
      tpu.enqueue_indirect_dma source(%dma_start3A_557 : memref<100096x8xf32, #tpu.memory_space<vmem_shared>>) target(%dma_start3A_552 : memref<512x8xf32, #tpu.memory_space<vmem>>) offsets(%dma_start3A_554 : memref<512xi32, #tpu.memory_space<vmem>>) semaphore(%arg24 : memref<!tpu.dma_semaphore, #tpu.memory_space<semaphore_mem>>)
      %dma_start3A_558 = arith.constant 512 : i32
      %dma_start3A_559 = arith.constant 0 : i32
      %dma_start3A_560 = tpu.memref_slice %arg9[%dma_start3A_558, %dma_start3A_559] : memref<1024x8xf32, #tpu.memory_space<vmem>> -> memref<512x8xf32, #tpu.memory_space<vmem>>
      %dma_start3A_561 = arith.constant 512 : i32
      %dma_start3A_562 = tpu.memref_slice %arg5[%dma_start3A_561] : memref<1024xi32, #tpu.memory_space<vmem>> -> memref<512xi32, #tpu.memory_space<vmem>>
      %dma_start3A_563 = arith.constant 0 : i32
      %dma_start3A_564 = arith.constant 0 : i32
      %dma_start3A_565 = tpu.memref_slice %arg20[%dma_start3A_563, %dma_start3A_564] : memref<100096x8xf32, #tpu.memory_space<vmem_shared>> -> memref<100096x8xf32, #tpu.memory_space<vmem_shared>>
      tpu.enqueue_indirect_dma source(%dma_start3A_565 : memref<100096x8xf32, #tpu.memory_space<vmem_shared>>) target(%dma_start3A_560 : memref<512x8xf32, #tpu.memory_space<vmem>>) offsets(%dma_start3A_562 : memref<512xi32, #tpu.memory_space<vmem>>) semaphore(%arg24 : memref<!tpu.dma_semaphore, #tpu.memory_space<semaphore_mem>>)
      %dma_start3A_566 = arith.constant 512 : i32
      %dma_start3A_567 = arith.constant 0 : i32
      %dma_start3A_568 = tpu.memref_slice %arg11[%dma_start3A_566, %dma_start3A_567] : memref<1024x8xf32, #tpu.memory_space<vmem>> -> memref<512x8xf32, #tpu.memory_space<vmem>>
      %dma_start3A_569 = arith.constant 512 : i32
      %dma_start3A_570 = tpu.memref_slice %arg7[%dma_start3A_569] : memref<1024xi32, #tpu.memory_space<vmem>> -> memref<512xi32, #tpu.memory_space<vmem>>
      %dma_start3A_571 = arith.constant 0 : i32
      %dma_start3A_572 = arith.constant 0 : i32
      %dma_start3A_573 = tpu.memref_slice %arg20[%dma_start3A_571, %dma_start3A_572] : memref<100096x8xf32, #tpu.memory_space<vmem_shared>> -> memref<100096x8xf32, #tpu.memory_space<vmem_shared>>
      tpu.enqueue_indirect_dma source(%dma_start3A_573 : memref<100096x8xf32, #tpu.memory_space<vmem_shared>>) target(%dma_start3A_568 : memref<512x8xf32, #tpu.memory_space<vmem>>) offsets(%dma_start3A_570 : memref<512xi32, #tpu.memory_space<vmem>>) semaphore(%arg24 : memref<!tpu.dma_semaphore, #tpu.memory_space<semaphore_mem>>)
      %dma_wait3A_574 = arith.constant 0 : i32
      %dma_wait3A_575 = tpu.memref_slice %arg14[%dma_wait3A_574] : memref<1024xf32, #tpu.memory_space<vmem>> -> memref<512xf32, #tpu.memory_space<vmem>>
      %dma_wait3A_576 = arith.constant 0 : i32
      %dma_wait3A_577 = tpu.memref_slice %arg21[%dma_wait3A_576] : memref<100096xf32, #tpu.memory_space<vmem_shared>> -> memref<100096xf32, #tpu.memory_space<vmem_shared>>
      tpu.wait_indirect_dma semaphore(%arg27 : memref<!tpu.dma_semaphore, #tpu.memory_space<semaphore_mem>>) src(%dma_wait3A_575 : memref<512xf32, #tpu.memory_space<vmem>>) dst(%dma_wait3A_577 : memref<100096xf32, #tpu.memory_space<vmem_shared>>)
      %dma_wait3A_578 = arith.constant 512 : i32
      %dma_wait3A_579 = tpu.memref_slice %arg14[%dma_wait3A_578] : memref<1024xf32, #tpu.memory_space<vmem>> -> memref<512xf32, #tpu.memory_space<vmem>>
      %dma_wait3A_580 = arith.constant 0 : i32
      %dma_wait3A_581 = tpu.memref_slice %arg21[%dma_wait3A_580] : memref<100096xf32, #tpu.memory_space<vmem_shared>> -> memref<100096xf32, #tpu.memory_space<vmem_shared>>
      tpu.wait_indirect_dma semaphore(%arg27 : memref<!tpu.dma_semaphore, #tpu.memory_space<semaphore_mem>>) src(%dma_wait3A_579 : memref<512xf32, #tpu.memory_space<vmem>>) dst(%dma_wait3A_581 : memref<100096xf32, #tpu.memory_space<vmem_shared>>)
      %scan3A_582 = arith.constant 0 : i32
      %scan3A_583 = arith.constant 0 : i32
      %scan3A_584 = arith.constant 16 : i32
      %scan3A_585 = arith.addi %scan3A_583, %scan3A_584 : i32
      %scan3A_586 = arith.constant 1 : i32
      %scan3A_587 = scf.for %scan3A_618 = %scan3A_583 to %scan3A_585 step %scan3A_586 iter_args(%scan3A_619 = %scan3A_582) -> (i32)  : i32 {
        %mul3A_620 = arith.constant 4 : i32
        %mul3A_621 = arith.muli %scan3A_618, %mul3A_620 : i32
        %add3A_622 = arith.constant 0 : i32
        %add3A_623 = arith.addi %mul3A_621, %add3A_622 : i32
        %mul3A_624 = arith.constant 16 : i32
        %mul3A_625 = arith.muli %add3A_623, %mul3A_624 : i32
        %add3A_626 = vector.broadcast %mul3A_625 : i32 to vector<16xi32>
        %add3A_627 = arith.addi %iota3A, %add3A_626 : vector<16xi32>
        %mul3A_628 = arith.constant 0 : i32
        %mul3A_629 = vector.broadcast %mul3A_628 : i32 to vector<16xi32>
        %mul3A_630 = arith.muli %iota3A, %mul3A_629 : vector<16xi32>
        %gather3A = tpu.vector_load_idx %arg10[%add3A_627, %mul3A_630] : memref<1024x8xf32, #tpu.memory_space<vmem>>[vector<16xi32>, vector<16xi32>], vector<16xf32>,
        %add3A_631 = arith.constant 1 : i32
        %add3A_632 = vector.broadcast %add3A_631 : i32 to vector<16xi32>
        %add3A_633 = arith.addi %mul3A_630, %add3A_632 : vector<16xi32>
        %gather3A_634 = tpu.vector_load_idx %arg10[%add3A_627, %add3A_633] : memref<1024x8xf32, #tpu.memory_space<vmem>>[vector<16xi32>, vector<16xi32>], vector<16xf32>,
        %add3A_635 = arith.constant 2 : i32
        %add3A_636 = vector.broadcast %add3A_635 : i32 to vector<16xi32>
        %add3A_637 = arith.addi %mul3A_630, %add3A_636 : vector<16xi32>
        %gather3A_638 = tpu.vector_load_idx %arg10[%add3A_627, %add3A_637] : memref<1024x8xf32, #tpu.memory_space<vmem>>[vector<16xi32>, vector<16xi32>], vector<16xf32>,
        %add3A_639 = arith.constant 3 : i32
        %add3A_640 = vector.broadcast %add3A_639 : i32 to vector<16xi32>
        %add3A_641 = arith.addi %mul3A_630, %add3A_640 : vector<16xi32>
        %gather3A_642 = tpu.vector_load_idx %arg10[%add3A_627, %add3A_641] : memref<1024x8xf32, #tpu.memory_space<vmem>>[vector<16xi32>, vector<16xi32>], vector<16xf32>,
        %add3A_643 = arith.constant 4 : i32
        %add3A_644 = vector.broadcast %add3A_643 : i32 to vector<16xi32>
        %add3A_645 = arith.addi %mul3A_630, %add3A_644 : vector<16xi32>
        %gather3A_646 = tpu.vector_load_idx %arg10[%add3A_627, %add3A_645] : memref<1024x8xf32, #tpu.memory_space<vmem>>[vector<16xi32>, vector<16xi32>], vector<16xf32>,
        %gather3A_647 = tpu.vector_load_idx %arg12[%add3A_627, %mul3A_630] : memref<1024x8xf32, #tpu.memory_space<vmem>>[vector<16xi32>, vector<16xi32>], vector<16xf32>,
        %add3A_648 = arith.constant 1 : i32
        %add3A_649 = vector.broadcast %add3A_648 : i32 to vector<16xi32>
        %add3A_650 = arith.addi %mul3A_630, %add3A_649 : vector<16xi32>
        %gather3A_651 = tpu.vector_load_idx %arg12[%add3A_627, %add3A_650] : memref<1024x8xf32, #tpu.memory_space<vmem>>[vector<16xi32>, vector<16xi32>], vector<16xf32>,
        %add3A_652 = arith.constant 2 : i32
        %add3A_653 = vector.broadcast %add3A_652 : i32 to vector<16xi32>
        %add3A_654 = arith.addi %mul3A_630, %add3A_653 : vector<16xi32>
        %gather3A_655 = tpu.vector_load_idx %arg12[%add3A_627, %add3A_654] : memref<1024x8xf32, #tpu.memory_space<vmem>>[vector<16xi32>, vector<16xi32>], vector<16xf32>,
        %add3A_656 = arith.constant 3 : i32
        %add3A_657 = vector.broadcast %add3A_656 : i32 to vector<16xi32>
        %add3A_658 = arith.addi %mul3A_630, %add3A_657 : vector<16xi32>
        %gather3A_659 = tpu.vector_load_idx %arg12[%add3A_627, %add3A_658] : memref<1024x8xf32, #tpu.memory_space<vmem>>[vector<16xi32>, vector<16xi32>], vector<16xf32>,
        %add3A_660 = arith.constant 4 : i32
        %add3A_661 = vector.broadcast %add3A_660 : i32 to vector<16xi32>
        %add3A_662 = arith.addi %mul3A_630, %add3A_661 : vector<16xi32>
        %gather3A_663 = tpu.vector_load_idx %arg12[%add3A_627, %add3A_662] : memref<1024x8xf32, #tpu.memory_space<vmem>>[vector<16xi32>, vector<16xi32>], vector<16xf32>,
        %sub3A = arith.subf %gather3A, %gather3A_647 : vector<16xf32>
        %sub3A_664 = arith.subf %gather3A_634, %gather3A_651 : vector<16xf32>
        %sub3A_665 = arith.subf %gather3A_638, %gather3A_655 : vector<16xf32>
        %mul3A_666 = arith.mulf %sub3A, %sub3A : vector<16xf32>
        %mul3A_667 = arith.mulf %sub3A_664, %sub3A_664 : vector<16xf32>
        %add3A_668 = arith.addf %mul3A_666, %mul3A_667 : vector<16xf32>
        %mul3A_669 = arith.mulf %sub3A_665, %sub3A_665 : vector<16xf32>
        %add3A_670 = arith.addf %add3A_668, %mul3A_669 : vector<16xf32>
        %bitcast3A = vector.bitcast %add3A_670 : vector<16xf32> to vector<16xi32>
        %shift_right_arithmetic3A = arith.constant 1 : i32
        %shift_right_arithmetic3A_671 = vector.broadcast %shift_right_arithmetic3A : i32 to vector<16xi32>
        %shift_right_arithmetic3A_672 = arith.shrsi %bitcast3A, %shift_right_arithmetic3A_671 : vector<16xi32>
        %sub3A_673 = arith.constant 1597463007 : i32
        %sub3A_674 = vector.broadcast %sub3A_673 : i32 to vector<16xi32>
        %sub3A_675 = arith.subi %sub3A_674, %shift_right_arithmetic3A_672 : vector<16xi32>
        %bitcast3A_676 = vector.bitcast %sub3A_675 : vector<16xi32> to vector<16xf32>
        %mul3A_677 = arith.constant 5.000000e-01 : f32
        %mul3A_678 = vector.broadcast %mul3A_677 : f32 to vector<16xf32>
        %mul3A_679 = arith.mulf %mul3A_678, %add3A_670 : vector<16xf32>
        %mul3A_680 = arith.mulf %mul3A_679, %bitcast3A_676 : vector<16xf32>
        %mul3A_681 = arith.mulf %mul3A_680, %bitcast3A_676 : vector<16xf32>
        %sub3A_682 = arith.constant 1.500000e+00 : f32
        %sub3A_683 = vector.broadcast %sub3A_682 : f32 to vector<16xf32>
        %sub3A_684 = arith.subf %sub3A_683, %mul3A_681 : vector<16xf32>
        %mul3A_685 = arith.mulf %bitcast3A_676, %sub3A_684 : vector<16xf32>
        %mul3A_686 = arith.constant 5.000000e-01 : f32
        %mul3A_687 = vector.broadcast %mul3A_686 : f32 to vector<16xf32>
        %mul3A_688 = arith.mulf %mul3A_687, %add3A_670 : vector<16xf32>
        %mul3A_689 = arith.mulf %mul3A_688, %mul3A_685 : vector<16xf32>
        %mul3A_690 = arith.mulf %mul3A_689, %mul3A_685 : vector<16xf32>
        %sub3A_691 = arith.constant 1.500000e+00 : f32
        %sub3A_692 = vector.broadcast %sub3A_691 : f32 to vector<16xf32>
        %sub3A_693 = arith.subf %sub3A_692, %mul3A_690 : vector<16xf32>
        %mul3A_694 = arith.mulf %mul3A_685, %sub3A_693 : vector<16xf32>
        %mul3A_695 = arith.mulf %add3A_670, %mul3A_694 : vector<16xf32>
        %add3A_696 = arith.addf %gather3A_642, %gather3A_659 : vector<16xf32>
        %mul3A_697 = arith.constant 2.13447165 : f32
        %mul3A_698 = vector.broadcast %mul3A_697 : f32 to vector<16xf32>
        %mul3A_699 = arith.mulf %mul3A_695, %mul3A_698 : vector<16xf32>
        %mul3A_700 = arith.mulf %add3A_696, %mul3A_699 : vector<16xf32>
        %mul3A_701 = arith.constant -2.016200e-01 : f32
        %mul3A_702 = vector.broadcast %mul3A_701 : f32 to vector<16xf32>
        %mul3A_703 = arith.mulf %mul3A_702, %mul3A_700 : vector<16xf32>
        %exp3A = math.exp %mul3A_703 : vector<16xf32>
        %mul3A_704 = arith.constant 2.817000e-02 : f32
        %mul3A_705 = vector.broadcast %mul3A_704 : f32 to vector<16xf32>
        %mul3A_706 = arith.mulf %mul3A_705, %exp3A : vector<16xf32>
        %mul3A_707 = arith.constant -4.029000e-01 : f32
        %mul3A_708 = vector.broadcast %mul3A_707 : f32 to vector<16xf32>
        %mul3A_709 = arith.mulf %mul3A_708, %mul3A_700 : vector<16xf32>
        %exp3A_710 = math.exp %mul3A_709 : vector<16xf32>
        %mul3A_711 = arith.constant 2.802200e-01 : f32
        %mul3A_712 = vector.broadcast %mul3A_711 : f32 to vector<16xf32>
        %mul3A_713 = arith.mulf %mul3A_712, %exp3A_710 : vector<16xf32>
        %add3A_714 = arith.addf %mul3A_706, %mul3A_713 : vector<16xf32>
        %mul3A_715 = arith.constant -9.422900e-01 : f32
        %mul3A_716 = vector.broadcast %mul3A_715 : f32 to vector<16xf32>
        %mul3A_717 = arith.mulf %mul3A_716, %mul3A_700 : vector<16xf32>
        %exp3A_718 = math.exp %mul3A_717 : vector<16xf32>
        %mul3A_719 = arith.constant 5.098600e-01 : f32
        %mul3A_720 = vector.broadcast %mul3A_719 : f32 to vector<16xf32>
        %mul3A_721 = arith.mulf %mul3A_720, %exp3A_718 : vector<16xf32>
        %add3A_722 = arith.addf %add3A_714, %mul3A_721 : vector<16xf32>
        %mul3A_723 = arith.constant -3.199800e+00 : f32
        %mul3A_724 = vector.broadcast %mul3A_723 : f32 to vector<16xf32>
        %mul3A_725 = arith.mulf %mul3A_724, %mul3A_700 : vector<16xf32>
        %exp3A_726 = math.exp %mul3A_725 : vector<16xf32>
        %mul3A_727 = arith.constant 1.817500e-01 : f32
        %mul3A_728 = vector.broadcast %mul3A_727 : f32 to vector<16xf32>
        %mul3A_729 = arith.mulf %mul3A_728, %exp3A_726 : vector<16xf32>
        %add3A_730 = arith.addf %add3A_722, %mul3A_729 : vector<16xf32>
        %mul3A_731 = arith.mulf %gather3A_646, %gather3A_663 : vector<16xf32>
        %mul3A_732 = arith.mulf %mul3A_731, %mul3A_694 : vector<16xf32>
        %mul3A_733 = arith.mulf %mul3A_732, %add3A_730 : vector<16xf32>
        %mul3A_734 = arith.constant 2.000000e-01 : f32
        %mul3A_735 = vector.broadcast %mul3A_734 : f32 to vector<16xf32>
        %mul3A_736 = arith.mulf %mul3A_695, %mul3A_735 : vector<16xf32>
        %mul3A_737 = arith.mulf %mul3A_736, %mul3A_736 : vector<16xf32>
        %mul3A_738 = arith.mulf %mul3A_737, %mul3A_737 : vector<16xf32>
        %mul3A_739 = arith.mulf %mul3A_738, %mul3A_737 : vector<16xf32>
        %mul3A_740 = arith.mulf %mul3A_739, %mul3A_736 : vector<16xf32>
        %mul3A_741 = arith.mulf %mul3A_740, %mul3A_736 : vector<16xf32>
        %mul3A_742 = arith.constant 2.800000e+01 : f32
        %mul3A_743 = vector.broadcast %mul3A_742 : f32 to vector<16xf32>
        %mul3A_744 = arith.mulf %mul3A_743, %mul3A_739 : vector<16xf32>
        %sub3A_745 = arith.constant 1.000000e+00 : f32
        %sub3A_746 = vector.broadcast %sub3A_745 : f32 to vector<16xf32>
        %sub3A_747 = arith.subf %sub3A_746, %mul3A_744 : vector<16xf32>
        %mul3A_748 = arith.constant 4.800000e+01 : f32
        %mul3A_749 = vector.broadcast %mul3A_748 : f32 to vector<16xf32>
        %mul3A_750 = arith.mulf %mul3A_749, %mul3A_740 : vector<16xf32>
        %add3A_751 = arith.addf %sub3A_747, %mul3A_750 : vector<16xf32>
        %mul3A_752 = arith.constant 2.100000e+01 : f32
        %mul3A_753 = vector.broadcast %mul3A_752 : f32 to vector<16xf32>
        %mul3A_754 = arith.mulf %mul3A_753, %mul3A_741 : vector<16xf32>
        %sub3A_755 = arith.subf %add3A_751, %mul3A_754 : vector<16xf32>
        %lt3A = arith.constant 1.000000e+00 : f32
        %lt3A_756 = vector.broadcast %lt3A : f32 to vector<16xf32>
        %lt3A_757 = arith.cmpf olt, %mul3A_736, %lt3A_756 : vector<16xf32>
        %mul3A_758 = arith.mulf %sub3A_755, %mul3A_733 : vector<16xf32>
        %jit3A = arith.constant 0.000000e+00 : f32
        %broadcast_in_dim3A = vector.broadcast %jit3A : f32 to vector<16xf32>
        %select_n3A = arith.select %lt3A_757, %mul3A_758, %broadcast_in_dim3A : vector<16xi1>, vector<16xf32>
        %mul3A_759 = arith.constant 16 : i32
        %mul3A_760 = arith.muli %add3A_623, %mul3A_759 : i32
        %swap3A = arith.index_cast %mul3A_760 : i32 to index
        %swap3A_761 = tpu.vector_load %arg14[%swap3A] {strides = array<i32>} : memref<1024xf32, #tpu.memory_space<vmem>>, vector<16xf32>,
        tpu.vector_store %arg14[%swap3A], %select_n3A {strides = array<i32>} : memref<1024xf32, #tpu.memory_space<vmem>>, vector<16xf32>,
        %mul3A_762 = arith.constant 4 : i32
        %mul3A_763 = arith.muli %scan3A_618, %mul3A_762 : i32
        %add3A_764 = arith.constant 1 : i32
        %add3A_765 = arith.addi %mul3A_763, %add3A_764 : i32
        %mul3A_766 = arith.constant 16 : i32
        %mul3A_767 = arith.muli %add3A_765, %mul3A_766 : i32
        %add3A_768 = vector.broadcast %mul3A_767 : i32 to vector<16xi32>
        %add3A_769 = arith.addi %iota3A, %add3A_768 : vector<16xi32>
        %mul3A_770 = arith.constant 0 : i32
        %mul3A_771 = vector.broadcast %mul3A_770 : i32 to vector<16xi32>
        %mul3A_772 = arith.muli %iota3A, %mul3A_771 : vector<16xi32>
        %gather3A_773 = tpu.vector_load_idx %arg10[%add3A_769, %mul3A_772] : memref<1024x8xf32, #tpu.memory_space<vmem>>[vector<16xi32>, vector<16xi32>], vector<16xf32>,
        %add3A_774 = arith.constant 1 : i32
        %add3A_775 = vector.broadcast %add3A_774 : i32 to vector<16xi32>
        %add3A_776 = arith.addi %mul3A_772, %add3A_775 : vector<16xi32>
        %gather3A_777 = tpu.vector_load_idx %arg10[%add3A_769, %add3A_776] : memref<1024x8xf32, #tpu.memory_space<vmem>>[vector<16xi32>, vector<16xi32>], vector<16xf32>,
        %add3A_778 = arith.constant 2 : i32
        %add3A_779 = vector.broadcast %add3A_778 : i32 to vector<16xi32>
        %add3A_780 = arith.addi %mul3A_772, %add3A_779 : vector<16xi32>
        %gather3A_781 = tpu.vector_load_idx %arg10[%add3A_769, %add3A_780] : memref<1024x8xf32, #tpu.memory_space<vmem>>[vector<16xi32>, vector<16xi32>], vector<16xf32>,
        %add3A_782 = arith.constant 3 : i32
        %add3A_783 = vector.broadcast %add3A_782 : i32 to vector<16xi32>
        %add3A_784 = arith.addi %mul3A_772, %add3A_783 : vector<16xi32>
        %gather3A_785 = tpu.vector_load_idx %arg10[%add3A_769, %add3A_784] : memref<1024x8xf32, #tpu.memory_space<vmem>>[vector<16xi32>, vector<16xi32>], vector<16xf32>,
        %add3A_786 = arith.constant 4 : i32
        %add3A_787 = vector.broadcast %add3A_786 : i32 to vector<16xi32>
        %add3A_788 = arith.addi %mul3A_772, %add3A_787 : vector<16xi32>
        %gather3A_789 = tpu.vector_load_idx %arg10[%add3A_769, %add3A_788] : memref<1024x8xf32, #tpu.memory_space<vmem>>[vector<16xi32>, vector<16xi32>], vector<16xf32>,
        %gather3A_790 = tpu.vector_load_idx %arg12[%add3A_769, %mul3A_772] : memref<1024x8xf32, #tpu.memory_space<vmem>>[vector<16xi32>, vector<16xi32>], vector<16xf32>,
        %add3A_791 = arith.constant 1 : i32
        %add3A_792 = vector.broadcast %add3A_791 : i32 to vector<16xi32>
        %add3A_793 = arith.addi %mul3A_772, %add3A_792 : vector<16xi32>
        %gather3A_794 = tpu.vector_load_idx %arg12[%add3A_769, %add3A_793] : memref<1024x8xf32, #tpu.memory_space<vmem>>[vector<16xi32>, vector<16xi32>], vector<16xf32>,
        %add3A_795 = arith.constant 2 : i32
        %add3A_796 = vector.broadcast %add3A_795 : i32 to vector<16xi32>
        %add3A_797 = arith.addi %mul3A_772, %add3A_796 : vector<16xi32>
        %gather3A_798 = tpu.vector_load_idx %arg12[%add3A_769, %add3A_797] : memref<1024x8xf32, #tpu.memory_space<vmem>>[vector<16xi32>, vector<16xi32>], vector<16xf32>,
        %add3A_799 = arith.constant 3 : i32
        %add3A_800 = vector.broadcast %add3A_799 : i32 to vector<16xi32>
        %add3A_801 = arith.addi %mul3A_772, %add3A_800 : vector<16xi32>
        %gather3A_802 = tpu.vector_load_idx %arg12[%add3A_769, %add3A_801] : memref<1024x8xf32, #tpu.memory_space<vmem>>[vector<16xi32>, vector<16xi32>], vector<16xf32>,
        %add3A_803 = arith.constant 4 : i32
        %add3A_804 = vector.broadcast %add3A_803 : i32 to vector<16xi32>
        %add3A_805 = arith.addi %mul3A_772, %add3A_804 : vector<16xi32>
        %gather3A_806 = tpu.vector_load_idx %arg12[%add3A_769, %add3A_805] : memref<1024x8xf32, #tpu.memory_space<vmem>>[vector<16xi32>, vector<16xi32>], vector<16xf32>,
        %sub3A_807 = arith.subf %gather3A_773, %gather3A_790 : vector<16xf32>
        %sub3A_808 = arith.subf %gather3A_777, %gather3A_794 : vector<16xf32>
        %sub3A_809 = arith.subf %gather3A_781, %gather3A_798 : vector<16xf32>
        %mul3A_810 = arith.mulf %sub3A_807, %sub3A_807 : vector<16xf32>
        %mul3A_811 = arith.mulf %sub3A_808, %sub3A_808 : vector<16xf32>
        %add3A_812 = arith.addf %mul3A_810, %mul3A_811 : vector<16xf32>
        %mul3A_813 = arith.mulf %sub3A_809, %sub3A_809 : vector<16xf32>
        %add3A_814 = arith.addf %add3A_812, %mul3A_813 : vector<16xf32>
        %bitcast3A_815 = vector.bitcast %add3A_814 : vector<16xf32> to vector<16xi32>
        %shift_right_arithmetic3A_816 = arith.constant 1 : i32
        %shift_right_arithmetic3A_817 = vector.broadcast %shift_right_arithmetic3A_816 : i32 to vector<16xi32>
        %shift_right_arithmetic3A_818 = arith.shrsi %bitcast3A_815, %shift_right_arithmetic3A_817 : vector<16xi32>
        %sub3A_819 = arith.constant 1597463007 : i32
        %sub3A_820 = vector.broadcast %sub3A_819 : i32 to vector<16xi32>
        %sub3A_821 = arith.subi %sub3A_820, %shift_right_arithmetic3A_818 : vector<16xi32>
        %bitcast3A_822 = vector.bitcast %sub3A_821 : vector<16xi32> to vector<16xf32>
        %mul3A_823 = arith.constant 5.000000e-01 : f32
        %mul3A_824 = vector.broadcast %mul3A_823 : f32 to vector<16xf32>
        %mul3A_825 = arith.mulf %mul3A_824, %add3A_814 : vector<16xf32>
        %mul3A_826 = arith.mulf %mul3A_825, %bitcast3A_822 : vector<16xf32>
        %mul3A_827 = arith.mulf %mul3A_826, %bitcast3A_822 : vector<16xf32>
        %sub3A_828 = arith.constant 1.500000e+00 : f32
        %sub3A_829 = vector.broadcast %sub3A_828 : f32 to vector<16xf32>
        %sub3A_830 = arith.subf %sub3A_829, %mul3A_827 : vector<16xf32>
        %mul3A_831 = arith.mulf %bitcast3A_822, %sub3A_830 : vector<16xf32>
        %mul3A_832 = arith.constant 5.000000e-01 : f32
        %mul3A_833 = vector.broadcast %mul3A_832 : f32 to vector<16xf32>
        %mul3A_834 = arith.mulf %mul3A_833, %add3A_814 : vector<16xf32>
        %mul3A_835 = arith.mulf %mul3A_834, %mul3A_831 : vector<16xf32>
        %mul3A_836 = arith.mulf %mul3A_835, %mul3A_831 : vector<16xf32>
        %sub3A_837 = arith.constant 1.500000e+00 : f32
        %sub3A_838 = vector.broadcast %sub3A_837 : f32 to vector<16xf32>
        %sub3A_839 = arith.subf %sub3A_838, %mul3A_836 : vector<16xf32>
        %mul3A_840 = arith.mulf %mul3A_831, %sub3A_839 : vector<16xf32>
        %mul3A_841 = arith.mulf %add3A_814, %mul3A_840 : vector<16xf32>
        %add3A_842 = arith.addf %gather3A_785, %gather3A_802 : vector<16xf32>
        %mul3A_843 = arith.constant 2.13447165 : f32
        %mul3A_844 = vector.broadcast %mul3A_843 : f32 to vector<16xf32>
        %mul3A_845 = arith.mulf %mul3A_841, %mul3A_844 : vector<16xf32>
        %mul3A_846 = arith.mulf %add3A_842, %mul3A_845 : vector<16xf32>
        %mul3A_847 = arith.constant -2.016200e-01 : f32
        %mul3A_848 = vector.broadcast %mul3A_847 : f32 to vector<16xf32>
        %mul3A_849 = arith.mulf %mul3A_848, %mul3A_846 : vector<16xf32>
        %exp3A_850 = math.exp %mul3A_849 : vector<16xf32>
        %mul3A_851 = arith.constant 2.817000e-02 : f32
        %mul3A_852 = vector.broadcast %mul3A_851 : f32 to vector<16xf32>
        %mul3A_853 = arith.mulf %mul3A_852, %exp3A_850 : vector<16xf32>
        %mul3A_854 = arith.constant -4.029000e-01 : f32
        %mul3A_855 = vector.broadcast %mul3A_854 : f32 to vector<16xf32>
        %mul3A_856 = arith.mulf %mul3A_855, %mul3A_846 : vector<16xf32>
        %exp3A_857 = math.exp %mul3A_856 : vector<16xf32>
        %mul3A_858 = arith.constant 2.802200e-01 : f32
        %mul3A_859 = vector.broadcast %mul3A_858 : f32 to vector<16xf32>
        %mul3A_860 = arith.mulf %mul3A_859, %exp3A_857 : vector<16xf32>
        %add3A_861 = arith.addf %mul3A_853, %mul3A_860 : vector<16xf32>
        %mul3A_862 = arith.constant -9.422900e-01 : f32
        %mul3A_863 = vector.broadcast %mul3A_862 : f32 to vector<16xf32>
        %mul3A_864 = arith.mulf %mul3A_863, %mul3A_846 : vector<16xf32>
        %exp3A_865 = math.exp %mul3A_864 : vector<16xf32>
        %mul3A_866 = arith.constant 5.098600e-01 : f32
        %mul3A_867 = vector.broadcast %mul3A_866 : f32 to vector<16xf32>
        %mul3A_868 = arith.mulf %mul3A_867, %exp3A_865 : vector<16xf32>
        %add3A_869 = arith.addf %add3A_861, %mul3A_868 : vector<16xf32>
        %mul3A_870 = arith.constant -3.199800e+00 : f32
        %mul3A_871 = vector.broadcast %mul3A_870 : f32 to vector<16xf32>
        %mul3A_872 = arith.mulf %mul3A_871, %mul3A_846 : vector<16xf32>
        %exp3A_873 = math.exp %mul3A_872 : vector<16xf32>
        %mul3A_874 = arith.constant 1.817500e-01 : f32
        %mul3A_875 = vector.broadcast %mul3A_874 : f32 to vector<16xf32>
        %mul3A_876 = arith.mulf %mul3A_875, %exp3A_873 : vector<16xf32>
        %add3A_877 = arith.addf %add3A_869, %mul3A_876 : vector<16xf32>
        %mul3A_878 = arith.mulf %gather3A_789, %gather3A_806 : vector<16xf32>
        %mul3A_879 = arith.mulf %mul3A_878, %mul3A_840 : vector<16xf32>
        %mul3A_880 = arith.mulf %mul3A_879, %add3A_877 : vector<16xf32>
        %mul3A_881 = arith.constant 2.000000e-01 : f32
        %mul3A_882 = vector.broadcast %mul3A_881 : f32 to vector<16xf32>
        %mul3A_883 = arith.mulf %mul3A_841, %mul3A_882 : vector<16xf32>
        %mul3A_884 = arith.mulf %mul3A_883, %mul3A_883 : vector<16xf32>
        %mul3A_885 = arith.mulf %mul3A_884, %mul3A_884 : vector<16xf32>
        %mul3A_886 = arith.mulf %mul3A_885, %mul3A_884 : vector<16xf32>
        %mul3A_887 = arith.mulf %mul3A_886, %mul3A_883 : vector<16xf32>
        %mul3A_888 = arith.mulf %mul3A_887, %mul3A_883 : vector<16xf32>
        %mul3A_889 = arith.constant 2.800000e+01 : f32
        %mul3A_890 = vector.broadcast %mul3A_889 : f32 to vector<16xf32>
        %mul3A_891 = arith.mulf %mul3A_890, %mul3A_886 : vector<16xf32>
        %sub3A_892 = arith.constant 1.000000e+00 : f32
        %sub3A_893 = vector.broadcast %sub3A_892 : f32 to vector<16xf32>
        %sub3A_894 = arith.subf %sub3A_893, %mul3A_891 : vector<16xf32>
        %mul3A_895 = arith.constant 4.800000e+01 : f32
        %mul3A_896 = vector.broadcast %mul3A_895 : f32 to vector<16xf32>
        %mul3A_897 = arith.mulf %mul3A_896, %mul3A_887 : vector<16xf32>
        %add3A_898 = arith.addf %sub3A_894, %mul3A_897 : vector<16xf32>
        %mul3A_899 = arith.constant 2.100000e+01 : f32
        %mul3A_900 = vector.broadcast %mul3A_899 : f32 to vector<16xf32>
        %mul3A_901 = arith.mulf %mul3A_900, %mul3A_888 : vector<16xf32>
        %sub3A_902 = arith.subf %add3A_898, %mul3A_901 : vector<16xf32>
        %lt3A_903 = arith.constant 1.000000e+00 : f32
        %lt3A_904 = vector.broadcast %lt3A_903 : f32 to vector<16xf32>
        %lt3A_905 = arith.cmpf olt, %mul3A_883, %lt3A_904 : vector<16xf32>
        %mul3A_906 = arith.mulf %sub3A_902, %mul3A_880 : vector<16xf32>
        %jit3A_907 = arith.constant 0.000000e+00 : f32
        %broadcast_in_dim3A_908 = vector.broadcast %jit3A_907 : f32 to vector<16xf32>
        %select_n3A_909 = arith.select %lt3A_905, %mul3A_906, %broadcast_in_dim3A_908 : vector<16xi1>, vector<16xf32>
        %mul3A_910 = arith.constant 16 : i32
        %mul3A_911 = arith.muli %add3A_765, %mul3A_910 : i32
        %swap3A_912 = arith.index_cast %mul3A_911 : i32 to index
        %swap3A_913 = tpu.vector_load %arg14[%swap3A_912] {strides = array<i32>} : memref<1024xf32, #tpu.memory_space<vmem>>, vector<16xf32>,
        tpu.vector_store %arg14[%swap3A_912], %select_n3A_909 {strides = array<i32>} : memref<1024xf32, #tpu.memory_space<vmem>>, vector<16xf32>,
        %mul3A_914 = arith.constant 4 : i32
        %mul3A_915 = arith.muli %scan3A_618, %mul3A_914 : i32
        %add3A_916 = arith.constant 2 : i32
        %add3A_917 = arith.addi %mul3A_915, %add3A_916 : i32
        %mul3A_918 = arith.constant 16 : i32
        %mul3A_919 = arith.muli %add3A_917, %mul3A_918 : i32
        %add3A_920 = vector.broadcast %mul3A_919 : i32 to vector<16xi32>
        %add3A_921 = arith.addi %iota3A, %add3A_920 : vector<16xi32>
        %mul3A_922 = arith.constant 0 : i32
        %mul3A_923 = vector.broadcast %mul3A_922 : i32 to vector<16xi32>
        %mul3A_924 = arith.muli %iota3A, %mul3A_923 : vector<16xi32>
        %gather3A_925 = tpu.vector_load_idx %arg10[%add3A_921, %mul3A_924] : memref<1024x8xf32, #tpu.memory_space<vmem>>[vector<16xi32>, vector<16xi32>], vector<16xf32>,
        %add3A_926 = arith.constant 1 : i32
        %add3A_927 = vector.broadcast %add3A_926 : i32 to vector<16xi32>
        %add3A_928 = arith.addi %mul3A_924, %add3A_927 : vector<16xi32>
        %gather3A_929 = tpu.vector_load_idx %arg10[%add3A_921, %add3A_928] : memref<1024x8xf32, #tpu.memory_space<vmem>>[vector<16xi32>, vector<16xi32>], vector<16xf32>,
        %add3A_930 = arith.constant 2 : i32
        %add3A_931 = vector.broadcast %add3A_930 : i32 to vector<16xi32>
        %add3A_932 = arith.addi %mul3A_924, %add3A_931 : vector<16xi32>
        %gather3A_933 = tpu.vector_load_idx %arg10[%add3A_921, %add3A_932] : memref<1024x8xf32, #tpu.memory_space<vmem>>[vector<16xi32>, vector<16xi32>], vector<16xf32>,
        %add3A_934 = arith.constant 3 : i32
        %add3A_935 = vector.broadcast %add3A_934 : i32 to vector<16xi32>
        %add3A_936 = arith.addi %mul3A_924, %add3A_935 : vector<16xi32>
        %gather3A_937 = tpu.vector_load_idx %arg10[%add3A_921, %add3A_936] : memref<1024x8xf32, #tpu.memory_space<vmem>>[vector<16xi32>, vector<16xi32>], vector<16xf32>,
        %add3A_938 = arith.constant 4 : i32
        %add3A_939 = vector.broadcast %add3A_938 : i32 to vector<16xi32>
        %add3A_940 = arith.addi %mul3A_924, %add3A_939 : vector<16xi32>
        %gather3A_941 = tpu.vector_load_idx %arg10[%add3A_921, %add3A_940] : memref<1024x8xf32, #tpu.memory_space<vmem>>[vector<16xi32>, vector<16xi32>], vector<16xf32>,
        %gather3A_942 = tpu.vector_load_idx %arg12[%add3A_921, %mul3A_924] : memref<1024x8xf32, #tpu.memory_space<vmem>>[vector<16xi32>, vector<16xi32>], vector<16xf32>,
        %add3A_943 = arith.constant 1 : i32
        %add3A_944 = vector.broadcast %add3A_943 : i32 to vector<16xi32>
        %add3A_945 = arith.addi %mul3A_924, %add3A_944 : vector<16xi32>
        %gather3A_946 = tpu.vector_load_idx %arg12[%add3A_921, %add3A_945] : memref<1024x8xf32, #tpu.memory_space<vmem>>[vector<16xi32>, vector<16xi32>], vector<16xf32>,
        %add3A_947 = arith.constant 2 : i32
        %add3A_948 = vector.broadcast %add3A_947 : i32 to vector<16xi32>
        %add3A_949 = arith.addi %mul3A_924, %add3A_948 : vector<16xi32>
        %gather3A_950 = tpu.vector_load_idx %arg12[%add3A_921, %add3A_949] : memref<1024x8xf32, #tpu.memory_space<vmem>>[vector<16xi32>, vector<16xi32>], vector<16xf32>,
        %add3A_951 = arith.constant 3 : i32
        %add3A_952 = vector.broadcast %add3A_951 : i32 to vector<16xi32>
        %add3A_953 = arith.addi %mul3A_924, %add3A_952 : vector<16xi32>
        %gather3A_954 = tpu.vector_load_idx %arg12[%add3A_921, %add3A_953] : memref<1024x8xf32, #tpu.memory_space<vmem>>[vector<16xi32>, vector<16xi32>], vector<16xf32>,
        %add3A_955 = arith.constant 4 : i32
        %add3A_956 = vector.broadcast %add3A_955 : i32 to vector<16xi32>
        %add3A_957 = arith.addi %mul3A_924, %add3A_956 : vector<16xi32>
        %gather3A_958 = tpu.vector_load_idx %arg12[%add3A_921, %add3A_957] : memref<1024x8xf32, #tpu.memory_space<vmem>>[vector<16xi32>, vector<16xi32>], vector<16xf32>,
        %sub3A_959 = arith.subf %gather3A_925, %gather3A_942 : vector<16xf32>
        %sub3A_960 = arith.subf %gather3A_929, %gather3A_946 : vector<16xf32>
        %sub3A_961 = arith.subf %gather3A_933, %gather3A_950 : vector<16xf32>
        %mul3A_962 = arith.mulf %sub3A_959, %sub3A_959 : vector<16xf32>
        %mul3A_963 = arith.mulf %sub3A_960, %sub3A_960 : vector<16xf32>
        %add3A_964 = arith.addf %mul3A_962, %mul3A_963 : vector<16xf32>
        %mul3A_965 = arith.mulf %sub3A_961, %sub3A_961 : vector<16xf32>
        %add3A_966 = arith.addf %add3A_964, %mul3A_965 : vector<16xf32>
        %bitcast3A_967 = vector.bitcast %add3A_966 : vector<16xf32> to vector<16xi32>
        %shift_right_arithmetic3A_968 = arith.constant 1 : i32
        %shift_right_arithmetic3A_969 = vector.broadcast %shift_right_arithmetic3A_968 : i32 to vector<16xi32>
        %shift_right_arithmetic3A_970 = arith.shrsi %bitcast3A_967, %shift_right_arithmetic3A_969 : vector<16xi32>
        %sub3A_971 = arith.constant 1597463007 : i32
        %sub3A_972 = vector.broadcast %sub3A_971 : i32 to vector<16xi32>
        %sub3A_973 = arith.subi %sub3A_972, %shift_right_arithmetic3A_970 : vector<16xi32>
        %bitcast3A_974 = vector.bitcast %sub3A_973 : vector<16xi32> to vector<16xf32>
        %mul3A_975 = arith.constant 5.000000e-01 : f32
        %mul3A_976 = vector.broadcast %mul3A_975 : f32 to vector<16xf32>
        %mul3A_977 = arith.mulf %mul3A_976, %add3A_966 : vector<16xf32>
        %mul3A_978 = arith.mulf %mul3A_977, %bitcast3A_974 : vector<16xf32>
        %mul3A_979 = arith.mulf %mul3A_978, %bitcast3A_974 : vector<16xf32>
        %sub3A_980 = arith.constant 1.500000e+00 : f32
        %sub3A_981 = vector.broadcast %sub3A_980 : f32 to vector<16xf32>
        %sub3A_982 = arith.subf %sub3A_981, %mul3A_979 : vector<16xf32>
        %mul3A_983 = arith.mulf %bitcast3A_974, %sub3A_982 : vector<16xf32>
        %mul3A_984 = arith.constant 5.000000e-01 : f32
        %mul3A_985 = vector.broadcast %mul3A_984 : f32 to vector<16xf32>
        %mul3A_986 = arith.mulf %mul3A_985, %add3A_966 : vector<16xf32>
        %mul3A_987 = arith.mulf %mul3A_986, %mul3A_983 : vector<16xf32>
        %mul3A_988 = arith.mulf %mul3A_987, %mul3A_983 : vector<16xf32>
        %sub3A_989 = arith.constant 1.500000e+00 : f32
        %sub3A_990 = vector.broadcast %sub3A_989 : f32 to vector<16xf32>
        %sub3A_991 = arith.subf %sub3A_990, %mul3A_988 : vector<16xf32>
        %mul3A_992 = arith.mulf %mul3A_983, %sub3A_991 : vector<16xf32>
        %mul3A_993 = arith.mulf %add3A_966, %mul3A_992 : vector<16xf32>
        %add3A_994 = arith.addf %gather3A_937, %gather3A_954 : vector<16xf32>
        %mul3A_995 = arith.constant 2.13447165 : f32
        %mul3A_996 = vector.broadcast %mul3A_995 : f32 to vector<16xf32>
        %mul3A_997 = arith.mulf %mul3A_993, %mul3A_996 : vector<16xf32>
        %mul3A_998 = arith.mulf %add3A_994, %mul3A_997 : vector<16xf32>
        %mul3A_999 = arith.constant -2.016200e-01 : f32
        %mul3A_1000 = vector.broadcast %mul3A_999 : f32 to vector<16xf32>
        %mul3A_1001 = arith.mulf %mul3A_1000, %mul3A_998 : vector<16xf32>
        %exp3A_1002 = math.exp %mul3A_1001 : vector<16xf32>
        %mul3A_1003 = arith.constant 2.817000e-02 : f32
        %mul3A_1004 = vector.broadcast %mul3A_1003 : f32 to vector<16xf32>
        %mul3A_1005 = arith.mulf %mul3A_1004, %exp3A_1002 : vector<16xf32>
        %mul3A_1006 = arith.constant -4.029000e-01 : f32
        %mul3A_1007 = vector.broadcast %mul3A_1006 : f32 to vector<16xf32>
        %mul3A_1008 = arith.mulf %mul3A_1007, %mul3A_998 : vector<16xf32>
        %exp3A_1009 = math.exp %mul3A_1008 : vector<16xf32>
        %mul3A_1010 = arith.constant 2.802200e-01 : f32
        %mul3A_1011 = vector.broadcast %mul3A_1010 : f32 to vector<16xf32>
        %mul3A_1012 = arith.mulf %mul3A_1011, %exp3A_1009 : vector<16xf32>
        %add3A_1013 = arith.addf %mul3A_1005, %mul3A_1012 : vector<16xf32>
        %mul3A_1014 = arith.constant -9.422900e-01 : f32
        %mul3A_1015 = vector.broadcast %mul3A_1014 : f32 to vector<16xf32>
        %mul3A_1016 = arith.mulf %mul3A_1015, %mul3A_998 : vector<16xf32>
        %exp3A_1017 = math.exp %mul3A_1016 : vector<16xf32>
        %mul3A_1018 = arith.constant 5.098600e-01 : f32
        %mul3A_1019 = vector.broadcast %mul3A_1018 : f32 to vector<16xf32>
        %mul3A_1020 = arith.mulf %mul3A_1019, %exp3A_1017 : vector<16xf32>
        %add3A_1021 = arith.addf %add3A_1013, %mul3A_1020 : vector<16xf32>
        %mul3A_1022 = arith.constant -3.199800e+00 : f32
        %mul3A_1023 = vector.broadcast %mul3A_1022 : f32 to vector<16xf32>
        %mul3A_1024 = arith.mulf %mul3A_1023, %mul3A_998 : vector<16xf32>
        %exp3A_1025 = math.exp %mul3A_1024 : vector<16xf32>
        %mul3A_1026 = arith.constant 1.817500e-01 : f32
        %mul3A_1027 = vector.broadcast %mul3A_1026 : f32 to vector<16xf32>
        %mul3A_1028 = arith.mulf %mul3A_1027, %exp3A_1025 : vector<16xf32>
        %add3A_1029 = arith.addf %add3A_1021, %mul3A_1028 : vector<16xf32>
        %mul3A_1030 = arith.mulf %gather3A_941, %gather3A_958 : vector<16xf32>
        %mul3A_1031 = arith.mulf %mul3A_1030, %mul3A_992 : vector<16xf32>
        %mul3A_1032 = arith.mulf %mul3A_1031, %add3A_1029 : vector<16xf32>
        %mul3A_1033 = arith.constant 2.000000e-01 : f32
        %mul3A_1034 = vector.broadcast %mul3A_1033 : f32 to vector<16xf32>
        %mul3A_1035 = arith.mulf %mul3A_993, %mul3A_1034 : vector<16xf32>
        %mul3A_1036 = arith.mulf %mul3A_1035, %mul3A_1035 : vector<16xf32>
        %mul3A_1037 = arith.mulf %mul3A_1036, %mul3A_1036 : vector<16xf32>
        %mul3A_1038 = arith.mulf %mul3A_1037, %mul3A_1036 : vector<16xf32>
        %mul3A_1039 = arith.mulf %mul3A_1038, %mul3A_1035 : vector<16xf32>
        %mul3A_1040 = arith.mulf %mul3A_1039, %mul3A_1035 : vector<16xf32>
        %mul3A_1041 = arith.constant 2.800000e+01 : f32
        %mul3A_1042 = vector.broadcast %mul3A_1041 : f32 to vector<16xf32>
        %mul3A_1043 = arith.mulf %mul3A_1042, %mul3A_1038 : vector<16xf32>
        %sub3A_1044 = arith.constant 1.000000e+00 : f32
        %sub3A_1045 = vector.broadcast %sub3A_1044 : f32 to vector<16xf32>
        %sub3A_1046 = arith.subf %sub3A_1045, %mul3A_1043 : vector<16xf32>
        %mul3A_1047 = arith.constant 4.800000e+01 : f32
        %mul3A_1048 = vector.broadcast %mul3A_1047 : f32 to vector<16xf32>
        %mul3A_1049 = arith.mulf %mul3A_1048, %mul3A_1039 : vector<16xf32>
        %add3A_1050 = arith.addf %sub3A_1046, %mul3A_1049 : vector<16xf32>
        %mul3A_1051 = arith.constant 2.100000e+01 : f32
        %mul3A_1052 = vector.broadcast %mul3A_1051 : f32 to vector<16xf32>
        %mul3A_1053 = arith.mulf %mul3A_1052, %mul3A_1040 : vector<16xf32>
        %sub3A_1054 = arith.subf %add3A_1050, %mul3A_1053 : vector<16xf32>
        %lt3A_1055 = arith.constant 1.000000e+00 : f32
        %lt3A_1056 = vector.broadcast %lt3A_1055 : f32 to vector<16xf32>
        %lt3A_1057 = arith.cmpf olt, %mul3A_1035, %lt3A_1056 : vector<16xf32>
        %mul3A_1058 = arith.mulf %sub3A_1054, %mul3A_1032 : vector<16xf32>
        %jit3A_1059 = arith.constant 0.000000e+00 : f32
        %broadcast_in_dim3A_1060 = vector.broadcast %jit3A_1059 : f32 to vector<16xf32>
        %select_n3A_1061 = arith.select %lt3A_1057, %mul3A_1058, %broadcast_in_dim3A_1060 : vector<16xi1>, vector<16xf32>
        %mul3A_1062 = arith.constant 16 : i32
        %mul3A_1063 = arith.muli %add3A_917, %mul3A_1062 : i32
        %swap3A_1064 = arith.index_cast %mul3A_1063 : i32 to index
        %swap3A_1065 = tpu.vector_load %arg14[%swap3A_1064] {strides = array<i32>} : memref<1024xf32, #tpu.memory_space<vmem>>, vector<16xf32>,
        tpu.vector_store %arg14[%swap3A_1064], %select_n3A_1061 {strides = array<i32>} : memref<1024xf32, #tpu.memory_space<vmem>>, vector<16xf32>,
        %mul3A_1066 = arith.constant 4 : i32
        %mul3A_1067 = arith.muli %scan3A_618, %mul3A_1066 : i32
        %add3A_1068 = arith.constant 3 : i32
        %add3A_1069 = arith.addi %mul3A_1067, %add3A_1068 : i32
        %mul3A_1070 = arith.constant 16 : i32
        %mul3A_1071 = arith.muli %add3A_1069, %mul3A_1070 : i32
        %add3A_1072 = vector.broadcast %mul3A_1071 : i32 to vector<16xi32>
        %add3A_1073 = arith.addi %iota3A, %add3A_1072 : vector<16xi32>
        %mul3A_1074 = arith.constant 0 : i32
        %mul3A_1075 = vector.broadcast %mul3A_1074 : i32 to vector<16xi32>
        %mul3A_1076 = arith.muli %iota3A, %mul3A_1075 : vector<16xi32>
        %gather3A_1077 = tpu.vector_load_idx %arg10[%add3A_1073, %mul3A_1076] : memref<1024x8xf32, #tpu.memory_space<vmem>>[vector<16xi32>, vector<16xi32>], vector<16xf32>,
        %add3A_1078 = arith.constant 1 : i32
        %add3A_1079 = vector.broadcast %add3A_1078 : i32 to vector<16xi32>
        %add3A_1080 = arith.addi %mul3A_1076, %add3A_1079 : vector<16xi32>
        %gather3A_1081 = tpu.vector_load_idx %arg10[%add3A_1073, %add3A_1080] : memref<1024x8xf32, #tpu.memory_space<vmem>>[vector<16xi32>, vector<16xi32>], vector<16xf32>,
        %add3A_1082 = arith.constant 2 : i32
        %add3A_1083 = vector.broadcast %add3A_1082 : i32 to vector<16xi32>
        %add3A_1084 = arith.addi %mul3A_1076, %add3A_1083 : vector<16xi32>
        %gather3A_1085 = tpu.vector_load_idx %arg10[%add3A_1073, %add3A_1084] : memref<1024x8xf32, #tpu.memory_space<vmem>>[vector<16xi32>, vector<16xi32>], vector<16xf32>,
        %add3A_1086 = arith.constant 3 : i32
        %add3A_1087 = vector.broadcast %add3A_1086 : i32 to vector<16xi32>
        %add3A_1088 = arith.addi %mul3A_1076, %add3A_1087 : vector<16xi32>
        %gather3A_1089 = tpu.vector_load_idx %arg10[%add3A_1073, %add3A_1088] : memref<1024x8xf32, #tpu.memory_space<vmem>>[vector<16xi32>, vector<16xi32>], vector<16xf32>,
        %add3A_1090 = arith.constant 4 : i32
        %add3A_1091 = vector.broadcast %add3A_1090 : i32 to vector<16xi32>
        %add3A_1092 = arith.addi %mul3A_1076, %add3A_1091 : vector<16xi32>
        %gather3A_1093 = tpu.vector_load_idx %arg10[%add3A_1073, %add3A_1092] : memref<1024x8xf32, #tpu.memory_space<vmem>>[vector<16xi32>, vector<16xi32>], vector<16xf32>,
        %gather3A_1094 = tpu.vector_load_idx %arg12[%add3A_1073, %mul3A_1076] : memref<1024x8xf32, #tpu.memory_space<vmem>>[vector<16xi32>, vector<16xi32>], vector<16xf32>,
        %add3A_1095 = arith.constant 1 : i32
        %add3A_1096 = vector.broadcast %add3A_1095 : i32 to vector<16xi32>
        %add3A_1097 = arith.addi %mul3A_1076, %add3A_1096 : vector<16xi32>
        %gather3A_1098 = tpu.vector_load_idx %arg12[%add3A_1073, %add3A_1097] : memref<1024x8xf32, #tpu.memory_space<vmem>>[vector<16xi32>, vector<16xi32>], vector<16xf32>,
        %add3A_1099 = arith.constant 2 : i32
        %add3A_1100 = vector.broadcast %add3A_1099 : i32 to vector<16xi32>
        %add3A_1101 = arith.addi %mul3A_1076, %add3A_1100 : vector<16xi32>
        %gather3A_1102 = tpu.vector_load_idx %arg12[%add3A_1073, %add3A_1101] : memref<1024x8xf32, #tpu.memory_space<vmem>>[vector<16xi32>, vector<16xi32>], vector<16xf32>,
        %add3A_1103 = arith.constant 3 : i32
        %add3A_1104 = vector.broadcast %add3A_1103 : i32 to vector<16xi32>
        %add3A_1105 = arith.addi %mul3A_1076, %add3A_1104 : vector<16xi32>
        %gather3A_1106 = tpu.vector_load_idx %arg12[%add3A_1073, %add3A_1105] : memref<1024x8xf32, #tpu.memory_space<vmem>>[vector<16xi32>, vector<16xi32>], vector<16xf32>,
        %add3A_1107 = arith.constant 4 : i32
        %add3A_1108 = vector.broadcast %add3A_1107 : i32 to vector<16xi32>
        %add3A_1109 = arith.addi %mul3A_1076, %add3A_1108 : vector<16xi32>
        %gather3A_1110 = tpu.vector_load_idx %arg12[%add3A_1073, %add3A_1109] : memref<1024x8xf32, #tpu.memory_space<vmem>>[vector<16xi32>, vector<16xi32>], vector<16xf32>,
        %sub3A_1111 = arith.subf %gather3A_1077, %gather3A_1094 : vector<16xf32>
        %sub3A_1112 = arith.subf %gather3A_1081, %gather3A_1098 : vector<16xf32>
        %sub3A_1113 = arith.subf %gather3A_1085, %gather3A_1102 : vector<16xf32>
        %mul3A_1114 = arith.mulf %sub3A_1111, %sub3A_1111 : vector<16xf32>
        %mul3A_1115 = arith.mulf %sub3A_1112, %sub3A_1112 : vector<16xf32>
        %add3A_1116 = arith.addf %mul3A_1114, %mul3A_1115 : vector<16xf32>
        %mul3A_1117 = arith.mulf %sub3A_1113, %sub3A_1113 : vector<16xf32>
        %add3A_1118 = arith.addf %add3A_1116, %mul3A_1117 : vector<16xf32>
        %bitcast3A_1119 = vector.bitcast %add3A_1118 : vector<16xf32> to vector<16xi32>
        %shift_right_arithmetic3A_1120 = arith.constant 1 : i32
        %shift_right_arithmetic3A_1121 = vector.broadcast %shift_right_arithmetic3A_1120 : i32 to vector<16xi32>
        %shift_right_arithmetic3A_1122 = arith.shrsi %bitcast3A_1119, %shift_right_arithmetic3A_1121 : vector<16xi32>
        %sub3A_1123 = arith.constant 1597463007 : i32
        %sub3A_1124 = vector.broadcast %sub3A_1123 : i32 to vector<16xi32>
        %sub3A_1125 = arith.subi %sub3A_1124, %shift_right_arithmetic3A_1122 : vector<16xi32>
        %bitcast3A_1126 = vector.bitcast %sub3A_1125 : vector<16xi32> to vector<16xf32>
        %mul3A_1127 = arith.constant 5.000000e-01 : f32
        %mul3A_1128 = vector.broadcast %mul3A_1127 : f32 to vector<16xf32>
        %mul3A_1129 = arith.mulf %mul3A_1128, %add3A_1118 : vector<16xf32>
        %mul3A_1130 = arith.mulf %mul3A_1129, %bitcast3A_1126 : vector<16xf32>
        %mul3A_1131 = arith.mulf %mul3A_1130, %bitcast3A_1126 : vector<16xf32>
        %sub3A_1132 = arith.constant 1.500000e+00 : f32
        %sub3A_1133 = vector.broadcast %sub3A_1132 : f32 to vector<16xf32>
        %sub3A_1134 = arith.subf %sub3A_1133, %mul3A_1131 : vector<16xf32>
        %mul3A_1135 = arith.mulf %bitcast3A_1126, %sub3A_1134 : vector<16xf32>
        %mul3A_1136 = arith.constant 5.000000e-01 : f32
        %mul3A_1137 = vector.broadcast %mul3A_1136 : f32 to vector<16xf32>
        %mul3A_1138 = arith.mulf %mul3A_1137, %add3A_1118 : vector<16xf32>
        %mul3A_1139 = arith.mulf %mul3A_1138, %mul3A_1135 : vector<16xf32>
        %mul3A_1140 = arith.mulf %mul3A_1139, %mul3A_1135 : vector<16xf32>
        %sub3A_1141 = arith.constant 1.500000e+00 : f32
        %sub3A_1142 = vector.broadcast %sub3A_1141 : f32 to vector<16xf32>
        %sub3A_1143 = arith.subf %sub3A_1142, %mul3A_1140 : vector<16xf32>
        %mul3A_1144 = arith.mulf %mul3A_1135, %sub3A_1143 : vector<16xf32>
        %mul3A_1145 = arith.mulf %add3A_1118, %mul3A_1144 : vector<16xf32>
        %add3A_1146 = arith.addf %gather3A_1089, %gather3A_1106 : vector<16xf32>
        %mul3A_1147 = arith.constant 2.13447165 : f32
        %mul3A_1148 = vector.broadcast %mul3A_1147 : f32 to vector<16xf32>
        %mul3A_1149 = arith.mulf %mul3A_1145, %mul3A_1148 : vector<16xf32>
        %mul3A_1150 = arith.mulf %add3A_1146, %mul3A_1149 : vector<16xf32>
        %mul3A_1151 = arith.constant -2.016200e-01 : f32
        %mul3A_1152 = vector.broadcast %mul3A_1151 : f32 to vector<16xf32>
        %mul3A_1153 = arith.mulf %mul3A_1152, %mul3A_1150 : vector<16xf32>
        %exp3A_1154 = math.exp %mul3A_1153 : vector<16xf32>
        %mul3A_1155 = arith.constant 2.817000e-02 : f32
        %mul3A_1156 = vector.broadcast %mul3A_1155 : f32 to vector<16xf32>
        %mul3A_1157 = arith.mulf %mul3A_1156, %exp3A_1154 : vector<16xf32>
        %mul3A_1158 = arith.constant -4.029000e-01 : f32
        %mul3A_1159 = vector.broadcast %mul3A_1158 : f32 to vector<16xf32>
        %mul3A_1160 = arith.mulf %mul3A_1159, %mul3A_1150 : vector<16xf32>
        %exp3A_1161 = math.exp %mul3A_1160 : vector<16xf32>
        %mul3A_1162 = arith.constant 2.802200e-01 : f32
        %mul3A_1163 = vector.broadcast %mul3A_1162 : f32 to vector<16xf32>
        %mul3A_1164 = arith.mulf %mul3A_1163, %exp3A_1161 : vector<16xf32>
        %add3A_1165 = arith.addf %mul3A_1157, %mul3A_1164 : vector<16xf32>
        %mul3A_1166 = arith.constant -9.422900e-01 : f32
        %mul3A_1167 = vector.broadcast %mul3A_1166 : f32 to vector<16xf32>
        %mul3A_1168 = arith.mulf %mul3A_1167, %mul3A_1150 : vector<16xf32>
        %exp3A_1169 = math.exp %mul3A_1168 : vector<16xf32>
        %mul3A_1170 = arith.constant 5.098600e-01 : f32
        %mul3A_1171 = vector.broadcast %mul3A_1170 : f32 to vector<16xf32>
        %mul3A_1172 = arith.mulf %mul3A_1171, %exp3A_1169 : vector<16xf32>
        %add3A_1173 = arith.addf %add3A_1165, %mul3A_1172 : vector<16xf32>
        %mul3A_1174 = arith.constant -3.199800e+00 : f32
        %mul3A_1175 = vector.broadcast %mul3A_1174 : f32 to vector<16xf32>
        %mul3A_1176 = arith.mulf %mul3A_1175, %mul3A_1150 : vector<16xf32>
        %exp3A_1177 = math.exp %mul3A_1176 : vector<16xf32>
        %mul3A_1178 = arith.constant 1.817500e-01 : f32
        %mul3A_1179 = vector.broadcast %mul3A_1178 : f32 to vector<16xf32>
        %mul3A_1180 = arith.mulf %mul3A_1179, %exp3A_1177 : vector<16xf32>
        %add3A_1181 = arith.addf %add3A_1173, %mul3A_1180 : vector<16xf32>
        %mul3A_1182 = arith.mulf %gather3A_1093, %gather3A_1110 : vector<16xf32>
        %mul3A_1183 = arith.mulf %mul3A_1182, %mul3A_1144 : vector<16xf32>
        %mul3A_1184 = arith.mulf %mul3A_1183, %add3A_1181 : vector<16xf32>
        %mul3A_1185 = arith.constant 2.000000e-01 : f32
        %mul3A_1186 = vector.broadcast %mul3A_1185 : f32 to vector<16xf32>
        %mul3A_1187 = arith.mulf %mul3A_1145, %mul3A_1186 : vector<16xf32>
        %mul3A_1188 = arith.mulf %mul3A_1187, %mul3A_1187 : vector<16xf32>
        %mul3A_1189 = arith.mulf %mul3A_1188, %mul3A_1188 : vector<16xf32>
        %mul3A_1190 = arith.mulf %mul3A_1189, %mul3A_1188 : vector<16xf32>
        %mul3A_1191 = arith.mulf %mul3A_1190, %mul3A_1187 : vector<16xf32>
        %mul3A_1192 = arith.mulf %mul3A_1191, %mul3A_1187 : vector<16xf32>
        %mul3A_1193 = arith.constant 2.800000e+01 : f32
        %mul3A_1194 = vector.broadcast %mul3A_1193 : f32 to vector<16xf32>
        %mul3A_1195 = arith.mulf %mul3A_1194, %mul3A_1190 : vector<16xf32>
        %sub3A_1196 = arith.constant 1.000000e+00 : f32
        %sub3A_1197 = vector.broadcast %sub3A_1196 : f32 to vector<16xf32>
        %sub3A_1198 = arith.subf %sub3A_1197, %mul3A_1195 : vector<16xf32>
        %mul3A_1199 = arith.constant 4.800000e+01 : f32
        %mul3A_1200 = vector.broadcast %mul3A_1199 : f32 to vector<16xf32>
        %mul3A_1201 = arith.mulf %mul3A_1200, %mul3A_1191 : vector<16xf32>
        %add3A_1202 = arith.addf %sub3A_1198, %mul3A_1201 : vector<16xf32>
        %mul3A_1203 = arith.constant 2.100000e+01 : f32
        %mul3A_1204 = vector.broadcast %mul3A_1203 : f32 to vector<16xf32>
        %mul3A_1205 = arith.mulf %mul3A_1204, %mul3A_1192 : vector<16xf32>
        %sub3A_1206 = arith.subf %add3A_1202, %mul3A_1205 : vector<16xf32>
        %lt3A_1207 = arith.constant 1.000000e+00 : f32
        %lt3A_1208 = vector.broadcast %lt3A_1207 : f32 to vector<16xf32>
        %lt3A_1209 = arith.cmpf olt, %mul3A_1187, %lt3A_1208 : vector<16xf32>
        %mul3A_1210 = arith.mulf %sub3A_1206, %mul3A_1184 : vector<16xf32>
        %jit3A_1211 = arith.constant 0.000000e+00 : f32
        %broadcast_in_dim3A_1212 = vector.broadcast %jit3A_1211 : f32 to vector<16xf32>
        %select_n3A_1213 = arith.select %lt3A_1209, %mul3A_1210, %broadcast_in_dim3A_1212 : vector<16xi1>, vector<16xf32>
        %mul3A_1214 = arith.constant 16 : i32
        %mul3A_1215 = arith.muli %add3A_1069, %mul3A_1214 : i32
        %swap3A_1216 = arith.index_cast %mul3A_1215 : i32 to index
        %swap3A_1217 = tpu.vector_load %arg14[%swap3A_1216] {strides = array<i32>} : memref<1024xf32, #tpu.memory_space<vmem>>, vector<16xf32>,
        tpu.vector_store %arg14[%swap3A_1216], %select_n3A_1213 {strides = array<i32>} : memref<1024xf32, #tpu.memory_space<vmem>>, vector<16xf32>,
        %scan3A_1218 = arith.constant 0 : i32
        scf.yield %scan3A_1218 : i32
      }
      %scan3A_588 = arith.constant 16 : i32
      %scan3A_589 = arith.constant 0 : i32
      %scan3A_590 = arith.constant 0 : i32
      %scan3A_591 = arith.constant 32 : i32
      %scan3A_592 = arith.addi %scan3A_590, %scan3A_591 : i32
      %scan3A_593 = arith.constant 1 : i32
      %scan3A_594 = scf.for %scan3A_618 = %scan3A_590 to %scan3A_592 step %scan3A_593 iter_args(%scan3A_619 = %scan3A_589) -> (i32)  : i32 {
        %mul3A_620 = arith.constant 16 : i32
        %mul3A_621 = arith.muli %scan3A_618, %mul3A_620 : i32
        %add3A_622 = arith.constant 0 : i32
        %add3A_623 = arith.addi %add3A_622, %mul3A_621 : i32
        %get3A = arith.index_cast %add3A_623 : i32 to index
        %get3A_624 = tpu.vector_load %arg6[%get3A] {strides = array<i32>} : memref<1024xi32, #tpu.memory_space<vmem>>, vector<16xi32>,
        %mul3A_625 = arith.constant 16 : i32
        %mul3A_626 = arith.muli %scan3A_618, %mul3A_625 : i32
        %swap3A = arith.index_cast %mul3A_626 : i32 to index
        %swap3A_627 = tpu.vector_load %arg17[%swap3A] {strides = array<i32>} : memref<512xi32, #tpu.memory_space<vmem>>, vector<16xi32>,
        tpu.vector_store %arg17[%swap3A], %get3A_624 {strides = array<i32>} : memref<512xi32, #tpu.memory_space<vmem>>, vector<16xi32>,
        %mul3A_628 = arith.constant 16 : i32
        %mul3A_629 = arith.muli %scan3A_618, %mul3A_628 : i32
        %add3A_630 = arith.constant 512 : i32
        %add3A_631 = arith.addi %add3A_630, %mul3A_629 : i32
        %get3A_632 = arith.index_cast %add3A_631 : i32 to index
        %get3A_633 = tpu.vector_load %arg6[%get3A_632] {strides = array<i32>} : memref<1024xi32, #tpu.memory_space<vmem>>, vector<16xi32>,
        %mul3A_634 = arith.constant 16 : i32
        %mul3A_635 = arith.muli %scan3A_618, %mul3A_634 : i32
        %swap3A_636 = arith.index_cast %mul3A_635 : i32 to index
        %swap3A_637 = tpu.vector_load %arg18[%swap3A_636] {strides = array<i32>} : memref<512xi32, #tpu.memory_space<vmem>>, vector<16xi32>,
        tpu.vector_store %arg18[%swap3A_636], %get3A_633 {strides = array<i32>} : memref<512xi32, #tpu.memory_space<vmem>>, vector<16xi32>,
        %scan3A_638 = arith.constant 0 : i32
        scf.yield %scan3A_638 : i32
      }
      %scan3A_595 = arith.constant 32 : i32
      %dma_start3A_596 = arith.constant 0 : i32
      %dma_start3A_597 = tpu.memref_slice %arg14[%dma_start3A_596] : memref<1024xf32, #tpu.memory_space<vmem>> -> memref<512xf32, #tpu.memory_space<vmem>>
      %dma_start3A_598 = arith.constant 0 : i32
      %dma_start3A_599 = tpu.memref_slice %arg21[%dma_start3A_598] : memref<100096xf32, #tpu.memory_space<vmem_shared>> -> memref<100096xf32, #tpu.memory_space<vmem_shared>>
      tpu.enqueue_indirect_dma source(%dma_start3A_597 : memref<512xf32, #tpu.memory_space<vmem>>) target(%dma_start3A_599 : memref<100096xf32, #tpu.memory_space<vmem_shared>>) offsets(%arg17 : memref<512xi32, #tpu.memory_space<vmem>>) semaphore(%arg27 : memref<!tpu.dma_semaphore, #tpu.memory_space<semaphore_mem>>) {add = true}
      %dma_start3A_600 = arith.constant 512 : i32
      %dma_start3A_601 = tpu.memref_slice %arg14[%dma_start3A_600] : memref<1024xf32, #tpu.memory_space<vmem>> -> memref<512xf32, #tpu.memory_space<vmem>>
      %dma_start3A_602 = arith.constant 0 : i32
      %dma_start3A_603 = tpu.memref_slice %arg21[%dma_start3A_602] : memref<100096xf32, #tpu.memory_space<vmem_shared>> -> memref<100096xf32, #tpu.memory_space<vmem_shared>>
      tpu.enqueue_indirect_dma source(%dma_start3A_601 : memref<512xf32, #tpu.memory_space<vmem>>) target(%dma_start3A_603 : memref<100096xf32, #tpu.memory_space<vmem_shared>>) offsets(%arg18 : memref<512xi32, #tpu.memory_space<vmem>>) semaphore(%arg27 : memref<!tpu.dma_semaphore, #tpu.memory_space<semaphore_mem>>) {add = true}
      %add3A_604 = arith.constant 2 : i32
      %add3A_605 = arith.addi %add3A_496, %add3A_604 : i32
      %mul3A_606 = arith.constant 32 : i32
      %mul3A_607 = arith.muli %add3A_605, %mul3A_606 : i32
      %add3A_608 = arith.addi %add3A, %mul3A_607 : i32
      %mul3A_609 = arith.constant 1024 : i32
      %mul3A_610 = arith.muli %add3A_608, %mul3A_609 : i32
      %add3A_611 = arith.constant 6488064 : i32
      %add3A_612 = arith.addi %add3A_611, %mul3A_610 : i32
      %dma_start3A_613 = tpu.memref_slice %arg3[%mul3A_610] : memref<12976128xi32, #tpu.memory_space<hbm>> -> memref<1024xi32, #tpu.memory_space<hbm>>
      %dma_start3A_614 = tpu.memref_slice %arg3[%mul3A_610] : memref<12976128xi32, #tpu.memory_space<hbm>> -> memref<1024xi32, #tpu.memory_space<hbm>>
      tpu.enqueue_dma source(%dma_start3A_614 : memref<1024xi32, #tpu.memory_space<hbm>>) target(%arg6 : memref<1024xi32, #tpu.memory_space<vmem>>) target_semaphore(%arg23 : memref<!tpu.dma_semaphore, #tpu.memory_space<semaphore_mem>>)
      %dma_start3A_615 = tpu.memref_slice %arg3[%add3A_612] : memref<12976128xi32, #tpu.memory_space<hbm>> -> memref<1024xi32, #tpu.memory_space<hbm>>
      %dma_start3A_616 = tpu.memref_slice %arg3[%add3A_612] : memref<12976128xi32, #tpu.memory_space<hbm>> -> memref<1024xi32, #tpu.memory_space<hbm>>
      tpu.enqueue_dma source(%dma_start3A_616 : memref<1024xi32, #tpu.memory_space<hbm>>) target(%arg8 : memref<1024xi32, #tpu.memory_space<vmem>>) target_semaphore(%arg23 : memref<!tpu.dma_semaphore, #tpu.memory_space<semaphore_mem>>)
      %scan3A_617 = arith.constant 0 : i32
      scf.yield %scan3A_617 : i32
    }
    %scan3A_302 = arith.constant 97 : i32
    %dma_wait3A_303 = arith.constant 0 : i32
    %dma_wait3A_304 = arith.constant 0 : i32
    %dma_wait3A_305 = tpu.memref_slice %arg9[%dma_wait3A_303, %dma_wait3A_304] : memref<1024x8xf32, #tpu.memory_space<vmem>> -> memref<512x8xf32, #tpu.memory_space<vmem>>
    %dma_wait3A_306 = arith.constant 0 : i32
    %dma_wait3A_307 = tpu.memref_slice %arg5[%dma_wait3A_306] : memref<1024xi32, #tpu.memory_space<vmem>> -> memref<512xi32, #tpu.memory_space<vmem>>
    %dma_wait3A_308 = arith.constant 0 : i32
    %dma_wait3A_309 = arith.constant 0 : i32
    %dma_wait3A_310 = tpu.memref_slice %arg20[%dma_wait3A_308, %dma_wait3A_309] : memref<100096x8xf32, #tpu.memory_space<vmem_shared>> -> memref<100096x8xf32, #tpu.memory_space<vmem_shared>>
    tpu.wait_indirect_dma semaphore(%arg24 : memref<!tpu.dma_semaphore, #tpu.memory_space<semaphore_mem>>) src(%dma_wait3A_310 : memref<100096x8xf32, #tpu.memory_space<vmem_shared>>) dst(%dma_wait3A_305 : memref<512x8xf32, #tpu.memory_space<vmem>>)
    %dma_wait3A_311 = arith.constant 0 : i32
    %dma_wait3A_312 = arith.constant 0 : i32
    %dma_wait3A_313 = tpu.memref_slice %arg11[%dma_wait3A_311, %dma_wait3A_312] : memref<1024x8xf32, #tpu.memory_space<vmem>> -> memref<512x8xf32, #tpu.memory_space<vmem>>
    %dma_wait3A_314 = arith.constant 0 : i32
    %dma_wait3A_315 = tpu.memref_slice %arg7[%dma_wait3A_314] : memref<1024xi32, #tpu.memory_space<vmem>> -> memref<512xi32, #tpu.memory_space<vmem>>
    %dma_wait3A_316 = arith.constant 0 : i32
    %dma_wait3A_317 = arith.constant 0 : i32
    %dma_wait3A_318 = tpu.memref_slice %arg20[%dma_wait3A_316, %dma_wait3A_317] : memref<100096x8xf32, #tpu.memory_space<vmem_shared>> -> memref<100096x8xf32, #tpu.memory_space<vmem_shared>>
    tpu.wait_indirect_dma semaphore(%arg24 : memref<!tpu.dma_semaphore, #tpu.memory_space<semaphore_mem>>) src(%dma_wait3A_318 : memref<100096x8xf32, #tpu.memory_space<vmem_shared>>) dst(%dma_wait3A_313 : memref<512x8xf32, #tpu.memory_space<vmem>>)
    %dma_wait3A_319 = arith.constant 512 : i32
    %dma_wait3A_320 = arith.constant 0 : i32
    %dma_wait3A_321 = tpu.memref_slice %arg9[%dma_wait3A_319, %dma_wait3A_320] : memref<1024x8xf32, #tpu.memory_space<vmem>> -> memref<512x8xf32, #tpu.memory_space<vmem>>
    %dma_wait3A_322 = arith.constant 512 : i32
    %dma_wait3A_323 = tpu.memref_slice %arg5[%dma_wait3A_322] : memref<1024xi32, #tpu.memory_space<vmem>> -> memref<512xi32, #tpu.memory_space<vmem>>
    %dma_wait3A_324 = arith.constant 0 : i32
    %dma_wait3A_325 = arith.constant 0 : i32
    %dma_wait3A_326 = tpu.memref_slice %arg20[%dma_wait3A_324, %dma_wait3A_325] : memref<100096x8xf32, #tpu.memory_space<vmem_shared>> -> memref<100096x8xf32, #tpu.memory_space<vmem_shared>>
    tpu.wait_indirect_dma semaphore(%arg24 : memref<!tpu.dma_semaphore, #tpu.memory_space<semaphore_mem>>) src(%dma_wait3A_326 : memref<100096x8xf32, #tpu.memory_space<vmem_shared>>) dst(%dma_wait3A_321 : memref<512x8xf32, #tpu.memory_space<vmem>>)
    %dma_wait3A_327 = arith.constant 512 : i32
    %dma_wait3A_328 = arith.constant 0 : i32
    %dma_wait3A_329 = tpu.memref_slice %arg11[%dma_wait3A_327, %dma_wait3A_328] : memref<1024x8xf32, #tpu.memory_space<vmem>> -> memref<512x8xf32, #tpu.memory_space<vmem>>
    %dma_wait3A_330 = arith.constant 512 : i32
    %dma_wait3A_331 = tpu.memref_slice %arg7[%dma_wait3A_330] : memref<1024xi32, #tpu.memory_space<vmem>> -> memref<512xi32, #tpu.memory_space<vmem>>
    %dma_wait3A_332 = arith.constant 0 : i32
    %dma_wait3A_333 = arith.constant 0 : i32
    %dma_wait3A_334 = tpu.memref_slice %arg20[%dma_wait3A_332, %dma_wait3A_333] : memref<100096x8xf32, #tpu.memory_space<vmem_shared>> -> memref<100096x8xf32, #tpu.memory_space<vmem_shared>>
    tpu.wait_indirect_dma semaphore(%arg24 : memref<!tpu.dma_semaphore, #tpu.memory_space<semaphore_mem>>) src(%dma_wait3A_334 : memref<100096x8xf32, #tpu.memory_space<vmem_shared>>) dst(%dma_wait3A_329 : memref<512x8xf32, #tpu.memory_space<vmem>>)
    %add3A_335 = arith.constant 6304 : i32
    %add3A_336 = arith.addi %add3A, %add3A_335 : i32
    %mul3A_337 = arith.constant 1024 : i32
    %mul3A_338 = arith.muli %add3A_336, %mul3A_337 : i32
    %add3A_339 = arith.constant 6488064 : i32
    %add3A_340 = arith.addi %add3A_339, %mul3A_338 : i32
    %dma_wait3A_341 = tpu.memref_slice %arg3[%mul3A_338] : memref<12976128xi32, #tpu.memory_space<hbm>> -> memref<1024xi32, #tpu.memory_space<hbm>>
    %dma_wait3A_342 = tpu.memref_slice %arg3[%mul3A_338] : memref<12976128xi32, #tpu.memory_space<hbm>> -> memref<1024xi32, #tpu.memory_space<hbm>>
    tpu.wait_dma2 semaphore(%arg23 : memref<!tpu.dma_semaphore, #tpu.memory_space<semaphore_mem>>) src(%dma_wait3A_342 : memref<1024xi32, #tpu.memory_space<hbm>>) dst(%arg6 : memref<1024xi32, #tpu.memory_space<vmem>>)
    %dma_wait3A_343 = tpu.memref_slice %arg3[%add3A_340] : memref<12976128xi32, #tpu.memory_space<hbm>> -> memref<1024xi32, #tpu.memory_space<hbm>>
    %dma_wait3A_344 = tpu.memref_slice %arg3[%add3A_340] : memref<12976128xi32, #tpu.memory_space<hbm>> -> memref<1024xi32, #tpu.memory_space<hbm>>
    tpu.wait_dma2 semaphore(%arg23 : memref<!tpu.dma_semaphore, #tpu.memory_space<semaphore_mem>>) src(%dma_wait3A_344 : memref<1024xi32, #tpu.memory_space<hbm>>) dst(%arg8 : memref<1024xi32, #tpu.memory_space<vmem>>)
    %dma_wait3A_345 = arith.constant 0 : i32
    %dma_wait3A_346 = tpu.memref_slice %arg13[%dma_wait3A_345] : memref<1024xf32, #tpu.memory_space<vmem>> -> memref<512xf32, #tpu.memory_space<vmem>>
    %dma_wait3A_347 = arith.constant 0 : i32
    %dma_wait3A_348 = tpu.memref_slice %arg21[%dma_wait3A_347] : memref<100096xf32, #tpu.memory_space<vmem_shared>> -> memref<100096xf32, #tpu.memory_space<vmem_shared>>
    tpu.wait_indirect_dma semaphore(%arg26 : memref<!tpu.dma_semaphore, #tpu.memory_space<semaphore_mem>>) src(%dma_wait3A_346 : memref<512xf32, #tpu.memory_space<vmem>>) dst(%dma_wait3A_348 : memref<100096xf32, #tpu.memory_space<vmem_shared>>)
    %dma_wait3A_349 = arith.constant 512 : i32
    %dma_wait3A_350 = tpu.memref_slice %arg13[%dma_wait3A_349] : memref<1024xf32, #tpu.memory_space<vmem>> -> memref<512xf32, #tpu.memory_space<vmem>>
    %dma_wait3A_351 = arith.constant 0 : i32
    %dma_wait3A_352 = tpu.memref_slice %arg21[%dma_wait3A_351] : memref<100096xf32, #tpu.memory_space<vmem_shared>> -> memref<100096xf32, #tpu.memory_space<vmem_shared>>
    tpu.wait_indirect_dma semaphore(%arg26 : memref<!tpu.dma_semaphore, #tpu.memory_space<semaphore_mem>>) src(%dma_wait3A_350 : memref<512xf32, #tpu.memory_space<vmem>>) dst(%dma_wait3A_352 : memref<100096xf32, #tpu.memory_space<vmem_shared>>)
    %dma_wait3A_353 = arith.constant 0 : i32
    %dma_wait3A_354 = tpu.memref_slice %arg14[%dma_wait3A_353] : memref<1024xf32, #tpu.memory_space<vmem>> -> memref<512xf32, #tpu.memory_space<vmem>>
    %dma_wait3A_355 = arith.constant 0 : i32
    %dma_wait3A_356 = tpu.memref_slice %arg21[%dma_wait3A_355] : memref<100096xf32, #tpu.memory_space<vmem_shared>> -> memref<100096xf32, #tpu.memory_space<vmem_shared>>
    tpu.wait_indirect_dma semaphore(%arg27 : memref<!tpu.dma_semaphore, #tpu.memory_space<semaphore_mem>>) src(%dma_wait3A_354 : memref<512xf32, #tpu.memory_space<vmem>>) dst(%dma_wait3A_356 : memref<100096xf32, #tpu.memory_space<vmem_shared>>)
    %dma_wait3A_357 = arith.constant 512 : i32
    %dma_wait3A_358 = tpu.memref_slice %arg14[%dma_wait3A_357] : memref<1024xf32, #tpu.memory_space<vmem>> -> memref<512xf32, #tpu.memory_space<vmem>>
    %dma_wait3A_359 = arith.constant 0 : i32
    %dma_wait3A_360 = tpu.memref_slice %arg21[%dma_wait3A_359] : memref<100096xf32, #tpu.memory_space<vmem_shared>> -> memref<100096xf32, #tpu.memory_space<vmem_shared>>
    tpu.wait_indirect_dma semaphore(%arg27 : memref<!tpu.dma_semaphore, #tpu.memory_space<semaphore_mem>>) src(%dma_wait3A_358 : memref<512xf32, #tpu.memory_space<vmem>>) dst(%dma_wait3A_360 : memref<100096xf32, #tpu.memory_space<vmem_shared>>)
    %barrier3A_361 = arith.constant 0 : index
    tpu.barrier barrier_id(%barrier3A_361)
    %mul3A_362 = arith.constant 6256 : i32
    %mul3A_363 = arith.muli %arg1, %mul3A_362 : i32
    "tpu.region"() ({
      %run_scoped3A = tpu.sem_alloc : memref<!tpu.dma_semaphore, #tpu.memory_space<semaphore_mem>>
      %dma_start3A_369 = tpu.memref_slice %arg21[%mul3A_363] : memref<100096xf32, #tpu.memory_space<vmem_shared>> -> memref<6256xf32, #tpu.memory_space<vmem_shared>>
      %dma_start3A_370 = tpu.memref_slice %arg21[%mul3A_363] : memref<100096xf32, #tpu.memory_space<vmem_shared>> -> memref<6256xf32, #tpu.memory_space<vmem_shared>>
      tpu.enqueue_dma source(%dma_start3A_370 : memref<6256xf32, #tpu.memory_space<vmem_shared>>) target(%arg19 : memref<6256xf32, #tpu.memory_space<vmem>>) target_semaphore(%run_scoped3A : memref<!tpu.dma_semaphore, #tpu.memory_space<semaphore_mem>>)
      %dma_wait3A_371 = tpu.memref_slice %arg21[%mul3A_363] : memref<100096xf32, #tpu.memory_space<vmem_shared>> -> memref<6256xf32, #tpu.memory_space<vmem_shared>>
      %dma_wait3A_372 = tpu.memref_slice %arg21[%mul3A_363] : memref<100096xf32, #tpu.memory_space<vmem_shared>> -> memref<6256xf32, #tpu.memory_space<vmem_shared>>
      tpu.wait_dma2 semaphore(%run_scoped3A : memref<!tpu.dma_semaphore, #tpu.memory_space<semaphore_mem>>) src(%dma_wait3A_372 : memref<6256xf32, #tpu.memory_space<vmem_shared>>) dst(%arg19 : memref<6256xf32, #tpu.memory_space<vmem>>)
      tpu.yield
    }) : () -> ()
    %mul3A_364 = arith.constant 100096 : i32
    %mul3A_365 = arith.muli %arg0, %mul3A_364 : i32
    %mul3A_366 = arith.constant 6256 : i32
    %mul3A_367 = arith.muli %arg1, %mul3A_366 : i32
    %add3A_368 = arith.addi %mul3A_365, %mul3A_367 : i32
    "tpu.region"() ({
      %run_scoped3A = tpu.sem_alloc : memref<!tpu.dma_semaphore, #tpu.memory_space<semaphore_mem>>
      %dma_start3A_369 = tpu.memref_slice %arg4[%add3A_368] : memref<200192xf32, #tpu.memory_space<hbm>> -> memref<6256xf32, #tpu.memory_space<hbm>>
      %dma_start3A_370 = tpu.memref_slice %arg4[%add3A_368] : memref<200192xf32, #tpu.memory_space<hbm>> -> memref<6256xf32, #tpu.memory_space<hbm>>
      tpu.enqueue_dma source(%arg19 : memref<6256xf32, #tpu.memory_space<vmem>>) target(%dma_start3A_370 : memref<6256xf32, #tpu.memory_space<hbm>>) target_semaphore(%run_scoped3A : memref<!tpu.dma_semaphore, #tpu.memory_space<semaphore_mem>>)
      %dma_wait3A_371 = tpu.memref_slice %arg4[%add3A_368] : memref<200192xf32, #tpu.memory_space<hbm>> -> memref<6256xf32, #tpu.memory_space<hbm>>
      %dma_wait3A_372 = tpu.memref_slice %arg4[%add3A_368] : memref<200192xf32, #tpu.memory_space<hbm>> -> memref<6256xf32, #tpu.memory_space<hbm>>
      tpu.wait_dma2 semaphore(%run_scoped3A : memref<!tpu.dma_semaphore, #tpu.memory_space<semaphore_mem>>) src(%arg19 : memref<6256xf32, #tpu.memory_space<vmem>>) dst(%dma_wait3A_372 : memref<6256xf32, #tpu.memory_space<hbm>>)
      tpu.yield
    }) : () -> ()
    return
  }
}

</mosaic_0001>

<sc_bundles>
// kernel: kernel.3.cloned.1.call-start
scs
__scs_entry_jumppad:
0x0: {  	(pc) =	sbr.rel $0x88, $3  }
0x1: {  	(tag) =	ssettag $0x0;
	lr =	simm.s32 $0x1  }
0x2: {  	[smem:$0x3F9D] =	sst lr;
	_ =	strace $0xD0000000  }
0x3: {  	_ = 	snop  }
0x4: {  	_ = 	snop  }
0x5: {  	_ = 	snop  }
0x6: {  	_ = 	snop  }
0x7: {  	_ = 	snop  }
__scs_overlays_trampoline_lowered:
0x8: {  	[smem:$0x3FAC] =	sst s0  }
0x9: {  	[smem:$0x3FAD] =	sst s1  }
0xa: {  	[smem:$0x3FAE] =	sst s2  }
0xb: {  	[smem:$0x3FAF] =	sst s3  }
0xc: {  	[smem:$0x3FB0] =	sst s4  }
0xd: {  	[smem:$0x3FB1] =	sst s5  }
0xe: {  	[smem:$0x3FB2] =	sst s6  }
0xf: {  	[smem:$0x3FB3] =	sst s7  }
0x10: {  	[smem:$0x3FB4] =	sst s8  }
0x11: {  	[smem:$0x3FB5] =	sst s9;
	s0 =	simm.s32 @!p0 $0x0  }
0x12: {  	s1 =	sld [smem:$0x3F9B];
	s0 =	simm.s32 @p0 $0x1  }
0x13: {  	[smem:$0x3FB6] =	sst s0;
	s0 =	simm.s32 @!p1 $0x0  }
0x14: {  	s2 =	sld [smem:$0x3F9A];
	s0 =	simm.s32 @p1 $0x1  }
0x15: {  	[smem:$0x3FB7] =	sst s0;
	s0 =	simm.s32 @!p2 $0x0  }
0x16: {  	s3 =	sld [smem:$0x3FDB];
	s0 =	simm.s32 @p2 $0x1  }
0x17: {  	s4 =	simm.s32 $0x1BF5;
	[smem:$0x3FB9] =	sst s0  }
0x18: {  	s0 =	sld [smem:$0x3F9C];
	_ =	swait.ge [sflag:s4], $0x0  }
0x19: {  	s7 =	sld [smem:$0x3F9D]  }
0x1a: {  	s8 =	sadd.s32 $0xFFFFE003, lr  }
0x1b: {  	s9 =	sadd.s32 $0xFFFFFEF7, lr;
	s5 =	simm.s32 $0xFFFFFFFF;
	p2 =	slt.u32 s8, $0xFFFFF086  }
0x1c: {  	p1 =	slt.u32 s9, $0xF7A;
	s5 =	simm.s32 @!p2 $0x0  }
0x1d: {  	s5 =	simm.s32 @p1 $0x1;
	p0 =	seq.s32 s7, s2  }
0x1e: {  	s7 =	smul.u32 @!p0 $0xF7A, s2;
	p2 =	seq.s32 @!p0 s5, $0x0  }
0x1f: {  	s9 =	smul.u32 $0xF7A, s1;
	s8 =	simm.s32 @!p0 $0x1BF5;
	p2 =	por !p2, p0  }
0x20: {  	[sflag:s8] =	ssyncset.s32 @!p0 $0xFFFFF086;
	s6 =	sadd.s32 @!p0 s3, s7;
	s7 =	simm.s32 @!p0 $0x108  }
0x21: {  	s3 =	sadd.s32 s3, s9;
	s6 =	sadd.s32 @!p0 $0x88, s6;
	s7 =	simm.s32 @p2 $0x1082  }
0x22: {  	[simem:s7], [sflag:s8] =	dma.local @!p0 [hbm:s6], $0xF7A  }
0x23: {  	s9 =	sor.u32 $0xD0000000, s2;
	s6 =	simm.s32 $0x108;
	_ =	swait.ge @!p0 [sflag:s8], $0x0  }
0x24: {  	s3 =	sadd.s32 $0x88, s3;
	s6 =	simm.s32 @!p1 $0x1082;
	[sflag:s4] =	ssyncset.s32 $0xFFFFF086  }
0x25: {  	[simem:s6], [sflag:s4] =	dma.local [hbm:s3], $0xF7A  }
0x26: {  	[smem:$0x3F9D] =	sst s1;
	(tag) =	ssettag s2;
	_ =	strace s9  }
0x27: {  	s1 =	sld [smem:$0x3FAD]  }
0x28: {  	s2 =	sld [smem:$0x3FAE]  }
0x29: {  	s4 =	sld [smem:$0x3FB0]  }
0x2a: {  	p0 =	seq.s32 s5, $0x0;
	s5 =	sld [smem:$0x3FB1]  }
0x2b: {  	s6 =	sld [smem:$0x3FB2]  }
0x2c: {  	s7 =	sld [smem:$0x3FB3]  }
0x2d: {  	s3 =	simm.s32 $0x108;
	s8 =	sld [smem:$0x3FB4]  }
0x2e: {  	s3 =	simm.s32 @!p0 $0x1082;
	s9 =	sld [smem:$0x3FB5]  }
0x2f: {  	lr =	sadd.s32 s0, s3;
	s0 =	sld [smem:$0x3FAC]  }
0x30: {  	s3 =	sld [smem:$0x3FAF]  }
0x31: {  	[smem:$0x3FB8] =	sst s10  }
0x32: {  	s10 =	sld [smem:$0x3FB6];
	_ =	sdelay $0x3  }
0x33: {  	p0 =	seq.s32 s10, $0x1;
	s10 =	sld [smem:$0x3FB8];
	_ =	sdelay $0x3  }
0x34: {  	[smem:$0x3FB8] =	sst s10  }
0x35: {  	s10 =	sld [smem:$0x3FB7];
	_ =	sdelay $0x3  }
0x36: {  	p1 =	seq.s32 s10, $0x1;
	s10 =	sld [smem:$0x3FB8];
	_ =	sdelay $0x3  }
0x37: {  	[smem:$0x3FB8] =	sst s10  }
0x38: {  	s10 =	sld [smem:$0x3FB9]  }
0x39: {  	_ = 	snop;
	(pc) =	sbr.ind lr, $3  }
0x3a: {  	_ = 	snop  }
0x3b: {  	_ = 	snop  }
0x3c: {  	p2 =	seq.s32 s10, $0x1;
	s10 =	sld [smem:$0x3FB8]  }
0x3d: {  	_ =	shalt  }
0x3e: {  	_ =	shalt  }
0x3f: {  	_ =	shalt  }
0x40: {  	_ =	shalt  }
0x41: {  	_ =	shalt  }
0x42: {  	_ =	shalt  }
0x43: {  	_ =	shalt  }
0x44: {  	_ =	shalt  }
0x45: {  	_ =	shalt  }
0x46: {  	_ =	shalt  }
0x47: {  	_ =	shalt  }
0x48: {  	_ =	shalt  }
0x49: {  	_ =	shalt  }
0x4a: {  	_ =	shalt  }
0x4b: {  	_ =	shalt  }
0x4c: {  	_ =	shalt  }
0x4d: {  	_ =	shalt  }
0x4e: {  	_ =	shalt  }
0x4f: {  	_ =	shalt  }
0x50: {  	_ =	shalt  }
0x51: {  	_ =	shalt  }
0x52: {  	_ =	shalt  }
0x53: {  	_ =	shalt  }
0x54: {  	_ =	shalt  }
0x55: {  	_ =	shalt  }
0x56: {  	_ =	shalt  }
0x57: {  	_ =	shalt  }
0x58: {  	_ =	shalt  }
0x59: {  	_ =	shalt  }
0x5a: {  	_ =	shalt  }
0x5b: {  	_ =	shalt  }
0x5c: {  	_ =	shalt  }
0x5d: {  	_ =	shalt  }
0x5e: {  	_ =	shalt  }
0x5f: {  	_ =	shalt  }
0x60: {  	_ =	shalt  }
0x61: {  	_ =	shalt  }
0x62: {  	_ =	shalt  }
0x63: {  	_ =	shalt  }
0x64: {  	_ =	shalt  }
0x65: {  	_ =	shalt  }
0x66: {  	_ =	shalt  }
0x67: {  	_ =	shalt  }
0x68: {  	_ =	shalt  }
0x69: {  	_ =	shalt  }
0x6a: {  	_ =	shalt  }
0x6b: {  	_ =	shalt  }
0x6c: {  	_ =	shalt  }
0x6d: {  	_ =	shalt  }
0x6e: {  	_ =	shalt  }
0x6f: {  	_ =	shalt  }
0x70: {  	_ =	shalt  }
0x71: {  	_ =	shalt  }
0x72: {  	_ =	shalt  }
0x73: {  	_ =	shalt  }
0x74: {  	_ =	shalt  }
0x75: {  	_ =	shalt  }
0x76: {  	_ =	shalt  }
0x77: {  	_ =	shalt  }
0x78: {  	_ =	shalt  }
0x79: {  	_ =	shalt  }
0x7a: {  	_ =	shalt  }
0x7b: {  	_ =	shalt  }
0x7c: {  	_ =	shalt  }
0x7d: {  	_ =	shalt  }
0x7e: {  	_ =	shalt  }
0x7f: {  	_ =	shalt  }
0x80: {  	_ =	shalt  }
0x81: {  	_ =	shalt  }
0x82: {  	_ =	shalt  }
0x83: {  	_ =	shalt  }
0x84: {  	_ =	shalt  }
0x85: {  	_ =	shalt  }
0x86: {  	_ =	shalt  }
0x87: {  	_ =	shalt  }
.Lfunc_end0:
.L_simem_size_0:
called_computation.1_lowered:
.L_overlay_start_0:
0x88: {  	s2 =	sld [smem:$0x3FD9]  }
0x89: {  	s3 =	sld [smem:$0x3FFE];
	_ =	sdelay $0x1  }
0x8a: {  	s1 =	srdreg.scid  }
0x8b: {  	s0 =	sand.u32 $0x1, s1  }
0x8c: {  	s16 =	sshll.u32 s0, $0xA;
	s2 =	sadd.s32 s3, s2  }
0x8d: {  	s2 =	sadd.s32 s2, s16  }
0x8e: {  	[smem:$0x3FC4] =	sst s2  }
0x8f: {  	_ = 	snop  }
0x90: {  	(tm) =	ssettm $0x1  }
0x91: {  	s17 =	sld [smem:$0x3FFB];
	_ =	sdelay $0x3  }
0x92: {  	_ =	strace s17  }
0x93: {  	s2 =	sld [smem:$0x3FFC];
	_ =	sdelay $0x3  }
0x94: {  	_ =	strace s2  }
0x95: {  	s2 =	sld [smem:$0x3FFD];
	_ =	sdelay $0x3  }
0x96: {  	_ =	strace s2  }
0x97: {  	_ =	strace $0x8FFFFFFF  }
0x98: {  	s18 =	sld [smem:$0x3FDB];
	_ =	sdelay $0x1  }
0x99: {  	s19 =	simm.s32 $_scs_section_size  }
0x9a: {  	s4 =	simm.s32 $_size__tile_overlayer_lowered;
	s5 =	simm.s32 $_tile_overlayer_lowered  }
0x9b: {  	s22 =	simm.s32 $0x1BFF;
	s21 =	sshll.u32 s5, $0x1;
	s2 =	sadd.s32 s19, s18  }
0x9c: {  	s6 =	simm.s32 $0x0;
	s20 =	sshll.u32 s4, $0x1;
	s4 =	sadd.s32 s21, s2  }
0x9d: {  	[timem:s6], [sflag:s22] =	dma.local [hbm:s4], s20  }
0x9e: {  	_ =	swait.ge [sflag:s22], s20  }
0x9f: {  	s3 =	ssub.s32 $0x0, s20;
	[sflag:s22] =	ssyncset.done $0x0  }
0xa0: {  	[sflag:s22] =	ssyncadd.s32 s3;
	_ =	sdelay $0x1  }
0xa1: {  	s23 =	simm.s32 $0x1B8B  }
0xa2: {  	_ =	swait.ge [sflag:s23], $0x1  }
0xa3: {  	[sflag:s23] =	ssyncset.done $0x0  }
0xa4: {  	s25 =	simm.s32 $0x1B8E;
	s24 =	sld [smem:$0x3FFE];
	[sflag:s23] =	ssyncadd.s32 $0xFFFFFFFF  }
0xa5: {  	s26 =	simm.s32 $execute0_lowered;
	[smem:$0x3FD2] =	sst s25  }
0xa6: {  	s4 =	sshll.u32 s26, $0x1;
	_ =	strace $0x80000049;
	[dreg:$0x1] =	wrdreg $0xFFFFFFFF  }
0xa7: {  	s28 =	simm.s32 $_size_execute0_lowered;
	s2 =	sadd.s32 s2, s4;
	[dreg:$0x0] =	wrdreg $0x0  }
0xa8: {  	s4 =	sshll.u32 s28, $0x1;
	[dreg:$0x2] =	wrdreg s2  }
0xa9: {  	[dreg:$0x3] =	wrdreg s4  }
0xaa: {  	[dreg:$0x4] =	wrdreg $0xC0  }
0xab: {  	_ =	task [dreg:s6], $0x5FFFF  }
0xac: {  	[dreg:$0x1] =	wrdreg $0xFFFFFFFF  }
0xad: {  	[dreg:$0x0] =	wrdreg $0x60  }
0xae: {  	[dreg:$0x2] =	wrdreg s24  }
0xaf: {  	[dreg:$0x3] =	wrdreg $0xB8700  }
0xb0: {  	[dreg:$0x4] =	wrdreg $0x17BF00  }
0xb1: {  	[dreg:$0x5] =	wrdreg $0x9  }
0xb2: {  	_ =	task.clear_ibuf [dreg:s6], $0x6FFFF;
	_ =	strace $0x90000049  }
0xb3: {  	s29 =	simm.s32 $0x9;
	_ =	strace $0x8000004B  }
0xb4: {  	_ =	swait.ge [sflag:s29], $0x1  }
0xb5: {  	[sflag:s29] =	ssyncadd.s32 $0xFFFFFFFF  }
0xb6: {  	_ =	strace $0x9000004B  }
0xb7: {  	_ =	sfence  }
0xb8: {  	s30 =	sld [smem:$0x0];
	_ =	sdelay $0x2  }
0xb9: {  	s31 =	sshll.u32 s1, $0xD;
	s1 =	sshrl.u32 s1, $0x2  }
0xba: {  	s3 =	sand.u32 $0x4000, s31;
	s1 =	sadd.s32 s1, s30  }
0xbb: {  	s0 =	sor.u32 s3, s0;
	s1 =	sshll.u32 s1, $0x11  }
0xbc: {  	s0 =	sor.u32 s1, s0  }
0xbd: {  	s0 =	sadd.s32 $0x8F2B, s0  }
0xbe: {  	[sflag:s0] =	ssyncadd.remote.s32 $0x1  }
0xbf: {  	_ =	sfence.sel $0xFFFF  }
0xc0: {  	[dreg:$0x0] =	wrdreg $0xFFFFFFFF;
	(pc) =	sbr.abs _section_cstart, $3  }
0xc1: {  	[dreg:$0x1] =	wrdreg $0xFFFFFFFF  }
0xc2: {  	_ =	task.clear_ibuf [dreg:s6], $0x2FFFF;
	_ =	strace $0x9FFFFFFF  }
0xc3: {  	(tm) =	ssettm $0x7FFFFFFF  }
tec
execute0_lowered:
.L_overlay_start_1:
0x0: {  	(tag) =	ssettag $0x1  }
0x1: {  	s0 =	rddreg [dreg:$0x0]  }
0x2: {  	s2 =	rddreg [dreg:$0x1]  }
0x3: {  	s3 =	rddreg [dreg:$0x2]  }
0x4: {  	s14 =	stileid.u32;
	s5 =	srdreg.scid  }
0x5: {  	s4 =	simm.s32 $0x0;
	s28 =	simm.s32 $0x8;
	s30 =	simm.s32 $0x1  }
0x6: {  	s31 =	simm.s32 $0x200;
	s1 =	smul.u32 $0xC380, s14;
	s6 =	sand.u32 $0x1, s5  }
0x7: {  	s8 =	smul.u32 $0x1870, s14;
	[smem:$0x7FF] =	sst s4;
	s21 =	sshll.u32 s14, $0x6  }
0x8: {  	s5 =	smul.u32 $0x18700, s6;
	_ =	strace $0x8000004A;
	s10 =	sshll.u32 s6, $0x4  }
0x9: {  	s6 =	ssub.s32 $0x2, s6;
	s7 =	sshrl.u32 s1, $0x3;
	s10 =	sor.u32 s14, s10  }
0xa: {  	s13 =	sshrl.u32 s6, $0x1;
	s1 =	sadd.s32 s1, s2;
	s17 =	sadd.s32 s8, s3  }
0xb: {  	s14 =	simm.s32 $0x3000;
	s9 =	sadd.s32 s7, s0;
	s15 =	sadd.s32 s8, s5  }
0xc: {  	s5 =	sadd.s32 $0x18D400, s0;
	s12 =	sshll.u32 s10, $0x7;
	s16 =	ssub.s32 s6, s13  }
0xd: {  	s6 =	sor.u32 $0x1C07, s21;
	s29 =	sshrl.u32 s1, $0x3;
	[dreg:$0xa] =	wrdreg s17  }
0xe: {  	s1 =	simm.s32 $0x5000;
	s8 =	simm.s32 $0x2000;
	[dreg:$0x9] =	wrdreg s6  }
0xf: {  	s13 =	simm.s32 $0x4;
	s9 =	sadd.s32 $0x319400, s9;
	[dreg:$0x11] =	wrdreg s29  }
0x10: {  	s7 =	sshrl.u32 s15, $0x3;
	s15 =	sadd.s32 s5, s12;
	[dreg:$0x8] =	wrdreg s9  }
0x11: {  	s21 =	simm.s32 $0x5;
	s19 =	sadd.s32 $0x1000, s15;
	[dreg:$0x4] =	wrdreg s15  }
0x12: {  	s11 =	sadd.s32 s7, s0;
	s20 =	sadd.s32 $0xC7000, s15;
	[dreg:$0x6] =	wrdreg s19  }
0x13: {  	s7 =	sadd.s32 $0x253400, s0;
	s22 =	sadd.s32 $0x2000, s15;
	[dreg:$0x7] =	wrdreg s20  }
0x14: {  	s23 =	sadd.s32 $0xC8000, s15;
	s24 =	sadd.s32 $0x3000, s15;
	[dreg:$0xb] =	wrdreg s22  }
0x15: {  	s25 =	sadd.s32 $0xC9000, s15;
	s0 =	smax.u32 s16, $0x1;
	[dreg:$0xc] =	wrdreg s23  }
0x16: {  	s9 =	simm.s32 $0xA00;
	s15 =	simm.s32 $0x7000;
	[dreg:$0xd] =	wrdreg s24  }
0x17: {  	s16 =	simm.s32 $0x0;
	s18 =	sadd.s32 s12, s7;
	[dreg:$0xe] =	wrdreg s25  }
0x18: {  	s19 =	sor.u32 $0x60, s10;
	s26 =	sadd.s32 $0x1400, s11;
	[dreg:$0x10] =	wrdreg s0  }
0x19: {  	s22 =	simm.s32 $0x800;
	s23 =	simm.s32 $0x400;
	s24 =	simm.s32 $0xC00  }
0x1a: {  	s0 =	simm.s32 $0x1000;
	s11 =	simm.s32 $0x3;
	s12 =	simm.s32 $0x2  }
0x1b: {  	v1 =	vlaneseq.u32;
	s25 =	simm.s32 $0x6;
	[dreg:$0x5] =	wrdreg s18;
	s18 =	sor.u32 $0x40, s10  }
0x1c: {  	v0 =	vimm.f32 $0.0e+00;
	v1 =	vmul.u32 $0x8, v1;
	[dreg:$0xf] =	wrdreg s26;
	s26 =	simm.s32 $0xA000;
	s10 =	simm.s32 $0x6000  }
.LBB2_1:
0x1d: {  	[dreg:$0x12] =	wrdreg s16  }
0x1e: {  	s6 =	rddreg [dreg:$0x4]  }
0x1f: {  	s16 =	rddreg [dreg:$0x5]  }
0x20: {  	s20 =	rddreg [dreg:$0x6]  }
0x21: {  	[tilespmem:s4], [sflag:$0x1] =	stream.linear.gather [hbm4b:s6+s4], $0x400, $0x38;
	[tilespmem:$0x19460] =	vst v63  }
0x22: {  	s29 =	rddreg [dreg:$0x7]  }
0x23: {  	[tilespmem:s22], [sflag:$0x1] =	stream.linear.gather [hbm4b:s16+s4], $0x400, $0x38;
	[tilespmem:$0x19460] =	vst v63  }
0x24: {  	s16 =	rddreg [dreg:$0x8]  }
0x25: {  	[tilespmem:s23], [sflag:$0x2] =	stream.linear.gather [hbm4b:s20+s4], $0x400, $0x38;
	[tilespmem:$0x19460] =	vst v63  }
0x26: {  	s20 =	rddreg [dreg:$0x11]  }
0x27: {  	[tilespmem:s24], [sflag:$0x2] =	stream.linear.gather [hbm4b:s29+s4], $0x400, $0x38;
	[tilespmem:$0x19460] =	vst v63  }
0x28: {  	s29 =	rddreg [dreg:$0x9]  }
0x29: {  	[spmem:s20], [sflag:s29] =	dma.local [hbm:s16], $0x1870  }
0x2a: {  	s6 =	simm.s32 $0x40;
	s16 =	simm.s32 $0x0  }
.LBB2_2:
0x2b: {  	p0 =	sne.s32 s6, $0x6180;
	[tilespmem:s16+$0xA000] =	vst v0;
	s16 =	smov.u32 s6;
	s6 =	sadd.s32 $0x40, s6  }
.Ltmp0:
0x2c: {  	(pc) =	sbr.rel @p0 .LBB2_2-.Ltmp0, $2  }
0x2d: {  	_ =	sdelay $0x2  }
0x2e: {  	s16 =	sshra.s32 s16, $0x2  }
0x2f: {  	[tilespmem:s16+$0xA000] =	vst v0  }
0x30: {  	[spmem:s17] =	stream.linear.scatter [tilespmem:s26], [sflag:$0x8], $0x1870, $0x38;
	[tilespmem:$0x19460] =	vst v63  }
0x31: {  	_ =	swait.ge [sflag:s28], $0x1870  }
0x32: {  	[sflag:s28] =	ssyncset.done $0x0  }
0x33: {  	s6 =	simm.s32 $0x7;
	[sflag:s28] =	ssyncadd.s32 $0xFFFFE790  }
0x34: {  	_ =	swait.ge [sflag:s6], $0x1870  }
0x35: {  	[sflag:s6] =	ssyncset.done $0x0  }
0x36: {  	[sflag:s6] =	ssyncadd.s32 $0xFFFFE790  }
0x37: {  	[bflag:$0x0] =	sbarrier.arrive $0xFFFF  }
0x38: {  	_ =	swait.ge [sflag:s30], $0x400  }
0x39: {  	[sflag:s30] =	ssyncset.done $0x0  }
0x3a: {  	[sflag:s30] =	ssyncadd.s32 $0xFFFFFC00  }
0x3b: {  	_ =	swait.ge [sflag:s30], $0x400  }
0x3c: {  	[sflag:s30] =	ssyncset.done $0x0  }
0x3d: {  	s20 =	simm.s32 $0x0;
	[sflag:s30] =	ssyncadd.s32 $0xFFFFFC00  }
0x3e: {  	[tilespmem:s0], [sflag:$0x3] =	stream.indirect.gather [spmem:s2], $0x8, s20, s31, $0xb8;
	[tilespmem:$0x19460] =	vst v63  }
0x3f: {  	_ = 	snop  }
0x40: {  	[tilespmem:s1], [sflag:$0x3] =	stream.indirect.gather [spmem:s2], $0x8, s22, s31, $0xb8;
	[tilespmem:$0x19460] =	vst v63  }
0x41: {  	_ = 	snop  }
0x42: {  	[tilespmem:s8], [sflag:$0x3] =	stream.indirect.gather [spmem:s2], $0x8, s31, s31, $0xb8;
	[tilespmem:$0x19460] =	vst v63  }
0x43: {  	_ = 	snop  }
0x44: {  	[tilespmem:s10], [sflag:$0x3] =	stream.indirect.gather [spmem:s2], $0x8, s9, s31, $0xb8;
	[tilespmem:$0x19460] =	vst v63  }
0x45: {  	_ =	swait.ge [sflag:s11], $0x1000  }
0x46: {  	[sflag:s11] =	ssyncset.done $0x0  }
0x47: {  	[sflag:s11] =	ssyncadd.s32 $0xFFFFF000  }
0x48: {  	_ =	swait.ge [sflag:s11], $0x1000  }
0x49: {  	[sflag:s11] =	ssyncset.done $0x0  }
0x4a: {  	[sflag:s11] =	ssyncadd.s32 $0xFFFFF000  }
0x4b: {  	_ =	swait.ge [sflag:s11], $0x1000  }
0x4c: {  	[sflag:s11] =	ssyncset.done $0x0  }
0x4d: {  	[sflag:s11] =	ssyncadd.s32 $0xFFFFF000  }
0x4e: {  	_ =	swait.ge [sflag:s11], $0x1000  }
0x4f: {  	[sflag:s11] =	ssyncset.done $0x0  }
0x50: {  	[sflag:s11] =	ssyncadd.s32 $0xFFFFF000  }
0x51: {  	_ =	swait.ge [sflag:s12], $0x400  }
0x52: {  	[sflag:s12] =	ssyncset.done $0x0  }
0x53: {  	[sflag:s12] =	ssyncadd.s32 $0xFFFFFC00  }
0x54: {  	_ =	swait.ge [sflag:s12], $0x400  }
0x55: {  	[sflag:s12] =	ssyncset.done $0x0  }
0x56: {  	[sflag:s12] =	ssyncadd.s32 $0xFFFFFC00  }
0x57: {  	v2 =	vmov s20;
	[tilespmem:s14], [sflag:$0x4] =	stream.indirect.gather [spmem:s2], $0x8, s23, s31, $0xb8;
	[tilespmem:$0x19460] =	vst v63  }
0x58: {  	v2 =	vshll.u32 v2, $0x3  }
0x59: {  	v2 =	vor.u32 v1, v2;
	[tilespmem:s15], [sflag:$0x4] =	stream.indirect.gather [spmem:s2], $0x8, s24, s31, $0xb8;
	[tilespmem:$0x19460] =	vst v63  }
0x5a: {  	s29 =	simm.s32 $0x4000;
	s26 =	simm.s32 $0x600  }
0x5b: {  	v3 =	vor.u32 $0x1, v2;
	[tilespmem:s29], [sflag:$0x4] =	stream.indirect.gather [spmem:s2], $0x8, s26, s31, $0xb8;
	[tilespmem:$0x19460] =	vst v63  }
0x5c: {  	s16 =	simm.s32 $0xE00;
	s17 =	simm.s32 $0x8000  }
0x5d: {  	v4 =	vor.u32 $0x2, v2;
	[tilespmem:s17], [sflag:$0x4] =	stream.indirect.gather [spmem:s2], $0x8, s16, s31, $0xb8;
	[tilespmem:$0x19460] =	vst v63  }
0x5e: {  	v5 =	vld.idx.msk [tilespmem:v2+s0+$0x0], $0xffff  }
0x5f: {  	v6 =	vld.idx.msk [tilespmem:v2+s1+$0x0], $0xffff  }
0x60: {  	v7 =	vld.idx.msk [tilespmem:v3+s0+$0x0], $0xffff  }
0x61: {  	v3 =	vld.idx.msk [tilespmem:v3+s1+$0x0], $0xffff  }
0x62: {  	v8 =	vld.idx.msk [tilespmem:v4+s1+$0x0], $0xffff  }
0x63: {  	v4 =	vld.idx.msk [tilespmem:v4+s0+$0x0], $0xffff;
	_ =	sdelay $0x2  }
0x64: {  	v5 =	vsub.f32 v5, v6;
	v3 =	vsub.f32 v7, v3;
	_ =	sdelay $0x1  }
0x65: {  	v4 =	vsub.f32 v4, v8;
	v5 =	vmul.f32 v5, v5;
	v3 =	vmul.f32 v3, v3;
	_ =	sdelay $0x1  }
0x66: {  	v4 =	vmul.f32 v4, v4;
	v3 =	vadd.f32 v3, v5;
	_ =	sdelay $0x1  }
0x67: {  	v3 =	vadd.f32 v4, v3;
	_ =	sdelay $0x1  }
0x68: {  	v4 =	vshra.s32 v3, $0x1;
	v5 =	vmul.f32 $5.000000000e-01, v3  }
0x69: {  	v4 =	vsub.s32 $0x5F3759DF, v4  }
0x6a: {  	v6 =	vmul.f32 v4, v5;
	_ =	sdelay $0x1  }
0x6b: {  	v6 =	vmul.f32 v4, v6;
	_ =	sdelay $0x1  }
0x6c: {  	v6 =	vsub.f32 $1.500000000e+00, v6;
	_ =	sdelay $0x1  }
0x6d: {  	v4 =	vmul.f32 v4, v6  }
0x6e: {  	v6 =	vor.u32 $0x3, v2  }
0x6f: {  	v5 =	vmul.f32 v4, v5;
	_ =	sdelay $0x1  }
0x70: {  	v5 =	vmul.f32 v5, v4;
	_ =	sdelay $0x1  }
0x71: {  	v7 =	vld.idx.msk [tilespmem:v6+s1+$0x0], $0xffff;
	v5 =	vsub.f32 $1.500000000e+00, v5  }
0x72: {  	v6 =	vld.idx.msk [tilespmem:v6+s0+$0x0], $0xffff  }
0x73: {  	v4 =	vmul.f32 v5, v4;
	_ =	sdelay $0x1  }
0x74: {  	v3 =	vmul.f32 v4, v3;
	_ =	sdelay $0x1  }
0x75: {  	v5 =	vadd.f32 v7, v6;
	v6 =	vmul.f32 $2.134471650e+00, v3;
	_ =	sdelay $0x1  }
0x76: {  	v5 =	vmul.f32 v6, v5;
	_ =	sdelay $0x1  }
0x77: {  	v6 =	vmul.f32 $-2.016199980e-01, v5  }
0x78: {  	v7 =	vmul.f32 $-4.029000100e-01, v5  }
0x79: {  	v6 =	vmul.f32 $1.442695020e+00, v6  }
0x7a: {  	v8 =	vmul.f32 $-9.422900080e-01, v5;
	v7 =	vmul.f32 $1.442695020e+00, v7  }
0x7b: {  	v5 =	vmul.f32 $-3.199800010e+00, v5;
	(erf) = vpow2.f32 v6  }
0x7c: {  	v6 =	vmul.f32 $1.442695020e+00, v8;
	(erf) = vpow2.f32 v7  }
0x7d: {  	v3 =	vmul.f32 $2.000000030e-01, v3;
	v5 =	vmul.f32 $1.442695020e+00, v5  }
0x7e: {  	v2 =	vor.u32 $0x4, v2;
	(erf) = vpow2.f32 v6  }
0x7f: {  	(erf) = vpow2.f32 v5;
	v5 =	vmul.f32 v3, v3;
	_ =	sdelay $0x1  }
0x80: {  	v6 =	vmul.f32 v5, v5;
	_ =	sdelay $0x1  }
0x81: {  	v7 =	vld.idx.msk [tilespmem:v2+s1+$0x0], $0xffff  }
0x82: {  	v2 =	vld.idx.msk [tilespmem:v2+s0+$0x0], $0xffff;
	v8 =	vpop (erf)  }
0x83: {  	v5 =	vmul.f32 v6, v5;
	v6 =	vpop (erf)  }
0x84: {  	v8 =	vmul.f32 $2.817000080e-02, v8;
	v6 =	vmul.f32 $2.802200020e-01, v6  }
0x85: {  	v9 =	vmul.f32 v5, v3;
	v5 =	vmul.f32 $2.800000000e+01, v5;
	v10 =	vpop (erf)  }
0x86: {  	v6 =	vadd.f32 v6, v8;
	v8 =	vmul.f32 $5.098599790e-01, v10  }
0x87: {  	v2 =	vmul.f32 v7, v2;
	v51 =	vmul.f32 v9, v3;
	v5 =	vsub.f32 $1.000000000e+00, v5;
	v11 =	vpop (erf)  }
0x88: {  	s20 =	simm.s32 $0x10;
	v9 =	vmul.f32 $4.800000000e+01, v9;
	v6 =	vadd.f32 v6, v8;
	v8 =	vmul.f32 $1.817500000e-01, v11  }
0x89: {  	v2 =	vmul.f32 v4, v2;
	v4 =	vmov s20  }
0x8a: {  	v5 =	vadd.f32 v9, v5;
	v7 =	vmul.f32 $2.100000000e+01, v51;
	v6 =	vadd.f32 v6, v8  }
0x8b: {  	v4 =	vshll.u32 v4, $0x3  }
0x8c: {  	v4 =	vor.u32 v1, v4;
	v5 =	vsub.f32 v5, v7;
	v2 =	vmul.f32 v6, v2  }
0x8d: {  	v6 =	vor.u32 $0x1, v4  }
0x8e: {  	v2 =	vmul.f32 v2, v5  }
0x8f: {  	vm0 =	vlt.f32 v3, $1.000000000e+00  }
0x90: {  	s6 =	simm.s32 $0x9020;
	v2 =	vnsel vm0, $0x0, v2  }
0x91: {  	[tilespmem:s6+$0xFFFFFFE0] =	vst v2;
	v2 =	vor.u32 $0x2, v4  }
0x92: {  	v3 =	vld.idx.msk [tilespmem:v6+s1+$0x0], $0xffff  }
0x93: {  	v5 =	vld.idx.msk [tilespmem:v4+s1+$0x0], $0xffff  }
0x94: {  	v6 =	vld.idx.msk [tilespmem:v6+s0+$0x0], $0xffff  }
0x95: {  	v7 =	vld.idx.msk [tilespmem:v4+s0+$0x0], $0xffff  }
0x96: {  	v8 =	vld.idx.msk [tilespmem:v2+s1+$0x0], $0xffff  }
0x97: {  	v2 =	vld.idx.msk [tilespmem:v2+s0+$0x0], $0xffff;
	_ =	sdelay $0x2  }
0x98: {  	v3 =	vsub.f32 v6, v3;
	v5 =	vsub.f32 v7, v5;
	_ =	sdelay $0x1  }
0x99: {  	v5 =	vmul.f32 v5, v5;
	v3 =	vmul.f32 v3, v3;
	v2 =	vsub.f32 v2, v8;
	_ =	sdelay $0x1  }
0x9a: {  	v3 =	vadd.f32 v3, v5;
	v2 =	vmul.f32 v2, v2;
	_ =	sdelay $0x1  }
0x9b: {  	v2 =	vadd.f32 v2, v3;
	_ =	sdelay $0x1  }
0x9c: {  	v3 =	vshra.s32 v2, $0x1;
	v5 =	vmul.f32 $5.000000000e-01, v2  }
0x9d: {  	v3 =	vsub.s32 $0x5F3759DF, v3  }
0x9e: {  	v6 =	vmul.f32 v3, v5;
	_ =	sdelay $0x1  }
0x9f: {  	v6 =	vmul.f32 v3, v6;
	_ =	sdelay $0x1  }
0xa0: {  	v6 =	vsub.f32 $1.500000000e+00, v6;
	_ =	sdelay $0x1  }
0xa1: {  	v3 =	vmul.f32 v3, v6  }
0xa2: {  	v6 =	vor.u32 $0x3, v4  }
0xa3: {  	v5 =	vmul.f32 v3, v5;
	_ =	sdelay $0x1  }
0xa4: {  	v5 =	vmul.f32 v5, v3;
	_ =	sdelay $0x1  }
0xa5: {  	v7 =	vld.idx.msk [tilespmem:v6+s1+$0x0], $0xffff;
	v5 =	vsub.f32 $1.500000000e+00, v5  }
0xa6: {  	v6 =	vld.idx.msk [tilespmem:v6+s0+$0x0], $0xffff  }
0xa7: {  	v3 =	vmul.f32 v5, v3;
	_ =	sdelay $0x1  }
0xa8: {  	v2 =	vmul.f32 v3, v2;
	_ =	sdelay $0x1  }
0xa9: {  	v5 =	vadd.f32 v7, v6;
	v6 =	vmul.f32 $2.134471650e+00, v2;
	_ =	sdelay $0x1  }
0xaa: {  	v5 =	vmul.f32 v6, v5;
	_ =	sdelay $0x1  }
0xab: {  	v6 =	vmul.f32 $-2.016199980e-01, v5  }
0xac: {  	v7 =	vmul.f32 $-4.029000100e-01, v5  }
0xad: {  	v6 =	vmul.f32 $1.442695020e+00, v6  }
0xae: {  	v8 =	vmul.f32 $-9.422900080e-01, v5;
	v7 =	vmul.f32 $1.442695020e+00, v7  }
0xaf: {  	v5 =	vmul.f32 $-3.199800010e+00, v5;
	(erf) = vpow2.f32 v6  }
0xb0: {  	v6 =	vmul.f32 $1.442695020e+00, v8;
	(erf) = vpow2.f32 v7  }
0xb1: {  	v2 =	vmul.f32 $2.000000030e-01, v2;
	v5 =	vmul.f32 $1.442695020e+00, v5  }
0xb2: {  	v4 =	vor.u32 $0x4, v4;
	(erf) = vpow2.f32 v6  }
0xb3: {  	(erf) = vpow2.f32 v5;
	v5 =	vmul.f32 v2, v2;
	_ =	sdelay $0x1  }
0xb4: {  	v6 =	vmul.f32 v5, v5;
	_ =	sdelay $0x1  }
0xb5: {  	v7 =	vld.idx.msk [tilespmem:v4+s1+$0x0], $0xffff  }
0xb6: {  	v4 =	vld.idx.msk [tilespmem:v4+s0+$0x0], $0xffff;
	v8 =	vpop (erf)  }
0xb7: {  	v5 =	vmul.f32 v6, v5;
	v6 =	vpop (erf)  }
0xb8: {  	v8 =	vmul.f32 $2.817000080e-02, v8;
	v6 =	vmul.f32 $2.802200020e-01, v6  }
0xb9: {  	v52 =	vmul.f32 v5, v2;
	v5 =	vmul.f32 $2.800000000e+01, v5;
	v53 =	vpop (erf)  }
0xba: {  	v6 =	vadd.f32 v6, v8;
	v8 =	vmul.f32 $5.098599790e-01, v53  }
0xbb: {  	v4 =	vmul.f32 v7, v4;
	v54 =	vmul.f32 v52, v2;
	v5 =	vsub.f32 $1.000000000e+00, v5;
	v55 =	vpop (erf)  }
0xbc: {  	v9 =	vmul.f32 $4.800000000e+01, v52;
	v6 =	vadd.f32 v6, v8;
	v8 =	vmul.f32 $1.817500000e-01, v55  }
0xbd: {  	v3 =	vmul.f32 v3, v4  }
0xbe: {  	s26 =	simm.s32 $0x20;
	v5 =	vadd.f32 v9, v5;
	v7 =	vmul.f32 $2.100000000e+01, v54;
	v6 =	vadd.f32 v6, v8  }
0xbf: {  	v4 =	vmov s26  }
0xc0: {  	v4 =	vshll.u32 v4, $0x3;
	v5 =	vsub.f32 v5, v7;
	v3 =	vmul.f32 v6, v3  }
0xc1: {  	v4 =	vor.u32 v1, v4  }
0xc2: {  	v3 =	vmul.f32 v3, v5  }
0xc3: {  	vm14 =	vlt.f32 v2, $1.000000000e+00;
	v2 =	vor.u32 $0x1, v4  }
0xc4: {  	v3 =	vnsel vm14, $0x0, v3  }
0xc5: {  	[tilespmem:s6+$0xFFFFFFF0] =	vst v3;
	v3 =	vor.u32 $0x2, v4  }
0xc6: {  	v5 =	vld.idx.msk [tilespmem:v4+s0+$0x0], $0xffff  }
0xc7: {  	v6 =	vld.idx.msk [tilespmem:v4+s1+$0x0], $0xffff  }
0xc8: {  	v7 =	vld.idx.msk [tilespmem:v2+s1+$0x0], $0xffff  }
0xc9: {  	v2 =	vld.idx.msk [tilespmem:v2+s0+$0x0], $0xffff  }
0xca: {  	v8 =	vld.idx.msk [tilespmem:v3+s1+$0x0], $0xffff  }
0xcb: {  	v3 =	vld.idx.msk [tilespmem:v3+s0+$0x0], $0xffff;
	_ =	sdelay $0x2  }
0xcc: {  	v5 =	vsub.f32 v5, v6;
	v2 =	vsub.f32 v2, v7;
	_ =	sdelay $0x1  }
0xcd: {  	v5 =	vmul.f32 v5, v5;
	v2 =	vmul.f32 v2, v2;
	v3 =	vsub.f32 v3, v8;
	_ =	sdelay $0x1  }
0xce: {  	v2 =	vadd.f32 v2, v5;
	v3 =	vmul.f32 v3, v3;
	_ =	sdelay $0x1  }
0xcf: {  	v2 =	vadd.f32 v3, v2;
	_ =	sdelay $0x1  }
0xd0: {  	v3 =	vshra.s32 v2, $0x1;
	v5 =	vmul.f32 $5.000000000e-01, v2  }
0xd1: {  	v3 =	vsub.s32 $0x5F3759DF, v3  }
0xd2: {  	v6 =	vmul.f32 v3, v5;
	_ =	sdelay $0x1  }
0xd3: {  	v6 =	vmul.f32 v3, v6;
	_ =	sdelay $0x1  }
0xd4: {  	v6 =	vsub.f32 $1.500000000e+00, v6;
	_ =	sdelay $0x1  }
0xd5: {  	v3 =	vmul.f32 v3, v6  }
0xd6: {  	v6 =	vor.u32 $0x3, v4  }
0xd7: {  	v5 =	vmul.f32 v3, v5;
	_ =	sdelay $0x1  }
0xd8: {  	v5 =	vmul.f32 v5, v3;
	_ =	sdelay $0x1  }
0xd9: {  	v7 =	vld.idx.msk [tilespmem:v6+s1+$0x0], $0xffff;
	v5 =	vsub.f32 $1.500000000e+00, v5  }
0xda: {  	v6 =	vld.idx.msk [tilespmem:v6+s0+$0x0], $0xffff  }
0xdb: {  	v3 =	vmul.f32 v5, v3;
	_ =	sdelay $0x1  }
0xdc: {  	v2 =	vmul.f32 v3, v2;
	_ =	sdelay $0x1  }
0xdd: {  	v5 =	vadd.f32 v7, v6;
	v6 =	vmul.f32 $2.134471650e+00, v2;
	_ =	sdelay $0x1  }
0xde: {  	v5 =	vmul.f32 v6, v5;
	_ =	sdelay $0x1  }
0xdf: {  	v6 =	vmul.f32 $-2.016199980e-01, v5  }
0xe0: {  	v7 =	vmul.f32 $-4.029000100e-01, v5  }
0xe1: {  	v6 =	vmul.f32 $1.442695020e+00, v6  }
0xe2: {  	v8 =	vmul.f32 $-9.422900080e-01, v5;
	v7 =	vmul.f32 $1.442695020e+00, v7  }
0xe3: {  	v5 =	vmul.f32 $-3.199800010e+00, v5;
	(erf) = vpow2.f32 v6  }
0xe4: {  	v6 =	vmul.f32 $1.442695020e+00, v8;
	(erf) = vpow2.f32 v7  }
0xe5: {  	v2 =	vmul.f32 $2.000000030e-01, v2;
	v5 =	vmul.f32 $1.442695020e+00, v5  }
0xe6: {  	v4 =	vor.u32 $0x4, v4;
	(erf) = vpow2.f32 v6  }
0xe7: {  	(erf) = vpow2.f32 v5;
	v5 =	vmul.f32 v2, v2;
	_ =	sdelay $0x1  }
0xe8: {  	v6 =	vmul.f32 v5, v5;
	_ =	sdelay $0x1  }
0xe9: {  	v7 =	vld.idx.msk [tilespmem:v4+s1+$0x0], $0xffff  }
0xea: {  	v4 =	vld.idx.msk [tilespmem:v4+s0+$0x0], $0xffff;
	v8 =	vpop (erf)  }
0xeb: {  	v5 =	vmul.f32 v6, v5;
	v6 =	vpop (erf)  }
0xec: {  	v8 =	vmul.f32 $2.817000080e-02, v8;
	v6 =	vmul.f32 $2.802200020e-01, v6  }
0xed: {  	v56 =	vmul.f32 v5, v2;
	v5 =	vmul.f32 $2.800000000e+01, v5;
	v57 =	vpop (erf)  }
0xee: {  	v6 =	vadd.f32 v6, v8;
	v8 =	vmul.f32 $5.098599790e-01, v57  }
0xef: {  	v4 =	vmul.f32 v7, v4;
	v58 =	vmul.f32 v56, v2;
	v5 =	vsub.f32 $1.000000000e+00, v5;
	v59 =	vpop (erf)  }
0xf0: {  	s29 =	simm.s32 $0x30;
	v9 =	vmul.f32 $4.800000000e+01, v56;
	v6 =	vadd.f32 v6, v8;
	v8 =	vmul.f32 $1.817500000e-01, v59  }
0xf1: {  	v3 =	vmul.f32 v3, v4;
	v4 =	vmov s29  }
0xf2: {  	v5 =	vadd.f32 v9, v5;
	v7 =	vmul.f32 $2.100000000e+01, v58;
	v6 =	vadd.f32 v6, v8  }
0xf3: {  	v4 =	vshll.u32 v4, $0x3  }
0xf4: {  	v5 =	vsub.f32 v5, v7;
	v3 =	vmul.f32 v6, v3;
	v6 =	vor.u32 v1, v4  }
0xf5: {  	v4 =	vor.u32 $0x1, v6  }
0xf6: {  	v3 =	vmul.f32 v3, v5  }
0xf7: {  	vm15 =	vlt.f32 v2, $1.000000000e+00  }
0xf8: {  	v2 =	vnsel vm15, $0x0, v3  }
0xf9: {  	[tilespmem:s6+$0x0] =	vst v2;
	v2 =	vor.u32 $0x2, v6  }
0xfa: {  	v3 =	vld.idx.msk [tilespmem:v4+s1+$0x0], $0xffff  }
0xfb: {  	v4 =	vld.idx.msk [tilespmem:v4+s0+$0x0], $0xffff  }
0xfc: {  	v5 =	vld.idx.msk [tilespmem:v6+s1+$0x0], $0xffff  }
0xfd: {  	v7 =	vld.idx.msk [tilespmem:v6+s0+$0x0], $0xffff  }
0xfe: {  	v8 =	vld.idx.msk [tilespmem:v2+s0+$0x0], $0xffff  }
0xff: {  	v2 =	vld.idx.msk [tilespmem:v2+s1+$0x0], $0xffff;
	_ =	sdelay $0x2  }
0x100: {  	v3 =	vsub.f32 v4, v3;
	v4 =	vsub.f32 v7, v5;
	_ =	sdelay $0x1  }
0x101: {  	v3 =	vmul.f32 v3, v3;
	v4 =	vmul.f32 v4, v4;
	v2 =	vsub.f32 v8, v2;
	_ =	sdelay $0x1  }
0x102: {  	v3 =	vadd.f32 v3, v4;
	v2 =	vmul.f32 v2, v2;
	_ =	sdelay $0x1  }
0x103: {  	v2 =	vadd.f32 v2, v3;
	_ =	sdelay $0x1  }
0x104: {  	v3 =	vshra.s32 v2, $0x1;
	v4 =	vmul.f32 $5.000000000e-01, v2  }
0x105: {  	v3 =	vsub.s32 $0x5F3759DF, v3  }
0x106: {  	v5 =	vmul.f32 v3, v4;
	_ =	sdelay $0x1  }
0x107: {  	v5 =	vmul.f32 v3, v5;
	_ =	sdelay $0x1  }
0x108: {  	v5 =	vsub.f32 $1.500000000e+00, v5;
	_ =	sdelay $0x1  }
0x109: {  	v3 =	vmul.f32 v3, v5  }
0x10a: {  	v5 =	vor.u32 $0x3, v6  }
0x10b: {  	v4 =	vmul.f32 v3, v4;
	_ =	sdelay $0x1  }
0x10c: {  	v4 =	vmul.f32 v4, v3;
	_ =	sdelay $0x1  }
0x10d: {  	v7 =	vld.idx.msk [tilespmem:v5+s0+$0x0], $0xffff;
	v4 =	vsub.f32 $1.500000000e+00, v4  }
0x10e: {  	v5 =	vld.idx.msk [tilespmem:v5+s1+$0x0], $0xffff  }
0x10f: {  	v4 =	vmul.f32 v4, v3;
	_ =	sdelay $0x1  }
0x110: {  	v3 =	vmul.f32 v4, v2;
	_ =	sdelay $0x1  }
0x111: {  	v5 =	vadd.f32 v5, v7;
	v2 =	vmul.f32 $2.000000030e-01, v3;
	v3 =	vmul.f32 $2.134471650e+00, v3;
	_ =	sdelay $0x1  }
0x112: {  	v7 =	vmul.f32 v2, v2;
	v3 =	vmul.f32 v3, v5;
	_ =	sdelay $0x1  }
0x113: {  	v6 =	vor.u32 $0x4, v6;
	v5 =	vmul.f32 v7, v7;
	v8 =	vmul.f32 $-2.016199980e-01, v3  }
0x114: {  	v60 =	vmul.f32 $-4.029000100e-01, v3;
	v61 =	vmul.f32 $-9.422900080e-01, v3  }
0x115: {  	v3 =	vmul.f32 $-3.199800010e+00, v3;
	v8 =	vmul.f32 $1.442695020e+00, v8  }
0x116: {  	v5 =	vmul.f32 v5, v7;
	v9 =	vmul.f32 $1.442695020e+00, v60  }
0x117: {  	v10 =	vmul.f32 $1.442695020e+00, v61;
	(erf) = vpow2.f32 v8  }
0x118: {  	v7 =	vld.idx.msk [tilespmem:v6+s0+$0x0], $0xffff;
	v62 =	vmul.f32 $1.442695020e+00, v3;
	(erf) = vpow2.f32 v9  }
0x119: {  	v6 =	vld.idx.msk [tilespmem:v6+s1+$0x0], $0xffff;
	v8 =	vmul.f32 v5, v2;
	(erf) = vpow2.f32 v10  }
0x11a: {  	v5 =	vmul.f32 $2.800000000e+01, v5;
	(erf) = vpow2.f32 v62;
	_ =	sdelay $0x1  }
0x11b: {  	v63 =	vmul.f32 v8, v2;
	v5 =	vsub.f32 $1.000000000e+00, v5;
	v8 =	vmul.f32 $4.800000000e+01, v8;
	_ =	sdelay $0x1  }
0x11c: {  	s28 =	simm.s32 $0x40;
	s26 =	simm.s32 $0x9020;
	v3 =	vmul.f32 v6, v7;
	v5 =	vadd.f32 v8, v5;
	v6 =	vmul.f32 $2.100000000e+01, v63  }
.LBB2_4:
0x11d: {  	p0 =	sne.s32 s28, $0x3C0  }
0x11e: {  	s6 =	sadd.s32 $0x40, s6;
	v7 =	vpop (erf);
	s16 =	smov.u32 s28;
	s28 =	sadd.s32 $0x40, s28  }
0x11f: {  	v7 =	vmul.f32 $2.817000080e-02, v7;
	v5 =	vsub.f32 v5, v6;
	v6 =	vpop (erf)  }
0x120: {  	v6 =	vmul.f32 $2.802200020e-01, v6;
	v8 =	vpop (erf)  }
0x121: {  	v8 =	vmul.f32 $5.098599790e-01, v8;
	v9 =	vpop (erf)  }
0x122: {  	v6 =	vadd.f32 v6, v7  }
0x123: {  	v7 =	vmul.f32 $1.817500000e-01, v9  }
0x124: {  	v6 =	vadd.f32 v6, v8  }
0x125: {  	v3 =	vmul.f32 v4, v3  }
0x126: {  	v4 =	vadd.f32 v6, v7  }
0x127: {  	v6 =	vmov s16  }
0x128: {  	v6 =	vshll.u32 v6, $0x3;
	v3 =	vmul.f32 v4, v3  }
0x129: {  	vm0 =	vlt.f32 v2, $1.000000000e+00;
	v4 =	vor.u32 v1, v6  }
0x12a: {  	v2 =	vor.u32 $0x1, v4;
	v6 =	vor.u32 $0x2, v4;
	v3 =	vmul.f32 v3, v5  }
0x12b: {  	v7 =	vor.u32 $0x4, v4;
	v5 =	vor.u32 $0x3, v4  }
0x12c: {  	v3 =	vnsel vm0, $0x0, v3  }
0x12d: {  	[tilespmem:s26+$0x10] =	vst v3;
	s26 =	smov.u32 s6  }
0x12e: {  	v3 =	vld.idx.msk [tilespmem:v4+s0+$0x0], $0xffff  }
0x12f: {  	v4 =	vld.idx.msk [tilespmem:v4+s1+$0x0], $0xffff  }
0x130: {  	v8 =	vld.idx.msk [tilespmem:v2+s0+$0x0], $0xffff  }
0x131: {  	v2 =	vld.idx.msk [tilespmem:v2+s1+$0x0], $0xffff  }
0x132: {  	v9 =	vld.idx.msk [tilespmem:v6+s1+$0x0], $0xffff  }
0x133: {  	v6 =	vld.idx.msk [tilespmem:v6+s0+$0x0], $0xffff;
	_ =	sdelay $0x1  }
0x134: {  	v3 =	vsub.f32 v3, v4;
	_ =	sdelay $0x1  }
0x135: {  	v2 =	vsub.f32 v8, v2;
	_ =	sdelay $0x1  }
0x136: {  	v3 =	vmul.f32 v3, v3;
	v4 =	vsub.f32 v6, v9;
	v2 =	vmul.f32 v2, v2;
	_ =	sdelay $0x1  }
0x137: {  	v2 =	vadd.f32 v2, v3;
	v3 =	vmul.f32 v4, v4;
	_ =	sdelay $0x1  }
0x138: {  	v2 =	vadd.f32 v3, v2;
	_ =	sdelay $0x1  }
0x139: {  	v3 =	vshra.s32 v2, $0x1;
	v4 =	vmul.f32 $5.000000000e-01, v2  }
0x13a: {  	v3 =	vsub.s32 $0x5F3759DF, v3  }
0x13b: {  	v6 =	vmul.f32 v3, v4;
	_ =	sdelay $0x1  }
0x13c: {  	v6 =	vmul.f32 v3, v6;
	_ =	sdelay $0x1  }
0x13d: {  	v6 =	vsub.f32 $1.500000000e+00, v6;
	_ =	sdelay $0x1  }
0x13e: {  	v3 =	vmul.f32 v3, v6;
	_ =	sdelay $0x1  }
0x13f: {  	v4 =	vmul.f32 v3, v4;
	_ =	sdelay $0x1  }
0x140: {  	v4 =	vmul.f32 v4, v3  }
0x141: {  	v6 =	vld.idx.msk [tilespmem:v5+s1+$0x0], $0xffff  }
0x142: {  	v4 =	vsub.f32 $1.500000000e+00, v4;
	v5 =	vld.idx.msk [tilespmem:v5+s0+$0x0], $0xffff;
	_ =	sdelay $0x1  }
0x143: {  	v3 =	vmul.f32 v4, v3;
	_ =	sdelay $0x1  }
0x144: {  	v2 =	vmul.f32 v3, v2;
	_ =	sdelay $0x1  }
0x145: {  	v4 =	vadd.f32 v6, v5;
	v5 =	vmul.f32 $2.134471650e+00, v2;
	v2 =	vmul.f32 $2.000000030e-01, v2;
	_ =	sdelay $0x1  }
0x146: {  	v4 =	vmul.f32 v5, v4;
	v5 =	vmul.f32 v2, v2;
	_ =	sdelay $0x1  }
0x147: {  	v6 =	vmul.f32 $-2.016199980e-01, v4;
	v8 =	vmul.f32 $-4.029000100e-01, v4  }
0x148: {  	v9 =	vmul.f32 $-9.422900080e-01, v4;
	v4 =	vmul.f32 $-3.199800010e+00, v4  }
0x149: {  	v6 =	vmul.f32 $1.442695020e+00, v6;
	v8 =	vmul.f32 $1.442695020e+00, v8  }
0x14a: {  	v9 =	vmul.f32 $1.442695020e+00, v9;
	v4 =	vmul.f32 $1.442695020e+00, v4  }
0x14b: {  	v10 =	vmul.f32 v5, v5;
	(erf) = vpow2.f32 v6  }
0x14c: {  	(erf) = vpow2.f32 v8  }
0x14d: {  	v5 =	vmul.f32 v10, v5;
	(erf) = vpow2.f32 v9  }
0x14e: {  	(erf) = vpow2.f32 v4  }
0x14f: {  	v4 =	vmul.f32 v5, v2;
	v5 =	vmul.f32 $2.800000000e+01, v5;
	_ =	sdelay $0x1  }
0x150: {  	v6 =	vmul.f32 v4, v2;
	v5 =	vsub.f32 $1.000000000e+00, v5;
	v4 =	vmul.f32 $4.800000000e+01, v4;
	_ =	sdelay $0x1  }
0x151: {  	v4 =	vadd.f32 v4, v5;
	v10 =	vmul.f32 $2.100000000e+01, v6;
	v8 =	vld.idx.msk [tilespmem:v7+s1+$0x0], $0xffff  }
0x152: {  	v6 =	vld.idx.msk [tilespmem:v7+s0+$0x0], $0xffff;
	v7 =	vpop (erf)  }
0x153: {  	v4 =	vsub.f32 v4, v10;
	v7 =	vmul.f32 $2.817000080e-02, v7;
	v5 =	vpop (erf)  }
0x154: {  	v5 =	vmul.f32 $2.802200020e-01, v5;
	v9 =	vpop (erf)  }
0x155: {  	v10 =	vpop (erf)  }
0x156: {  	v5 =	vadd.f32 v5, v7;
	v7 =	vmul.f32 $5.098599790e-01, v9;
	_ =	sdelay $0x1  }
0x157: {  	v6 =	vmul.f32 v8, v6;
	v5 =	vadd.f32 v5, v7;
	v7 =	vmul.f32 $1.817500000e-01, v10  }
0x158: {  	s17 =	sadd.s32 $0x10, s16  }
0x159: {  	v3 =	vmul.f32 v3, v6;
	v6 =	vmov s17;
	v5 =	vadd.f32 v5, v7  }
0x15a: {  	v6 =	vshll.u32 v6, $0x3  }
0x15b: {  	v3 =	vmul.f32 v5, v3;
	v5 =	vor.u32 v1, v6  }
0x15c: {  	v6 =	vor.u32 $0x1, v5  }
0x15d: {  	v3 =	vmul.f32 v3, v4  }
0x15e: {  	vm0 =	vlt.f32 v2, $1.000000000e+00  }
0x15f: {  	v2 =	vnsel vm0, $0x0, v3  }
0x160: {  	[tilespmem:s6+$0xFFFFFFE0] =	vst v2;
	v2 =	vor.u32 $0x2, v5  }
0x161: {  	v3 =	vld.idx.msk [tilespmem:v6+s1+$0x0], $0xffff  }
0x162: {  	v4 =	vld.idx.msk [tilespmem:v5+s1+$0x0], $0xffff  }
0x163: {  	v6 =	vld.idx.msk [tilespmem:v6+s0+$0x0], $0xffff  }
0x164: {  	v7 =	vld.idx.msk [tilespmem:v5+s0+$0x0], $0xffff  }
0x165: {  	v8 =	vld.idx.msk [tilespmem:v2+s1+$0x0], $0xffff  }
0x166: {  	v2 =	vld.idx.msk [tilespmem:v2+s0+$0x0], $0xffff;
	_ =	sdelay $0x2  }
0x167: {  	v3 =	vsub.f32 v6, v3  }
0x168: {  	v4 =	vsub.f32 v7, v4;
	_ =	sdelay $0x1  }
0x169: {  	v3 =	vmul.f32 v3, v3;
	v2 =	vsub.f32 v2, v8;
	v4 =	vmul.f32 v4, v4;
	_ =	sdelay $0x1  }
0x16a: {  	v3 =	vadd.f32 v3, v4;
	v2 =	vmul.f32 v2, v2;
	_ =	sdelay $0x1  }
0x16b: {  	v2 =	vadd.f32 v2, v3;
	_ =	sdelay $0x1  }
0x16c: {  	v3 =	vshra.s32 v2, $0x1;
	v4 =	vmul.f32 $5.000000000e-01, v2  }
0x16d: {  	v3 =	vsub.s32 $0x5F3759DF, v3  }
0x16e: {  	v6 =	vmul.f32 v3, v4;
	_ =	sdelay $0x1  }
0x16f: {  	v6 =	vmul.f32 v3, v6;
	_ =	sdelay $0x1  }
0x170: {  	v6 =	vsub.f32 $1.500000000e+00, v6;
	_ =	sdelay $0x1  }
0x171: {  	v7 =	vor.u32 $0x3, v5;
	v3 =	vmul.f32 v3, v6;
	_ =	sdelay $0x1  }
0x172: {  	v4 =	vmul.f32 v3, v4;
	_ =	sdelay $0x1  }
0x173: {  	v4 =	vmul.f32 v4, v3  }
0x174: {  	v6 =	vld.idx.msk [tilespmem:v7+s1+$0x0], $0xffff  }
0x175: {  	v4 =	vsub.f32 $1.500000000e+00, v4;
	v7 =	vld.idx.msk [tilespmem:v7+s0+$0x0], $0xffff;
	_ =	sdelay $0x1  }
0x176: {  	v3 =	vmul.f32 v4, v3;
	_ =	sdelay $0x1  }
0x177: {  	v2 =	vmul.f32 v3, v2;
	_ =	sdelay $0x1  }
0x178: {  	v4 =	vadd.f32 v6, v7;
	v6 =	vmul.f32 $2.134471650e+00, v2;
	v2 =	vmul.f32 $2.000000030e-01, v2;
	_ =	sdelay $0x1  }
0x179: {  	v4 =	vmul.f32 v6, v4;
	v6 =	vmul.f32 v2, v2;
	_ =	sdelay $0x1  }
0x17a: {  	v7 =	vmul.f32 $-2.016199980e-01, v4;
	v8 =	vmul.f32 $-4.029000100e-01, v4  }
0x17b: {  	v9 =	vmul.f32 $-9.422900080e-01, v4;
	v4 =	vmul.f32 $-3.199800010e+00, v4  }
0x17c: {  	v7 =	vmul.f32 $1.442695020e+00, v7;
	v8 =	vmul.f32 $1.442695020e+00, v8  }
0x17d: {  	v9 =	vmul.f32 $1.442695020e+00, v9;
	v4 =	vmul.f32 $1.442695020e+00, v4  }
0x17e: {  	v10 =	vmul.f32 v6, v6;
	(erf) = vpow2.f32 v7  }
0x17f: {  	(erf) = vpow2.f32 v8  }
0x180: {  	v6 =	vmul.f32 v10, v6;
	(erf) = vpow2.f32 v9  }
0x181: {  	v5 =	vor.u32 $0x4, v5;
	(erf) = vpow2.f32 v4  }
0x182: {  	v4 =	vmul.f32 v6, v2;
	v6 =	vmul.f32 $2.800000000e+01, v6;
	_ =	sdelay $0x1  }
0x183: {  	v9 =	vmul.f32 v4, v2;
	v6 =	vsub.f32 $1.000000000e+00, v6;
	v4 =	vmul.f32 $4.800000000e+01, v4;
	_ =	sdelay $0x1  }
0x184: {  	v4 =	vadd.f32 v4, v6;
	v10 =	vmul.f32 $2.100000000e+01, v9;
	v8 =	vld.idx.msk [tilespmem:v5+s1+$0x0], $0xffff  }
0x185: {  	v5 =	vld.idx.msk [tilespmem:v5+s0+$0x0], $0xffff;
	v7 =	vpop (erf)  }
0x186: {  	v4 =	vsub.f32 v4, v10;
	v7 =	vmul.f32 $2.817000080e-02, v7;
	v6 =	vpop (erf)  }
0x187: {  	v6 =	vmul.f32 $2.802200020e-01, v6;
	v9 =	vpop (erf)  }
0x188: {  	v10 =	vpop (erf)  }
0x189: {  	v6 =	vadd.f32 v6, v7;
	v7 =	vmul.f32 $5.098599790e-01, v9;
	_ =	sdelay $0x1  }
0x18a: {  	v5 =	vmul.f32 v8, v5;
	v6 =	vadd.f32 v6, v7;
	v7 =	vmul.f32 $1.817500000e-01, v10;
	_ =	sdelay $0x1  }
0x18b: {  	s17 =	sadd.s32 $0x20, s16;
	v3 =	vmul.f32 v3, v5;
	v6 =	vadd.f32 v6, v7  }
0x18c: {  	v5 =	vmov s17  }
0x18d: {  	v5 =	vshll.u32 v5, $0x3;
	v3 =	vmul.f32 v6, v3  }
0x18e: {  	v5 =	vor.u32 v1, v5  }
0x18f: {  	v3 =	vmul.f32 v3, v4  }
0x190: {  	vm0 =	vlt.f32 v2, $1.000000000e+00;
	v2 =	vor.u32 $0x1, v5  }
0x191: {  	v3 =	vnsel vm0, $0x0, v3  }
0x192: {  	[tilespmem:s6+$0xFFFFFFF0] =	vst v3;
	v3 =	vor.u32 $0x2, v5  }
0x193: {  	v4 =	vld.idx.msk [tilespmem:v5+s0+$0x0], $0xffff  }
0x194: {  	v6 =	vld.idx.msk [tilespmem:v5+s1+$0x0], $0xffff  }
0x195: {  	v7 =	vld.idx.msk [tilespmem:v2+s1+$0x0], $0xffff  }
0x196: {  	v2 =	vld.idx.msk [tilespmem:v2+s0+$0x0], $0xffff  }
0x197: {  	v8 =	vld.idx.msk [tilespmem:v3+s1+$0x0], $0xffff  }
0x198: {  	v3 =	vld.idx.msk [tilespmem:v3+s0+$0x0], $0xffff;
	_ =	sdelay $0x2  }
0x199: {  	v4 =	vsub.f32 v4, v6  }
0x19a: {  	v2 =	vsub.f32 v2, v7  }
0x19b: {  	v4 =	vmul.f32 v4, v4  }
0x19c: {  	v3 =	vsub.f32 v3, v8;
	v2 =	vmul.f32 v2, v2;
	_ =	sdelay $0x1  }
0x19d: {  	v2 =	vadd.f32 v2, v4;
	v3 =	vmul.f32 v3, v3;
	_ =	sdelay $0x1  }
0x19e: {  	v2 =	vadd.f32 v3, v2;
	_ =	sdelay $0x1  }
0x19f: {  	v3 =	vshra.s32 v2, $0x1;
	v4 =	vmul.f32 $5.000000000e-01, v2  }
0x1a0: {  	v3 =	vsub.s32 $0x5F3759DF, v3  }
0x1a1: {  	v6 =	vmul.f32 v3, v4;
	_ =	sdelay $0x1  }
0x1a2: {  	v6 =	vmul.f32 v3, v6;
	_ =	sdelay $0x1  }
0x1a3: {  	v6 =	vsub.f32 $1.500000000e+00, v6;
	_ =	sdelay $0x1  }
0x1a4: {  	v7 =	vor.u32 $0x3, v5;
	v3 =	vmul.f32 v3, v6;
	_ =	sdelay $0x1  }
0x1a5: {  	v4 =	vmul.f32 v3, v4;
	_ =	sdelay $0x1  }
0x1a6: {  	v4 =	vmul.f32 v4, v3  }
0x1a7: {  	v6 =	vld.idx.msk [tilespmem:v7+s1+$0x0], $0xffff  }
0x1a8: {  	v4 =	vsub.f32 $1.500000000e+00, v4;
	v7 =	vld.idx.msk [tilespmem:v7+s0+$0x0], $0xffff;
	_ =	sdelay $0x1  }
0x1a9: {  	v3 =	vmul.f32 v4, v3;
	_ =	sdelay $0x1  }
0x1aa: {  	v2 =	vmul.f32 v3, v2;
	_ =	sdelay $0x1  }
0x1ab: {  	v4 =	vadd.f32 v6, v7;
	v6 =	vmul.f32 $2.134471650e+00, v2;
	v2 =	vmul.f32 $2.000000030e-01, v2;
	_ =	sdelay $0x1  }
0x1ac: {  	v4 =	vmul.f32 v6, v4;
	v6 =	vmul.f32 v2, v2;
	_ =	sdelay $0x1  }
0x1ad: {  	v7 =	vmul.f32 $-2.016199980e-01, v4;
	v8 =	vmul.f32 $-4.029000100e-01, v4  }
0x1ae: {  	v9 =	vmul.f32 $-9.422900080e-01, v4;
	v4 =	vmul.f32 $-3.199800010e+00, v4  }
0x1af: {  	v7 =	vmul.f32 $1.442695020e+00, v7;
	v8 =	vmul.f32 $1.442695020e+00, v8  }
0x1b0: {  	v9 =	vmul.f32 $1.442695020e+00, v9;
	v4 =	vmul.f32 $1.442695020e+00, v4  }
0x1b1: {  	v10 =	vmul.f32 v6, v6;
	(erf) = vpow2.f32 v7  }
0x1b2: {  	(erf) = vpow2.f32 v8  }
0x1b3: {  	v6 =	vmul.f32 v10, v6;
	(erf) = vpow2.f32 v9  }
0x1b4: {  	v5 =	vor.u32 $0x4, v5;
	(erf) = vpow2.f32 v4  }
0x1b5: {  	v4 =	vmul.f32 v6, v2;
	v6 =	vmul.f32 $2.800000000e+01, v6;
	_ =	sdelay $0x1  }
0x1b6: {  	v9 =	vmul.f32 v4, v2;
	v6 =	vsub.f32 $1.000000000e+00, v6;
	v4 =	vmul.f32 $4.800000000e+01, v4;
	_ =	sdelay $0x1  }
0x1b7: {  	v4 =	vadd.f32 v4, v6;
	v10 =	vmul.f32 $2.100000000e+01, v9;
	v8 =	vld.idx.msk [tilespmem:v5+s1+$0x0], $0xffff  }
0x1b8: {  	v5 =	vld.idx.msk [tilespmem:v5+s0+$0x0], $0xffff;
	v7 =	vpop (erf)  }
0x1b9: {  	v4 =	vsub.f32 v4, v10;
	v7 =	vmul.f32 $2.817000080e-02, v7;
	v6 =	vpop (erf)  }
0x1ba: {  	v6 =	vmul.f32 $2.802200020e-01, v6;
	v9 =	vpop (erf)  }
0x1bb: {  	v10 =	vpop (erf)  }
0x1bc: {  	v6 =	vadd.f32 v6, v7;
	v7 =	vmul.f32 $5.098599790e-01, v9;
	_ =	sdelay $0x1  }
0x1bd: {  	v5 =	vmul.f32 v8, v5;
	v6 =	vadd.f32 v6, v7;
	v7 =	vmul.f32 $1.817500000e-01, v10  }
0x1be: {  	s16 =	sadd.s32 $0x30, s16  }
0x1bf: {  	v3 =	vmul.f32 v3, v5;
	v5 =	vmov s16;
	v6 =	vadd.f32 v6, v7  }
0x1c0: {  	v5 =	vshll.u32 v5, $0x3  }
0x1c1: {  	v5 =	vor.u32 v1, v5;
	v3 =	vmul.f32 v6, v3  }
0x1c2: {  	v6 =	vor.u32 $0x1, v5  }
0x1c3: {  	v3 =	vmul.f32 v3, v4  }
0x1c4: {  	vm0 =	vlt.f32 v2, $1.000000000e+00  }
0x1c5: {  	v2 =	vnsel vm0, $0x0, v3  }
0x1c6: {  	[tilespmem:s6+$0x0] =	vst v2;
	v2 =	vor.u32 $0x2, v5  }
0x1c7: {  	v3 =	vld.idx.msk [tilespmem:v6+s1+$0x0], $0xffff  }
0x1c8: {  	v4 =	vld.idx.msk [tilespmem:v6+s0+$0x0], $0xffff;
	v6 =	vor.u32 $0x3, v5  }
0x1c9: {  	v7 =	vld.idx.msk [tilespmem:v5+s1+$0x0], $0xffff  }
0x1ca: {  	v8 =	vld.idx.msk [tilespmem:v5+s0+$0x0], $0xffff;
	v5 =	vor.u32 $0x4, v5  }
0x1cb: {  	v9 =	vld.idx.msk [tilespmem:v2+s0+$0x0], $0xffff  }
0x1cc: {  	v2 =	vld.idx.msk [tilespmem:v2+s1+$0x0], $0xffff  }
0x1cd: {  	v10 =	vld.idx.msk [tilespmem:v6+s0+$0x0], $0xffff  }
0x1ce: {  	v3 =	vsub.f32 v4, v3;
	v6 =	vld.idx.msk [tilespmem:v6+s1+$0x0], $0xffff  }
0x1cf: {  	v4 =	vld.idx.msk [tilespmem:v5+s0+$0x0], $0xffff  }
0x1d0: {  	v7 =	vsub.f32 v8, v7;
	v3 =	vmul.f32 v3, v3;
	v5 =	vld.idx.msk [tilespmem:v5+s1+$0x0], $0xffff;
	_ =	sdelay $0x1  }
0x1d1: {  	v2 =	vsub.f32 v9, v2;
	v7 =	vmul.f32 v7, v7;
	_ =	sdelay $0x1  }
0x1d2: {  	v3 =	vadd.f32 v3, v7;
	v2 =	vmul.f32 v2, v2;
	_ =	sdelay $0x1  }
0x1d3: {  	v2 =	vadd.f32 v2, v3;
	v3 =	vmul.f32 v5, v4;
	_ =	sdelay $0x1  }
0x1d4: {  	v4 =	vshra.s32 v2, $0x1;
	v5 =	vmul.f32 $5.000000000e-01, v2  }
0x1d5: {  	v4 =	vsub.s32 $0x5F3759DF, v4  }
0x1d6: {  	v7 =	vmul.f32 v4, v5;
	_ =	sdelay $0x1  }
0x1d7: {  	v7 =	vmul.f32 v4, v7;
	_ =	sdelay $0x1  }
0x1d8: {  	v7 =	vsub.f32 $1.500000000e+00, v7;
	_ =	sdelay $0x1  }
0x1d9: {  	v4 =	vmul.f32 v4, v7;
	_ =	sdelay $0x1  }
0x1da: {  	v5 =	vmul.f32 v4, v5;
	_ =	sdelay $0x1  }
0x1db: {  	v5 =	vmul.f32 v5, v4;
	_ =	sdelay $0x1  }
0x1dc: {  	v5 =	vsub.f32 $1.500000000e+00, v5;
	_ =	sdelay $0x1  }
0x1dd: {  	v4 =	vmul.f32 v5, v4;
	_ =	sdelay $0x1  }
0x1de: {  	v2 =	vmul.f32 v4, v2;
	_ =	sdelay $0x1  }
0x1df: {  	v5 =	vadd.f32 v6, v10;
	v6 =	vmul.f32 $2.134471650e+00, v2;
	v2 =	vmul.f32 $2.000000030e-01, v2;
	_ =	sdelay $0x1  }
0x1e0: {  	v5 =	vmul.f32 v6, v5;
	v6 =	vmul.f32 v2, v2;
	_ =	sdelay $0x1  }
0x1e1: {  	v7 =	vmul.f32 $-2.016199980e-01, v5;
	v8 =	vmul.f32 $-4.029000100e-01, v5  }
0x1e2: {  	v9 =	vmul.f32 $-9.422900080e-01, v5;
	v5 =	vmul.f32 $-3.199800010e+00, v5  }
0x1e3: {  	v7 =	vmul.f32 $1.442695020e+00, v7;
	v8 =	vmul.f32 $1.442695020e+00, v8  }
0x1e4: {  	v9 =	vmul.f32 $1.442695020e+00, v9;
	v5 =	vmul.f32 $1.442695020e+00, v5  }
0x1e5: {  	v10 =	vmul.f32 v6, v6;
	(erf) = vpow2.f32 v7  }
0x1e6: {  	(erf) = vpow2.f32 v8  }
0x1e7: {  	v6 =	vmul.f32 v10, v6;
	(erf) = vpow2.f32 v9  }
0x1e8: {  	(erf) = vpow2.f32 v5  }
.Ltmp1:
0x1e9: {  	v5 =	vmul.f32 v6, v2;
	v6 =	vmul.f32 $2.800000000e+01, v6;
	(pc) =	sbr.rel @p0 .LBB2_4-.Ltmp1, $3  }
0x1ea: {  	_ = 	snop  }
0x1eb: {  	v7 =	vmul.f32 v5, v2;
	v6 =	vsub.f32 $1.000000000e+00, v6;
	v5 =	vmul.f32 $4.800000000e+01, v5;
	_ =	sdelay $0x1  }
0x1ec: {  	v5 =	vadd.f32 v5, v6;
	v6 =	vmul.f32 $2.100000000e+01, v7  }
0x1ed: {  	v7 =	vpop (erf)  }
0x1ee: {  	v8 =	vpop (erf)  }
0x1ef: {  	v7 =	vmul.f32 $2.817000080e-02, v7;
	v8 =	vmul.f32 $2.802200020e-01, v8  }
0x1f0: {  	v9 =	vpop (erf)  }
0x1f1: {  	v9 =	vmul.f32 $5.098599790e-01, v9;
	v7 =	vadd.f32 v8, v7  }
0x1f2: {  	v63 =	vpop (erf)  }
0x1f3: {  	v8 =	vmul.f32 $1.817500000e-01, v63;
	v7 =	vadd.f32 v7, v9;
	_ =	sdelay $0x1  }
0x1f4: {  	v3 =	vmul.f32 v4, v3;
	v4 =	vadd.f32 v7, v8;
	_ =	sdelay $0x1  }
0x1f5: {  	v5 =	vsub.f32 v5, v6;
	v3 =	vmul.f32 v4, v3;
	_ =	sdelay $0x1  }
0x1f6: {  	v3 =	vmul.f32 v3, v5  }
0x1f7: {  	vm0 =	vlt.f32 v2, $1.000000000e+00  }
0x1f8: {  	v2 =	vnsel vm0, $0x0, v3  }
0x1f9: {  	s6 =	simm.s32 $0x0;
	[tilespmem:s26+$0x10] =	vst v2  }
0x1fa: {  	v2 =	vld [tilespmem:s6+$0x200]  }
0x1fb: {  	s16 =	simm.s32 $0x40;
	v3 =	vld [tilespmem:s6+$0x0]  }
.LBB2_6:
0x1fc: {  	p0 =	sne.s32 s16, $0x7C0  }
.Ltmp2:
0x1fd: {  	_ = 	snop;
	(pc) =	sbr.rel @p0 .LBB2_6-.Ltmp2, $4  }
0x1fe: {  	_ = 	snop  }
0x1ff: {  	s17 =	sshra.s32 s16, $0x2;
	s16 =	sadd.s32 $0x40, s16;
	[tilespmem:s6+$0x9A00] =	vst v2  }
0x200: {  	v2 =	vld [tilespmem:s17+$0x200];
	[tilespmem:s6+$0x9800] =	vst v3;
	s6 =	smov.u32 s17  }
0x201: {  	v3 =	vld [tilespmem:s6+$0x0]  }
0x202: {  	_ =	sdelay $0x2  }
0x203: {  	[tilespmem:s6+$0x9A00] =	vst v2  }
0x204: {  	s29 =	simm.s32 $0x9800;
	s16 =	simm.s32 $0x9000;
	[tilespmem:s6+$0x9800] =	vst v3  }
0x205: {  	[spmem:s3] =	stream.indirect.scatter.add.f32 [tilespmem:s16], [sflag:$0x5], $0x1, s29, s31, $0xb8;
	[tilespmem:$0x19460] =	vst v63  }
0x206: {  	s17 =	simm.s32 $0x9A00;
	s20 =	simm.s32 $0x9200  }
0x207: {  	[spmem:s3] =	stream.indirect.scatter.add.f32 [tilespmem:s20], [sflag:$0x5], $0x1, s17, s31, $0xb8;
	[tilespmem:$0x19460] =	vst v63  }
0x208: {  	s26 =	simm.s32 $0x0;
	s29 =	rddreg [dreg:$0xb]  }
0x209: {  	[tilespmem:s26], [sflag:$0x1] =	stream.linear.gather [hbm4b:s29+s26], $0x400, $0x38;
	[tilespmem:$0x19460] =	vst v63  }
0x20a: {  	s17 =	rddreg [dreg:$0xc]  }
0x20b: {  	[tilespmem:s22], [sflag:$0x1] =	stream.linear.gather [hbm4b:s17+s26], $0x400, $0x38;
	[tilespmem:$0x19460] =	vst v63  }
0x20c: {  	_ =	swait.ge [sflag:s13], $0x1000  }
0x20d: {  	[sflag:s13] =	ssyncset.done $0x0  }
0x20e: {  	[sflag:s13] =	ssyncadd.s32 $0xFFFFF000  }
0x20f: {  	_ =	swait.ge [sflag:s13], $0x1000  }
0x210: {  	[sflag:s13] =	ssyncset.done $0x0  }
0x211: {  	[sflag:s13] =	ssyncadd.s32 $0xFFFFF000  }
0x212: {  	_ =	swait.ge [sflag:s13], $0x1000  }
0x213: {  	[sflag:s13] =	ssyncset.done $0x0  }
0x214: {  	[sflag:s13] =	ssyncadd.s32 $0xFFFFF000  }
0x215: {  	_ =	swait.ge [sflag:s13], $0x1000  }
0x216: {  	[sflag:s13] =	ssyncset.done $0x0  }
0x217: {  	[sflag:s13] =	ssyncadd.s32 $0xFFFFF000  }
0x218: {  	_ =	swait.ge [sflag:s30], $0x400  }
0x219: {  	[sflag:s30] =	ssyncset.done $0x0  }
0x21a: {  	[sflag:s30] =	ssyncadd.s32 $0xFFFFFC00  }
0x21b: {  	_ =	swait.ge [sflag:s30], $0x400  }
0x21c: {  	[sflag:s30] =	ssyncset.done $0x0  }
0x21d: {  	[sflag:s30] =	ssyncadd.s32 $0xFFFFFC00  }
0x21e: {  	v2 =	vmov s26;
	[tilespmem:s0], [sflag:$0x3] =	stream.indirect.gather [spmem:s2], $0x8, s26, s31, $0xb8;
	[tilespmem:$0x19460] =	vst v63  }
0x21f: {  	v2 =	vshll.u32 v2, $0x3  }
0x220: {  	v2 =	vor.u32 v1, v2;
	[tilespmem:s1], [sflag:$0x3] =	stream.indirect.gather [spmem:s2], $0x8, s22, s31, $0xb8;
	[tilespmem:$0x19460] =	vst v63  }
0x221: {  	_ = 	snop  }
0x222: {  	v3 =	vor.u32 $0x1, v2;
	[tilespmem:s8], [sflag:$0x3] =	stream.indirect.gather [spmem:s2], $0x8, s31, s31, $0xb8;
	[tilespmem:$0x19460] =	vst v63  }
0x223: {  	_ = 	snop  }
0x224: {  	v4 =	vor.u32 $0x2, v2;
	[tilespmem:s10], [sflag:$0x3] =	stream.indirect.gather [spmem:s2], $0x8, s9, s31, $0xb8;
	[tilespmem:$0x19460] =	vst v63  }
0x225: {  	v5 =	vld.idx.msk [tilespmem:v2+s14+$0x0], $0xffff  }
0x226: {  	v6 =	vld.idx.msk [tilespmem:v2+s15+$0x0], $0xffff  }
0x227: {  	v7 =	vld.idx.msk [tilespmem:v3+s14+$0x0], $0xffff  }
0x228: {  	v3 =	vld.idx.msk [tilespmem:v3+s15+$0x0], $0xffff  }
0x229: {  	v8 =	vld.idx.msk [tilespmem:v4+s15+$0x0], $0xffff  }
0x22a: {  	v4 =	vld.idx.msk [tilespmem:v4+s14+$0x0], $0xffff;
	_ =	sdelay $0x2  }
0x22b: {  	v5 =	vsub.f32 v5, v6;
	v3 =	vsub.f32 v7, v3;
	_ =	sdelay $0x1  }
0x22c: {  	v4 =	vsub.f32 v4, v8;
	v5 =	vmul.f32 v5, v5;
	v3 =	vmul.f32 v3, v3;
	_ =	sdelay $0x1  }
0x22d: {  	v4 =	vmul.f32 v4, v4;
	v3 =	vadd.f32 v3, v5;
	_ =	sdelay $0x1  }
0x22e: {  	v3 =	vadd.f32 v4, v3;
	_ =	sdelay $0x1  }
0x22f: {  	v4 =	vshra.s32 v3, $0x1;
	v5 =	vmul.f32 $5.000000000e-01, v3  }
0x230: {  	v4 =	vsub.s32 $0x5F3759DF, v4  }
0x231: {  	v6 =	vmul.f32 v4, v5;
	_ =	sdelay $0x1  }
0x232: {  	v6 =	vmul.f32 v4, v6;
	_ =	sdelay $0x1  }
0x233: {  	v6 =	vsub.f32 $1.500000000e+00, v6;
	_ =	sdelay $0x1  }
0x234: {  	v4 =	vmul.f32 v4, v6  }
0x235: {  	v6 =	vor.u32 $0x3, v2  }
0x236: {  	v5 =	vmul.f32 v4, v5;
	_ =	sdelay $0x1  }
0x237: {  	v5 =	vmul.f32 v5, v4;
	_ =	sdelay $0x1  }
0x238: {  	v7 =	vld.idx.msk [tilespmem:v6+s15+$0x0], $0xffff;
	v5 =	vsub.f32 $1.500000000e+00, v5  }
0x239: {  	v6 =	vld.idx.msk [tilespmem:v6+s14+$0x0], $0xffff  }
0x23a: {  	v4 =	vmul.f32 v5, v4;
	_ =	sdelay $0x1  }
0x23b: {  	v3 =	vmul.f32 v4, v3;
	_ =	sdelay $0x1  }
0x23c: {  	v5 =	vadd.f32 v7, v6;
	v6 =	vmul.f32 $2.134471650e+00, v3;
	_ =	sdelay $0x1  }
0x23d: {  	v5 =	vmul.f32 v6, v5;
	_ =	sdelay $0x1  }
0x23e: {  	v6 =	vmul.f32 $-2.016199980e-01, v5  }
0x23f: {  	v7 =	vmul.f32 $-4.029000100e-01, v5  }
0x240: {  	v6 =	vmul.f32 $1.442695020e+00, v6  }
0x241: {  	v8 =	vmul.f32 $-9.422900080e-01, v5;
	v7 =	vmul.f32 $1.442695020e+00, v7  }
0x242: {  	v5 =	vmul.f32 $-3.199800010e+00, v5;
	(erf) = vpow2.f32 v6  }
0x243: {  	v6 =	vmul.f32 $1.442695020e+00, v8;
	(erf) = vpow2.f32 v7  }
0x244: {  	v3 =	vmul.f32 $2.000000030e-01, v3;
	v5 =	vmul.f32 $1.442695020e+00, v5  }
0x245: {  	v2 =	vor.u32 $0x4, v2;
	(erf) = vpow2.f32 v6  }
0x246: {  	(erf) = vpow2.f32 v5;
	v5 =	vmul.f32 v3, v3;
	_ =	sdelay $0x1  }
0x247: {  	v6 =	vmul.f32 v5, v5;
	_ =	sdelay $0x1  }
0x248: {  	v7 =	vld.idx.msk [tilespmem:v2+s15+$0x0], $0xffff  }
0x249: {  	v2 =	vld.idx.msk [tilespmem:v2+s14+$0x0], $0xffff;
	v8 =	vpop (erf)  }
0x24a: {  	v5 =	vmul.f32 v6, v5;
	v6 =	vpop (erf)  }
0x24b: {  	v8 =	vmul.f32 $2.817000080e-02, v8;
	v6 =	vmul.f32 $2.802200020e-01, v6  }
0x24c: {  	v9 =	vmul.f32 v5, v3;
	v5 =	vmul.f32 $2.800000000e+01, v5;
	v10 =	vpop (erf)  }
0x24d: {  	v6 =	vadd.f32 v6, v8;
	v8 =	vmul.f32 $5.098599790e-01, v10  }
0x24e: {  	v2 =	vmul.f32 v7, v2;
	v51 =	vmul.f32 v9, v3;
	v5 =	vsub.f32 $1.000000000e+00, v5;
	v11 =	vpop (erf)  }
0x24f: {  	s20 =	simm.s32 $0x10;
	v9 =	vmul.f32 $4.800000000e+01, v9;
	v6 =	vadd.f32 v6, v8;
	v8 =	vmul.f32 $1.817500000e-01, v11  }
0x250: {  	v2 =	vmul.f32 v4, v2;
	v4 =	vmov s20  }
0x251: {  	v5 =	vadd.f32 v9, v5;
	v7 =	vmul.f32 $2.100000000e+01, v51;
	v6 =	vadd.f32 v6, v8  }
0x252: {  	v4 =	vshll.u32 v4, $0x3  }
0x253: {  	v4 =	vor.u32 v1, v4;
	v5 =	vsub.f32 v5, v7;
	v2 =	vmul.f32 v6, v2  }
0x254: {  	v6 =	vor.u32 $0x1, v4  }
0x255: {  	v2 =	vmul.f32 v2, v5  }
0x256: {  	vm0 =	vlt.f32 v3, $1.000000000e+00  }
0x257: {  	s6 =	simm.s32 $0x9420;
	v2 =	vnsel vm0, $0x0, v2  }
0x258: {  	[tilespmem:s6+$0xFFFFFFE0] =	vst v2;
	v2 =	vor.u32 $0x2, v4  }
0x259: {  	v3 =	vld.idx.msk [tilespmem:v6+s15+$0x0], $0xffff  }
0x25a: {  	v5 =	vld.idx.msk [tilespmem:v4+s15+$0x0], $0xffff  }
0x25b: {  	v6 =	vld.idx.msk [tilespmem:v6+s14+$0x0], $0xffff  }
0x25c: {  	v7 =	vld.idx.msk [tilespmem:v4+s14+$0x0], $0xffff  }
0x25d: {  	v8 =	vld.idx.msk [tilespmem:v2+s15+$0x0], $0xffff  }
0x25e: {  	v2 =	vld.idx.msk [tilespmem:v2+s14+$0x0], $0xffff;
	_ =	sdelay $0x2  }
0x25f: {  	v3 =	vsub.f32 v6, v3;
	v5 =	vsub.f32 v7, v5;
	_ =	sdelay $0x1  }
0x260: {  	v5 =	vmul.f32 v5, v5;
	v3 =	vmul.f32 v3, v3;
	v2 =	vsub.f32 v2, v8;
	_ =	sdelay $0x1  }
0x261: {  	v3 =	vadd.f32 v3, v5;
	v2 =	vmul.f32 v2, v2;
	_ =	sdelay $0x1  }
0x262: {  	v2 =	vadd.f32 v2, v3;
	_ =	sdelay $0x1  }
0x263: {  	v3 =	vshra.s32 v2, $0x1;
	v5 =	vmul.f32 $5.000000000e-01, v2  }
0x264: {  	v3 =	vsub.s32 $0x5F3759DF, v3  }
0x265: {  	v6 =	vmul.f32 v3, v5;
	_ =	sdelay $0x1  }
0x266: {  	v6 =	vmul.f32 v3, v6;
	_ =	sdelay $0x1  }
0x267: {  	v6 =	vsub.f32 $1.500000000e+00, v6;
	_ =	sdelay $0x1  }
0x268: {  	v3 =	vmul.f32 v3, v6  }
0x269: {  	v6 =	vor.u32 $0x3, v4  }
0x26a: {  	v5 =	vmul.f32 v3, v5;
	_ =	sdelay $0x1  }
0x26b: {  	v5 =	vmul.f32 v5, v3;
	_ =	sdelay $0x1  }
0x26c: {  	v7 =	vld.idx.msk [tilespmem:v6+s15+$0x0], $0xffff;
	v5 =	vsub.f32 $1.500000000e+00, v5  }
0x26d: {  	v6 =	vld.idx.msk [tilespmem:v6+s14+$0x0], $0xffff  }
0x26e: {  	v3 =	vmul.f32 v5, v3;
	_ =	sdelay $0x1  }
0x26f: {  	v2 =	vmul.f32 v3, v2;
	_ =	sdelay $0x1  }
0x270: {  	v5 =	vadd.f32 v7, v6;
	v6 =	vmul.f32 $2.134471650e+00, v2;
	_ =	sdelay $0x1  }
0x271: {  	v5 =	vmul.f32 v6, v5;
	_ =	sdelay $0x1  }
0x272: {  	v6 =	vmul.f32 $-2.016199980e-01, v5  }
0x273: {  	v7 =	vmul.f32 $-4.029000100e-01, v5  }
0x274: {  	v6 =	vmul.f32 $1.442695020e+00, v6  }
0x275: {  	v8 =	vmul.f32 $-9.422900080e-01, v5;
	v7 =	vmul.f32 $1.442695020e+00, v7  }
0x276: {  	v5 =	vmul.f32 $-3.199800010e+00, v5;
	(erf) = vpow2.f32 v6  }
0x277: {  	v6 =	vmul.f32 $1.442695020e+00, v8;
	(erf) = vpow2.f32 v7  }
0x278: {  	v2 =	vmul.f32 $2.000000030e-01, v2;
	v5 =	vmul.f32 $1.442695020e+00, v5  }
0x279: {  	v4 =	vor.u32 $0x4, v4;
	(erf) = vpow2.f32 v6  }
0x27a: {  	(erf) = vpow2.f32 v5;
	v5 =	vmul.f32 v2, v2;
	_ =	sdelay $0x1  }
0x27b: {  	v6 =	vmul.f32 v5, v5;
	_ =	sdelay $0x1  }
0x27c: {  	v7 =	vld.idx.msk [tilespmem:v4+s15+$0x0], $0xffff  }
0x27d: {  	v4 =	vld.idx.msk [tilespmem:v4+s14+$0x0], $0xffff;
	v8 =	vpop (erf)  }
0x27e: {  	v5 =	vmul.f32 v6, v5;
	v6 =	vpop (erf)  }
0x27f: {  	v8 =	vmul.f32 $2.817000080e-02, v8;
	v6 =	vmul.f32 $2.802200020e-01, v6  }
0x280: {  	v52 =	vmul.f32 v5, v2;
	v5 =	vmul.f32 $2.800000000e+01, v5;
	v53 =	vpop (erf)  }
0x281: {  	v6 =	vadd.f32 v6, v8;
	v8 =	vmul.f32 $5.098599790e-01, v53  }
0x282: {  	v4 =	vmul.f32 v7, v4;
	v54 =	vmul.f32 v52, v2;
	v5 =	vsub.f32 $1.000000000e+00, v5;
	v55 =	vpop (erf)  }
0x283: {  	v9 =	vmul.f32 $4.800000000e+01, v52;
	v6 =	vadd.f32 v6, v8;
	v8 =	vmul.f32 $1.817500000e-01, v55  }
0x284: {  	v3 =	vmul.f32 v3, v4  }
0x285: {  	s26 =	simm.s32 $0x20;
	v5 =	vadd.f32 v9, v5;
	v7 =	vmul.f32 $2.100000000e+01, v54;
	v6 =	vadd.f32 v6, v8  }
0x286: {  	v4 =	vmov s26  }
0x287: {  	v4 =	vshll.u32 v4, $0x3;
	v5 =	vsub.f32 v5, v7;
	v3 =	vmul.f32 v6, v3  }
0x288: {  	v4 =	vor.u32 v1, v4  }
0x289: {  	v3 =	vmul.f32 v3, v5  }
0x28a: {  	vm14 =	vlt.f32 v2, $1.000000000e+00;
	v2 =	vor.u32 $0x1, v4  }
0x28b: {  	v3 =	vnsel vm14, $0x0, v3  }
0x28c: {  	[tilespmem:s6+$0xFFFFFFF0] =	vst v3;
	v3 =	vor.u32 $0x2, v4  }
0x28d: {  	v5 =	vld.idx.msk [tilespmem:v4+s14+$0x0], $0xffff  }
0x28e: {  	v6 =	vld.idx.msk [tilespmem:v4+s15+$0x0], $0xffff  }
0x28f: {  	v7 =	vld.idx.msk [tilespmem:v2+s15+$0x0], $0xffff  }
0x290: {  	v2 =	vld.idx.msk [tilespmem:v2+s14+$0x0], $0xffff  }
0x291: {  	v8 =	vld.idx.msk [tilespmem:v3+s15+$0x0], $0xffff  }
0x292: {  	v3 =	vld.idx.msk [tilespmem:v3+s14+$0x0], $0xffff;
	_ =	sdelay $0x2  }
0x293: {  	v5 =	vsub.f32 v5, v6;
	v2 =	vsub.f32 v2, v7;
	_ =	sdelay $0x1  }
0x294: {  	v5 =	vmul.f32 v5, v5;
	v2 =	vmul.f32 v2, v2;
	v3 =	vsub.f32 v3, v8;
	_ =	sdelay $0x1  }
0x295: {  	v2 =	vadd.f32 v2, v5;
	v3 =	vmul.f32 v3, v3;
	_ =	sdelay $0x1  }
0x296: {  	v2 =	vadd.f32 v3, v2;
	_ =	sdelay $0x1  }
0x297: {  	v3 =	vshra.s32 v2, $0x1;
	v5 =	vmul.f32 $5.000000000e-01, v2  }
0x298: {  	v3 =	vsub.s32 $0x5F3759DF, v3  }
0x299: {  	v6 =	vmul.f32 v3, v5;
	_ =	sdelay $0x1  }
0x29a: {  	v6 =	vmul.f32 v3, v6;
	_ =	sdelay $0x1  }
0x29b: {  	v6 =	vsub.f32 $1.500000000e+00, v6;
	_ =	sdelay $0x1  }
0x29c: {  	v3 =	vmul.f32 v3, v6  }
0x29d: {  	v6 =	vor.u32 $0x3, v4  }
0x29e: {  	v5 =	vmul.f32 v3, v5;
	_ =	sdelay $0x1  }
0x29f: {  	v5 =	vmul.f32 v5, v3;
	_ =	sdelay $0x1  }
0x2a0: {  	v7 =	vld.idx.msk [tilespmem:v6+s15+$0x0], $0xffff;
	v5 =	vsub.f32 $1.500000000e+00, v5  }
0x2a1: {  	v6 =	vld.idx.msk [tilespmem:v6+s14+$0x0], $0xffff  }
0x2a2: {  	v3 =	vmul.f32 v5, v3;
	_ =	sdelay $0x1  }
0x2a3: {  	v2 =	vmul.f32 v3, v2;
	_ =	sdelay $0x1  }
0x2a4: {  	v5 =	vadd.f32 v7, v6;
	v6 =	vmul.f32 $2.134471650e+00, v2;
	_ =	sdelay $0x1  }
0x2a5: {  	v5 =	vmul.f32 v6, v5;
	_ =	sdelay $0x1  }
0x2a6: {  	v6 =	vmul.f32 $-2.016199980e-01, v5  }
0x2a7: {  	v7 =	vmul.f32 $-4.029000100e-01, v5  }
0x2a8: {  	v6 =	vmul.f32 $1.442695020e+00, v6  }
0x2a9: {  	v8 =	vmul.f32 $-9.422900080e-01, v5;
	v7 =	vmul.f32 $1.442695020e+00, v7  }
0x2aa: {  	v5 =	vmul.f32 $-3.199800010e+00, v5;
	(erf) = vpow2.f32 v6  }
0x2ab: {  	v6 =	vmul.f32 $1.442695020e+00, v8;
	(erf) = vpow2.f32 v7  }
0x2ac: {  	v2 =	vmul.f32 $2.000000030e-01, v2;
	v5 =	vmul.f32 $1.442695020e+00, v5  }
0x2ad: {  	v4 =	vor.u32 $0x4, v4;
	(erf) = vpow2.f32 v6  }
0x2ae: {  	(erf) = vpow2.f32 v5;
	v5 =	vmul.f32 v2, v2;
	_ =	sdelay $0x1  }
0x2af: {  	v6 =	vmul.f32 v5, v5;
	_ =	sdelay $0x1  }
0x2b0: {  	v7 =	vld.idx.msk [tilespmem:v4+s15+$0x0], $0xffff  }
0x2b1: {  	v4 =	vld.idx.msk [tilespmem:v4+s14+$0x0], $0xffff;
	v8 =	vpop (erf)  }
0x2b2: {  	v5 =	vmul.f32 v6, v5;
	v6 =	vpop (erf)  }
0x2b3: {  	v8 =	vmul.f32 $2.817000080e-02, v8;
	v6 =	vmul.f32 $2.802200020e-01, v6  }
0x2b4: {  	v56 =	vmul.f32 v5, v2;
	v5 =	vmul.f32 $2.800000000e+01, v5;
	v57 =	vpop (erf)  }
0x2b5: {  	v6 =	vadd.f32 v6, v8;
	v8 =	vmul.f32 $5.098599790e-01, v57  }
0x2b6: {  	v4 =	vmul.f32 v7, v4;
	v58 =	vmul.f32 v56, v2;
	v5 =	vsub.f32 $1.000000000e+00, v5;
	v59 =	vpop (erf)  }
0x2b7: {  	s29 =	simm.s32 $0x30;
	v9 =	vmul.f32 $4.800000000e+01, v56;
	v6 =	vadd.f32 v6, v8;
	v8 =	vmul.f32 $1.817500000e-01, v59  }
0x2b8: {  	v3 =	vmul.f32 v3, v4;
	v4 =	vmov s29  }
0x2b9: {  	v5 =	vadd.f32 v9, v5;
	v7 =	vmul.f32 $2.100000000e+01, v58;
	v6 =	vadd.f32 v6, v8  }
0x2ba: {  	v4 =	vshll.u32 v4, $0x3  }
0x2bb: {  	v5 =	vsub.f32 v5, v7;
	v3 =	vmul.f32 v6, v3;
	v6 =	vor.u32 v1, v4  }
0x2bc: {  	v4 =	vor.u32 $0x1, v6  }
0x2bd: {  	v3 =	vmul.f32 v3, v5  }
0x2be: {  	vm15 =	vlt.f32 v2, $1.000000000e+00  }
0x2bf: {  	v2 =	vnsel vm15, $0x0, v3  }
0x2c0: {  	[tilespmem:s6+$0x0] =	vst v2;
	v2 =	vor.u32 $0x2, v6  }
0x2c1: {  	v3 =	vld.idx.msk [tilespmem:v4+s15+$0x0], $0xffff  }
0x2c2: {  	v4 =	vld.idx.msk [tilespmem:v4+s14+$0x0], $0xffff  }
0x2c3: {  	v5 =	vld.idx.msk [tilespmem:v6+s15+$0x0], $0xffff  }
0x2c4: {  	v7 =	vld.idx.msk [tilespmem:v6+s14+$0x0], $0xffff  }
0x2c5: {  	v8 =	vld.idx.msk [tilespmem:v2+s14+$0x0], $0xffff  }
0x2c6: {  	v2 =	vld.idx.msk [tilespmem:v2+s15+$0x0], $0xffff;
	_ =	sdelay $0x2  }
0x2c7: {  	v3 =	vsub.f32 v4, v3;
	v4 =	vsub.f32 v7, v5;
	_ =	sdelay $0x1  }
0x2c8: {  	v3 =	vmul.f32 v3, v3;
	v4 =	vmul.f32 v4, v4;
	v2 =	vsub.f32 v8, v2;
	_ =	sdelay $0x1  }
0x2c9: {  	v3 =	vadd.f32 v3, v4;
	v2 =	vmul.f32 v2, v2;
	_ =	sdelay $0x1  }
0x2ca: {  	v2 =	vadd.f32 v2, v3;
	_ =	sdelay $0x1  }
0x2cb: {  	v3 =	vshra.s32 v2, $0x1;
	v4 =	vmul.f32 $5.000000000e-01, v2  }
0x2cc: {  	v3 =	vsub.s32 $0x5F3759DF, v3  }
0x2cd: {  	v5 =	vmul.f32 v3, v4;
	_ =	sdelay $0x1  }
0x2ce: {  	v5 =	vmul.f32 v3, v5;
	_ =	sdelay $0x1  }
0x2cf: {  	v5 =	vsub.f32 $1.500000000e+00, v5;
	_ =	sdelay $0x1  }
0x2d0: {  	v3 =	vmul.f32 v3, v5  }
0x2d1: {  	v5 =	vor.u32 $0x3, v6  }
0x2d2: {  	v4 =	vmul.f32 v3, v4;
	_ =	sdelay $0x1  }
0x2d3: {  	v4 =	vmul.f32 v4, v3;
	_ =	sdelay $0x1  }
0x2d4: {  	v7 =	vld.idx.msk [tilespmem:v5+s14+$0x0], $0xffff;
	v4 =	vsub.f32 $1.500000000e+00, v4  }
0x2d5: {  	v5 =	vld.idx.msk [tilespmem:v5+s15+$0x0], $0xffff  }
0x2d6: {  	v4 =	vmul.f32 v4, v3;
	_ =	sdelay $0x1  }
0x2d7: {  	v3 =	vmul.f32 v4, v2;
	_ =	sdelay $0x1  }
0x2d8: {  	v5 =	vadd.f32 v5, v7;
	v2 =	vmul.f32 $2.000000030e-01, v3;
	v3 =	vmul.f32 $2.134471650e+00, v3;
	_ =	sdelay $0x1  }
0x2d9: {  	v7 =	vmul.f32 v2, v2;
	v3 =	vmul.f32 v3, v5;
	_ =	sdelay $0x1  }
0x2da: {  	v6 =	vor.u32 $0x4, v6;
	v5 =	vmul.f32 v7, v7;
	v8 =	vmul.f32 $-2.016199980e-01, v3  }
0x2db: {  	v60 =	vmul.f32 $-4.029000100e-01, v3;
	v61 =	vmul.f32 $-9.422900080e-01, v3  }
0x2dc: {  	v3 =	vmul.f32 $-3.199800010e+00, v3;
	v8 =	vmul.f32 $1.442695020e+00, v8  }
0x2dd: {  	v5 =	vmul.f32 v5, v7;
	v9 =	vmul.f32 $1.442695020e+00, v60  }
0x2de: {  	v10 =	vmul.f32 $1.442695020e+00, v61;
	(erf) = vpow2.f32 v8  }
0x2df: {  	v7 =	vld.idx.msk [tilespmem:v6+s14+$0x0], $0xffff;
	v62 =	vmul.f32 $1.442695020e+00, v3;
	(erf) = vpow2.f32 v9  }
0x2e0: {  	v6 =	vld.idx.msk [tilespmem:v6+s15+$0x0], $0xffff;
	v8 =	vmul.f32 v5, v2;
	(erf) = vpow2.f32 v10  }
0x2e1: {  	v5 =	vmul.f32 $2.800000000e+01, v5;
	(erf) = vpow2.f32 v62;
	_ =	sdelay $0x1  }
0x2e2: {  	v63 =	vmul.f32 v8, v2;
	v5 =	vsub.f32 $1.000000000e+00, v5;
	v8 =	vmul.f32 $4.800000000e+01, v8;
	_ =	sdelay $0x1  }
0x2e3: {  	s28 =	simm.s32 $0x40;
	s26 =	simm.s32 $0x9420;
	v3 =	vmul.f32 v6, v7;
	v5 =	vadd.f32 v8, v5;
	v6 =	vmul.f32 $2.100000000e+01, v63  }
.LBB2_8:
0x2e4: {  	p0 =	sne.s32 s28, $0x3C0  }
0x2e5: {  	s6 =	sadd.s32 $0x40, s6;
	v7 =	vpop (erf);
	s16 =	smov.u32 s28;
	s28 =	sadd.s32 $0x40, s28  }
0x2e6: {  	v7 =	vmul.f32 $2.817000080e-02, v7;
	v5 =	vsub.f32 v5, v6;
	v6 =	vpop (erf)  }
0x2e7: {  	v6 =	vmul.f32 $2.802200020e-01, v6;
	v8 =	vpop (erf)  }
0x2e8: {  	v8 =	vmul.f32 $5.098599790e-01, v8;
	v9 =	vpop (erf)  }
0x2e9: {  	v6 =	vadd.f32 v6, v7  }
0x2ea: {  	v7 =	vmul.f32 $1.817500000e-01, v9  }
0x2eb: {  	v6 =	vadd.f32 v6, v8  }
0x2ec: {  	v3 =	vmul.f32 v4, v3  }
0x2ed: {  	v4 =	vadd.f32 v6, v7  }
0x2ee: {  	v6 =	vmov s16  }
0x2ef: {  	v6 =	vshll.u32 v6, $0x3;
	v3 =	vmul.f32 v4, v3  }
0x2f0: {  	vm0 =	vlt.f32 v2, $1.000000000e+00;
	v4 =	vor.u32 v1, v6  }
0x2f1: {  	v2 =	vor.u32 $0x1, v4;
	v6 =	vor.u32 $0x2, v4;
	v3 =	vmul.f32 v3, v5  }
0x2f2: {  	v7 =	vor.u32 $0x4, v4;
	v5 =	vor.u32 $0x3, v4  }
0x2f3: {  	v3 =	vnsel vm0, $0x0, v3  }
0x2f4: {  	[tilespmem:s26+$0x10] =	vst v3;
	s26 =	smov.u32 s6  }
0x2f5: {  	v3 =	vld.idx.msk [tilespmem:v4+s14+$0x0], $0xffff  }
0x2f6: {  	v4 =	vld.idx.msk [tilespmem:v4+s15+$0x0], $0xffff  }
0x2f7: {  	v8 =	vld.idx.msk [tilespmem:v2+s14+$0x0], $0xffff  }
0x2f8: {  	v2 =	vld.idx.msk [tilespmem:v2+s15+$0x0], $0xffff  }
0x2f9: {  	v9 =	vld.idx.msk [tilespmem:v6+s15+$0x0], $0xffff  }
0x2fa: {  	v6 =	vld.idx.msk [tilespmem:v6+s14+$0x0], $0xffff;
	_ =	sdelay $0x1  }
0x2fb: {  	v3 =	vsub.f32 v3, v4;
	_ =	sdelay $0x1  }
0x2fc: {  	v2 =	vsub.f32 v8, v2;
	_ =	sdelay $0x1  }
0x2fd: {  	v3 =	vmul.f32 v3, v3;
	v4 =	vsub.f32 v6, v9;
	v2 =	vmul.f32 v2, v2;
	_ =	sdelay $0x1  }
0x2fe: {  	v2 =	vadd.f32 v2, v3;
	v3 =	vmul.f32 v4, v4;
	_ =	sdelay $0x1  }
0x2ff: {  	v2 =	vadd.f32 v3, v2;
	_ =	sdelay $0x1  }
0x300: {  	v3 =	vshra.s32 v2, $0x1;
	v4 =	vmul.f32 $5.000000000e-01, v2  }
0x301: {  	v3 =	vsub.s32 $0x5F3759DF, v3  }
0x302: {  	v6 =	vmul.f32 v3, v4;
	_ =	sdelay $0x1  }
0x303: {  	v6 =	vmul.f32 v3, v6;
	_ =	sdelay $0x1  }
0x304: {  	v6 =	vsub.f32 $1.500000000e+00, v6;
	_ =	sdelay $0x1  }
0x305: {  	v3 =	vmul.f32 v3, v6;
	_ =	sdelay $0x1  }
0x306: {  	v4 =	vmul.f32 v3, v4;
	_ =	sdelay $0x1  }
0x307: {  	v4 =	vmul.f32 v4, v3  }
0x308: {  	v6 =	vld.idx.msk [tilespmem:v5+s15+$0x0], $0xffff  }
0x309: {  	v4 =	vsub.f32 $1.500000000e+00, v4;
	v5 =	vld.idx.msk [tilespmem:v5+s14+$0x0], $0xffff;
	_ =	sdelay $0x1  }
0x30a: {  	v3 =	vmul.f32 v4, v3;
	_ =	sdelay $0x1  }
0x30b: {  	v2 =	vmul.f32 v3, v2;
	_ =	sdelay $0x1  }
0x30c: {  	v4 =	vadd.f32 v6, v5;
	v5 =	vmul.f32 $2.134471650e+00, v2;
	v2 =	vmul.f32 $2.000000030e-01, v2;
	_ =	sdelay $0x1  }
0x30d: {  	v4 =	vmul.f32 v5, v4;
	v5 =	vmul.f32 v2, v2;
	_ =	sdelay $0x1  }
0x30e: {  	v6 =	vmul.f32 $-2.016199980e-01, v4;
	v8 =	vmul.f32 $-4.029000100e-01, v4  }
0x30f: {  	v9 =	vmul.f32 $-9.422900080e-01, v4;
	v4 =	vmul.f32 $-3.199800010e+00, v4  }
0x310: {  	v6 =	vmul.f32 $1.442695020e+00, v6;
	v8 =	vmul.f32 $1.442695020e+00, v8  }
0x311: {  	v9 =	vmul.f32 $1.442695020e+00, v9;
	v4 =	vmul.f32 $1.442695020e+00, v4  }
0x312: {  	v10 =	vmul.f32 v5, v5;
	(erf) = vpow2.f32 v6  }
0x313: {  	(erf) = vpow2.f32 v8  }
0x314: {  	v5 =	vmul.f32 v10, v5;
	(erf) = vpow2.f32 v9  }
0x315: {  	(erf) = vpow2.f32 v4  }
0x316: {  	v4 =	vmul.f32 v5, v2;
	v5 =	vmul.f32 $2.800000000e+01, v5;
	_ =	sdelay $0x1  }
0x317: {  	v6 =	vmul.f32 v4, v2;
	v5 =	vsub.f32 $1.000000000e+00, v5;
	v4 =	vmul.f32 $4.800000000e+01, v4;
	_ =	sdelay $0x1  }
0x318: {  	v4 =	vadd.f32 v4, v5;
	v10 =	vmul.f32 $2.100000000e+01, v6;
	v8 =	vld.idx.msk [tilespmem:v7+s15+$0x0], $0xffff  }
0x319: {  	v6 =	vld.idx.msk [tilespmem:v7+s14+$0x0], $0xffff;
	v7 =	vpop (erf)  }
0x31a: {  	v4 =	vsub.f32 v4, v10;
	v7 =	vmul.f32 $2.817000080e-02, v7;
	v5 =	vpop (erf)  }
0x31b: {  	v5 =	vmul.f32 $2.802200020e-01, v5;
	v9 =	vpop (erf)  }
0x31c: {  	v10 =	vpop (erf)  }
0x31d: {  	v5 =	vadd.f32 v5, v7;
	v7 =	vmul.f32 $5.098599790e-01, v9;
	_ =	sdelay $0x1  }
0x31e: {  	v6 =	vmul.f32 v8, v6;
	v5 =	vadd.f32 v5, v7;
	v7 =	vmul.f32 $1.817500000e-01, v10  }
0x31f: {  	s17 =	sadd.s32 $0x10, s16  }
0x320: {  	v3 =	vmul.f32 v3, v6;
	v6 =	vmov s17;
	v5 =	vadd.f32 v5, v7  }
0x321: {  	v6 =	vshll.u32 v6, $0x3  }
0x322: {  	v3 =	vmul.f32 v5, v3;
	v5 =	vor.u32 v1, v6  }
0x323: {  	v6 =	vor.u32 $0x1, v5  }
0x324: {  	v3 =	vmul.f32 v3, v4  }
0x325: {  	vm0 =	vlt.f32 v2, $1.000000000e+00  }
0x326: {  	v2 =	vnsel vm0, $0x0, v3  }
0x327: {  	[tilespmem:s6+$0xFFFFFFE0] =	vst v2;
	v2 =	vor.u32 $0x2, v5  }
0x328: {  	v3 =	vld.idx.msk [tilespmem:v6+s15+$0x0], $0xffff  }
0x329: {  	v4 =	vld.idx.msk [tilespmem:v5+s15+$0x0], $0xffff  }
0x32a: {  	v6 =	vld.idx.msk [tilespmem:v6+s14+$0x0], $0xffff  }
0x32b: {  	v7 =	vld.idx.msk [tilespmem:v5+s14+$0x0], $0xffff  }
0x32c: {  	v8 =	vld.idx.msk [tilespmem:v2+s15+$0x0], $0xffff  }
0x32d: {  	v2 =	vld.idx.msk [tilespmem:v2+s14+$0x0], $0xffff;
	_ =	sdelay $0x2  }
0x32e: {  	v3 =	vsub.f32 v6, v3  }
0x32f: {  	v4 =	vsub.f32 v7, v4;
	_ =	sdelay $0x1  }
0x330: {  	v3 =	vmul.f32 v3, v3;
	v2 =	vsub.f32 v2, v8;
	v4 =	vmul.f32 v4, v4;
	_ =	sdelay $0x1  }
0x331: {  	v3 =	vadd.f32 v3, v4;
	v2 =	vmul.f32 v2, v2;
	_ =	sdelay $0x1  }
0x332: {  	v2 =	vadd.f32 v2, v3;
	_ =	sdelay $0x1  }
0x333: {  	v3 =	vshra.s32 v2, $0x1;
	v4 =	vmul.f32 $5.000000000e-01, v2  }
0x334: {  	v3 =	vsub.s32 $0x5F3759DF, v3  }
0x335: {  	v6 =	vmul.f32 v3, v4;
	_ =	sdelay $0x1  }
0x336: {  	v6 =	vmul.f32 v3, v6;
	_ =	sdelay $0x1  }
0x337: {  	v6 =	vsub.f32 $1.500000000e+00, v6;
	_ =	sdelay $0x1  }
0x338: {  	v7 =	vor.u32 $0x3, v5;
	v3 =	vmul.f32 v3, v6;
	_ =	sdelay $0x1  }
0x339: {  	v4 =	vmul.f32 v3, v4;
	_ =	sdelay $0x1  }
0x33a: {  	v4 =	vmul.f32 v4, v3  }
0x33b: {  	v6 =	vld.idx.msk [tilespmem:v7+s15+$0x0], $0xffff  }
0x33c: {  	v4 =	vsub.f32 $1.500000000e+00, v4;
	v7 =	vld.idx.msk [tilespmem:v7+s14+$0x0], $0xffff;
	_ =	sdelay $0x1  }
0x33d: {  	v3 =	vmul.f32 v4, v3;
	_ =	sdelay $0x1  }
0x33e: {  	v2 =	vmul.f32 v3, v2;
	_ =	sdelay $0x1  }
0x33f: {  	v4 =	vadd.f32 v6, v7;
	v6 =	vmul.f32 $2.134471650e+00, v2;
	v2 =	vmul.f32 $2.000000030e-01, v2;
	_ =	sdelay $0x1  }
0x340: {  	v4 =	vmul.f32 v6, v4;
	v6 =	vmul.f32 v2, v2;
	_ =	sdelay $0x1  }
0x341: {  	v7 =	vmul.f32 $-2.016199980e-01, v4;
	v8 =	vmul.f32 $-4.029000100e-01, v4  }
0x342: {  	v9 =	vmul.f32 $-9.422900080e-01, v4;
	v4 =	vmul.f32 $-3.199800010e+00, v4  }
0x343: {  	v7 =	vmul.f32 $1.442695020e+00, v7;
	v8 =	vmul.f32 $1.442695020e+00, v8  }
0x344: {  	v9 =	vmul.f32 $1.442695020e+00, v9;
	v4 =	vmul.f32 $1.442695020e+00, v4  }
0x345: {  	v10 =	vmul.f32 v6, v6;
	(erf) = vpow2.f32 v7  }
0x346: {  	(erf) = vpow2.f32 v8  }
0x347: {  	v6 =	vmul.f32 v10, v6;
	(erf) = vpow2.f32 v9  }
0x348: {  	v5 =	vor.u32 $0x4, v5;
	(erf) = vpow2.f32 v4  }
0x349: {  	v4 =	vmul.f32 v6, v2;
	v6 =	vmul.f32 $2.800000000e+01, v6;
	_ =	sdelay $0x1  }
0x34a: {  	v9 =	vmul.f32 v4, v2;
	v6 =	vsub.f32 $1.000000000e+00, v6;
	v4 =	vmul.f32 $4.800000000e+01, v4;
	_ =	sdelay $0x1  }
0x34b: {  	v4 =	vadd.f32 v4, v6;
	v10 =	vmul.f32 $2.100000000e+01, v9;
	v8 =	vld.idx.msk [tilespmem:v5+s15+$0x0], $0xffff  }
0x34c: {  	v5 =	vld.idx.msk [tilespmem:v5+s14+$0x0], $0xffff;
	v7 =	vpop (erf)  }
0x34d: {  	v4 =	vsub.f32 v4, v10;
	v7 =	vmul.f32 $2.817000080e-02, v7;
	v6 =	vpop (erf)  }
0x34e: {  	v6 =	vmul.f32 $2.802200020e-01, v6;
	v9 =	vpop (erf)  }
0x34f: {  	v10 =	vpop (erf)  }
0x350: {  	v6 =	vadd.f32 v6, v7;
	v7 =	vmul.f32 $5.098599790e-01, v9;
	_ =	sdelay $0x1  }
0x351: {  	v5 =	vmul.f32 v8, v5;
	v6 =	vadd.f32 v6, v7;
	v7 =	vmul.f32 $1.817500000e-01, v10;
	_ =	sdelay $0x1  }
0x352: {  	s17 =	sadd.s32 $0x20, s16;
	v3 =	vmul.f32 v3, v5;
	v6 =	vadd.f32 v6, v7  }
0x353: {  	v5 =	vmov s17  }
0x354: {  	v5 =	vshll.u32 v5, $0x3;
	v3 =	vmul.f32 v6, v3  }
0x355: {  	v5 =	vor.u32 v1, v5  }
0x356: {  	v3 =	vmul.f32 v3, v4  }
0x357: {  	vm0 =	vlt.f32 v2, $1.000000000e+00;
	v2 =	vor.u32 $0x1, v5  }
0x358: {  	v3 =	vnsel vm0, $0x0, v3  }
0x359: {  	[tilespmem:s6+$0xFFFFFFF0] =	vst v3;
	v3 =	vor.u32 $0x2, v5  }
0x35a: {  	v4 =	vld.idx.msk [tilespmem:v5+s14+$0x0], $0xffff  }
0x35b: {  	v6 =	vld.idx.msk [tilespmem:v5+s15+$0x0], $0xffff  }
0x35c: {  	v7 =	vld.idx.msk [tilespmem:v2+s15+$0x0], $0xffff  }
0x35d: {  	v2 =	vld.idx.msk [tilespmem:v2+s14+$0x0], $0xffff  }
0x35e: {  	v8 =	vld.idx.msk [tilespmem:v3+s15+$0x0], $0xffff  }
0x35f: {  	v3 =	vld.idx.msk [tilespmem:v3+s14+$0x0], $0xffff;
	_ =	sdelay $0x2  }
0x360: {  	v4 =	vsub.f32 v4, v6  }
0x361: {  	v2 =	vsub.f32 v2, v7  }
0x362: {  	v4 =	vmul.f32 v4, v4  }
0x363: {  	v3 =	vsub.f32 v3, v8;
	v2 =	vmul.f32 v2, v2;
	_ =	sdelay $0x1  }
0x364: {  	v2 =	vadd.f32 v2, v4;
	v3 =	vmul.f32 v3, v3;
	_ =	sdelay $0x1  }
0x365: {  	v2 =	vadd.f32 v3, v2;
	_ =	sdelay $0x1  }
0x366: {  	v3 =	vshra.s32 v2, $0x1;
	v4 =	vmul.f32 $5.000000000e-01, v2  }
0x367: {  	v3 =	vsub.s32 $0x5F3759DF, v3  }
0x368: {  	v6 =	vmul.f32 v3, v4;
	_ =	sdelay $0x1  }
0x369: {  	v6 =	vmul.f32 v3, v6;
	_ =	sdelay $0x1  }
0x36a: {  	v6 =	vsub.f32 $1.500000000e+00, v6;
	_ =	sdelay $0x1  }
0x36b: {  	v7 =	vor.u32 $0x3, v5;
	v3 =	vmul.f32 v3, v6;
	_ =	sdelay $0x1  }
0x36c: {  	v4 =	vmul.f32 v3, v4;
	_ =	sdelay $0x1  }
0x36d: {  	v4 =	vmul.f32 v4, v3  }
0x36e: {  	v6 =	vld.idx.msk [tilespmem:v7+s15+$0x0], $0xffff  }
0x36f: {  	v4 =	vsub.f32 $1.500000000e+00, v4;
	v7 =	vld.idx.msk [tilespmem:v7+s14+$0x0], $0xffff;
	_ =	sdelay $0x1  }
0x370: {  	v3 =	vmul.f32 v4, v3;
	_ =	sdelay $0x1  }
0x371: {  	v2 =	vmul.f32 v3, v2;
	_ =	sdelay $0x1  }
0x372: {  	v4 =	vadd.f32 v6, v7;
	v6 =	vmul.f32 $2.134471650e+00, v2;
	v2 =	vmul.f32 $2.000000030e-01, v2;
	_ =	sdelay $0x1  }
0x373: {  	v4 =	vmul.f32 v6, v4;
	v6 =	vmul.f32 v2, v2;
	_ =	sdelay $0x1  }
0x374: {  	v7 =	vmul.f32 $-2.016199980e-01, v4;
	v8 =	vmul.f32 $-4.029000100e-01, v4  }
0x375: {  	v9 =	vmul.f32 $-9.422900080e-01, v4;
	v4 =	vmul.f32 $-3.199800010e+00, v4  }
0x376: {  	v7 =	vmul.f32 $1.442695020e+00, v7;
	v8 =	vmul.f32 $1.442695020e+00, v8  }
0x377: {  	v9 =	vmul.f32 $1.442695020e+00, v9;
	v4 =	vmul.f32 $1.442695020e+00, v4  }
0x378: {  	v10 =	vmul.f32 v6, v6;
	(erf) = vpow2.f32 v7  }
0x379: {  	(erf) = vpow2.f32 v8  }
0x37a: {  	v6 =	vmul.f32 v10, v6;
	(erf) = vpow2.f32 v9  }
0x37b: {  	v5 =	vor.u32 $0x4, v5;
	(erf) = vpow2.f32 v4  }
0x37c: {  	v4 =	vmul.f32 v6, v2;
	v6 =	vmul.f32 $2.800000000e+01, v6;
	_ =	sdelay $0x1  }
0x37d: {  	v9 =	vmul.f32 v4, v2;
	v6 =	vsub.f32 $1.000000000e+00, v6;
	v4 =	vmul.f32 $4.800000000e+01, v4;
	_ =	sdelay $0x1  }
0x37e: {  	v4 =	vadd.f32 v4, v6;
	v10 =	vmul.f32 $2.100000000e+01, v9;
	v8 =	vld.idx.msk [tilespmem:v5+s15+$0x0], $0xffff  }
0x37f: {  	v5 =	vld.idx.msk [tilespmem:v5+s14+$0x0], $0xffff;
	v7 =	vpop (erf)  }
0x380: {  	v4 =	vsub.f32 v4, v10;
	v7 =	vmul.f32 $2.817000080e-02, v7;
	v6 =	vpop (erf)  }
0x381: {  	v6 =	vmul.f32 $2.802200020e-01, v6;
	v9 =	vpop (erf)  }
0x382: {  	v10 =	vpop (erf)  }
0x383: {  	v6 =	vadd.f32 v6, v7;
	v7 =	vmul.f32 $5.098599790e-01, v9;
	_ =	sdelay $0x1  }
0x384: {  	v5 =	vmul.f32 v8, v5;
	v6 =	vadd.f32 v6, v7;
	v7 =	vmul.f32 $1.817500000e-01, v10  }
0x385: {  	s16 =	sadd.s32 $0x30, s16  }
0x386: {  	v3 =	vmul.f32 v3, v5;
	v5 =	vmov s16;
	v6 =	vadd.f32 v6, v7  }
0x387: {  	v5 =	vshll.u32 v5, $0x3  }
0x388: {  	v5 =	vor.u32 v1, v5;
	v3 =	vmul.f32 v6, v3  }
0x389: {  	v6 =	vor.u32 $0x1, v5  }
0x38a: {  	v3 =	vmul.f32 v3, v4  }
0x38b: {  	vm0 =	vlt.f32 v2, $1.000000000e+00  }
0x38c: {  	v2 =	vnsel vm0, $0x0, v3  }
0x38d: {  	[tilespmem:s6+$0x0] =	vst v2;
	v2 =	vor.u32 $0x2, v5  }
0x38e: {  	v3 =	vld.idx.msk [tilespmem:v6+s15+$0x0], $0xffff  }
0x38f: {  	v4 =	vld.idx.msk [tilespmem:v6+s14+$0x0], $0xffff;
	v6 =	vor.u32 $0x3, v5  }
0x390: {  	v7 =	vld.idx.msk [tilespmem:v5+s15+$0x0], $0xffff  }
0x391: {  	v8 =	vld.idx.msk [tilespmem:v5+s14+$0x0], $0xffff;
	v5 =	vor.u32 $0x4, v5  }
0x392: {  	v9 =	vld.idx.msk [tilespmem:v2+s14+$0x0], $0xffff  }
0x393: {  	v2 =	vld.idx.msk [tilespmem:v2+s15+$0x0], $0xffff  }
0x394: {  	v10 =	vld.idx.msk [tilespmem:v6+s14+$0x0], $0xffff  }
0x395: {  	v3 =	vsub.f32 v4, v3;
	v6 =	vld.idx.msk [tilespmem:v6+s15+$0x0], $0xffff  }
0x396: {  	v4 =	vld.idx.msk [tilespmem:v5+s14+$0x0], $0xffff  }
0x397: {  	v7 =	vsub.f32 v8, v7;
	v3 =	vmul.f32 v3, v3;
	v5 =	vld.idx.msk [tilespmem:v5+s15+$0x0], $0xffff;
	_ =	sdelay $0x1  }
0x398: {  	v2 =	vsub.f32 v9, v2;
	v7 =	vmul.f32 v7, v7;
	_ =	sdelay $0x1  }
0x399: {  	v3 =	vadd.f32 v3, v7;
	v2 =	vmul.f32 v2, v2;
	_ =	sdelay $0x1  }
0x39a: {  	v2 =	vadd.f32 v2, v3;
	v3 =	vmul.f32 v5, v4;
	_ =	sdelay $0x1  }
0x39b: {  	v4 =	vshra.s32 v2, $0x1;
	v5 =	vmul.f32 $5.000000000e-01, v2  }
0x39c: {  	v4 =	vsub.s32 $0x5F3759DF, v4  }
0x39d: {  	v7 =	vmul.f32 v4, v5;
	_ =	sdelay $0x1  }
0x39e: {  	v7 =	vmul.f32 v4, v7;
	_ =	sdelay $0x1  }
0x39f: {  	v7 =	vsub.f32 $1.500000000e+00, v7;
	_ =	sdelay $0x1  }
0x3a0: {  	v4 =	vmul.f32 v4, v7;
	_ =	sdelay $0x1  }
0x3a1: {  	v5 =	vmul.f32 v4, v5;
	_ =	sdelay $0x1  }
0x3a2: {  	v5 =	vmul.f32 v5, v4;
	_ =	sdelay $0x1  }
0x3a3: {  	v5 =	vsub.f32 $1.500000000e+00, v5;
	_ =	sdelay $0x1  }
0x3a4: {  	v4 =	vmul.f32 v5, v4;
	_ =	sdelay $0x1  }
0x3a5: {  	v2 =	vmul.f32 v4, v2;
	_ =	sdelay $0x1  }
0x3a6: {  	v5 =	vadd.f32 v6, v10;
	v6 =	vmul.f32 $2.134471650e+00, v2;
	v2 =	vmul.f32 $2.000000030e-01, v2;
	_ =	sdelay $0x1  }
0x3a7: {  	v5 =	vmul.f32 v6, v5;
	v6 =	vmul.f32 v2, v2;
	_ =	sdelay $0x1  }
0x3a8: {  	v7 =	vmul.f32 $-2.016199980e-01, v5;
	v8 =	vmul.f32 $-4.029000100e-01, v5  }
0x3a9: {  	v9 =	vmul.f32 $-9.422900080e-01, v5;
	v5 =	vmul.f32 $-3.199800010e+00, v5  }
0x3aa: {  	v7 =	vmul.f32 $1.442695020e+00, v7;
	v8 =	vmul.f32 $1.442695020e+00, v8  }
0x3ab: {  	v9 =	vmul.f32 $1.442695020e+00, v9;
	v5 =	vmul.f32 $1.442695020e+00, v5  }
0x3ac: {  	v10 =	vmul.f32 v6, v6;
	(erf) = vpow2.f32 v7  }
0x3ad: {  	(erf) = vpow2.f32 v8  }
0x3ae: {  	v6 =	vmul.f32 v10, v6;
	(erf) = vpow2.f32 v9  }
0x3af: {  	(erf) = vpow2.f32 v5  }
.Ltmp3:
0x3b0: {  	v5 =	vmul.f32 v6, v2;
	v6 =	vmul.f32 $2.800000000e+01, v6;
	(pc) =	sbr.rel @p0 .LBB2_8-.Ltmp3, $3  }
0x3b1: {  	_ = 	snop  }
0x3b2: {  	v7 =	vmul.f32 v5, v2;
	v6 =	vsub.f32 $1.000000000e+00, v6;
	v5 =	vmul.f32 $4.800000000e+01, v5;
	_ =	sdelay $0x1  }
0x3b3: {  	v5 =	vadd.f32 v5, v6;
	v6 =	vmul.f32 $2.100000000e+01, v7  }
0x3b4: {  	v7 =	vpop (erf)  }
0x3b5: {  	v8 =	vpop (erf)  }
0x3b6: {  	v7 =	vmul.f32 $2.817000080e-02, v7;
	v8 =	vmul.f32 $2.802200020e-01, v8  }
0x3b7: {  	v9 =	vpop (erf)  }
0x3b8: {  	v9 =	vmul.f32 $5.098599790e-01, v9;
	v7 =	vadd.f32 v8, v7  }
0x3b9: {  	v63 =	vpop (erf)  }
0x3ba: {  	v8 =	vmul.f32 $1.817500000e-01, v63;
	v7 =	vadd.f32 v7, v9;
	_ =	sdelay $0x1  }
0x3bb: {  	v3 =	vmul.f32 v4, v3;
	v4 =	vadd.f32 v7, v8;
	_ =	sdelay $0x1  }
0x3bc: {  	v5 =	vsub.f32 v5, v6;
	v3 =	vmul.f32 v4, v3;
	_ =	sdelay $0x1  }
0x3bd: {  	v3 =	vmul.f32 v3, v5  }
0x3be: {  	vm0 =	vlt.f32 v2, $1.000000000e+00  }
0x3bf: {  	v2 =	vnsel vm0, $0x0, v3  }
0x3c0: {  	s6 =	simm.s32 $0x0;
	[tilespmem:s26+$0x10] =	vst v2  }
0x3c1: {  	v2 =	vld [tilespmem:s6+$0x600]  }
0x3c2: {  	s16 =	simm.s32 $0x40;
	v3 =	vld [tilespmem:s6+$0x400]  }
.LBB2_10:
0x3c3: {  	p0 =	sne.s32 s16, $0x7C0  }
.Ltmp4:
0x3c4: {  	_ = 	snop;
	(pc) =	sbr.rel @p0 .LBB2_10-.Ltmp4, $4  }
0x3c5: {  	_ = 	snop  }
0x3c6: {  	s17 =	sshra.s32 s16, $0x2;
	s16 =	sadd.s32 $0x40, s16;
	[tilespmem:s6+$0x9E00] =	vst v2  }
0x3c7: {  	v2 =	vld [tilespmem:s17+$0x600];
	[tilespmem:s6+$0x9C00] =	vst v3;
	s6 =	smov.u32 s17  }
0x3c8: {  	v3 =	vld [tilespmem:s6+$0x400]  }
0x3c9: {  	_ =	sdelay $0x2  }
0x3ca: {  	[tilespmem:s6+$0x9E00] =	vst v2  }
0x3cb: {  	s17 =	simm.s32 $0x9C00;
	s16 =	simm.s32 $0x9400;
	[tilespmem:s6+$0x9C00] =	vst v3  }
0x3cc: {  	[spmem:s3] =	stream.indirect.scatter.add.f32 [tilespmem:s16], [sflag:$0x6], $0x1, s17, s31, $0xb8;
	[tilespmem:$0x19460] =	vst v63  }
0x3cd: {  	s20 =	simm.s32 $0x9E00;
	s26 =	simm.s32 $0x9600  }
0x3ce: {  	[spmem:s3] =	stream.indirect.scatter.add.f32 [tilespmem:s26], [sflag:$0x6], $0x1, s20, s31, $0xb8;
	[tilespmem:$0x19460] =	vst v63  }
0x3cf: {  	s28 =	rddreg [dreg:$0xd]  }
0x3d0: {  	[tilespmem:s23], [sflag:$0x2] =	stream.linear.gather [hbm4b:s28+s4], $0x400, $0x38;
	[tilespmem:$0x19460] =	vst v63  }
0x3d1: {  	s29 =	rddreg [dreg:$0xe];
	s6 =	simm.s32 $0x1  }
0x3d2: {  	[tilespmem:s24], [sflag:$0x2] =	stream.linear.gather [hbm4b:s29+s4], $0x400, $0x38;
	[tilespmem:$0x19460] =	vst v63  }
.LBB2_12:
0x3d3: {  	_ =	swait.ge [sflag:s11], $0x1000  }
0x3d4: {  	[sflag:s11] =	ssyncset.done $0x0  }
0x3d5: {  	[sflag:s11] =	ssyncadd.s32 $0xFFFFF000  }
0x3d6: {  	_ =	swait.ge [sflag:s11], $0x1000  }
0x3d7: {  	[sflag:s11] =	ssyncset.done $0x0  }
0x3d8: {  	[sflag:s11] =	ssyncadd.s32 $0xFFFFF000  }
0x3d9: {  	_ =	swait.ge [sflag:s11], $0x1000  }
0x3da: {  	[sflag:s11] =	ssyncset.done $0x0  }
0x3db: {  	[sflag:s11] =	ssyncadd.s32 $0xFFFFF000  }
0x3dc: {  	_ =	swait.ge [sflag:s11], $0x1000  }
0x3dd: {  	[sflag:s11] =	ssyncset.done $0x0  }
0x3de: {  	[sflag:s11] =	ssyncadd.s32 $0xFFFFF000  }
0x3df: {  	_ =	swait.ge [sflag:s12], $0x400  }
0x3e0: {  	[sflag:s12] =	ssyncset.done $0x0  }
0x3e1: {  	[sflag:s12] =	ssyncadd.s32 $0xFFFFFC00  }
0x3e2: {  	_ =	swait.ge [sflag:s12], $0x400  }
0x3e3: {  	[sflag:s12] =	ssyncset.done $0x0  }
0x3e4: {  	[sflag:s12] =	ssyncadd.s32 $0xFFFFFC00  }
0x3e5: {  	[tilespmem:s14], [sflag:$0x4] =	stream.indirect.gather [spmem:s2], $0x8, s23, s31, $0xb8;
	[tilespmem:$0x19460] =	vst v63  }
0x3e6: {  	_ = 	snop  }
0x3e7: {  	[tilespmem:s15], [sflag:$0x4] =	stream.indirect.gather [spmem:s2], $0x8, s24, s31, $0xb8;
	[tilespmem:$0x19460] =	vst v63  }
0x3e8: {  	s16 =	simm.s32 $0x600;
	s17 =	simm.s32 $0x4000  }
0x3e9: {  	[tilespmem:s17], [sflag:$0x4] =	stream.indirect.gather [spmem:s2], $0x8, s16, s31, $0xb8;
	[tilespmem:$0x19460] =	vst v63  }
0x3ea: {  	s26 =	simm.s32 $0xE00;
	s20 =	simm.s32 $0x8000;
	s16 =	simm.s32 $0x0  }
0x3eb: {  	v2 =	vmov s16;
	[tilespmem:s20], [sflag:$0x4] =	stream.indirect.gather [spmem:s2], $0x8, s26, s31, $0xb8;
	[tilespmem:$0x19460] =	vst v63  }
0x3ec: {  	v2 =	vshll.u32 v2, $0x3;
	_ =	swait.ge [sflag:s21], $0x200  }
0x3ed: {  	v2 =	vor.u32 v1, v2;
	[sflag:s21] =	ssyncset.done $0x0  }
0x3ee: {  	[sflag:s21] =	ssyncadd.s32 $0xFFFFFE00  }
0x3ef: {  	v3 =	vor.u32 $0x1, v2;
	_ =	swait.ge [sflag:s21], $0x200  }
0x3f0: {  	[sflag:s21] =	ssyncset.done $0x0  }
0x3f1: {  	v4 =	vor.u32 $0x2, v2;
	[sflag:s21] =	ssyncadd.s32 $0xFFFFFE00  }
0x3f2: {  	v5 =	vld.idx.msk [tilespmem:v2+s0+$0x0], $0xffff  }
0x3f3: {  	v6 =	vld.idx.msk [tilespmem:v2+s1+$0x0], $0xffff  }
0x3f4: {  	v7 =	vld.idx.msk [tilespmem:v3+s0+$0x0], $0xffff  }
0x3f5: {  	v3 =	vld.idx.msk [tilespmem:v3+s1+$0x0], $0xffff  }
0x3f6: {  	v8 =	vld.idx.msk [tilespmem:v4+s1+$0x0], $0xffff  }
0x3f7: {  	v4 =	vld.idx.msk [tilespmem:v4+s0+$0x0], $0xffff;
	_ =	sdelay $0x2  }
0x3f8: {  	v5 =	vsub.f32 v5, v6;
	v3 =	vsub.f32 v7, v3;
	_ =	sdelay $0x1  }
0x3f9: {  	v4 =	vsub.f32 v4, v8;
	v5 =	vmul.f32 v5, v5;
	v3 =	vmul.f32 v3, v3;
	_ =	sdelay $0x1  }
0x3fa: {  	v4 =	vmul.f32 v4, v4;
	v3 =	vadd.f32 v3, v5;
	_ =	sdelay $0x1  }
0x3fb: {  	v3 =	vadd.f32 v4, v3;
	_ =	sdelay $0x1  }
0x3fc: {  	v4 =	vshra.s32 v3, $0x1;
	v5 =	vmul.f32 $5.000000000e-01, v3  }
0x3fd: {  	v4 =	vsub.s32 $0x5F3759DF, v4  }
0x3fe: {  	v6 =	vmul.f32 v4, v5;
	_ =	sdelay $0x1  }
0x3ff: {  	v6 =	vmul.f32 v4, v6;
	_ =	sdelay $0x1  }
0x400: {  	v6 =	vsub.f32 $1.500000000e+00, v6;
	_ =	sdelay $0x1  }
0x401: {  	v4 =	vmul.f32 v4, v6  }
0x402: {  	v6 =	vor.u32 $0x3, v2  }
0x403: {  	v5 =	vmul.f32 v4, v5;
	_ =	sdelay $0x1  }
0x404: {  	v5 =	vmul.f32 v5, v4;
	_ =	sdelay $0x1  }
0x405: {  	v7 =	vld.idx.msk [tilespmem:v6+s1+$0x0], $0xffff;
	v5 =	vsub.f32 $1.500000000e+00, v5  }
0x406: {  	v6 =	vld.idx.msk [tilespmem:v6+s0+$0x0], $0xffff  }
0x407: {  	v4 =	vmul.f32 v5, v4;
	_ =	sdelay $0x1  }
0x408: {  	v3 =	vmul.f32 v4, v3;
	_ =	sdelay $0x1  }
0x409: {  	v5 =	vadd.f32 v7, v6;
	v6 =	vmul.f32 $2.134471650e+00, v3;
	_ =	sdelay $0x1  }
0x40a: {  	v5 =	vmul.f32 v6, v5;
	_ =	sdelay $0x1  }
0x40b: {  	v6 =	vmul.f32 $-2.016199980e-01, v5  }
0x40c: {  	v7 =	vmul.f32 $-4.029000100e-01, v5  }
0x40d: {  	v6 =	vmul.f32 $1.442695020e+00, v6  }
0x40e: {  	v8 =	vmul.f32 $-9.422900080e-01, v5;
	v7 =	vmul.f32 $1.442695020e+00, v7  }
0x40f: {  	v5 =	vmul.f32 $-3.199800010e+00, v5;
	(erf) = vpow2.f32 v6  }
0x410: {  	v6 =	vmul.f32 $1.442695020e+00, v8;
	(erf) = vpow2.f32 v7  }
0x411: {  	v3 =	vmul.f32 $2.000000030e-01, v3;
	v5 =	vmul.f32 $1.442695020e+00, v5  }
0x412: {  	v2 =	vor.u32 $0x4, v2;
	(erf) = vpow2.f32 v6  }
0x413: {  	(erf) = vpow2.f32 v5;
	v5 =	vmul.f32 v3, v3;
	_ =	sdelay $0x1  }
0x414: {  	v6 =	vmul.f32 v5, v5;
	_ =	sdelay $0x1  }
0x415: {  	v7 =	vld.idx.msk [tilespmem:v2+s1+$0x0], $0xffff  }
0x416: {  	v2 =	vld.idx.msk [tilespmem:v2+s0+$0x0], $0xffff;
	v8 =	vpop (erf)  }
0x417: {  	v5 =	vmul.f32 v6, v5;
	v6 =	vpop (erf)  }
0x418: {  	v8 =	vmul.f32 $2.817000080e-02, v8;
	v6 =	vmul.f32 $2.802200020e-01, v6  }
0x419: {  	v9 =	vmul.f32 v5, v3;
	v5 =	vmul.f32 $2.800000000e+01, v5;
	v10 =	vpop (erf)  }
0x41a: {  	v6 =	vadd.f32 v6, v8;
	v8 =	vmul.f32 $5.098599790e-01, v10  }
0x41b: {  	v2 =	vmul.f32 v7, v2;
	v51 =	vmul.f32 v9, v3;
	v5 =	vsub.f32 $1.000000000e+00, v5;
	v11 =	vpop (erf)  }
0x41c: {  	s26 =	simm.s32 $0x10;
	v9 =	vmul.f32 $4.800000000e+01, v9;
	v6 =	vadd.f32 v6, v8;
	v8 =	vmul.f32 $1.817500000e-01, v11  }
0x41d: {  	v2 =	vmul.f32 v4, v2;
	v4 =	vmov s26  }
0x41e: {  	v5 =	vadd.f32 v9, v5;
	v7 =	vmul.f32 $2.100000000e+01, v51;
	v6 =	vadd.f32 v6, v8  }
0x41f: {  	v4 =	vshll.u32 v4, $0x3  }
0x420: {  	v4 =	vor.u32 v1, v4;
	v5 =	vsub.f32 v5, v7;
	v2 =	vmul.f32 v6, v2  }
0x421: {  	v6 =	vor.u32 $0x1, v4  }
0x422: {  	v2 =	vmul.f32 v2, v5  }
0x423: {  	vm0 =	vlt.f32 v3, $1.000000000e+00  }
0x424: {  	s26 =	simm.s32 $0x9020;
	v2 =	vnsel vm0, $0x0, v2  }
0x425: {  	[tilespmem:s26+$0xFFFFFFE0] =	vst v2;
	v2 =	vor.u32 $0x2, v4  }
0x426: {  	v3 =	vld.idx.msk [tilespmem:v6+s1+$0x0], $0xffff  }
0x427: {  	v5 =	vld.idx.msk [tilespmem:v4+s1+$0x0], $0xffff  }
0x428: {  	v6 =	vld.idx.msk [tilespmem:v6+s0+$0x0], $0xffff  }
0x429: {  	v7 =	vld.idx.msk [tilespmem:v4+s0+$0x0], $0xffff  }
0x42a: {  	v8 =	vld.idx.msk [tilespmem:v2+s1+$0x0], $0xffff  }
0x42b: {  	v2 =	vld.idx.msk [tilespmem:v2+s0+$0x0], $0xffff;
	_ =	sdelay $0x2  }
0x42c: {  	v3 =	vsub.f32 v6, v3;
	v5 =	vsub.f32 v7, v5;
	_ =	sdelay $0x1  }
0x42d: {  	v5 =	vmul.f32 v5, v5;
	v3 =	vmul.f32 v3, v3;
	v2 =	vsub.f32 v2, v8;
	_ =	sdelay $0x1  }
0x42e: {  	v3 =	vadd.f32 v3, v5;
	v2 =	vmul.f32 v2, v2;
	_ =	sdelay $0x1  }
0x42f: {  	v2 =	vadd.f32 v2, v3;
	_ =	sdelay $0x1  }
0x430: {  	v3 =	vshra.s32 v2, $0x1;
	v5 =	vmul.f32 $5.000000000e-01, v2  }
0x431: {  	v3 =	vsub.s32 $0x5F3759DF, v3  }
0x432: {  	v6 =	vmul.f32 v3, v5;
	_ =	sdelay $0x1  }
0x433: {  	v6 =	vmul.f32 v3, v6;
	_ =	sdelay $0x1  }
0x434: {  	v6 =	vsub.f32 $1.500000000e+00, v6;
	_ =	sdelay $0x1  }
0x435: {  	v3 =	vmul.f32 v3, v6  }
0x436: {  	v6 =	vor.u32 $0x3, v4  }
0x437: {  	v5 =	vmul.f32 v3, v5;
	_ =	sdelay $0x1  }
0x438: {  	v5 =	vmul.f32 v5, v3;
	_ =	sdelay $0x1  }
0x439: {  	v7 =	vld.idx.msk [tilespmem:v6+s1+$0x0], $0xffff;
	v5 =	vsub.f32 $1.500000000e+00, v5  }
0x43a: {  	v6 =	vld.idx.msk [tilespmem:v6+s0+$0x0], $0xffff  }
0x43b: {  	v3 =	vmul.f32 v5, v3;
	_ =	sdelay $0x1  }
0x43c: {  	v2 =	vmul.f32 v3, v2;
	_ =	sdelay $0x1  }
0x43d: {  	v5 =	vadd.f32 v7, v6;
	v6 =	vmul.f32 $2.134471650e+00, v2;
	_ =	sdelay $0x1  }
0x43e: {  	v5 =	vmul.f32 v6, v5;
	_ =	sdelay $0x1  }
0x43f: {  	v6 =	vmul.f32 $-2.016199980e-01, v5  }
0x440: {  	v7 =	vmul.f32 $-4.029000100e-01, v5  }
0x441: {  	v6 =	vmul.f32 $1.442695020e+00, v6  }
0x442: {  	v8 =	vmul.f32 $-9.422900080e-01, v5;
	v7 =	vmul.f32 $1.442695020e+00, v7  }
0x443: {  	v5 =	vmul.f32 $-3.199800010e+00, v5;
	(erf) = vpow2.f32 v6  }
0x444: {  	v6 =	vmul.f32 $1.442695020e+00, v8;
	(erf) = vpow2.f32 v7  }
0x445: {  	v2 =	vmul.f32 $2.000000030e-01, v2;
	v5 =	vmul.f32 $1.442695020e+00, v5  }
0x446: {  	v4 =	vor.u32 $0x4, v4;
	(erf) = vpow2.f32 v6  }
0x447: {  	(erf) = vpow2.f32 v5;
	v5 =	vmul.f32 v2, v2;
	_ =	sdelay $0x1  }
0x448: {  	v6 =	vmul.f32 v5, v5;
	_ =	sdelay $0x1  }
0x449: {  	v7 =	vld.idx.msk [tilespmem:v4+s1+$0x0], $0xffff  }
0x44a: {  	v4 =	vld.idx.msk [tilespmem:v4+s0+$0x0], $0xffff;
	v8 =	vpop (erf)  }
0x44b: {  	v5 =	vmul.f32 v6, v5;
	v6 =	vpop (erf)  }
0x44c: {  	v8 =	vmul.f32 $2.817000080e-02, v8;
	v6 =	vmul.f32 $2.802200020e-01, v6  }
0x44d: {  	v52 =	vmul.f32 v5, v2;
	v5 =	vmul.f32 $2.800000000e+01, v5;
	v53 =	vpop (erf)  }
0x44e: {  	v6 =	vadd.f32 v6, v8;
	v8 =	vmul.f32 $5.098599790e-01, v53  }
0x44f: {  	v4 =	vmul.f32 v7, v4;
	v54 =	vmul.f32 v52, v2;
	v5 =	vsub.f32 $1.000000000e+00, v5;
	v55 =	vpop (erf)  }
0x450: {  	v9 =	vmul.f32 $4.800000000e+01, v52;
	v6 =	vadd.f32 v6, v8;
	v8 =	vmul.f32 $1.817500000e-01, v55  }
0x451: {  	v3 =	vmul.f32 v3, v4  }
0x452: {  	s17 =	simm.s32 $0x20;
	v5 =	vadd.f32 v9, v5;
	v7 =	vmul.f32 $2.100000000e+01, v54;
	v6 =	vadd.f32 v6, v8  }
0x453: {  	v4 =	vmov s17  }
0x454: {  	v4 =	vshll.u32 v4, $0x3;
	v5 =	vsub.f32 v5, v7;
	v3 =	vmul.f32 v6, v3  }
0x455: {  	v4 =	vor.u32 v1, v4  }
0x456: {  	v3 =	vmul.f32 v3, v5  }
0x457: {  	vm14 =	vlt.f32 v2, $1.000000000e+00;
	v2 =	vor.u32 $0x1, v4  }
0x458: {  	v3 =	vnsel vm14, $0x0, v3  }
0x459: {  	[tilespmem:s26+$0xFFFFFFF0] =	vst v3;
	v3 =	vor.u32 $0x2, v4  }
0x45a: {  	v5 =	vld.idx.msk [tilespmem:v4+s0+$0x0], $0xffff  }
0x45b: {  	v6 =	vld.idx.msk [tilespmem:v4+s1+$0x0], $0xffff  }
0x45c: {  	v7 =	vld.idx.msk [tilespmem:v2+s1+$0x0], $0xffff  }
0x45d: {  	v2 =	vld.idx.msk [tilespmem:v2+s0+$0x0], $0xffff  }
0x45e: {  	v8 =	vld.idx.msk [tilespmem:v3+s1+$0x0], $0xffff  }
0x45f: {  	v3 =	vld.idx.msk [tilespmem:v3+s0+$0x0], $0xffff;
	_ =	sdelay $0x2  }
0x460: {  	v5 =	vsub.f32 v5, v6;
	v2 =	vsub.f32 v2, v7;
	_ =	sdelay $0x1  }
0x461: {  	v5 =	vmul.f32 v5, v5;
	v2 =	vmul.f32 v2, v2;
	v3 =	vsub.f32 v3, v8;
	_ =	sdelay $0x1  }
0x462: {  	v2 =	vadd.f32 v2, v5;
	v3 =	vmul.f32 v3, v3;
	_ =	sdelay $0x1  }
0x463: {  	v2 =	vadd.f32 v3, v2;
	_ =	sdelay $0x1  }
0x464: {  	v3 =	vshra.s32 v2, $0x1;
	v5 =	vmul.f32 $5.000000000e-01, v2  }
0x465: {  	v3 =	vsub.s32 $0x5F3759DF, v3  }
0x466: {  	v6 =	vmul.f32 v3, v5;
	_ =	sdelay $0x1  }
0x467: {  	v6 =	vmul.f32 v3, v6;
	_ =	sdelay $0x1  }
0x468: {  	v6 =	vsub.f32 $1.500000000e+00, v6;
	_ =	sdelay $0x1  }
0x469: {  	v3 =	vmul.f32 v3, v6  }
0x46a: {  	v6 =	vor.u32 $0x3, v4  }
0x46b: {  	v5 =	vmul.f32 v3, v5;
	_ =	sdelay $0x1  }
0x46c: {  	v5 =	vmul.f32 v5, v3;
	_ =	sdelay $0x1  }
0x46d: {  	v7 =	vld.idx.msk [tilespmem:v6+s1+$0x0], $0xffff;
	v5 =	vsub.f32 $1.500000000e+00, v5  }
0x46e: {  	v6 =	vld.idx.msk [tilespmem:v6+s0+$0x0], $0xffff  }
0x46f: {  	v3 =	vmul.f32 v5, v3;
	_ =	sdelay $0x1  }
0x470: {  	v2 =	vmul.f32 v3, v2;
	_ =	sdelay $0x1  }
0x471: {  	v5 =	vadd.f32 v7, v6;
	v6 =	vmul.f32 $2.134471650e+00, v2;
	_ =	sdelay $0x1  }
0x472: {  	v5 =	vmul.f32 v6, v5;
	_ =	sdelay $0x1  }
0x473: {  	v6 =	vmul.f32 $-2.016199980e-01, v5  }
0x474: {  	v7 =	vmul.f32 $-4.029000100e-01, v5  }
0x475: {  	v6 =	vmul.f32 $1.442695020e+00, v6  }
0x476: {  	v8 =	vmul.f32 $-9.422900080e-01, v5;
	v7 =	vmul.f32 $1.442695020e+00, v7  }
0x477: {  	v5 =	vmul.f32 $-3.199800010e+00, v5;
	(erf) = vpow2.f32 v6  }
0x478: {  	v6 =	vmul.f32 $1.442695020e+00, v8;
	(erf) = vpow2.f32 v7  }
0x479: {  	v2 =	vmul.f32 $2.000000030e-01, v2;
	v5 =	vmul.f32 $1.442695020e+00, v5  }
0x47a: {  	v4 =	vor.u32 $0x4, v4;
	(erf) = vpow2.f32 v6  }
0x47b: {  	(erf) = vpow2.f32 v5;
	v5 =	vmul.f32 v2, v2;
	_ =	sdelay $0x1  }
0x47c: {  	v6 =	vmul.f32 v5, v5;
	_ =	sdelay $0x1  }
0x47d: {  	v7 =	vld.idx.msk [tilespmem:v4+s1+$0x0], $0xffff  }
0x47e: {  	v4 =	vld.idx.msk [tilespmem:v4+s0+$0x0], $0xffff;
	v8 =	vpop (erf)  }
0x47f: {  	v5 =	vmul.f32 v6, v5;
	v6 =	vpop (erf)  }
0x480: {  	v8 =	vmul.f32 $2.817000080e-02, v8;
	v6 =	vmul.f32 $2.802200020e-01, v6  }
0x481: {  	v56 =	vmul.f32 v5, v2;
	v5 =	vmul.f32 $2.800000000e+01, v5;
	v57 =	vpop (erf)  }
0x482: {  	v6 =	vadd.f32 v6, v8;
	v8 =	vmul.f32 $5.098599790e-01, v57  }
0x483: {  	v4 =	vmul.f32 v7, v4;
	v58 =	vmul.f32 v56, v2;
	v5 =	vsub.f32 $1.000000000e+00, v5;
	v59 =	vpop (erf)  }
0x484: {  	s20 =	simm.s32 $0x30;
	v9 =	vmul.f32 $4.800000000e+01, v56;
	v6 =	vadd.f32 v6, v8;
	v8 =	vmul.f32 $1.817500000e-01, v59  }
0x485: {  	v3 =	vmul.f32 v3, v4;
	v4 =	vmov s20  }
0x486: {  	v5 =	vadd.f32 v9, v5;
	v7 =	vmul.f32 $2.100000000e+01, v58;
	v6 =	vadd.f32 v6, v8  }
0x487: {  	v4 =	vshll.u32 v4, $0x3  }
0x488: {  	v5 =	vsub.f32 v5, v7;
	v3 =	vmul.f32 v6, v3;
	v6 =	vor.u32 v1, v4  }
0x489: {  	v4 =	vor.u32 $0x1, v6  }
0x48a: {  	v3 =	vmul.f32 v3, v5  }
0x48b: {  	vm15 =	vlt.f32 v2, $1.000000000e+00  }
0x48c: {  	v2 =	vnsel vm15, $0x0, v3  }
0x48d: {  	[tilespmem:s26+$0x0] =	vst v2;
	v2 =	vor.u32 $0x2, v6  }
0x48e: {  	v3 =	vld.idx.msk [tilespmem:v4+s1+$0x0], $0xffff  }
0x48f: {  	v4 =	vld.idx.msk [tilespmem:v4+s0+$0x0], $0xffff  }
0x490: {  	v5 =	vld.idx.msk [tilespmem:v6+s1+$0x0], $0xffff  }
0x491: {  	v7 =	vld.idx.msk [tilespmem:v6+s0+$0x0], $0xffff  }
0x492: {  	v8 =	vld.idx.msk [tilespmem:v2+s0+$0x0], $0xffff  }
0x493: {  	v2 =	vld.idx.msk [tilespmem:v2+s1+$0x0], $0xffff;
	_ =	sdelay $0x2  }
0x494: {  	v3 =	vsub.f32 v4, v3;
	v4 =	vsub.f32 v7, v5;
	_ =	sdelay $0x1  }
0x495: {  	v3 =	vmul.f32 v3, v3;
	v4 =	vmul.f32 v4, v4;
	v2 =	vsub.f32 v8, v2;
	_ =	sdelay $0x1  }
0x496: {  	v3 =	vadd.f32 v3, v4;
	v2 =	vmul.f32 v2, v2;
	_ =	sdelay $0x1  }
0x497: {  	v2 =	vadd.f32 v2, v3;
	_ =	sdelay $0x1  }
0x498: {  	v3 =	vshra.s32 v2, $0x1;
	v4 =	vmul.f32 $5.000000000e-01, v2  }
0x499: {  	v3 =	vsub.s32 $0x5F3759DF, v3  }
0x49a: {  	v5 =	vmul.f32 v3, v4;
	_ =	sdelay $0x1  }
0x49b: {  	v5 =	vmul.f32 v3, v5;
	_ =	sdelay $0x1  }
0x49c: {  	v5 =	vsub.f32 $1.500000000e+00, v5;
	_ =	sdelay $0x1  }
0x49d: {  	v3 =	vmul.f32 v3, v5  }
0x49e: {  	v5 =	vor.u32 $0x3, v6  }
0x49f: {  	v4 =	vmul.f32 v3, v4;
	_ =	sdelay $0x1  }
0x4a0: {  	v4 =	vmul.f32 v4, v3;
	_ =	sdelay $0x1  }
0x4a1: {  	v7 =	vld.idx.msk [tilespmem:v5+s0+$0x0], $0xffff;
	v4 =	vsub.f32 $1.500000000e+00, v4  }
0x4a2: {  	v5 =	vld.idx.msk [tilespmem:v5+s1+$0x0], $0xffff  }
0x4a3: {  	v4 =	vmul.f32 v4, v3;
	_ =	sdelay $0x1  }
0x4a4: {  	v3 =	vmul.f32 v4, v2;
	_ =	sdelay $0x1  }
0x4a5: {  	v5 =	vadd.f32 v5, v7;
	v2 =	vmul.f32 $2.000000030e-01, v3;
	v3 =	vmul.f32 $2.134471650e+00, v3;
	_ =	sdelay $0x1  }
0x4a6: {  	v7 =	vmul.f32 v2, v2;
	v3 =	vmul.f32 v3, v5;
	_ =	sdelay $0x1  }
0x4a7: {  	v6 =	vor.u32 $0x4, v6;
	v5 =	vmul.f32 v7, v7;
	v8 =	vmul.f32 $-2.016199980e-01, v3  }
0x4a8: {  	v60 =	vmul.f32 $-4.029000100e-01, v3;
	v61 =	vmul.f32 $-9.422900080e-01, v3  }
0x4a9: {  	v3 =	vmul.f32 $-3.199800010e+00, v3;
	v8 =	vmul.f32 $1.442695020e+00, v8  }
0x4aa: {  	v5 =	vmul.f32 v5, v7;
	v9 =	vmul.f32 $1.442695020e+00, v60  }
0x4ab: {  	v10 =	vmul.f32 $1.442695020e+00, v61;
	(erf) = vpow2.f32 v8  }
0x4ac: {  	v7 =	vld.idx.msk [tilespmem:v6+s0+$0x0], $0xffff;
	v62 =	vmul.f32 $1.442695020e+00, v3;
	(erf) = vpow2.f32 v9  }
0x4ad: {  	v6 =	vld.idx.msk [tilespmem:v6+s1+$0x0], $0xffff;
	v8 =	vmul.f32 v5, v2;
	(erf) = vpow2.f32 v10  }
0x4ae: {  	v5 =	vmul.f32 $2.800000000e+01, v5;
	(erf) = vpow2.f32 v62;
	_ =	sdelay $0x1  }
0x4af: {  	v63 =	vmul.f32 v8, v2;
	v5 =	vsub.f32 $1.000000000e+00, v5;
	v8 =	vmul.f32 $4.800000000e+01, v8;
	_ =	sdelay $0x1  }
0x4b0: {  	s28 =	simm.s32 $0x40;
	s29 =	simm.s32 $0x9020;
	v3 =	vmul.f32 v6, v7;
	v5 =	vadd.f32 v8, v5;
	v6 =	vmul.f32 $2.100000000e+01, v63  }
.LBB2_13:
0x4b1: {  	p0 =	sne.s32 s28, $0x3C0  }
0x4b2: {  	s26 =	sadd.s32 $0x40, s26;
	v7 =	vpop (erf);
	s16 =	smov.u32 s28;
	s28 =	sadd.s32 $0x40, s28  }
0x4b3: {  	v7 =	vmul.f32 $2.817000080e-02, v7;
	v5 =	vsub.f32 v5, v6;
	v6 =	vpop (erf)  }
0x4b4: {  	v6 =	vmul.f32 $2.802200020e-01, v6;
	v8 =	vpop (erf)  }
0x4b5: {  	v8 =	vmul.f32 $5.098599790e-01, v8;
	v9 =	vpop (erf)  }
0x4b6: {  	v6 =	vadd.f32 v6, v7  }
0x4b7: {  	v7 =	vmul.f32 $1.817500000e-01, v9  }
0x4b8: {  	v6 =	vadd.f32 v6, v8  }
0x4b9: {  	v3 =	vmul.f32 v4, v3  }
0x4ba: {  	v4 =	vadd.f32 v6, v7  }
0x4bb: {  	v6 =	vmov s16  }
0x4bc: {  	v6 =	vshll.u32 v6, $0x3;
	v3 =	vmul.f32 v4, v3  }
0x4bd: {  	vm0 =	vlt.f32 v2, $1.000000000e+00;
	v4 =	vor.u32 v1, v6  }
0x4be: {  	v2 =	vor.u32 $0x1, v4;
	v6 =	vor.u32 $0x2, v4;
	v3 =	vmul.f32 v3, v5  }
0x4bf: {  	v7 =	vor.u32 $0x4, v4;
	v5 =	vor.u32 $0x3, v4  }
0x4c0: {  	v3 =	vnsel vm0, $0x0, v3  }
0x4c1: {  	[tilespmem:s29+$0x10] =	vst v3;
	s29 =	smov.u32 s26  }
0x4c2: {  	v3 =	vld.idx.msk [tilespmem:v4+s0+$0x0], $0xffff  }
0x4c3: {  	v4 =	vld.idx.msk [tilespmem:v4+s1+$0x0], $0xffff  }
0x4c4: {  	v8 =	vld.idx.msk [tilespmem:v2+s0+$0x0], $0xffff  }
0x4c5: {  	v2 =	vld.idx.msk [tilespmem:v2+s1+$0x0], $0xffff  }
0x4c6: {  	v9 =	vld.idx.msk [tilespmem:v6+s1+$0x0], $0xffff  }
0x4c7: {  	v6 =	vld.idx.msk [tilespmem:v6+s0+$0x0], $0xffff;
	_ =	sdelay $0x1  }
0x4c8: {  	v3 =	vsub.f32 v3, v4;
	_ =	sdelay $0x1  }
0x4c9: {  	v2 =	vsub.f32 v8, v2;
	_ =	sdelay $0x1  }
0x4ca: {  	v3 =	vmul.f32 v3, v3;
	v4 =	vsub.f32 v6, v9;
	v2 =	vmul.f32 v2, v2;
	_ =	sdelay $0x1  }
0x4cb: {  	v2 =	vadd.f32 v2, v3;
	v3 =	vmul.f32 v4, v4;
	_ =	sdelay $0x1  }
0x4cc: {  	v2 =	vadd.f32 v3, v2;
	_ =	sdelay $0x1  }
0x4cd: {  	v3 =	vshra.s32 v2, $0x1;
	v4 =	vmul.f32 $5.000000000e-01, v2  }
0x4ce: {  	v3 =	vsub.s32 $0x5F3759DF, v3  }
0x4cf: {  	v6 =	vmul.f32 v3, v4;
	_ =	sdelay $0x1  }
0x4d0: {  	v6 =	vmul.f32 v3, v6;
	_ =	sdelay $0x1  }
0x4d1: {  	v6 =	vsub.f32 $1.500000000e+00, v6;
	_ =	sdelay $0x1  }
0x4d2: {  	v3 =	vmul.f32 v3, v6;
	_ =	sdelay $0x1  }
0x4d3: {  	v4 =	vmul.f32 v3, v4;
	_ =	sdelay $0x1  }
0x4d4: {  	v4 =	vmul.f32 v4, v3  }
0x4d5: {  	v6 =	vld.idx.msk [tilespmem:v5+s1+$0x0], $0xffff  }
0x4d6: {  	v4 =	vsub.f32 $1.500000000e+00, v4;
	v5 =	vld.idx.msk [tilespmem:v5+s0+$0x0], $0xffff;
	_ =	sdelay $0x1  }
0x4d7: {  	v3 =	vmul.f32 v4, v3;
	_ =	sdelay $0x1  }
0x4d8: {  	v2 =	vmul.f32 v3, v2;
	_ =	sdelay $0x1  }
0x4d9: {  	v4 =	vadd.f32 v6, v5;
	v5 =	vmul.f32 $2.134471650e+00, v2;
	v2 =	vmul.f32 $2.000000030e-01, v2;
	_ =	sdelay $0x1  }
0x4da: {  	v4 =	vmul.f32 v5, v4;
	v5 =	vmul.f32 v2, v2;
	_ =	sdelay $0x1  }
0x4db: {  	v6 =	vmul.f32 $-2.016199980e-01, v4;
	v8 =	vmul.f32 $-4.029000100e-01, v4  }
0x4dc: {  	v9 =	vmul.f32 $-9.422900080e-01, v4;
	v4 =	vmul.f32 $-3.199800010e+00, v4  }
0x4dd: {  	v6 =	vmul.f32 $1.442695020e+00, v6;
	v8 =	vmul.f32 $1.442695020e+00, v8  }
0x4de: {  	v9 =	vmul.f32 $1.442695020e+00, v9;
	v4 =	vmul.f32 $1.442695020e+00, v4  }
0x4df: {  	v10 =	vmul.f32 v5, v5;
	(erf) = vpow2.f32 v6  }
0x4e0: {  	(erf) = vpow2.f32 v8  }
0x4e1: {  	v5 =	vmul.f32 v10, v5;
	(erf) = vpow2.f32 v9  }
0x4e2: {  	(erf) = vpow2.f32 v4  }
0x4e3: {  	v4 =	vmul.f32 v5, v2;
	v5 =	vmul.f32 $2.800000000e+01, v5;
	_ =	sdelay $0x1  }
0x4e4: {  	v6 =	vmul.f32 v4, v2;
	v5 =	vsub.f32 $1.000000000e+00, v5;
	v4 =	vmul.f32 $4.800000000e+01, v4;
	_ =	sdelay $0x1  }
0x4e5: {  	v4 =	vadd.f32 v4, v5;
	v10 =	vmul.f32 $2.100000000e+01, v6;
	v8 =	vld.idx.msk [tilespmem:v7+s1+$0x0], $0xffff  }
0x4e6: {  	v6 =	vld.idx.msk [tilespmem:v7+s0+$0x0], $0xffff;
	v7 =	vpop (erf)  }
0x4e7: {  	v4 =	vsub.f32 v4, v10;
	v7 =	vmul.f32 $2.817000080e-02, v7;
	v5 =	vpop (erf)  }
0x4e8: {  	v5 =	vmul.f32 $2.802200020e-01, v5;
	v9 =	vpop (erf)  }
0x4e9: {  	v10 =	vpop (erf)  }
0x4ea: {  	v5 =	vadd.f32 v5, v7;
	v7 =	vmul.f32 $5.098599790e-01, v9;
	_ =	sdelay $0x1  }
0x4eb: {  	v6 =	vmul.f32 v8, v6;
	v5 =	vadd.f32 v5, v7;
	v7 =	vmul.f32 $1.817500000e-01, v10  }
0x4ec: {  	s17 =	sadd.s32 $0x10, s16  }
0x4ed: {  	v3 =	vmul.f32 v3, v6;
	v6 =	vmov s17;
	v5 =	vadd.f32 v5, v7  }
0x4ee: {  	v6 =	vshll.u32 v6, $0x3  }
0x4ef: {  	v3 =	vmul.f32 v5, v3;
	v5 =	vor.u32 v1, v6  }
0x4f0: {  	v6 =	vor.u32 $0x1, v5  }
0x4f1: {  	v3 =	vmul.f32 v3, v4  }
0x4f2: {  	vm0 =	vlt.f32 v2, $1.000000000e+00  }
0x4f3: {  	v2 =	vnsel vm0, $0x0, v3  }
0x4f4: {  	[tilespmem:s26+$0xFFFFFFE0] =	vst v2;
	v2 =	vor.u32 $0x2, v5  }
0x4f5: {  	v3 =	vld.idx.msk [tilespmem:v6+s1+$0x0], $0xffff  }
0x4f6: {  	v4 =	vld.idx.msk [tilespmem:v5+s1+$0x0], $0xffff  }
0x4f7: {  	v6 =	vld.idx.msk [tilespmem:v6+s0+$0x0], $0xffff  }
0x4f8: {  	v7 =	vld.idx.msk [tilespmem:v5+s0+$0x0], $0xffff  }
0x4f9: {  	v8 =	vld.idx.msk [tilespmem:v2+s1+$0x0], $0xffff  }
0x4fa: {  	v2 =	vld.idx.msk [tilespmem:v2+s0+$0x0], $0xffff;
	_ =	sdelay $0x2  }
0x4fb: {  	v3 =	vsub.f32 v6, v3  }
0x4fc: {  	v4 =	vsub.f32 v7, v4;
	_ =	sdelay $0x1  }
0x4fd: {  	v3 =	vmul.f32 v3, v3;
	v2 =	vsub.f32 v2, v8;
	v4 =	vmul.f32 v4, v4;
	_ =	sdelay $0x1  }
0x4fe: {  	v3 =	vadd.f32 v3, v4;
	v2 =	vmul.f32 v2, v2;
	_ =	sdelay $0x1  }
0x4ff: {  	v2 =	vadd.f32 v2, v3;
	_ =	sdelay $0x1  }
0x500: {  	v3 =	vshra.s32 v2, $0x1;
	v4 =	vmul.f32 $5.000000000e-01, v2  }
0x501: {  	v3 =	vsub.s32 $0x5F3759DF, v3  }
0x502: {  	v6 =	vmul.f32 v3, v4;
	_ =	sdelay $0x1  }
0x503: {  	v6 =	vmul.f32 v3, v6;
	_ =	sdelay $0x1  }
0x504: {  	v6 =	vsub.f32 $1.500000000e+00, v6;
	_ =	sdelay $0x1  }
0x505: {  	v7 =	vor.u32 $0x3, v5;
	v3 =	vmul.f32 v3, v6;
	_ =	sdelay $0x1  }
0x506: {  	v4 =	vmul.f32 v3, v4;
	_ =	sdelay $0x1  }
0x507: {  	v4 =	vmul.f32 v4, v3  }
0x508: {  	v6 =	vld.idx.msk [tilespmem:v7+s1+$0x0], $0xffff  }
0x509: {  	v4 =	vsub.f32 $1.500000000e+00, v4;
	v7 =	vld.idx.msk [tilespmem:v7+s0+$0x0], $0xffff;
	_ =	sdelay $0x1  }
0x50a: {  	v3 =	vmul.f32 v4, v3;
	_ =	sdelay $0x1  }
0x50b: {  	v2 =	vmul.f32 v3, v2;
	_ =	sdelay $0x1  }
0x50c: {  	v4 =	vadd.f32 v6, v7;
	v6 =	vmul.f32 $2.134471650e+00, v2;
	v2 =	vmul.f32 $2.000000030e-01, v2;
	_ =	sdelay $0x1  }
0x50d: {  	v4 =	vmul.f32 v6, v4;
	v6 =	vmul.f32 v2, v2;
	_ =	sdelay $0x1  }
0x50e: {  	v7 =	vmul.f32 $-2.016199980e-01, v4;
	v8 =	vmul.f32 $-4.029000100e-01, v4  }
0x50f: {  	v9 =	vmul.f32 $-9.422900080e-01, v4;
	v4 =	vmul.f32 $-3.199800010e+00, v4  }
0x510: {  	v7 =	vmul.f32 $1.442695020e+00, v7;
	v8 =	vmul.f32 $1.442695020e+00, v8  }
0x511: {  	v9 =	vmul.f32 $1.442695020e+00, v9;
	v4 =	vmul.f32 $1.442695020e+00, v4  }
0x512: {  	v10 =	vmul.f32 v6, v6;
	(erf) = vpow2.f32 v7  }
0x513: {  	(erf) = vpow2.f32 v8  }
0x514: {  	v6 =	vmul.f32 v10, v6;
	(erf) = vpow2.f32 v9  }
0x515: {  	v5 =	vor.u32 $0x4, v5;
	(erf) = vpow2.f32 v4  }
0x516: {  	v4 =	vmul.f32 v6, v2;
	v6 =	vmul.f32 $2.800000000e+01, v6;
	_ =	sdelay $0x1  }
0x517: {  	v9 =	vmul.f32 v4, v2;
	v6 =	vsub.f32 $1.000000000e+00, v6;
	v4 =	vmul.f32 $4.800000000e+01, v4;
	_ =	sdelay $0x1  }
0x518: {  	v4 =	vadd.f32 v4, v6;
	v10 =	vmul.f32 $2.100000000e+01, v9;
	v8 =	vld.idx.msk [tilespmem:v5+s1+$0x0], $0xffff  }
0x519: {  	v5 =	vld.idx.msk [tilespmem:v5+s0+$0x0], $0xffff;
	v7 =	vpop (erf)  }
0x51a: {  	v4 =	vsub.f32 v4, v10;
	v7 =	vmul.f32 $2.817000080e-02, v7;
	v6 =	vpop (erf)  }
0x51b: {  	v6 =	vmul.f32 $2.802200020e-01, v6;
	v9 =	vpop (erf)  }
0x51c: {  	v10 =	vpop (erf)  }
0x51d: {  	v6 =	vadd.f32 v6, v7;
	v7 =	vmul.f32 $5.098599790e-01, v9;
	_ =	sdelay $0x1  }
0x51e: {  	v5 =	vmul.f32 v8, v5;
	v6 =	vadd.f32 v6, v7;
	v7 =	vmul.f32 $1.817500000e-01, v10;
	_ =	sdelay $0x1  }
0x51f: {  	s17 =	sadd.s32 $0x20, s16;
	v3 =	vmul.f32 v3, v5;
	v6 =	vadd.f32 v6, v7  }
0x520: {  	v5 =	vmov s17  }
0x521: {  	v5 =	vshll.u32 v5, $0x3;
	v3 =	vmul.f32 v6, v3  }
0x522: {  	v5 =	vor.u32 v1, v5  }
0x523: {  	v3 =	vmul.f32 v3, v4  }
0x524: {  	vm0 =	vlt.f32 v2, $1.000000000e+00;
	v2 =	vor.u32 $0x1, v5  }
0x525: {  	v3 =	vnsel vm0, $0x0, v3  }
0x526: {  	[tilespmem:s26+$0xFFFFFFF0] =	vst v3;
	v3 =	vor.u32 $0x2, v5  }
0x527: {  	v4 =	vld.idx.msk [tilespmem:v5+s0+$0x0], $0xffff  }
0x528: {  	v6 =	vld.idx.msk [tilespmem:v5+s1+$0x0], $0xffff  }
0x529: {  	v7 =	vld.idx.msk [tilespmem:v2+s1+$0x0], $0xffff  }
0x52a: {  	v2 =	vld.idx.msk [tilespmem:v2+s0+$0x0], $0xffff  }
0x52b: {  	v8 =	vld.idx.msk [tilespmem:v3+s1+$0x0], $0xffff  }
0x52c: {  	v3 =	vld.idx.msk [tilespmem:v3+s0+$0x0], $0xffff;
	_ =	sdelay $0x2  }
0x52d: {  	v4 =	vsub.f32 v4, v6  }
0x52e: {  	v2 =	vsub.f32 v2, v7  }
0x52f: {  	v4 =	vmul.f32 v4, v4  }
0x530: {  	v3 =	vsub.f32 v3, v8;
	v2 =	vmul.f32 v2, v2;
	_ =	sdelay $0x1  }
0x531: {  	v2 =	vadd.f32 v2, v4;
	v3 =	vmul.f32 v3, v3;
	_ =	sdelay $0x1  }
0x532: {  	v2 =	vadd.f32 v3, v2;
	_ =	sdelay $0x1  }
0x533: {  	v3 =	vshra.s32 v2, $0x1;
	v4 =	vmul.f32 $5.000000000e-01, v2  }
0x534: {  	v3 =	vsub.s32 $0x5F3759DF, v3  }
0x535: {  	v6 =	vmul.f32 v3, v4;
	_ =	sdelay $0x1  }
0x536: {  	v6 =	vmul.f32 v3, v6;
	_ =	sdelay $0x1  }
0x537: {  	v6 =	vsub.f32 $1.500000000e+00, v6;
	_ =	sdelay $0x1  }
0x538: {  	v7 =	vor.u32 $0x3, v5;
	v3 =	vmul.f32 v3, v6;
	_ =	sdelay $0x1  }
0x539: {  	v4 =	vmul.f32 v3, v4;
	_ =	sdelay $0x1  }
0x53a: {  	v4 =	vmul.f32 v4, v3  }
0x53b: {  	v6 =	vld.idx.msk [tilespmem:v7+s1+$0x0], $0xffff  }
0x53c: {  	v4 =	vsub.f32 $1.500000000e+00, v4;
	v7 =	vld.idx.msk [tilespmem:v7+s0+$0x0], $0xffff;
	_ =	sdelay $0x1  }
0x53d: {  	v3 =	vmul.f32 v4, v3;
	_ =	sdelay $0x1  }
0x53e: {  	v2 =	vmul.f32 v3, v2;
	_ =	sdelay $0x1  }
0x53f: {  	v4 =	vadd.f32 v6, v7;
	v6 =	vmul.f32 $2.134471650e+00, v2;
	v2 =	vmul.f32 $2.000000030e-01, v2;
	_ =	sdelay $0x1  }
0x540: {  	v4 =	vmul.f32 v6, v4;
	v6 =	vmul.f32 v2, v2;
	_ =	sdelay $0x1  }
0x541: {  	v7 =	vmul.f32 $-2.016199980e-01, v4;
	v8 =	vmul.f32 $-4.029000100e-01, v4  }
0x542: {  	v9 =	vmul.f32 $-9.422900080e-01, v4;
	v4 =	vmul.f32 $-3.199800010e+00, v4  }
0x543: {  	v7 =	vmul.f32 $1.442695020e+00, v7;
	v8 =	vmul.f32 $1.442695020e+00, v8  }
0x544: {  	v9 =	vmul.f32 $1.442695020e+00, v9;
	v4 =	vmul.f32 $1.442695020e+00, v4  }
0x545: {  	v10 =	vmul.f32 v6, v6;
	(erf) = vpow2.f32 v7  }
0x546: {  	(erf) = vpow2.f32 v8  }
0x547: {  	v6 =	vmul.f32 v10, v6;
	(erf) = vpow2.f32 v9  }
0x548: {  	v5 =	vor.u32 $0x4, v5;
	(erf) = vpow2.f32 v4  }
0x549: {  	v4 =	vmul.f32 v6, v2;
	v6 =	vmul.f32 $2.800000000e+01, v6;
	_ =	sdelay $0x1  }
0x54a: {  	v9 =	vmul.f32 v4, v2;
	v6 =	vsub.f32 $1.000000000e+00, v6;
	v4 =	vmul.f32 $4.800000000e+01, v4;
	_ =	sdelay $0x1  }
0x54b: {  	v4 =	vadd.f32 v4, v6;
	v10 =	vmul.f32 $2.100000000e+01, v9;
	v8 =	vld.idx.msk [tilespmem:v5+s1+$0x0], $0xffff  }
0x54c: {  	v5 =	vld.idx.msk [tilespmem:v5+s0+$0x0], $0xffff;
	v7 =	vpop (erf)  }
0x54d: {  	v4 =	vsub.f32 v4, v10;
	v7 =	vmul.f32 $2.817000080e-02, v7;
	v6 =	vpop (erf)  }
0x54e: {  	v6 =	vmul.f32 $2.802200020e-01, v6;
	v9 =	vpop (erf)  }
0x54f: {  	v10 =	vpop (erf)  }
0x550: {  	v6 =	vadd.f32 v6, v7;
	v7 =	vmul.f32 $5.098599790e-01, v9;
	_ =	sdelay $0x1  }
0x551: {  	v5 =	vmul.f32 v8, v5;
	v6 =	vadd.f32 v6, v7;
	v7 =	vmul.f32 $1.817500000e-01, v10  }
0x552: {  	s16 =	sadd.s32 $0x30, s16  }
0x553: {  	v3 =	vmul.f32 v3, v5;
	v5 =	vmov s16;
	v6 =	vadd.f32 v6, v7  }
0x554: {  	v5 =	vshll.u32 v5, $0x3  }
0x555: {  	v5 =	vor.u32 v1, v5;
	v3 =	vmul.f32 v6, v3  }
0x556: {  	v6 =	vor.u32 $0x1, v5  }
0x557: {  	v3 =	vmul.f32 v3, v4  }
0x558: {  	vm0 =	vlt.f32 v2, $1.000000000e+00  }
0x559: {  	v2 =	vnsel vm0, $0x0, v3  }
0x55a: {  	[tilespmem:s26+$0x0] =	vst v2;
	v2 =	vor.u32 $0x2, v5  }
0x55b: {  	v3 =	vld.idx.msk [tilespmem:v6+s1+$0x0], $0xffff  }
0x55c: {  	v4 =	vld.idx.msk [tilespmem:v6+s0+$0x0], $0xffff;
	v6 =	vor.u32 $0x3, v5  }
0x55d: {  	v7 =	vld.idx.msk [tilespmem:v5+s1+$0x0], $0xffff  }
0x55e: {  	v8 =	vld.idx.msk [tilespmem:v5+s0+$0x0], $0xffff;
	v5 =	vor.u32 $0x4, v5  }
0x55f: {  	v9 =	vld.idx.msk [tilespmem:v2+s0+$0x0], $0xffff  }
0x560: {  	v2 =	vld.idx.msk [tilespmem:v2+s1+$0x0], $0xffff  }
0x561: {  	v10 =	vld.idx.msk [tilespmem:v6+s0+$0x0], $0xffff  }
0x562: {  	v3 =	vsub.f32 v4, v3;
	v6 =	vld.idx.msk [tilespmem:v6+s1+$0x0], $0xffff  }
0x563: {  	v4 =	vld.idx.msk [tilespmem:v5+s0+$0x0], $0xffff  }
0x564: {  	v7 =	vsub.f32 v8, v7;
	v3 =	vmul.f32 v3, v3;
	v5 =	vld.idx.msk [tilespmem:v5+s1+$0x0], $0xffff;
	_ =	sdelay $0x1  }
0x565: {  	v2 =	vsub.f32 v9, v2;
	v7 =	vmul.f32 v7, v7;
	_ =	sdelay $0x1  }
0x566: {  	v3 =	vadd.f32 v3, v7;
	v2 =	vmul.f32 v2, v2;
	_ =	sdelay $0x1  }
0x567: {  	v2 =	vadd.f32 v2, v3;
	v3 =	vmul.f32 v5, v4;
	_ =	sdelay $0x1  }
0x568: {  	v4 =	vshra.s32 v2, $0x1;
	v5 =	vmul.f32 $5.000000000e-01, v2  }
0x569: {  	v4 =	vsub.s32 $0x5F3759DF, v4  }
0x56a: {  	v7 =	vmul.f32 v4, v5;
	_ =	sdelay $0x1  }
0x56b: {  	v7 =	vmul.f32 v4, v7;
	_ =	sdelay $0x1  }
0x56c: {  	v7 =	vsub.f32 $1.500000000e+00, v7;
	_ =	sdelay $0x1  }
0x56d: {  	v4 =	vmul.f32 v4, v7;
	_ =	sdelay $0x1  }
0x56e: {  	v5 =	vmul.f32 v4, v5;
	_ =	sdelay $0x1  }
0x56f: {  	v5 =	vmul.f32 v5, v4;
	_ =	sdelay $0x1  }
0x570: {  	v5 =	vsub.f32 $1.500000000e+00, v5;
	_ =	sdelay $0x1  }
0x571: {  	v4 =	vmul.f32 v5, v4;
	_ =	sdelay $0x1  }
0x572: {  	v2 =	vmul.f32 v4, v2;
	_ =	sdelay $0x1  }
0x573: {  	v5 =	vadd.f32 v6, v10;
	v6 =	vmul.f32 $2.134471650e+00, v2;
	v2 =	vmul.f32 $2.000000030e-01, v2;
	_ =	sdelay $0x1  }
0x574: {  	v5 =	vmul.f32 v6, v5;
	v6 =	vmul.f32 v2, v2;
	_ =	sdelay $0x1  }
0x575: {  	v7 =	vmul.f32 $-2.016199980e-01, v5;
	v8 =	vmul.f32 $-4.029000100e-01, v5  }
0x576: {  	v9 =	vmul.f32 $-9.422900080e-01, v5;
	v5 =	vmul.f32 $-3.199800010e+00, v5  }
0x577: {  	v7 =	vmul.f32 $1.442695020e+00, v7;
	v8 =	vmul.f32 $1.442695020e+00, v8  }
0x578: {  	v9 =	vmul.f32 $1.442695020e+00, v9;
	v5 =	vmul.f32 $1.442695020e+00, v5  }
0x579: {  	v10 =	vmul.f32 v6, v6;
	(erf) = vpow2.f32 v7  }
0x57a: {  	(erf) = vpow2.f32 v8  }
0x57b: {  	v6 =	vmul.f32 v10, v6;
	(erf) = vpow2.f32 v9  }
0x57c: {  	(erf) = vpow2.f32 v5  }
.Ltmp5:
0x57d: {  	v5 =	vmul.f32 v6, v2;
	v6 =	vmul.f32 $2.800000000e+01, v6;
	(pc) =	sbr.rel @p0 .LBB2_13-.Ltmp5, $3  }
0x57e: {  	_ = 	snop  }
0x57f: {  	v7 =	vmul.f32 v5, v2;
	v6 =	vsub.f32 $1.000000000e+00, v6;
	v5 =	vmul.f32 $4.800000000e+01, v5;
	_ =	sdelay $0x1  }
0x580: {  	v5 =	vadd.f32 v5, v6;
	v6 =	vmul.f32 $2.100000000e+01, v7  }
0x581: {  	v7 =	vpop (erf)  }
0x582: {  	v8 =	vpop (erf)  }
0x583: {  	v7 =	vmul.f32 $2.817000080e-02, v7;
	v8 =	vmul.f32 $2.802200020e-01, v8  }
0x584: {  	v9 =	vpop (erf)  }
0x585: {  	v9 =	vmul.f32 $5.098599790e-01, v9;
	v7 =	vadd.f32 v8, v7  }
0x586: {  	v63 =	vpop (erf)  }
0x587: {  	v8 =	vmul.f32 $1.817500000e-01, v63;
	v7 =	vadd.f32 v7, v9;
	_ =	sdelay $0x1  }
0x588: {  	v3 =	vmul.f32 v4, v3;
	v4 =	vadd.f32 v7, v8;
	_ =	sdelay $0x1  }
0x589: {  	v5 =	vsub.f32 v5, v6;
	v3 =	vmul.f32 v4, v3;
	_ =	sdelay $0x1  }
0x58a: {  	v3 =	vmul.f32 v3, v5  }
0x58b: {  	vm0 =	vlt.f32 v2, $1.000000000e+00  }
0x58c: {  	v2 =	vnsel vm0, $0x0, v3  }
0x58d: {  	s16 =	simm.s32 $0x0;
	[tilespmem:s29+$0x10] =	vst v2  }
0x58e: {  	v2 =	vld [tilespmem:s16+$0x200]  }
0x58f: {  	s17 =	simm.s32 $0x40;
	v3 =	vld [tilespmem:s16+$0x0]  }
.LBB2_15:
0x590: {  	p0 =	sne.s32 s17, $0x7C0  }
.Ltmp6:
0x591: {  	_ = 	snop;
	(pc) =	sbr.rel @p0 .LBB2_15-.Ltmp6, $4  }
0x592: {  	_ = 	snop  }
0x593: {  	s26 =	sshra.s32 s17, $0x2;
	s17 =	sadd.s32 $0x40, s17;
	[tilespmem:s16+$0x9A00] =	vst v2  }
0x594: {  	v2 =	vld [tilespmem:s26+$0x200];
	[tilespmem:s16+$0x9800] =	vst v3;
	s16 =	smov.u32 s26  }
0x595: {  	v3 =	vld [tilespmem:s16+$0x0]  }
0x596: {  	_ =	sdelay $0x2  }
0x597: {  	[tilespmem:s16+$0x9A00] =	vst v2  }
0x598: {  	s26 =	simm.s32 $0x9800;
	s17 =	simm.s32 $0x9000;
	[tilespmem:s16+$0x9800] =	vst v3  }
0x599: {  	[spmem:s3] =	stream.indirect.scatter.add.f32 [tilespmem:s17], [sflag:$0x5], $0x1, s26, s31, $0xb8;
	[tilespmem:$0x19460] =	vst v63  }
0x59a: {  	s20 =	simm.s32 $0x9200;
	s26 =	sshll.u32 s6, $0x6;
	s17 =	simm.s32 $0x9A00  }
0x59b: {  	[spmem:s3] =	stream.indirect.scatter.add.f32 [tilespmem:s20], [sflag:$0x5], $0x1, s17, s31, $0xb8;
	[tilespmem:$0x19460] =	vst v63  }
0x59c: {  	s17 =	sadd.s32 s18, s26  }
0x59d: {  	s16 =	sshll.u32 s17, $0x7  }
0x59e: {  	s28 =	simm.s32 $0x0;
	s20 =	sadd.s32 s5, s16  }
0x59f: {  	[tilespmem:s28], [sflag:$0x1] =	stream.linear.gather [hbm4b:s20+s28], $0x400, $0x38;
	[tilespmem:$0x19460] =	vst v63  }
0x5a0: {  	s16 =	sadd.s32 s16, s7  }
0x5a1: {  	[tilespmem:s22], [sflag:$0x1] =	stream.linear.gather [hbm4b:s16+s28], $0x400, $0x38;
	[tilespmem:$0x19460] =	vst v63  }
0x5a2: {  	_ =	swait.ge [sflag:s13], $0x1000  }
0x5a3: {  	[sflag:s13] =	ssyncset.done $0x0  }
0x5a4: {  	[sflag:s13] =	ssyncadd.s32 $0xFFFFF000  }
0x5a5: {  	_ =	swait.ge [sflag:s13], $0x1000  }
0x5a6: {  	[sflag:s13] =	ssyncset.done $0x0  }
0x5a7: {  	[sflag:s13] =	ssyncadd.s32 $0xFFFFF000  }
0x5a8: {  	_ =	swait.ge [sflag:s13], $0x1000  }
0x5a9: {  	[sflag:s13] =	ssyncset.done $0x0  }
0x5aa: {  	[sflag:s13] =	ssyncadd.s32 $0xFFFFF000  }
0x5ab: {  	_ =	swait.ge [sflag:s13], $0x1000  }
0x5ac: {  	[sflag:s13] =	ssyncset.done $0x0  }
0x5ad: {  	[sflag:s13] =	ssyncadd.s32 $0xFFFFF000  }
0x5ae: {  	_ =	swait.ge [sflag:s30], $0x400  }
0x5af: {  	[sflag:s30] =	ssyncset.done $0x0  }
0x5b0: {  	[sflag:s30] =	ssyncadd.s32 $0xFFFFFC00  }
0x5b1: {  	_ =	swait.ge [sflag:s30], $0x400  }
0x5b2: {  	[sflag:s30] =	ssyncset.done $0x0  }
0x5b3: {  	[sflag:s30] =	ssyncadd.s32 $0xFFFFFC00  }
0x5b4: {  	[tilespmem:s0], [sflag:$0x3] =	stream.indirect.gather [spmem:s2], $0x8, s28, s31, $0xb8;
	[tilespmem:$0x19460] =	vst v63  }
0x5b5: {  	_ = 	snop  }
0x5b6: {  	[tilespmem:s1], [sflag:$0x3] =	stream.indirect.gather [spmem:s2], $0x8, s22, s31, $0xb8;
	[tilespmem:$0x19460] =	vst v63  }
0x5b7: {  	_ = 	snop  }
0x5b8: {  	[tilespmem:s8], [sflag:$0x3] =	stream.indirect.gather [spmem:s2], $0x8, s31, s31, $0xb8;
	[tilespmem:$0x19460] =	vst v63  }
0x5b9: {  	_ = 	snop  }
0x5ba: {  	v2 =	vmov s28;
	[tilespmem:s10], [sflag:$0x3] =	stream.indirect.gather [spmem:s2], $0x8, s9, s31, $0xb8;
	[tilespmem:$0x19460] =	vst v63  }
0x5bb: {  	v2 =	vshll.u32 v2, $0x3;
	_ =	swait.ge [sflag:s25], $0x200  }
0x5bc: {  	v2 =	vor.u32 v1, v2;
	[sflag:s25] =	ssyncset.done $0x0  }
0x5bd: {  	[sflag:s25] =	ssyncadd.s32 $0xFFFFFE00  }
0x5be: {  	v3 =	vor.u32 $0x1, v2;
	_ =	swait.ge [sflag:s25], $0x200  }
0x5bf: {  	[sflag:s25] =	ssyncset.done $0x0  }
0x5c0: {  	v4 =	vor.u32 $0x2, v2;
	[sflag:s25] =	ssyncadd.s32 $0xFFFFFE00  }
0x5c1: {  	v5 =	vld.idx.msk [tilespmem:v2+s14+$0x0], $0xffff  }
0x5c2: {  	v6 =	vld.idx.msk [tilespmem:v2+s15+$0x0], $0xffff  }
0x5c3: {  	v7 =	vld.idx.msk [tilespmem:v3+s14+$0x0], $0xffff  }
0x5c4: {  	v3 =	vld.idx.msk [tilespmem:v3+s15+$0x0], $0xffff  }
0x5c5: {  	v8 =	vld.idx.msk [tilespmem:v4+s15+$0x0], $0xffff  }
0x5c6: {  	v4 =	vld.idx.msk [tilespmem:v4+s14+$0x0], $0xffff;
	_ =	sdelay $0x2  }
0x5c7: {  	v5 =	vsub.f32 v5, v6;
	v3 =	vsub.f32 v7, v3;
	_ =	sdelay $0x1  }
0x5c8: {  	v4 =	vsub.f32 v4, v8;
	v5 =	vmul.f32 v5, v5;
	v3 =	vmul.f32 v3, v3;
	_ =	sdelay $0x1  }
0x5c9: {  	v4 =	vmul.f32 v4, v4;
	v3 =	vadd.f32 v3, v5;
	_ =	sdelay $0x1  }
0x5ca: {  	v3 =	vadd.f32 v4, v3;
	_ =	sdelay $0x1  }
0x5cb: {  	v4 =	vshra.s32 v3, $0x1;
	v5 =	vmul.f32 $5.000000000e-01, v3  }
0x5cc: {  	v4 =	vsub.s32 $0x5F3759DF, v4  }
0x5cd: {  	v6 =	vmul.f32 v4, v5;
	_ =	sdelay $0x1  }
0x5ce: {  	v6 =	vmul.f32 v4, v6;
	_ =	sdelay $0x1  }
0x5cf: {  	v6 =	vsub.f32 $1.500000000e+00, v6;
	_ =	sdelay $0x1  }
0x5d0: {  	v4 =	vmul.f32 v4, v6  }
0x5d1: {  	v6 =	vor.u32 $0x3, v2  }
0x5d2: {  	v5 =	vmul.f32 v4, v5;
	_ =	sdelay $0x1  }
0x5d3: {  	v5 =	vmul.f32 v5, v4;
	_ =	sdelay $0x1  }
0x5d4: {  	v7 =	vld.idx.msk [tilespmem:v6+s15+$0x0], $0xffff;
	v5 =	vsub.f32 $1.500000000e+00, v5  }
0x5d5: {  	v6 =	vld.idx.msk [tilespmem:v6+s14+$0x0], $0xffff  }
0x5d6: {  	v4 =	vmul.f32 v5, v4;
	_ =	sdelay $0x1  }
0x5d7: {  	v3 =	vmul.f32 v4, v3;
	_ =	sdelay $0x1  }
0x5d8: {  	v5 =	vadd.f32 v7, v6;
	v6 =	vmul.f32 $2.134471650e+00, v3;
	_ =	sdelay $0x1  }
0x5d9: {  	v5 =	vmul.f32 v6, v5;
	_ =	sdelay $0x1  }
0x5da: {  	v6 =	vmul.f32 $-2.016199980e-01, v5  }
0x5db: {  	v7 =	vmul.f32 $-4.029000100e-01, v5  }
0x5dc: {  	v6 =	vmul.f32 $1.442695020e+00, v6  }
0x5dd: {  	v8 =	vmul.f32 $-9.422900080e-01, v5;
	v7 =	vmul.f32 $1.442695020e+00, v7  }
0x5de: {  	v5 =	vmul.f32 $-3.199800010e+00, v5;
	(erf) = vpow2.f32 v6  }
0x5df: {  	v6 =	vmul.f32 $1.442695020e+00, v8;
	(erf) = vpow2.f32 v7  }
0x5e0: {  	v3 =	vmul.f32 $2.000000030e-01, v3;
	v5 =	vmul.f32 $1.442695020e+00, v5  }
0x5e1: {  	v2 =	vor.u32 $0x4, v2;
	(erf) = vpow2.f32 v6  }
0x5e2: {  	(erf) = vpow2.f32 v5;
	v5 =	vmul.f32 v3, v3;
	_ =	sdelay $0x1  }
0x5e3: {  	v6 =	vmul.f32 v5, v5;
	_ =	sdelay $0x1  }
0x5e4: {  	v7 =	vld.idx.msk [tilespmem:v2+s15+$0x0], $0xffff  }
0x5e5: {  	v2 =	vld.idx.msk [tilespmem:v2+s14+$0x0], $0xffff;
	v8 =	vpop (erf)  }
0x5e6: {  	v5 =	vmul.f32 v6, v5;
	v6 =	vpop (erf)  }
0x5e7: {  	v8 =	vmul.f32 $2.817000080e-02, v8;
	v6 =	vmul.f32 $2.802200020e-01, v6  }
0x5e8: {  	v9 =	vmul.f32 v5, v3;
	v5 =	vmul.f32 $2.800000000e+01, v5;
	v10 =	vpop (erf)  }
0x5e9: {  	v6 =	vadd.f32 v6, v8;
	v8 =	vmul.f32 $5.098599790e-01, v10  }
0x5ea: {  	v2 =	vmul.f32 v7, v2;
	v51 =	vmul.f32 v9, v3;
	v5 =	vsub.f32 $1.000000000e+00, v5;
	v11 =	vpop (erf)  }
0x5eb: {  	s20 =	simm.s32 $0x10;
	v9 =	vmul.f32 $4.800000000e+01, v9;
	v6 =	vadd.f32 v6, v8;
	v8 =	vmul.f32 $1.817500000e-01, v11  }
0x5ec: {  	v2 =	vmul.f32 v4, v2;
	v4 =	vmov s20  }
0x5ed: {  	v5 =	vadd.f32 v9, v5;
	v7 =	vmul.f32 $2.100000000e+01, v51;
	v6 =	vadd.f32 v6, v8  }
0x5ee: {  	v4 =	vshll.u32 v4, $0x3  }
0x5ef: {  	v4 =	vor.u32 v1, v4;
	v5 =	vsub.f32 v5, v7;
	v2 =	vmul.f32 v6, v2  }
0x5f0: {  	v6 =	vor.u32 $0x1, v4  }
0x5f1: {  	v2 =	vmul.f32 v2, v5  }
0x5f2: {  	vm0 =	vlt.f32 v3, $1.000000000e+00  }
0x5f3: {  	s29 =	simm.s32 $0x9420;
	v2 =	vnsel vm0, $0x0, v2  }
0x5f4: {  	[tilespmem:s29+$0xFFFFFFE0] =	vst v2;
	v2 =	vor.u32 $0x2, v4  }
0x5f5: {  	v3 =	vld.idx.msk [tilespmem:v6+s15+$0x0], $0xffff  }
0x5f6: {  	v5 =	vld.idx.msk [tilespmem:v4+s15+$0x0], $0xffff  }
0x5f7: {  	v6 =	vld.idx.msk [tilespmem:v6+s14+$0x0], $0xffff  }
0x5f8: {  	v7 =	vld.idx.msk [tilespmem:v4+s14+$0x0], $0xffff  }
0x5f9: {  	v8 =	vld.idx.msk [tilespmem:v2+s15+$0x0], $0xffff  }
0x5fa: {  	v2 =	vld.idx.msk [tilespmem:v2+s14+$0x0], $0xffff;
	_ =	sdelay $0x2  }
0x5fb: {  	v3 =	vsub.f32 v6, v3;
	v5 =	vsub.f32 v7, v5;
	_ =	sdelay $0x1  }
0x5fc: {  	v5 =	vmul.f32 v5, v5;
	v3 =	vmul.f32 v3, v3;
	v2 =	vsub.f32 v2, v8;
	_ =	sdelay $0x1  }
0x5fd: {  	v3 =	vadd.f32 v3, v5;
	v2 =	vmul.f32 v2, v2;
	_ =	sdelay $0x1  }
0x5fe: {  	v2 =	vadd.f32 v2, v3;
	_ =	sdelay $0x1  }
0x5ff: {  	v3 =	vshra.s32 v2, $0x1;
	v5 =	vmul.f32 $5.000000000e-01, v2  }
0x600: {  	v3 =	vsub.s32 $0x5F3759DF, v3  }
0x601: {  	v6 =	vmul.f32 v3, v5;
	_ =	sdelay $0x1  }
0x602: {  	v6 =	vmul.f32 v3, v6;
	_ =	sdelay $0x1  }
0x603: {  	v6 =	vsub.f32 $1.500000000e+00, v6;
	_ =	sdelay $0x1  }
0x604: {  	v3 =	vmul.f32 v3, v6  }
0x605: {  	v6 =	vor.u32 $0x3, v4  }
0x606: {  	v5 =	vmul.f32 v3, v5;
	_ =	sdelay $0x1  }
0x607: {  	v5 =	vmul.f32 v5, v3;
	_ =	sdelay $0x1  }
0x608: {  	v7 =	vld.idx.msk [tilespmem:v6+s15+$0x0], $0xffff;
	v5 =	vsub.f32 $1.500000000e+00, v5  }
0x609: {  	v6 =	vld.idx.msk [tilespmem:v6+s14+$0x0], $0xffff  }
0x60a: {  	v3 =	vmul.f32 v5, v3;
	_ =	sdelay $0x1  }
0x60b: {  	v2 =	vmul.f32 v3, v2;
	_ =	sdelay $0x1  }
0x60c: {  	v5 =	vadd.f32 v7, v6;
	v6 =	vmul.f32 $2.134471650e+00, v2;
	_ =	sdelay $0x1  }
0x60d: {  	v5 =	vmul.f32 v6, v5;
	_ =	sdelay $0x1  }
0x60e: {  	v6 =	vmul.f32 $-2.016199980e-01, v5  }
0x60f: {  	v7 =	vmul.f32 $-4.029000100e-01, v5  }
0x610: {  	v6 =	vmul.f32 $1.442695020e+00, v6  }
0x611: {  	v8 =	vmul.f32 $-9.422900080e-01, v5;
	v7 =	vmul.f32 $1.442695020e+00, v7  }
0x612: {  	v5 =	vmul.f32 $-3.199800010e+00, v5;
	(erf) = vpow2.f32 v6  }
0x613: {  	v6 =	vmul.f32 $1.442695020e+00, v8;
	(erf) = vpow2.f32 v7  }
0x614: {  	v2 =	vmul.f32 $2.000000030e-01, v2;
	v5 =	vmul.f32 $1.442695020e+00, v5  }
0x615: {  	v4 =	vor.u32 $0x4, v4;
	(erf) = vpow2.f32 v6  }
0x616: {  	(erf) = vpow2.f32 v5;
	v5 =	vmul.f32 v2, v2;
	_ =	sdelay $0x1  }
0x617: {  	v6 =	vmul.f32 v5, v5;
	_ =	sdelay $0x1  }
0x618: {  	v7 =	vld.idx.msk [tilespmem:v4+s15+$0x0], $0xffff  }
0x619: {  	v4 =	vld.idx.msk [tilespmem:v4+s14+$0x0], $0xffff;
	v8 =	vpop (erf)  }
0x61a: {  	v5 =	vmul.f32 v6, v5;
	v6 =	vpop (erf)  }
0x61b: {  	v8 =	vmul.f32 $2.817000080e-02, v8;
	v6 =	vmul.f32 $2.802200020e-01, v6  }
0x61c: {  	v52 =	vmul.f32 v5, v2;
	v5 =	vmul.f32 $2.800000000e+01, v5;
	v53 =	vpop (erf)  }
0x61d: {  	v6 =	vadd.f32 v6, v8;
	v8 =	vmul.f32 $5.098599790e-01, v53  }
0x61e: {  	v4 =	vmul.f32 v7, v4;
	v54 =	vmul.f32 v52, v2;
	v5 =	vsub.f32 $1.000000000e+00, v5;
	v55 =	vpop (erf)  }
0x61f: {  	v9 =	vmul.f32 $4.800000000e+01, v52;
	v6 =	vadd.f32 v6, v8;
	v8 =	vmul.f32 $1.817500000e-01, v55  }
0x620: {  	v3 =	vmul.f32 v3, v4  }
0x621: {  	s17 =	simm.s32 $0x20;
	v5 =	vadd.f32 v9, v5;
	v7 =	vmul.f32 $2.100000000e+01, v54;
	v6 =	vadd.f32 v6, v8  }
0x622: {  	v4 =	vmov s17  }
0x623: {  	v4 =	vshll.u32 v4, $0x3;
	v5 =	vsub.f32 v5, v7;
	v3 =	vmul.f32 v6, v3  }
0x624: {  	v4 =	vor.u32 v1, v4  }
0x625: {  	v3 =	vmul.f32 v3, v5  }
0x626: {  	vm14 =	vlt.f32 v2, $1.000000000e+00;
	v2 =	vor.u32 $0x1, v4  }
0x627: {  	v3 =	vnsel vm14, $0x0, v3  }
0x628: {  	[tilespmem:s29+$0xFFFFFFF0] =	vst v3;
	v3 =	vor.u32 $0x2, v4  }
0x629: {  	v5 =	vld.idx.msk [tilespmem:v4+s14+$0x0], $0xffff  }
0x62a: {  	v6 =	vld.idx.msk [tilespmem:v4+s15+$0x0], $0xffff  }
0x62b: {  	v7 =	vld.idx.msk [tilespmem:v2+s15+$0x0], $0xffff  }
0x62c: {  	v2 =	vld.idx.msk [tilespmem:v2+s14+$0x0], $0xffff  }
0x62d: {  	v8 =	vld.idx.msk [tilespmem:v3+s15+$0x0], $0xffff  }
0x62e: {  	v3 =	vld.idx.msk [tilespmem:v3+s14+$0x0], $0xffff;
	_ =	sdelay $0x2  }
0x62f: {  	v5 =	vsub.f32 v5, v6;
	v2 =	vsub.f32 v2, v7;
	_ =	sdelay $0x1  }
0x630: {  	v5 =	vmul.f32 v5, v5;
	v2 =	vmul.f32 v2, v2;
	v3 =	vsub.f32 v3, v8;
	_ =	sdelay $0x1  }
0x631: {  	v2 =	vadd.f32 v2, v5;
	v3 =	vmul.f32 v3, v3;
	_ =	sdelay $0x1  }
0x632: {  	v2 =	vadd.f32 v3, v2;
	_ =	sdelay $0x1  }
0x633: {  	v3 =	vshra.s32 v2, $0x1;
	v5 =	vmul.f32 $5.000000000e-01, v2  }
0x634: {  	v3 =	vsub.s32 $0x5F3759DF, v3  }
0x635: {  	v6 =	vmul.f32 v3, v5;
	_ =	sdelay $0x1  }
0x636: {  	v6 =	vmul.f32 v3, v6;
	_ =	sdelay $0x1  }
0x637: {  	v6 =	vsub.f32 $1.500000000e+00, v6;
	_ =	sdelay $0x1  }
0x638: {  	v3 =	vmul.f32 v3, v6  }
0x639: {  	v6 =	vor.u32 $0x3, v4  }
0x63a: {  	v5 =	vmul.f32 v3, v5;
	_ =	sdelay $0x1  }
0x63b: {  	v5 =	vmul.f32 v5, v3;
	_ =	sdelay $0x1  }
0x63c: {  	v7 =	vld.idx.msk [tilespmem:v6+s15+$0x0], $0xffff;
	v5 =	vsub.f32 $1.500000000e+00, v5  }
0x63d: {  	v6 =	vld.idx.msk [tilespmem:v6+s14+$0x0], $0xffff  }
0x63e: {  	v3 =	vmul.f32 v5, v3;
	_ =	sdelay $0x1  }
0x63f: {  	v2 =	vmul.f32 v3, v2;
	_ =	sdelay $0x1  }
0x640: {  	v5 =	vadd.f32 v7, v6;
	v6 =	vmul.f32 $2.134471650e+00, v2;
	_ =	sdelay $0x1  }
0x641: {  	v5 =	vmul.f32 v6, v5;
	_ =	sdelay $0x1  }
0x642: {  	v6 =	vmul.f32 $-2.016199980e-01, v5  }
0x643: {  	v7 =	vmul.f32 $-4.029000100e-01, v5  }
0x644: {  	v6 =	vmul.f32 $1.442695020e+00, v6  }
0x645: {  	v8 =	vmul.f32 $-9.422900080e-01, v5;
	v7 =	vmul.f32 $1.442695020e+00, v7  }
0x646: {  	v5 =	vmul.f32 $-3.199800010e+00, v5;
	(erf) = vpow2.f32 v6  }
0x647: {  	v6 =	vmul.f32 $1.442695020e+00, v8;
	(erf) = vpow2.f32 v7  }
0x648: {  	v2 =	vmul.f32 $2.000000030e-01, v2;
	v5 =	vmul.f32 $1.442695020e+00, v5  }
0x649: {  	v4 =	vor.u32 $0x4, v4;
	(erf) = vpow2.f32 v6  }
0x64a: {  	(erf) = vpow2.f32 v5;
	v5 =	vmul.f32 v2, v2;
	_ =	sdelay $0x1  }
0x64b: {  	v6 =	vmul.f32 v5, v5;
	_ =	sdelay $0x1  }
0x64c: {  	v7 =	vld.idx.msk [tilespmem:v4+s15+$0x0], $0xffff  }
0x64d: {  	v4 =	vld.idx.msk [tilespmem:v4+s14+$0x0], $0xffff;
	v8 =	vpop (erf)  }
0x64e: {  	v5 =	vmul.f32 v6, v5;
	v6 =	vpop (erf)  }
0x64f: {  	v8 =	vmul.f32 $2.817000080e-02, v8;
	v6 =	vmul.f32 $2.802200020e-01, v6  }
0x650: {  	v56 =	vmul.f32 v5, v2;
	v5 =	vmul.f32 $2.800000000e+01, v5;
	v57 =	vpop (erf)  }
0x651: {  	v6 =	vadd.f32 v6, v8;
	v8 =	vmul.f32 $5.098599790e-01, v57  }
0x652: {  	v4 =	vmul.f32 v7, v4;
	v58 =	vmul.f32 v56, v2;
	v5 =	vsub.f32 $1.000000000e+00, v5;
	v59 =	vpop (erf)  }
0x653: {  	s20 =	simm.s32 $0x30;
	v9 =	vmul.f32 $4.800000000e+01, v56;
	v6 =	vadd.f32 v6, v8;
	v8 =	vmul.f32 $1.817500000e-01, v59  }
0x654: {  	v3 =	vmul.f32 v3, v4;
	v4 =	vmov s20  }
0x655: {  	v5 =	vadd.f32 v9, v5;
	v7 =	vmul.f32 $2.100000000e+01, v58;
	v6 =	vadd.f32 v6, v8  }
0x656: {  	v4 =	vshll.u32 v4, $0x3  }
0x657: {  	v5 =	vsub.f32 v5, v7;
	v3 =	vmul.f32 v6, v3;
	v6 =	vor.u32 v1, v4  }
0x658: {  	v4 =	vor.u32 $0x1, v6  }
0x659: {  	v3 =	vmul.f32 v3, v5  }
0x65a: {  	vm15 =	vlt.f32 v2, $1.000000000e+00  }
0x65b: {  	v2 =	vnsel vm15, $0x0, v3  }
0x65c: {  	[tilespmem:s29+$0x0] =	vst v2;
	v2 =	vor.u32 $0x2, v6  }
0x65d: {  	v3 =	vld.idx.msk [tilespmem:v4+s15+$0x0], $0xffff  }
0x65e: {  	v4 =	vld.idx.msk [tilespmem:v4+s14+$0x0], $0xffff  }
0x65f: {  	v5 =	vld.idx.msk [tilespmem:v6+s15+$0x0], $0xffff  }
0x660: {  	v7 =	vld.idx.msk [tilespmem:v6+s14+$0x0], $0xffff  }
0x661: {  	v8 =	vld.idx.msk [tilespmem:v2+s14+$0x0], $0xffff  }
0x662: {  	v2 =	vld.idx.msk [tilespmem:v2+s15+$0x0], $0xffff;
	_ =	sdelay $0x2  }
0x663: {  	v3 =	vsub.f32 v4, v3;
	v4 =	vsub.f32 v7, v5;
	_ =	sdelay $0x1  }
0x664: {  	v3 =	vmul.f32 v3, v3;
	v4 =	vmul.f32 v4, v4;
	v2 =	vsub.f32 v8, v2;
	_ =	sdelay $0x1  }
0x665: {  	v3 =	vadd.f32 v3, v4;
	v2 =	vmul.f32 v2, v2;
	_ =	sdelay $0x1  }
0x666: {  	v2 =	vadd.f32 v2, v3;
	_ =	sdelay $0x1  }
0x667: {  	v3 =	vshra.s32 v2, $0x1;
	v4 =	vmul.f32 $5.000000000e-01, v2  }
0x668: {  	v3 =	vsub.s32 $0x5F3759DF, v3  }
0x669: {  	v5 =	vmul.f32 v3, v4;
	_ =	sdelay $0x1  }
0x66a: {  	v5 =	vmul.f32 v3, v5;
	_ =	sdelay $0x1  }
0x66b: {  	v5 =	vsub.f32 $1.500000000e+00, v5;
	_ =	sdelay $0x1  }
0x66c: {  	v3 =	vmul.f32 v3, v5  }
0x66d: {  	v5 =	vor.u32 $0x3, v6  }
0x66e: {  	v4 =	vmul.f32 v3, v4;
	_ =	sdelay $0x1  }
0x66f: {  	v4 =	vmul.f32 v4, v3;
	_ =	sdelay $0x1  }
0x670: {  	v7 =	vld.idx.msk [tilespmem:v5+s14+$0x0], $0xffff;
	v4 =	vsub.f32 $1.500000000e+00, v4  }
0x671: {  	v5 =	vld.idx.msk [tilespmem:v5+s15+$0x0], $0xffff  }
0x672: {  	v4 =	vmul.f32 v4, v3;
	_ =	sdelay $0x1  }
0x673: {  	v3 =	vmul.f32 v4, v2;
	_ =	sdelay $0x1  }
0x674: {  	v5 =	vadd.f32 v5, v7;
	v2 =	vmul.f32 $2.000000030e-01, v3;
	v3 =	vmul.f32 $2.134471650e+00, v3;
	_ =	sdelay $0x1  }
0x675: {  	v7 =	vmul.f32 v2, v2;
	v3 =	vmul.f32 v3, v5;
	_ =	sdelay $0x1  }
0x676: {  	v6 =	vor.u32 $0x4, v6;
	v5 =	vmul.f32 v7, v7;
	v8 =	vmul.f32 $-2.016199980e-01, v3  }
0x677: {  	v60 =	vmul.f32 $-4.029000100e-01, v3;
	v61 =	vmul.f32 $-9.422900080e-01, v3  }
0x678: {  	v3 =	vmul.f32 $-3.199800010e+00, v3;
	v8 =	vmul.f32 $1.442695020e+00, v8  }
0x679: {  	v5 =	vmul.f32 v5, v7;
	v9 =	vmul.f32 $1.442695020e+00, v60  }
0x67a: {  	v10 =	vmul.f32 $1.442695020e+00, v61;
	(erf) = vpow2.f32 v8  }
0x67b: {  	v7 =	vld.idx.msk [tilespmem:v6+s14+$0x0], $0xffff;
	v62 =	vmul.f32 $1.442695020e+00, v3;
	(erf) = vpow2.f32 v9  }
0x67c: {  	v6 =	vld.idx.msk [tilespmem:v6+s15+$0x0], $0xffff;
	v8 =	vmul.f32 v5, v2;
	(erf) = vpow2.f32 v10  }
0x67d: {  	v5 =	vmul.f32 $2.800000000e+01, v5;
	(erf) = vpow2.f32 v62;
	_ =	sdelay $0x1  }
0x67e: {  	v63 =	vmul.f32 v8, v2;
	v5 =	vsub.f32 $1.000000000e+00, v5;
	v8 =	vmul.f32 $4.800000000e+01, v8;
	_ =	sdelay $0x1  }
0x67f: {  	s16 =	simm.s32 $0x40;
	s28 =	simm.s32 $0x9420;
	v3 =	vmul.f32 v6, v7;
	v5 =	vadd.f32 v8, v5;
	v6 =	vmul.f32 $2.100000000e+01, v63  }
.LBB2_17:
0x680: {  	p0 =	sne.s32 s16, $0x3C0  }
0x681: {  	s29 =	sadd.s32 $0x40, s29;
	v7 =	vpop (erf);
	s17 =	smov.u32 s16;
	s16 =	sadd.s32 $0x40, s16  }
0x682: {  	v7 =	vmul.f32 $2.817000080e-02, v7;
	v5 =	vsub.f32 v5, v6;
	v6 =	vpop (erf)  }
0x683: {  	v6 =	vmul.f32 $2.802200020e-01, v6;
	v8 =	vpop (erf)  }
0x684: {  	v8 =	vmul.f32 $5.098599790e-01, v8;
	v9 =	vpop (erf)  }
0x685: {  	v6 =	vadd.f32 v6, v7  }
0x686: {  	v7 =	vmul.f32 $1.817500000e-01, v9  }
0x687: {  	v6 =	vadd.f32 v6, v8  }
0x688: {  	v3 =	vmul.f32 v4, v3  }
0x689: {  	v4 =	vadd.f32 v6, v7  }
0x68a: {  	v6 =	vmov s17  }
0x68b: {  	v6 =	vshll.u32 v6, $0x3;
	v3 =	vmul.f32 v4, v3  }
0x68c: {  	vm0 =	vlt.f32 v2, $1.000000000e+00;
	v4 =	vor.u32 v1, v6  }
0x68d: {  	v2 =	vor.u32 $0x1, v4;
	v6 =	vor.u32 $0x2, v4;
	v3 =	vmul.f32 v3, v5  }
0x68e: {  	v7 =	vor.u32 $0x4, v4;
	v5 =	vor.u32 $0x3, v4  }
0x68f: {  	v3 =	vnsel vm0, $0x0, v3  }
0x690: {  	[tilespmem:s28+$0x10] =	vst v3;
	s28 =	smov.u32 s29  }
0x691: {  	v3 =	vld.idx.msk [tilespmem:v4+s14+$0x0], $0xffff  }
0x692: {  	v4 =	vld.idx.msk [tilespmem:v4+s15+$0x0], $0xffff  }
0x693: {  	v8 =	vld.idx.msk [tilespmem:v2+s14+$0x0], $0xffff  }
0x694: {  	v2 =	vld.idx.msk [tilespmem:v2+s15+$0x0], $0xffff  }
0x695: {  	v9 =	vld.idx.msk [tilespmem:v6+s15+$0x0], $0xffff  }
0x696: {  	v6 =	vld.idx.msk [tilespmem:v6+s14+$0x0], $0xffff;
	_ =	sdelay $0x1  }
0x697: {  	v3 =	vsub.f32 v3, v4;
	_ =	sdelay $0x1  }
0x698: {  	v2 =	vsub.f32 v8, v2;
	_ =	sdelay $0x1  }
0x699: {  	v3 =	vmul.f32 v3, v3;
	v4 =	vsub.f32 v6, v9;
	v2 =	vmul.f32 v2, v2;
	_ =	sdelay $0x1  }
0x69a: {  	v2 =	vadd.f32 v2, v3;
	v3 =	vmul.f32 v4, v4;
	_ =	sdelay $0x1  }
0x69b: {  	v2 =	vadd.f32 v3, v2;
	_ =	sdelay $0x1  }
0x69c: {  	v3 =	vshra.s32 v2, $0x1;
	v4 =	vmul.f32 $5.000000000e-01, v2  }
0x69d: {  	v3 =	vsub.s32 $0x5F3759DF, v3  }
0x69e: {  	v6 =	vmul.f32 v3, v4;
	_ =	sdelay $0x1  }
0x69f: {  	v6 =	vmul.f32 v3, v6;
	_ =	sdelay $0x1  }
0x6a0: {  	v6 =	vsub.f32 $1.500000000e+00, v6;
	_ =	sdelay $0x1  }
0x6a1: {  	v3 =	vmul.f32 v3, v6;
	_ =	sdelay $0x1  }
0x6a2: {  	v4 =	vmul.f32 v3, v4;
	_ =	sdelay $0x1  }
0x6a3: {  	v4 =	vmul.f32 v4, v3  }
0x6a4: {  	v6 =	vld.idx.msk [tilespmem:v5+s15+$0x0], $0xffff  }
0x6a5: {  	v4 =	vsub.f32 $1.500000000e+00, v4;
	v5 =	vld.idx.msk [tilespmem:v5+s14+$0x0], $0xffff;
	_ =	sdelay $0x1  }
0x6a6: {  	v3 =	vmul.f32 v4, v3;
	_ =	sdelay $0x1  }
0x6a7: {  	v2 =	vmul.f32 v3, v2;
	_ =	sdelay $0x1  }
0x6a8: {  	v4 =	vadd.f32 v6, v5;
	v5 =	vmul.f32 $2.134471650e+00, v2;
	v2 =	vmul.f32 $2.000000030e-01, v2;
	_ =	sdelay $0x1  }
0x6a9: {  	v4 =	vmul.f32 v5, v4;
	v5 =	vmul.f32 v2, v2;
	_ =	sdelay $0x1  }
0x6aa: {  	v6 =	vmul.f32 $-2.016199980e-01, v4;
	v8 =	vmul.f32 $-4.029000100e-01, v4  }
0x6ab: {  	v9 =	vmul.f32 $-9.422900080e-01, v4;
	v4 =	vmul.f32 $-3.199800010e+00, v4  }
0x6ac: {  	v6 =	vmul.f32 $1.442695020e+00, v6;
	v8 =	vmul.f32 $1.442695020e+00, v8  }
0x6ad: {  	v9 =	vmul.f32 $1.442695020e+00, v9;
	v4 =	vmul.f32 $1.442695020e+00, v4  }
0x6ae: {  	v10 =	vmul.f32 v5, v5;
	(erf) = vpow2.f32 v6  }
0x6af: {  	(erf) = vpow2.f32 v8  }
0x6b0: {  	v5 =	vmul.f32 v10, v5;
	(erf) = vpow2.f32 v9  }
0x6b1: {  	(erf) = vpow2.f32 v4  }
0x6b2: {  	v4 =	vmul.f32 v5, v2;
	v5 =	vmul.f32 $2.800000000e+01, v5;
	_ =	sdelay $0x1  }
0x6b3: {  	v6 =	vmul.f32 v4, v2;
	v5 =	vsub.f32 $1.000000000e+00, v5;
	v4 =	vmul.f32 $4.800000000e+01, v4;
	_ =	sdelay $0x1  }
0x6b4: {  	v4 =	vadd.f32 v4, v5;
	v10 =	vmul.f32 $2.100000000e+01, v6;
	v8 =	vld.idx.msk [tilespmem:v7+s15+$0x0], $0xffff  }
0x6b5: {  	v6 =	vld.idx.msk [tilespmem:v7+s14+$0x0], $0xffff;
	v7 =	vpop (erf)  }
0x6b6: {  	v4 =	vsub.f32 v4, v10;
	v7 =	vmul.f32 $2.817000080e-02, v7;
	v5 =	vpop (erf)  }
0x6b7: {  	v5 =	vmul.f32 $2.802200020e-01, v5;
	v9 =	vpop (erf)  }
0x6b8: {  	v10 =	vpop (erf)  }
0x6b9: {  	v5 =	vadd.f32 v5, v7;
	v7 =	vmul.f32 $5.098599790e-01, v9;
	_ =	sdelay $0x1  }
0x6ba: {  	v6 =	vmul.f32 v8, v6;
	v5 =	vadd.f32 v5, v7;
	v7 =	vmul.f32 $1.817500000e-01, v10  }
0x6bb: {  	s20 =	sadd.s32 $0x10, s17  }
0x6bc: {  	v3 =	vmul.f32 v3, v6;
	v6 =	vmov s20;
	v5 =	vadd.f32 v5, v7  }
0x6bd: {  	v6 =	vshll.u32 v6, $0x3  }
0x6be: {  	v3 =	vmul.f32 v5, v3;
	v5 =	vor.u32 v1, v6  }
0x6bf: {  	v6 =	vor.u32 $0x1, v5  }
0x6c0: {  	v3 =	vmul.f32 v3, v4  }
0x6c1: {  	vm0 =	vlt.f32 v2, $1.000000000e+00  }
0x6c2: {  	v2 =	vnsel vm0, $0x0, v3  }
0x6c3: {  	[tilespmem:s29+$0xFFFFFFE0] =	vst v2;
	v2 =	vor.u32 $0x2, v5  }
0x6c4: {  	v3 =	vld.idx.msk [tilespmem:v6+s15+$0x0], $0xffff  }
0x6c5: {  	v4 =	vld.idx.msk [tilespmem:v5+s15+$0x0], $0xffff  }
0x6c6: {  	v6 =	vld.idx.msk [tilespmem:v6+s14+$0x0], $0xffff  }
0x6c7: {  	v7 =	vld.idx.msk [tilespmem:v5+s14+$0x0], $0xffff  }
0x6c8: {  	v8 =	vld.idx.msk [tilespmem:v2+s15+$0x0], $0xffff  }
0x6c9: {  	v2 =	vld.idx.msk [tilespmem:v2+s14+$0x0], $0xffff;
	_ =	sdelay $0x2  }
0x6ca: {  	v3 =	vsub.f32 v6, v3  }
0x6cb: {  	v4 =	vsub.f32 v7, v4;
	_ =	sdelay $0x1  }
0x6cc: {  	v3 =	vmul.f32 v3, v3;
	v2 =	vsub.f32 v2, v8;
	v4 =	vmul.f32 v4, v4;
	_ =	sdelay $0x1  }
0x6cd: {  	v3 =	vadd.f32 v3, v4;
	v2 =	vmul.f32 v2, v2;
	_ =	sdelay $0x1  }
0x6ce: {  	v2 =	vadd.f32 v2, v3;
	_ =	sdelay $0x1  }
0x6cf: {  	v3 =	vshra.s32 v2, $0x1;
	v4 =	vmul.f32 $5.000000000e-01, v2  }
0x6d0: {  	v3 =	vsub.s32 $0x5F3759DF, v3  }
0x6d1: {  	v6 =	vmul.f32 v3, v4;
	_ =	sdelay $0x1  }
0x6d2: {  	v6 =	vmul.f32 v3, v6;
	_ =	sdelay $0x1  }
0x6d3: {  	v6 =	vsub.f32 $1.500000000e+00, v6;
	_ =	sdelay $0x1  }
0x6d4: {  	v7 =	vor.u32 $0x3, v5;
	v3 =	vmul.f32 v3, v6;
	_ =	sdelay $0x1  }
0x6d5: {  	v4 =	vmul.f32 v3, v4;
	_ =	sdelay $0x1  }
0x6d6: {  	v4 =	vmul.f32 v4, v3  }
0x6d7: {  	v6 =	vld.idx.msk [tilespmem:v7+s15+$0x0], $0xffff  }
0x6d8: {  	v4 =	vsub.f32 $1.500000000e+00, v4;
	v7 =	vld.idx.msk [tilespmem:v7+s14+$0x0], $0xffff;
	_ =	sdelay $0x1  }
0x6d9: {  	v3 =	vmul.f32 v4, v3;
	_ =	sdelay $0x1  }
0x6da: {  	v2 =	vmul.f32 v3, v2;
	_ =	sdelay $0x1  }
0x6db: {  	v4 =	vadd.f32 v6, v7;
	v6 =	vmul.f32 $2.134471650e+00, v2;
	v2 =	vmul.f32 $2.000000030e-01, v2;
	_ =	sdelay $0x1  }
0x6dc: {  	v4 =	vmul.f32 v6, v4;
	v6 =	vmul.f32 v2, v2;
	_ =	sdelay $0x1  }
0x6dd: {  	v7 =	vmul.f32 $-2.016199980e-01, v4;
	v8 =	vmul.f32 $-4.029000100e-01, v4  }
0x6de: {  	v9 =	vmul.f32 $-9.422900080e-01, v4;
	v4 =	vmul.f32 $-3.199800010e+00, v4  }
0x6df: {  	v7 =	vmul.f32 $1.442695020e+00, v7;
	v8 =	vmul.f32 $1.442695020e+00, v8  }
0x6e0: {  	v9 =	vmul.f32 $1.442695020e+00, v9;
	v4 =	vmul.f32 $1.442695020e+00, v4  }
0x6e1: {  	v10 =	vmul.f32 v6, v6;
	(erf) = vpow2.f32 v7  }
0x6e2: {  	(erf) = vpow2.f32 v8  }
0x6e3: {  	v6 =	vmul.f32 v10, v6;
	(erf) = vpow2.f32 v9  }
0x6e4: {  	v5 =	vor.u32 $0x4, v5;
	(erf) = vpow2.f32 v4  }
0x6e5: {  	v4 =	vmul.f32 v6, v2;
	v6 =	vmul.f32 $2.800000000e+01, v6;
	_ =	sdelay $0x1  }
0x6e6: {  	v9 =	vmul.f32 v4, v2;
	v6 =	vsub.f32 $1.000000000e+00, v6;
	v4 =	vmul.f32 $4.800000000e+01, v4;
	_ =	sdelay $0x1  }
0x6e7: {  	v4 =	vadd.f32 v4, v6;
	v10 =	vmul.f32 $2.100000000e+01, v9;
	v8 =	vld.idx.msk [tilespmem:v5+s15+$0x0], $0xffff  }
0x6e8: {  	v5 =	vld.idx.msk [tilespmem:v5+s14+$0x0], $0xffff;
	v7 =	vpop (erf)  }
0x6e9: {  	v4 =	vsub.f32 v4, v10;
	v7 =	vmul.f32 $2.817000080e-02, v7;
	v6 =	vpop (erf)  }
0x6ea: {  	v6 =	vmul.f32 $2.802200020e-01, v6;
	v9 =	vpop (erf)  }
0x6eb: {  	v10 =	vpop (erf)  }
0x6ec: {  	v6 =	vadd.f32 v6, v7;
	v7 =	vmul.f32 $5.098599790e-01, v9;
	_ =	sdelay $0x1  }
0x6ed: {  	v5 =	vmul.f32 v8, v5;
	v6 =	vadd.f32 v6, v7;
	v7 =	vmul.f32 $1.817500000e-01, v10;
	_ =	sdelay $0x1  }
0x6ee: {  	s20 =	sadd.s32 $0x20, s17;
	v3 =	vmul.f32 v3, v5;
	v6 =	vadd.f32 v6, v7  }
0x6ef: {  	v5 =	vmov s20  }
0x6f0: {  	v5 =	vshll.u32 v5, $0x3;
	v3 =	vmul.f32 v6, v3  }
0x6f1: {  	v5 =	vor.u32 v1, v5  }
0x6f2: {  	v3 =	vmul.f32 v3, v4  }
0x6f3: {  	vm0 =	vlt.f32 v2, $1.000000000e+00;
	v2 =	vor.u32 $0x1, v5  }
0x6f4: {  	v3 =	vnsel vm0, $0x0, v3  }
0x6f5: {  	[tilespmem:s29+$0xFFFFFFF0] =	vst v3;
	v3 =	vor.u32 $0x2, v5  }
0x6f6: {  	v4 =	vld.idx.msk [tilespmem:v5+s14+$0x0], $0xffff  }
0x6f7: {  	v6 =	vld.idx.msk [tilespmem:v5+s15+$0x0], $0xffff  }
0x6f8: {  	v7 =	vld.idx.msk [tilespmem:v2+s15+$0x0], $0xffff  }
0x6f9: {  	v2 =	vld.idx.msk [tilespmem:v2+s14+$0x0], $0xffff  }
0x6fa: {  	v8 =	vld.idx.msk [tilespmem:v3+s15+$0x0], $0xffff  }
0x6fb: {  	v3 =	vld.idx.msk [tilespmem:v3+s14+$0x0], $0xffff;
	_ =	sdelay $0x2  }
0x6fc: {  	v4 =	vsub.f32 v4, v6  }
0x6fd: {  	v2 =	vsub.f32 v2, v7  }
0x6fe: {  	v4 =	vmul.f32 v4, v4  }
0x6ff: {  	v3 =	vsub.f32 v3, v8;
	v2 =	vmul.f32 v2, v2;
	_ =	sdelay $0x1  }
0x700: {  	v2 =	vadd.f32 v2, v4;
	v3 =	vmul.f32 v3, v3;
	_ =	sdelay $0x1  }
0x701: {  	v2 =	vadd.f32 v3, v2;
	_ =	sdelay $0x1  }
0x702: {  	v3 =	vshra.s32 v2, $0x1;
	v4 =	vmul.f32 $5.000000000e-01, v2  }
0x703: {  	v3 =	vsub.s32 $0x5F3759DF, v3  }
0x704: {  	v6 =	vmul.f32 v3, v4;
	_ =	sdelay $0x1  }
0x705: {  	v6 =	vmul.f32 v3, v6;
	_ =	sdelay $0x1  }
0x706: {  	v6 =	vsub.f32 $1.500000000e+00, v6;
	_ =	sdelay $0x1  }
0x707: {  	v7 =	vor.u32 $0x3, v5;
	v3 =	vmul.f32 v3, v6;
	_ =	sdelay $0x1  }
0x708: {  	v4 =	vmul.f32 v3, v4;
	_ =	sdelay $0x1  }
0x709: {  	v4 =	vmul.f32 v4, v3  }
0x70a: {  	v6 =	vld.idx.msk [tilespmem:v7+s15+$0x0], $0xffff  }
0x70b: {  	v4 =	vsub.f32 $1.500000000e+00, v4;
	v7 =	vld.idx.msk [tilespmem:v7+s14+$0x0], $0xffff;
	_ =	sdelay $0x1  }
0x70c: {  	v3 =	vmul.f32 v4, v3;
	_ =	sdelay $0x1  }
0x70d: {  	v2 =	vmul.f32 v3, v2;
	_ =	sdelay $0x1  }
0x70e: {  	v4 =	vadd.f32 v6, v7;
	v6 =	vmul.f32 $2.134471650e+00, v2;
	v2 =	vmul.f32 $2.000000030e-01, v2;
	_ =	sdelay $0x1  }
0x70f: {  	v4 =	vmul.f32 v6, v4;
	v6 =	vmul.f32 v2, v2;
	_ =	sdelay $0x1  }
0x710: {  	v7 =	vmul.f32 $-2.016199980e-01, v4;
	v8 =	vmul.f32 $-4.029000100e-01, v4  }
0x711: {  	v9 =	vmul.f32 $-9.422900080e-01, v4;
	v4 =	vmul.f32 $-3.199800010e+00, v4  }
0x712: {  	v7 =	vmul.f32 $1.442695020e+00, v7;
	v8 =	vmul.f32 $1.442695020e+00, v8  }
0x713: {  	v9 =	vmul.f32 $1.442695020e+00, v9;
	v4 =	vmul.f32 $1.442695020e+00, v4  }
0x714: {  	v10 =	vmul.f32 v6, v6;
	(erf) = vpow2.f32 v7  }
0x715: {  	(erf) = vpow2.f32 v8  }
0x716: {  	v6 =	vmul.f32 v10, v6;
	(erf) = vpow2.f32 v9  }
0x717: {  	v5 =	vor.u32 $0x4, v5;
	(erf) = vpow2.f32 v4  }
0x718: {  	v4 =	vmul.f32 v6, v2;
	v6 =	vmul.f32 $2.800000000e+01, v6;
	_ =	sdelay $0x1  }
0x719: {  	v9 =	vmul.f32 v4, v2;
	v6 =	vsub.f32 $1.000000000e+00, v6;
	v4 =	vmul.f32 $4.800000000e+01, v4;
	_ =	sdelay $0x1  }
0x71a: {  	v4 =	vadd.f32 v4, v6;
	v10 =	vmul.f32 $2.100000000e+01, v9;
	v8 =	vld.idx.msk [tilespmem:v5+s15+$0x0], $0xffff  }
0x71b: {  	v5 =	vld.idx.msk [tilespmem:v5+s14+$0x0], $0xffff;
	v7 =	vpop (erf)  }
0x71c: {  	v4 =	vsub.f32 v4, v10;
	v7 =	vmul.f32 $2.817000080e-02, v7;
	v6 =	vpop (erf)  }
0x71d: {  	v6 =	vmul.f32 $2.802200020e-01, v6;
	v9 =	vpop (erf)  }
0x71e: {  	v10 =	vpop (erf)  }
0x71f: {  	v6 =	vadd.f32 v6, v7;
	v7 =	vmul.f32 $5.098599790e-01, v9;
	_ =	sdelay $0x1  }
0x720: {  	v5 =	vmul.f32 v8, v5;
	v6 =	vadd.f32 v6, v7;
	v7 =	vmul.f32 $1.817500000e-01, v10  }
0x721: {  	s17 =	sadd.s32 $0x30, s17  }
0x722: {  	v3 =	vmul.f32 v3, v5;
	v5 =	vmov s17;
	v6 =	vadd.f32 v6, v7  }
0x723: {  	v5 =	vshll.u32 v5, $0x3  }
0x724: {  	v5 =	vor.u32 v1, v5;
	v3 =	vmul.f32 v6, v3  }
0x725: {  	v6 =	vor.u32 $0x1, v5  }
0x726: {  	v3 =	vmul.f32 v3, v4  }
0x727: {  	vm0 =	vlt.f32 v2, $1.000000000e+00  }
0x728: {  	v2 =	vnsel vm0, $0x0, v3  }
0x729: {  	[tilespmem:s29+$0x0] =	vst v2;
	v2 =	vor.u32 $0x2, v5  }
0x72a: {  	v3 =	vld.idx.msk [tilespmem:v6+s15+$0x0], $0xffff  }
0x72b: {  	v4 =	vld.idx.msk [tilespmem:v6+s14+$0x0], $0xffff;
	v6 =	vor.u32 $0x3, v5  }
0x72c: {  	v7 =	vld.idx.msk [tilespmem:v5+s15+$0x0], $0xffff  }
0x72d: {  	v8 =	vld.idx.msk [tilespmem:v5+s14+$0x0], $0xffff;
	v5 =	vor.u32 $0x4, v5  }
0x72e: {  	v9 =	vld.idx.msk [tilespmem:v2+s14+$0x0], $0xffff  }
0x72f: {  	v2 =	vld.idx.msk [tilespmem:v2+s15+$0x0], $0xffff  }
0x730: {  	v10 =	vld.idx.msk [tilespmem:v6+s14+$0x0], $0xffff  }
0x731: {  	v3 =	vsub.f32 v4, v3;
	v6 =	vld.idx.msk [tilespmem:v6+s15+$0x0], $0xffff  }
0x732: {  	v4 =	vld.idx.msk [tilespmem:v5+s14+$0x0], $0xffff  }
0x733: {  	v7 =	vsub.f32 v8, v7;
	v3 =	vmul.f32 v3, v3;
	v5 =	vld.idx.msk [tilespmem:v5+s15+$0x0], $0xffff;
	_ =	sdelay $0x1  }
0x734: {  	v2 =	vsub.f32 v9, v2;
	v7 =	vmul.f32 v7, v7;
	_ =	sdelay $0x1  }
0x735: {  	v3 =	vadd.f32 v3, v7;
	v2 =	vmul.f32 v2, v2;
	_ =	sdelay $0x1  }
0x736: {  	v2 =	vadd.f32 v2, v3;
	v3 =	vmul.f32 v5, v4;
	_ =	sdelay $0x1  }
0x737: {  	v4 =	vshra.s32 v2, $0x1;
	v5 =	vmul.f32 $5.000000000e-01, v2  }
0x738: {  	v4 =	vsub.s32 $0x5F3759DF, v4  }
0x739: {  	v7 =	vmul.f32 v4, v5;
	_ =	sdelay $0x1  }
0x73a: {  	v7 =	vmul.f32 v4, v7;
	_ =	sdelay $0x1  }
0x73b: {  	v7 =	vsub.f32 $1.500000000e+00, v7;
	_ =	sdelay $0x1  }
0x73c: {  	v4 =	vmul.f32 v4, v7;
	_ =	sdelay $0x1  }
0x73d: {  	v5 =	vmul.f32 v4, v5;
	_ =	sdelay $0x1  }
0x73e: {  	v5 =	vmul.f32 v5, v4;
	_ =	sdelay $0x1  }
0x73f: {  	v5 =	vsub.f32 $1.500000000e+00, v5;
	_ =	sdelay $0x1  }
0x740: {  	v4 =	vmul.f32 v5, v4;
	_ =	sdelay $0x1  }
0x741: {  	v2 =	vmul.f32 v4, v2;
	_ =	sdelay $0x1  }
0x742: {  	v5 =	vadd.f32 v6, v10;
	v6 =	vmul.f32 $2.134471650e+00, v2;
	v2 =	vmul.f32 $2.000000030e-01, v2;
	_ =	sdelay $0x1  }
0x743: {  	v5 =	vmul.f32 v6, v5;
	v6 =	vmul.f32 v2, v2;
	_ =	sdelay $0x1  }
0x744: {  	v7 =	vmul.f32 $-2.016199980e-01, v5;
	v8 =	vmul.f32 $-4.029000100e-01, v5  }
0x745: {  	v9 =	vmul.f32 $-9.422900080e-01, v5;
	v5 =	vmul.f32 $-3.199800010e+00, v5  }
0x746: {  	v7 =	vmul.f32 $1.442695020e+00, v7;
	v8 =	vmul.f32 $1.442695020e+00, v8  }
0x747: {  	v9 =	vmul.f32 $1.442695020e+00, v9;
	v5 =	vmul.f32 $1.442695020e+00, v5  }
0x748: {  	v10 =	vmul.f32 v6, v6;
	(erf) = vpow2.f32 v7  }
0x749: {  	(erf) = vpow2.f32 v8  }
0x74a: {  	v6 =	vmul.f32 v10, v6;
	(erf) = vpow2.f32 v9  }
0x74b: {  	(erf) = vpow2.f32 v5  }
.Ltmp7:
0x74c: {  	v5 =	vmul.f32 v6, v2;
	v6 =	vmul.f32 $2.800000000e+01, v6;
	(pc) =	sbr.rel @p0 .LBB2_17-.Ltmp7, $3  }
0x74d: {  	_ = 	snop  }
0x74e: {  	v7 =	vmul.f32 v5, v2;
	v6 =	vsub.f32 $1.000000000e+00, v6;
	v5 =	vmul.f32 $4.800000000e+01, v5;
	_ =	sdelay $0x1  }
0x74f: {  	v5 =	vadd.f32 v5, v6;
	v6 =	vmul.f32 $2.100000000e+01, v7  }
0x750: {  	v7 =	vpop (erf)  }
0x751: {  	v8 =	vpop (erf)  }
0x752: {  	v7 =	vmul.f32 $2.817000080e-02, v7;
	v8 =	vmul.f32 $2.802200020e-01, v8  }
0x753: {  	v9 =	vpop (erf)  }
0x754: {  	v9 =	vmul.f32 $5.098599790e-01, v9;
	v7 =	vadd.f32 v8, v7  }
0x755: {  	v63 =	vpop (erf)  }
0x756: {  	v8 =	vmul.f32 $1.817500000e-01, v63;
	v7 =	vadd.f32 v7, v9;
	_ =	sdelay $0x1  }
0x757: {  	v3 =	vmul.f32 v4, v3;
	v4 =	vadd.f32 v7, v8;
	_ =	sdelay $0x1  }
0x758: {  	v5 =	vsub.f32 v5, v6;
	v3 =	vmul.f32 v4, v3;
	_ =	sdelay $0x1  }
0x759: {  	v3 =	vmul.f32 v3, v5  }
0x75a: {  	vm0 =	vlt.f32 v2, $1.000000000e+00  }
0x75b: {  	v2 =	vnsel vm0, $0x0, v3  }
0x75c: {  	s16 =	simm.s32 $0x0;
	[tilespmem:s28+$0x10] =	vst v2  }
0x75d: {  	v2 =	vld [tilespmem:s16+$0x600]  }
0x75e: {  	s17 =	simm.s32 $0x40;
	v3 =	vld [tilespmem:s16+$0x400]  }
.LBB2_19:
0x75f: {  	p0 =	sne.s32 s17, $0x7C0  }
.Ltmp8:
0x760: {  	_ = 	snop;
	(pc) =	sbr.rel @p0 .LBB2_19-.Ltmp8, $4  }
0x761: {  	_ = 	snop  }
0x762: {  	s20 =	sshra.s32 s17, $0x2;
	s17 =	sadd.s32 $0x40, s17;
	[tilespmem:s16+$0x9E00] =	vst v2  }
0x763: {  	v2 =	vld [tilespmem:s20+$0x600];
	[tilespmem:s16+$0x9C00] =	vst v3;
	s16 =	smov.u32 s20  }
0x764: {  	v3 =	vld [tilespmem:s16+$0x400]  }
0x765: {  	_ =	sdelay $0x2  }
0x766: {  	s29 =	simm.s32 $0x9C00;
	[tilespmem:s16+$0x9E00] =	vst v2  }
0x767: {  	s17 =	simm.s32 $0x9400;
	s20 =	simm.s32 $0x9600;
	s6 =	sadd.s32 $0x1, s6;
	[tilespmem:s16+$0x9C00] =	vst v3  }
0x768: {  	[spmem:s3] =	stream.indirect.scatter.add.f32 [tilespmem:s17], [sflag:$0x6], $0x1, s29, s31, $0xb8;
	[tilespmem:$0x19460] =	vst v63  }
0x769: {  	s28 =	sadd.s32 s19, s26;
	p0 =	sne.s32 s6, $0x62;
	s17 =	simm.s32 $0x9E00  }
0x76a: {  	[spmem:s3] =	stream.indirect.scatter.add.f32 [tilespmem:s20], [sflag:$0x6], $0x1, s17, s31, $0xb8;
	[tilespmem:$0x19460] =	vst v63  }
.Ltmp9:
0x76b: {  	s16 =	sshll.u32 s28, $0x7;
	(pc) =	sbr.rel @p0 .LBB2_12-.Ltmp9, $4  }
0x76c: {  	s29 =	sadd.s32 s5, s16  }
0x76d: {  	[tilespmem:s23], [sflag:$0x2] =	stream.linear.gather [hbm4b:s29+s4], $0x400, $0x38;
	[tilespmem:$0x19460] =	vst v63  }
0x76e: {  	s16 =	sadd.s32 s16, s7  }
0x76f: {  	[tilespmem:s24], [sflag:$0x2] =	stream.linear.gather [hbm4b:s16+s4], $0x400, $0x38;
	[tilespmem:$0x19460] =	vst v63  }
0x770: {  	_ =	swait.ge [sflag:s11], $0x1000  }
0x771: {  	[sflag:s11] =	ssyncset.done $0x0  }
0x772: {  	[sflag:s11] =	ssyncadd.s32 $0xFFFFF000  }
0x773: {  	_ =	swait.ge [sflag:s11], $0x1000  }
0x774: {  	[sflag:s11] =	ssyncset.done $0x0  }
0x775: {  	[sflag:s11] =	ssyncadd.s32 $0xFFFFF000  }
0x776: {  	_ =	swait.ge [sflag:s11], $0x1000  }
0x777: {  	[sflag:s11] =	ssyncset.done $0x0  }
0x778: {  	[sflag:s11] =	ssyncadd.s32 $0xFFFFF000  }
0x779: {  	_ =	swait.ge [sflag:s11], $0x1000  }
0x77a: {  	[sflag:s11] =	ssyncset.done $0x0  }
0x77b: {  	[sflag:s11] =	ssyncadd.s32 $0xFFFFF000  }
0x77c: {  	_ =	swait.ge [sflag:s12], $0x400  }
0x77d: {  	[sflag:s12] =	ssyncset.done $0x0  }
0x77e: {  	[sflag:s12] =	ssyncadd.s32 $0xFFFFFC00  }
0x77f: {  	_ =	swait.ge [sflag:s12], $0x400  }
0x780: {  	[sflag:s12] =	ssyncset.done $0x0  }
0x781: {  	[sflag:s12] =	ssyncadd.s32 $0xFFFFFC00  }
0x782: {  	_ =	swait.ge [sflag:s21], $0x200  }
0x783: {  	[sflag:s21] =	ssyncset.done $0x0  }
0x784: {  	[sflag:s21] =	ssyncadd.s32 $0xFFFFFE00  }
0x785: {  	_ =	swait.ge [sflag:s21], $0x200  }
0x786: {  	[sflag:s21] =	ssyncset.done $0x0  }
0x787: {  	[sflag:s21] =	ssyncadd.s32 $0xFFFFFE00  }
0x788: {  	_ =	swait.ge [sflag:s25], $0x200  }
0x789: {  	[sflag:s25] =	ssyncset.done $0x0  }
0x78a: {  	[sflag:s25] =	ssyncadd.s32 $0xFFFFFE00  }
0x78b: {  	_ =	swait.ge [sflag:s25], $0x200  }
0x78c: {  	[sflag:s25] =	ssyncset.done $0x0  }
0x78d: {  	[sflag:s25] =	ssyncadd.s32 $0xFFFFFE00  }
0x78e: {  	[bflag:$0x0] =	sbarrier.arrive $0xFFFF  }
0x78f: {  	s26 =	simm.s32 $0xA000;
	s28 =	simm.s32 $0x8;
	s17 =	rddreg [dreg:$0xa]  }
0x790: {  	[tilespmem:s26], [sflag:$0x8] =	stream.linear.gather [spmem:s17], $0x1870, $0x38;
	[tilespmem:$0x19460] =	vst v63  }
0x791: {  	_ =	swait.ge [sflag:s28], $0x1870  }
0x792: {  	[sflag:s28] =	ssyncset.done $0x0  }
0x793: {  	s6 =	rddreg [dreg:$0xf];
	[sflag:s28] =	ssyncadd.s32 $0xFFFFE790  }
0x794: {  	[hbm4b:s6+s4] =	stream.linear.scatter [tilespmem:s26], [sflag:$0x8], $0x1870, $0x38;
	[tilespmem:$0x19460] =	vst v63  }
0x795: {  	_ =	swait.ge [sflag:s28], $0x1870  }
0x796: {  	s16 =	rddreg [dreg:$0x12]  }
0x797: {  	s29 =	rddreg [dreg:$0x10];
	s16 =	sadd.s32 $0x1, s16  }
0x798: {  	p0 =	sne.s32 s16, s29  }
.Ltmp10:
0x799: {  	_ = 	snop;
	(pc) =	sbr.rel @p0 .LBB2_1-.Ltmp10, $3  }
0x79a: {  	_ =	sdelay $0x1  }
0x79b: {  	[sflag:s28] =	ssyncset.done $0x0  }
0x79c: {  	[sflag:s28] =	ssyncadd.s32 $0xFFFFE790  }
0x79d: {  	_ =	sfence.sel $0x180000  }
0x79e: {  	[bflag:$0x0] =	sbarrier.arrive $0xFFFF  }
0x79f: {  	_ =	strace $0x9000004A  }
0x7a0: {  	s0 =	stileid.u32;
	[bflag:$0x2] =	sbarrier.arrive $0xFFFF  }
0x7a1: {  	p0 =	sne.s32 s0, $0x0;
	s0 =	rddreg [dreg:$0x3]  }
0x7a2: {  	s0 =	sadd.s32 @!p0 $0x100000, s0  }
0x7a3: {  	[sflag:s0] =	ssyncadd.tile.s32 @!p0 $0x1;
	_ =	shalt  }
.Lfunc_end2:
_tile_overlayer_lowered:
.L_overlay_start_2:
0x7a4: {  	(tag) =	ssettag $0x2  }
0x7a5: {  	s0 =	rddreg [dreg:$0x0];
	s2 =	stileid.u32  }
0x7a6: {  	s1 =	rddreg [dreg:$0x1];
	p0 =	sne.s32 s2, $0x0  }
0x7a7: {  	s3 =	rddreg [dreg:$0x2];
	[bflag:$0x3] =	sbarrier.arrive $0xFFFF;
	s2 =	simm.s32 @!p0 $0x1C08  }
0x7a8: {  	[timem:s3], [sflag:s2] =	dma.local @!p0 [hbm:s0], s1  }
0x7a9: {  	s0 =	simm.s32 @!p0 $0x8  }
0x7aa: {  	_ =	swait.ge @!p0 [sflag:s0], s1  }
0x7ab: {  	s1 =	ssub.s32 @!p0 $0x0, s1;
	[sflag:s0] =	ssyncset.done @!p0 $0x0  }
0x7ac: {  	[sflag:s0] =	ssyncadd.s32 @!p0 s1  }
0x7ad: {  	[bflag:$0x3] =	sbarrier.arrive $0xFFFF  }
0x7ae: {  	_ =	shalt  }

// kernel: sparse-core-data-format-call.cloned.1.call-start
scs
called_computation_lowered:
.L_overlay_start_0:
0x0: {  	s1 =	sld [smem:$0x3FD9]  }
0x1: {  	s2 =	sld [smem:$0x3FFE];
	_ =	sdelay $0x1  }
0x2: {  	s3 =	srdreg.scid  }
0x3: {  	s0 =	sand.u32 $0x1, s3  }
0x4: {  	s17 =	sshll.u32 s0, $0xA;
	s1 =	sadd.s32 s2, s1  }
0x5: {  	s1 =	sadd.s32 s1, s17  }
0x6: {  	[smem:$0x3FC4] =	sst s1  }
0x7: {  	_ = 	snop  }
0x8: {  	(tm) =	ssettm $0x1  }
0x9: {  	s18 =	sld [smem:$0x3FFB];
	_ =	sdelay $0x3  }
0xa: {  	_ =	strace s18  }
0xb: {  	s1 =	sld [smem:$0x3FFC];
	_ =	sdelay $0x3  }
0xc: {  	_ =	strace s1  }
0xd: {  	s1 =	sld [smem:$0x3FFD];
	_ =	sdelay $0x3  }
0xe: {  	_ =	strace s1  }
0xf: {  	_ =	strace $0x8FFFFFFF  }
0x10: {  	s19 =	sld [smem:$0x3FDB];
	_ =	sdelay $0x1  }
0x11: {  	s20 =	simm.s32 $_scs_section_size  }
0x12: {  	s4 =	simm.s32 $_size__tile_overlayer_lowered;
	s5 =	simm.s32 $_tile_overlayer_lowered  }
0x13: {  	s23 =	simm.s32 $0x1BFF;
	s22 =	sshll.u32 s5, $0x1;
	s1 =	sadd.s32 s20, s19  }
0x14: {  	s6 =	simm.s32 $0x0;
	s21 =	sshll.u32 s4, $0x1;
	s4 =	sadd.s32 s22, s1  }
0x15: {  	[timem:s6], [sflag:s23] =	dma.local [hbm:s4], s21  }
0x16: {  	_ =	swait.ge [sflag:s23], s21  }
0x17: {  	s2 =	ssub.s32 $0x0, s21;
	[sflag:s23] =	ssyncset.done $0x0  }
0x18: {  	[sflag:s23] =	ssyncadd.s32 s2;
	_ =	sdelay $0x1  }
0x19: {  	s24 =	simm.s32 $0x1B8B  }
0x1a: {  	_ =	swait.ge [sflag:s24], $0x1  }
0x1b: {  	[sflag:s24] =	ssyncset.done $0x0  }
0x1c: {  	s26 =	simm.s32 $0x1B8E;
	s25 =	sld [smem:$0x3FFE];
	[sflag:s24] =	ssyncadd.s32 $0xFFFFFFFF  }
0x1d: {  	s27 =	simm.s32 $execute0_lowered;
	[smem:$0x3FD2] =	sst s26  }
0x1e: {  	s4 =	sshll.u32 s27, $0x1;
	_ =	strace $0x80000046;
	[dreg:$0x1] =	wrdreg $0xFFFFFFFF  }
0x1f: {  	s28 =	simm.s32 $_size_execute0_lowered;
	s1 =	sadd.s32 s1, s4;
	[dreg:$0x0] =	wrdreg $0x0  }
0x20: {  	s4 =	sshll.u32 s28, $0x1;
	[dreg:$0x2] =	wrdreg s1  }
0x21: {  	[dreg:$0x3] =	wrdreg s4  }
0x22: {  	[dreg:$0x4] =	wrdreg $0xC0  }
0x23: {  	_ =	task [dreg:s6], $0x5FFFF  }
0x24: {  	[dreg:$0x1] =	wrdreg $0xFFFFFFFF  }
0x25: {  	[dreg:$0x0] =	wrdreg $0x60  }
0x26: {  	[dreg:$0x2] =	wrdreg s25  }
0x27: {  	[dreg:$0x3] =	wrdreg $0x9  }
0x28: {  	_ =	task.clear_ibuf [dreg:s6], $0x4FFFF;
	_ =	strace $0x90000046  }
0x29: {  	s29 =	simm.s32 $0x9;
	_ =	strace $0x80000048  }
0x2a: {  	_ =	swait.ge [sflag:s29], $0x1  }
0x2b: {  	[sflag:s29] =	ssyncadd.s32 $0xFFFFFFFF  }
0x2c: {  	_ =	strace $0x90000048  }
0x2d: {  	_ =	sfence  }
0x2e: {  	s30 =	sld [smem:$0x0];
	_ =	sdelay $0x2  }
0x2f: {  	s31 =	sshll.u32 s3, $0xD;
	s3 =	sshrl.u32 s3, $0x2  }
0x30: {  	s2 =	sand.u32 $0x4000, s31;
	s1 =	sadd.s32 s3, s30  }
0x31: {  	s0 =	sor.u32 s2, s0;
	s1 =	sshll.u32 s1, $0x11  }
0x32: {  	s0 =	sor.u32 s1, s0  }
0x33: {  	s0 =	sadd.s32 $0x8F2B, s0  }
0x34: {  	[sflag:s0] =	ssyncadd.remote.s32 $0x1  }
0x35: {  	_ =	sfence.sel $0xFFFF  }
0x36: {  	[dreg:$0x0] =	wrdreg $0xFFFFFFFF;
	(pc) =	sbr.abs _section_cstart, $3  }
0x37: {  	[dreg:$0x1] =	wrdreg $0xFFFFFFFF  }
0x38: {  	_ =	task.clear_ibuf [dreg:s6], $0x2FFFF;
	_ =	strace $0x9FFFFFFF  }
0x39: {  	(tm) =	ssettm $0x7FFFFFFF  }
tec
execute0_lowered:
.L_overlay_start_1:
0x0: {  	(tag) =	ssettag $0x1  }
0x1: {  	s0 =	srdreg.scid  }
0x2: {  	s1 =	sshll.u32 s0, $0x4  }
0x3: {  	s4 =	rddreg [dreg:$0x0];
	s0 =	stileid.u32;
	s1 =	sand.u32 $0x10, s1  }
0x4: {  	s7 =	simm.s32 $0x1;
	s8 =	simm.s32 $0x2;
	s1 =	sor.u32 s0, s1  }
0x5: {  	s12 =	simm.s32 $0x0;
	s9 =	simm.s32 $0x630000;
	s2 =	sshll.u32 s1, $0x6  }
0x6: {  	s11 =	simm.s32 $0x0;
	s3 =	sadd.s32 $0x1400, s4;
	s6 =	ssub.s32 $0xC600, s2  }
.Ltmp0:
0x7: {  	s4 =	sadd.s32 $0x18D400, s4;
	s5 =	sand.u32 $0x7C0, s6;
	(pc) =	sbr.rel .LBB1_1-.Ltmp0, $4  }
0x8: {  	s1 =	rddreg [dreg:$0x1];
	_ =	strace $0x80000047;
	p0 =	sne.s32 s5, $0x0  }
0x9: {  	s6 =	sshrl.u32 s6, $0xB;
	s5 =	simm.s32 $0x1;
	s7 =	simm.s32 @!p0 $0x0  }
0xa: {  	s10 =	smov.u32 s2;
	[sflag:s5] =	ssyncpa.u1 $0x0;
	s6 =	sadd.s32 s7, s6  }
0xb: {  	[sflag:s8] =	ssyncpa.u1 $0x0;
	s8 =	simm.s32 $0x2000;
	s7 =	sadd.s32 $0x1, s6  }
.LBB1_7:
0xc: {  	s14 =	sadd.s32 $0x800, s10  }
0xd: {  	p1 =	sgt.s32 s14, $0xC5FF  }
0xe: {  	s14 =	smov.u32 @p1 s2;
	p1 =	sne.s32 s11, s7  }
.Ltmp1:
0xf: {  	p0 =	slt.u32 s11, $0x2;
	(pc) =	sbr.rel @!p1 .LBB1_8-.Ltmp1, $4  }
0x10: {  	s13 =	simm.s32 @!p0 $0x2  }
0x11: {  	_ =	swait.ge @!p0 [sflag:s13], $0x4000  }
0x12: {  	s15 =	sadd.s32 $0x1, s11;
	s12 =	smov.u32 s10;
	[sflag:s13] =	ssyncset.done @!p0 $0x0  }
0x13: {  	s11 =	smov.u32 s15;
	s10 =	smov.u32 s14;
	[sflag:s13] =	ssyncadd.s32 @!p0 $0xFFFFC000  }
.LBB1_1:
0x14: {  	p0 =	sge.u32 s11, s6  }
0x15: {  	s13 =	sxor.u32 @!p0 $0xFFFFFFFF, s11  }
0x16: {  	s31 =	sadd.s32 $0xFFFFFFFF, s11;
	s14 =	sshll.u32 @!p0 s10, $0x5;
	s13 =	sshll.u32 @!p0 s13, $0xE  }
0x17: {  	s15 =	simm.s32 @!p0 $0x0;
	s14 =	sadd.s32 @!p0 s3, s14;
	s13 =	sand.u32 @!p0 $0x4000, s13  }
0x18: {  	[tilespmem:s13], [sflag:$0x1] =	stream.linear.gather @!p0 [hbm4b:s14+s15], $0x4000, $0x38;
	[tilespmem:$0x10000] =	vst v63  }
0x19: {  	p0 =	sge.u32 s31, s6  }
.Ltmp2:
0x1a: {  	_ = 	snop;
	(pc) =	sbr.rel @p0 .LBB1_7-.Ltmp2, $1  }
0x1b: {  	_ =	sdelay $0x3  }
0x1c: {  	_ =	swait.ge [sflag:s5], $0x4000;
	s13 =	sshll.u32 s11, $0xE  }
0x1d: {  	[sflag:s5] =	ssyncset.done $0x0;
	s14 =	sand.u32 $0x4000, s13  }
0x1e: {  	s15 =	simm.s32 $0x0;
	[sflag:s5] =	ssyncadd.s32 $0xFFFFC000;
	s13 =	sor.u32 $0x8000, s14  }
.LBB1_3:
0x1f: {  	s16 =	sshll.u32 s15, $0x8  }
0x20: {  	s16 =	sand.u32 $0x3FFFFF00, s16  }
0x21: {  	s17 =	sshll.u32 s15, $0x7;
	s16 =	sadd.s32 s16, s14  }
0x22: {  	s17 =	sand.u32 $0x3FFFFF80, s17;
	v0 =	vmov s16  }
0x23: {  	s17 =	sadd.s32 s17, s13  }
0x24: {  	p0 =	por $0x1, $0x1;
	v1 =	vmov s17;
	s16 =	simm.s32 $0x0  }
.LBB1_4:
0x25: {  	s17 =	sshll.u32 s16, $0x7  }
0x26: {  	s17 =	sand.u32 $0x3FFFFF80, s17  }
0x27: {  	v2 =	vld.idx.msk [tilespmem:v0+s17+$0x0 ss:$0x1], $0xffff  }
0x28: {  	v3 =	vld.idx.msk [tilespmem:v0+s17+$0x10 ss:$0x1], $0xffff  }
0x29: {  	v4 =	vld.idx.msk [tilespmem:v0+s17+$0x20 ss:$0x1], $0xffff  }
0x2a: {  	s31 =	sshll.u32 s16, $0xD;
	v5 =	vld.idx.msk [tilespmem:v0+s17+$0x30 ss:$0x1], $0xffff  }
0x2b: {  	s16 =	sand.u32 $0x3FFFE000, s31;
	v6 =	vld.idx.msk [tilespmem:v0+s17+$0x40 ss:$0x1], $0xffff  }
0x2c: {  	v63 =	vld.idx.msk [tilespmem:v0+s17+$0x70 ss:$0x1], $0xffff;
	[tilespmem:v1+s16+$0x0 ss:$0x1] =	vst.idx.msk $0xffff, v2  }
0x2d: {  	v2 =	vld.idx.msk [tilespmem:v0+s17+$0x50 ss:$0x1], $0xffff;
	[tilespmem:v1+s16+$0x10 ss:$0x1] =	vst.idx.msk $0xffff, v3  }
0x2e: {  	p1 =	por p0, p0;
	v3 =	vld.idx.msk [tilespmem:v0+s17+$0x60 ss:$0x1], $0xffff;
	[tilespmem:v1+s16+$0x20 ss:$0x1] =	vst.idx.msk $0xffff, v4  }
.Ltmp3:
0x2f: {  	[tilespmem:v1+s16+$0x30 ss:$0x1] =	vst.idx.msk $0xffff, v5;
	(pc) =	sbr.rel @p1 .LBB1_4-.Ltmp3, $4  }
0x30: {  	[tilespmem:v1+s16+$0x40 ss:$0x1] =	vst.idx.msk $0xffff, v6  }
0x31: {  	[tilespmem:v1+s16+$0x70 ss:$0x1] =	vst.idx.msk $0xffff, v63  }
0x32: {  	[tilespmem:v1+s16+$0x50 ss:$0x1] =	vst.idx.msk $0xffff, v2  }
0x33: {  	p0 =	por $0x0, $0x0;
	[tilespmem:v1+s16+$0x60 ss:$0x1] =	vst.idx.msk $0xffff, v3;
	s16 =	simm.s32 $0x1  }
0x34: {  	s15 =	sadd.s32 $0x1, s15  }
0x35: {  	p0 =	sne.s32 s15, $0x40  }
.Ltmp4:
0x36: {  	_ = 	snop;
	(pc) =	sbr.rel @p0 .LBB1_3-.Ltmp4, $1  }
0x37: {  	_ =	sdelay $0x3  }
0x38: {  	s12 =	sand.u32 $0x1FFFFFF, s12  }
0x39: {  	s14 =	smulhi.u32 $0x295FAD5, s12;
	_ =	sdelay $0x1  }
0x3a: {  	s14 =	sshrl.u32 s14, $0x9  }
0x3b: {  	s14 =	smul.u32 $0xC600, s14  }
.Ltmp5:
0x3c: {  	_ = 	snop;
	(pc) =	sbr.rel .LBB1_7-.Ltmp5, $4  }
0x3d: {  	s12 =	ssub.s32 s12, s14  }
0x3e: {  	s12 =	sshll.u32 s12, $0x4  }
0x3f: {  	s12 =	sadd.s32 s4, s12  }
0x40: {  	[hbm4b:s12+s8] =	stream.strided.scatter [tilespmem:s13], [sflag:$0x2], $0x4000, s9, s8, $0x38;
	[tilespmem:$0x10000] =	vst v63  }
.LBB1_8:
0x41: {  	_ =	sfence.sel $0x180000  }
0x42: {  	s2 =	simm.s32 $0x1;
	[bflag:$0x0] =	sbarrier.arrive $0xFFFF  }
0x43: {  	s31 =	simm.s32 $0x2;
	[sflag:s2] =	ssyncpa.u1 $0x1  }
0x44: {  	[sflag:s31] =	ssyncpa.u1 $0x1  }
0x45: {  	p0 =	sne.s32 s0, $0x0;
	_ =	strace $0x90000047  }
0x46: {  	s0 =	sadd.s32 @!p0 $0x100000, s1;
	[bflag:$0x2] =	sbarrier.arrive $0xFFFF  }
0x47: {  	[sflag:s0] =	ssyncadd.tile.s32 @!p0 $0x1;
	_ =	shalt  }
.Lfunc_end1:
_tile_overlayer_lowered:
.L_overlay_start_2:
0x48: {  	(tag) =	ssettag $0x2  }
0x49: {  	s0 =	rddreg [dreg:$0x0];
	s2 =	stileid.u32  }
0x4a: {  	s1 =	rddreg [dreg:$0x1];
	p0 =	sne.s32 s2, $0x0  }
0x4b: {  	s3 =	rddreg [dreg:$0x2];
	[bflag:$0x3] =	sbarrier.arrive $0xFFFF;
	s2 =	simm.s32 @!p0 $0x1C01  }
0x4c: {  	[timem:s3], [sflag:s2] =	dma.local @!p0 [hbm:s0], s1  }
0x4d: {  	s0 =	simm.s32 @!p0 $0x1  }
0x4e: {  	_ =	swait.ge @!p0 [sflag:s0], s1  }
0x4f: {  	s1 =	ssub.s32 @!p0 $0x0, s1;
	[sflag:s0] =	ssyncset.done @!p0 $0x0  }
0x50: {  	[sflag:s0] =	ssyncadd.s32 @!p0 s1  }
0x51: {  	[bflag:$0x3] =	sbarrier.arrive $0xFFFF  }
0x52: {  	_ =	shalt  }

</sc_bundles>
